<compile_context>
chip_gen: v7x
topology: tpu7x:2x2x1
jax: 0.10.2.dev20260603
libtpu: 0.0.44.dev20260713+nightly
codegen_flags: <defaults>
</compile_context>

<pallas_src>
import functools

import jax
import jax.numpy as jnp
from jax import lax
from jax.experimental import pallas as pl
from jax.experimental.pallas import tpu as pltpu
from jax.experimental.pallas import tpu_sc as plsc

N = 10000
E = 320000
D = 128

NC = 2
NS = 16
L = 16
DH = D // NC

RPT = 640
NPAD = NS * RPT
CH = 4000
NCHK = E // CH
G = 320
FG = DH // L
NOV = E // G + NCHK
SB = 16
CBITS = 12


def _update_block(agg_v, pld_ref, rows_v, base, iota):
    def _edge(e, _):
        evec = jnp.full((L,), e, jnp.int32)
        dvec = plsc.load_gather(
            pld_ref, [jnp.full((L,), base, jnp.int32) + evec])
        for f in range(FG):
            col = iota + f * L
            old = plsc.load_gather(agg_v, [dvec, col])
            val = plsc.load_gather(rows_v, [evec, col])
            plsc.store_scatter(agg_v, [dvec, col], jnp.maximum(old, val))
        return 0
    lax.fori_loop(0, G, _edge, 0)


def _init_agg(agg_v):
    ninf = jnp.full((L,), -jnp.inf, jnp.float32)

    def _init(i, _):
        r = i // FG
        f = i - r * FG
        agg_v[r, pl.ds(f * L, L)] = ninf
        return 0
    lax.fori_loop(0, (RPT + 1) * FG, _init, 0)


def _segmax1_body(x_hbm, dst_hbm, src_hbm,
                  out_hbm, pldl_hbm, psrl_hbm, ovp_hbm, ovs_hbm, cnts_hbm,
                  dst_v, src_v, pld_v, psr_v, rows_v, agg_v, xs_sh,
                  sem, wsem):
    c = lax.axis_index("c")
    s = lax.axis_index("s")
    lo = s * RPT
    iota = lax.iota(jnp.int32, L)

    @pl.when(s == 0)
    def _stage():
        pltpu.sync_copy(x_hbm.at[c], xs_sh)
    plsc.subcore_barrier()

    _init_agg(agg_v)

    H = G // 2

    def _chunk(ci, ow):
        @pl.when((c == 0) & (ci > 0))
        def _drain():
            pltpu.make_async_copy(
                pld_v.at[pl.ds(0, G)], pldl_hbm.at[0, pl.ds(0, G)], wsem).wait()
            pltpu.make_async_copy(
                psr_v.at[pl.ds(0, G)], psrl_hbm.at[0, pl.ds(0, G)], wsem).wait()

        pltpu.sync_copy(dst_hbm.at[pl.ds(ci * CH, CH)], dst_v)
        pltpu.sync_copy(src_hbm.at[pl.ds(ci * CH, CH)], src_v)

        def _filt(i, cnt):
            d = dst_v[pl.ds(i * L, L)]
            sv = src_v[pl.ds(i * L, L)]
            ld = d - lo
            m = (ld >= 0) & (ld < RPT)
            mi = m.astype(jnp.int32)
            plsc.store_compressed(pld_v.at[pl.ds(cnt, L)], ld, mask=m)
            plsc.store_compressed(psr_v.at[pl.ds(cnt, L)], sv, mask=m)
            return cnt + jnp.sum(mi)
        cnt = lax.fori_loop(0, CH // L, _filt, 0)

        for j in range(G // L):
            tidx = cnt + j * L + iota
            plsc.store_scatter(pld_v, [tidx], jnp.full((L,), RPT, jnp.int32))
            plsc.store_scatter(psr_v, [tidx], jnp.zeros((L,), jnp.int32))

        @pl.when(c == 0)
        def _persist():
            pltpu.async_copy(pld_v.at[pl.ds(0, G)],
                             pldl_hbm.at[s, pl.ds(ci * G, G)], wsem)
            pltpu.async_copy(psr_v.at[pl.ds(0, G)],
                             psrl_hbm.at[s, pl.ds(ci * G, G)], wsem)

        ngroups = (cnt + G - 1) // G

        def _spill(g, owi):
            @pl.when(c == 0)
            def _w():
                pltpu.sync_copy(pld_v.at[pl.ds(g * G, G)],
                                ovp_hbm.at[s, pl.ds(owi * G, G)])
                pltpu.sync_copy(psr_v.at[pl.ds(g * G, G)],
                                ovs_hbm.at[s, pl.ds(owi * G, G)])
            return owi + 1
        ow = lax.fori_loop(1, ngroups, _spill, ow)

        def _group(g, _):
            cp1 = pltpu.async_copy(
                xs_sh.at[psr_v.at[pl.ds(g * G, H)]],
                rows_v.at[pl.ds(0, H)], sem)
            cp2 = pltpu.async_copy(
                xs_sh.at[psr_v.at[pl.ds(g * G + H, H)]],
                rows_v.at[pl.ds(H, H)], sem)
            cp1.wait()
            cp2.wait()
            _update_block(agg_v, pld_v, rows_v, g * G, iota)
            return 0
        lax.fori_loop(0, ngroups, _group, 0)
        return ow
    ow = lax.fori_loop(0, NCHK, _chunk, 0)

    @pl.when(c == 0)
    def _final_drain():
        pltpu.make_async_copy(
            pld_v.at[pl.ds(0, G)], pldl_hbm.at[0, pl.ds(0, G)], wsem).wait()
        pltpu.make_async_copy(
            psr_v.at[pl.ds(0, G)], psrl_hbm.at[0, pl.ds(0, G)], wsem).wait()
        pld_v[pl.ds(0, L)] = jnp.full((L,), ow, jnp.int32)
        pltpu.sync_copy(pld_v.at[pl.ds(0, L)], cnts_hbm.at[s])

    pltpu.sync_copy(agg_v.at[pl.ds(0, RPT)], out_hbm.at[c, pl.ds(lo, RPT)])


_segmax1 = functools.partial(
    pl.kernel,
    out_type=(
        jax.ShapeDtypeStruct((NC, NPAD, DH), jnp.float32),
        jax.ShapeDtypeStruct((NS, NCHK * G), jnp.int32),
        jax.ShapeDtypeStruct((NS, NCHK * G), jnp.int32),
        jax.ShapeDtypeStruct((NS, NOV * G), jnp.int32),
        jax.ShapeDtypeStruct((NS, NOV * G), jnp.int32),
        jax.ShapeDtypeStruct((NS, L), jnp.int32),
    ),
    mesh=plsc.VectorSubcoreMesh(core_axis_name="c", subcore_axis_name="s"),
    scratch_types=[
        pltpu.VMEM((CH,), jnp.int32),
        pltpu.VMEM((CH,), jnp.int32),
        pltpu.VMEM((CH + G,), jnp.int32),
        pltpu.VMEM((CH + G,), jnp.int32),
        pltpu.VMEM((G, DH), jnp.float32),
        pltpu.VMEM((RPT + 1, DH), jnp.float32),
        pltpu.VMEM_SHARED((N, DH), jnp.float32),
        pltpu.SemaphoreType.DMA,
        pltpu.SemaphoreType.DMA,
    ],
    compiler_params=pltpu.CompilerParams(
        needs_layout_passes=False, use_tc_tiling_on_sc=False),
)(_segmax1_body)


def _segmax2_body(x_hbm, pldl_hbm, psrl_hbm, ovp_hbm, ovs_hbm, cnts_hbm,
                  out_hbm, pldc_v, psrc_v, rows_v, agg_v, cnt_v, xs_sh, sem):
    c = lax.axis_index("c")
    s = lax.axis_index("s")
    lo = s * RPT
    iota = lax.iota(jnp.int32, L)

    @pl.when(s == 0)
    def _stage():
        pltpu.sync_copy(x_hbm.at[c], xs_sh)
    plsc.subcore_barrier()

    _init_agg(agg_v)

    H = G // 2

    def _gather_update(list_base):
        cp1 = pltpu.async_copy(
            xs_sh.at[psrc_v.at[pl.ds(list_base, H)]],
            rows_v.at[pl.ds(0, H)], sem)
        cp2 = pltpu.async_copy(
            xs_sh.at[psrc_v.at[pl.ds(list_base + H, H)]],
            rows_v.at[pl.ds(H, H)], sem)
        cp1.wait()
        cp2.wait()
        _update_block(agg_v, pldc_v, rows_v, list_base, iota)

    def _super(sb, _):
        pltpu.sync_copy(pldl_hbm.at[s, pl.ds(sb * SB * G, SB * G)], pldc_v)
        pltpu.sync_copy(psrl_hbm.at[s, pl.ds(sb * SB * G, SB * G)], psrc_v)
        for k in range(SB):
            _gather_update(k * G)
        return 0
    lax.fori_loop(0, NCHK // SB, _super, 0)

    pltpu.sync_copy(cnts_hbm.at[s], cnt_v)
    cv = cnt_v[pl.ds(0, L)]
    now = 0
    for b in range(CBITS):
        bitb = jnp.any(((cv >> b) & 1) == 1)
        now = now + jnp.where(bitb, 1 << b, 0)

    def _ovf(g, _):
        pltpu.sync_copy(ovp_hbm.at[s, pl.ds(g * G, G)],
                        pldc_v.at[pl.ds(0, G)])
        pltpu.sync_copy(ovs_hbm.at[s, pl.ds(g * G, G)],
                        psrc_v.at[pl.ds(0, G)])
        _gather_update(0)
        return 0
    lax.fori_loop(0, now, _ovf, 0)

    pltpu.sync_copy(agg_v.at[pl.ds(0, RPT)], out_hbm.at[c, pl.ds(lo, RPT)])


_segmax2 = functools.partial(
    pl.kernel,
    out_type=jax.ShapeDtypeStruct((NC, NPAD, DH), jnp.float32),
    mesh=plsc.VectorSubcoreMesh(core_axis_name="c", subcore_axis_name="s"),
    scratch_types=[
        pltpu.VMEM((SB * G,), jnp.int32),
        pltpu.VMEM((SB * G,), jnp.int32),
        pltpu.VMEM((G, DH), jnp.float32),
        pltpu.VMEM((RPT + 1, DH), jnp.float32),
        pltpu.VMEM((L,), jnp.int32),
        pltpu.VMEM_SHARED((N, DH), jnp.float32),
        pltpu.SemaphoreType.DMA,
    ],
    compiler_params=pltpu.CompilerParams(
        needs_layout_passes=False, use_tc_tiling_on_sc=False),
)(_segmax2_body)


def _mm_body(agg_ref, x_ref, wrel_ref, wroot_ref, b_ref, o_ref):
    agg = jnp.concatenate([agg_ref[0], agg_ref[1]], axis=1)
    agg = jnp.where(jnp.isfinite(agg), agg, 0.0)
    x = jnp.concatenate([x_ref[0], x_ref[1]], axis=1)
    h = (
        lax.dot_general(agg, wrel_ref[...], (((1,), (1,)), ((), ())),
                        preferred_element_type=jnp.float32)
        + lax.dot_general(x, wroot_ref[...], (((1,), (1,)), ((), ())),
                          preferred_element_type=jnp.float32)
        + b_ref[...]
    )
    o_ref[0] = h[:, :DH]
    o_ref[1] = h[:, DH:]


def _mm_body_final(agg_ref, x_ref, wrel_ref, wroot_ref, b_ref, o_ref):
    agg = jnp.concatenate([agg_ref[0], agg_ref[1]], axis=1)
    agg = jnp.where(jnp.isfinite(agg), agg, 0.0)
    x = jnp.concatenate([x_ref[0], x_ref[1]], axis=1)
    o_ref[...] = (
        lax.dot_general(agg, wrel_ref[...], (((1,), (1,)), ((), ())),
                        preferred_element_type=jnp.float32)
        + lax.dot_general(x, wroot_ref[...], (((1,), (1,)), ((), ())),
                          preferred_element_type=jnp.float32)
        + b_ref[...]
    )


BR = 1000


def _layer_mm(agg_t, x_t, W_rel, b_rel, W_root, split_out):
    split_spec = pl.BlockSpec((NC, BR, DH), lambda i: (0, i, 0))
    if split_out:
        body, out_shape, out_spec = (
            _mm_body, jax.ShapeDtypeStruct((NC, N, DH), jnp.float32), split_spec)
    else:
        body, out_shape, out_spec = (
            _mm_body_final, jax.ShapeDtypeStruct((N, D), jnp.float32),
            pl.BlockSpec((BR, D), lambda i: (i, 0)))
    return pl.pallas_call(
        body,
        grid=(N // BR,),
        in_specs=[
            split_spec,
            split_spec,
            pl.BlockSpec((D, D), lambda i: (0, 0)),
            pl.BlockSpec((D, D), lambda i: (0, 0)),
            pl.BlockSpec((1, D), lambda i: (0, 0)),
        ],
        out_specs=out_spec,
        out_shape=out_shape,
    )(agg_t, x_t, W_rel, W_root, b_rel.reshape(1, D))


def kernel(x, edge_index, W_rel1, b_rel1, W_root1, W_rel2, b_rel2, W_root2):
    src = edge_index[0]
    dst = edge_index[1]
    x_t = jnp.transpose(x.reshape(N, NC, DH), (1, 0, 2))
    agg1_t, pldl, psrl, ovp, ovs, cnts = _segmax1(x_t, dst, src)
    h1_t = _layer_mm(agg1_t[:, :N, :], x_t, W_rel1, b_rel1, W_root1,
                     split_out=True)
    agg2_t = _segmax2(h1_t, pldl, psrl, ovp, ovs, cnts)
    h2 = _layer_mm(agg2_t[:, :N, :], h1_t, W_rel2, b_rel2, W_root2,
                   split_out=False)
    return h2

# --- scband reference (transcript-rebuilt; emitter-appended) ---
"""Pipeline reference for scband-intersection-gnn-11793980195028 (READ-ONLY COPY).

The authoritative reference and input builder live on the scoring server;
editing this copy changes nothing except your own understanding.
"""

import jax, jax.numpy as jnp
import numpy as np

N_NODES = 10000
N_EDGES = 320000
D = 128


def setup_inputs(seed: int = 0) -> dict:
    key = jax.random.key(seed)
    ks = jax.random.split(key, 9)
    x = jax.random.normal(ks[0], (N_NODES, D), dtype=jnp.float32)
    edge_index = jax.random.randint(ks[1], (2, N_EDGES), 0, N_NODES, dtype=jnp.int32)
    # GraphConv layer 1 params (PyG GraphConv: lin_rel has bias, lin_root no bias)
    s = 1.0 / np.sqrt(D)
    W_rel1 = jax.random.uniform(ks[2], (D, D), jnp.float32, -s, s)
    b_rel1 = jax.random.uniform(ks[3], (D,), jnp.float32, -s, s)
    W_root1 = jax.random.uniform(ks[4], (D, D), jnp.float32, -s, s)
    # GraphConv layer 2 params
    W_rel2 = jax.random.uniform(ks[5], (D, D), jnp.float32, -s, s)
    b_rel2 = jax.random.uniform(ks[6], (D,), jnp.float32, -s, s)
    W_root2 = jax.random.uniform(ks[7], (D, D), jnp.float32, -s, s)
    return {
        "x": x,
        "edge_index": edge_index,
        "W_rel1": W_rel1,
        "b_rel1": b_rel1,
        "W_root1": W_root1,
        "W_rel2": W_rel2,
        "b_rel2": b_rel2,
        "W_root2": W_root2,
    }


def _graph_conv_max(x, edge_index, W_rel, b_rel, W_root):
    # PyG GraphConv with aggr='max':
    #   out_i = lin_rel( max_{j in N(i)} x_j ) + lin_root(x_i)
    src = edge_index[0]
    dst = edge_index[1]
    msgs = x[src]  # gather source node features per edge
    agg = jax.ops.segment_max(msgs, dst, num_segments=N_NODES)
    # PyG scatter-max fills isolated nodes with 0; segment_max uses -inf identity
    agg = jnp.where(jnp.isfinite(agg), agg, 0.0)
    return agg @ W_rel.T + b_rel + x @ W_root.T


def reference(x, edge_index, W_rel1, b_rel1, W_root1, W_rel2, b_rel2, W_root2):
    # IntersectionGNN.forward: sequential GraphConv layers, no activation applied
    h = _graph_conv_max(x, edge_index, W_rel1, b_rel1, W_root1)
    h = _graph_conv_max(h, edge_index, W_rel2, b_rel2, W_root2)
    return h

if __name__ == "__main__":
    import jax
    _d = setup_inputs()
    print(jax.jit(kernel)(*tuple(_d.values())))

</pallas_src>

<mosaic_0001>
#map = affine_map<(d0, d1) -> (0, 0, 0)>
#map1 = affine_map<(d0, d1) -> (0, 0)>
module attributes {stable_mosaic.version = 14 : i64} {
  func.func @_segmax2_body(%arg0: i32, %arg1: i32, %arg2: memref<2x10000x64xf32, #tpu.memory_space<hbm>>, %arg3: memref<16x25600xi32, #tpu.memory_space<hbm>>, %arg4: memref<16x25600xi32, #tpu.memory_space<hbm>>, %arg5: memref<16x345600xi32, #tpu.memory_space<hbm>>, %arg6: memref<16x345600xi32, #tpu.memory_space<hbm>>, %arg7: memref<16x16xi32, #tpu.memory_space<hbm>>, %arg8: memref<2x10240x64xf32, #tpu.memory_space<hbm>>, %arg9: memref<5120xi32, #tpu.memory_space<vmem>>, %arg10: memref<5120xi32, #tpu.memory_space<vmem>>, %arg11: memref<320x64xf32, #tpu.memory_space<vmem>>, %arg12: memref<641x64xf32, #tpu.memory_space<vmem>>, %arg13: memref<16xi32, #tpu.memory_space<vmem>>, %arg14: memref<10000x64xf32, #tpu.memory_space<vmem_shared>>, %arg15: memref<!tpu.dma_semaphore, #tpu.memory_space<semaphore_mem>>) attributes {dimension_semantics = [#tpu.dimension_semantics<core_parallel>, #tpu.dimension_semantics<subcore_parallel>], iteration_bounds = array<i64: 2, 16>, scalar_prefetch = 0 : i64, scratch_operands = 7 : i64, tpu.core_type = #tpu.core_type<sc_vector_subcore>, window_params = [{transform_indices = #map}, {transform_indices = #map1}, {transform_indices = #map1}, {transform_indices = #map1}, {transform_indices = #map1}, {transform_indices = #map1}, {transform_indices = #map}]} {
    %mul3A = arith.constant 640 : i32
    %mul3A_0 = arith.muli %arg1, %mul3A : i32
    %iota3A = tpu.iota {dimensions = array<i32: 0>} : vector<16xi32>
    %eq3A = arith.constant 0 : i32
    %eq3A_1 = arith.cmpi eq, %arg1, %eq3A : i32
    %convert_element_type3A = arith.extui %eq3A_1 : i1 to i32
    %cond3A = arith.constant 0 : i32
    %cond3A_2 = arith.cmpi ne, %convert_element_type3A, %cond3A : i32
    scf.if %cond3A_2 {
      "tpu.region"() ({
        %run_scoped3A = tpu.sem_alloc : memref<!tpu.dma_semaphore, #tpu.memory_space<semaphore_mem>>
        %dma_start3A = arith.constant 0 : i32
        %dma_start3A_312 = arith.constant 0 : i32
        %dma_start3A_313 = tpu.memref_slice %arg2[%arg0, %dma_start3A, %dma_start3A_312] : memref<2x10000x64xf32, #tpu.memory_space<hbm>> -> memref<1x10000x64xf32, #tpu.memory_space<hbm>>
        %dma_start3A_314 = tpu.memref_squeeze %dma_start3A_313 : memref<1x10000x64xf32, #tpu.memory_space<hbm>> -> memref<10000x64xf32, #tpu.memory_space<hbm>>
        tpu.enqueue_dma source(%dma_start3A_314 : memref<10000x64xf32, #tpu.memory_space<hbm>>) target(%arg14 : memref<10000x64xf32, #tpu.memory_space<vmem_shared>>) target_semaphore(%run_scoped3A : memref<!tpu.dma_semaphore, #tpu.memory_space<semaphore_mem>>)
        %dma_wait3A = arith.constant 0 : i32
        %dma_wait3A_315 = arith.constant 0 : i32
        %dma_wait3A_316 = tpu.memref_slice %arg2[%arg0, %dma_wait3A, %dma_wait3A_315] : memref<2x10000x64xf32, #tpu.memory_space<hbm>> -> memref<1x10000x64xf32, #tpu.memory_space<hbm>>
        %dma_wait3A_317 = tpu.memref_squeeze %dma_wait3A_316 : memref<1x10000x64xf32, #tpu.memory_space<hbm>> -> memref<10000x64xf32, #tpu.memory_space<hbm>>
        tpu.wait_dma2 semaphore(%run_scoped3A : memref<!tpu.dma_semaphore, #tpu.memory_space<semaphore_mem>>) src(%dma_wait3A_317 : memref<10000x64xf32, #tpu.memory_space<hbm>>) dst(%arg14 : memref<10000x64xf32, #tpu.memory_space<vmem_shared>>)
        tpu.yield
      }) : () -> ()
    } else {
    }
    %barrier3A = arith.constant 0 : index
    tpu.barrier barrier_id(%barrier3A)
    %broadcast_in_dim3A = arith.constant 0xFF800000 : f32
    %broadcast_in_dim3A_3 = vector.broadcast %broadcast_in_dim3A : f32 to vector<16xf32>
    %scan3A = arith.constant 0 : i32
    %scan3A_4 = arith.constant 0 : i32
    %scan3A_5 = arith.constant 2564 : i32
    %scan3A_6 = arith.addi %scan3A_4, %scan3A_5 : i32
    %scan3A_7 = arith.constant 1 : i32
    %scan3A_8 = scf.for %scan3A_312 = %scan3A_4 to %scan3A_6 step %scan3A_7 iter_args(%scan3A_313 = %scan3A) -> (i32)  : i32 {
      %jit3A_314 = arith.constant 4 : i32
      %div3A = arith.divsi %scan3A_312, %jit3A_314 : i32
      %sign3A = arith.constant 0 : i32
      %sign3A_315 = arith.cmpi sgt, %scan3A_312, %sign3A : i32
      %sign3A_316 = arith.extui %sign3A_315 : i1 to i32
      %sign3A_317 = arith.constant 0 : i32
      %sign3A_318 = arith.cmpi slt, %scan3A_312, %sign3A_317 : i32
      %sign3A_319 = arith.extui %sign3A_318 : i1 to i32
      %sign3A_320 = arith.subi %sign3A_316, %sign3A_319 : i32
      %sign3A_321 = arith.constant 0 : i32
      %sign3A_322 = arith.cmpi sgt, %jit3A_314, %sign3A_321 : i32
      %sign3A_323 = arith.extui %sign3A_322 : i1 to i32
      %sign3A_324 = arith.constant 0 : i32
      %sign3A_325 = arith.cmpi slt, %jit3A_314, %sign3A_324 : i32
      %sign3A_326 = arith.extui %sign3A_325 : i1 to i32
      %sign3A_327 = arith.subi %sign3A_323, %sign3A_326 : i32
      %ne3A = arith.cmpi ne, %sign3A_320, %sign3A_327 : i32
      %rem3A = arith.remsi %scan3A_312, %jit3A_314 : i32
      %ne3A_328 = arith.constant 0 : i32
      %ne3A_329 = arith.cmpi ne, %rem3A, %ne3A_328 : i32
      %and3A_330 = arith.andi %ne3A, %ne3A_329 : i1
      %sub3A = arith.constant 1 : i32
      %sub3A_331 = arith.subi %div3A, %sub3A : i32
      %select_n3A_332 = arith.select %and3A_330, %sub3A_331, %div3A : i32
      %mul3A_333 = arith.constant 4 : i32
      %mul3A_334 = arith.muli %select_n3A_332, %mul3A_333 : i32
      %sub3A_335 = arith.subi %scan3A_312, %mul3A_334 : i32
      %mul3A_336 = arith.constant 16 : i32
      %mul3A_337 = arith.muli %sub3A_335, %mul3A_336 : i32
      %swap3A = arith.index_cast %select_n3A_332 : i32 to index
      %swap3A_338 = arith.index_cast %mul3A_337 : i32 to index
      %swap3A_339 = tpu.vector_load %arg12[%swap3A, %swap3A_338] {strides = array<i32>} : memref<641x64xf32, #tpu.memory_space<vmem>>, vector<16xf32>,
      tpu.vector_store %arg12[%swap3A, %swap3A_338], %broadcast_in_dim3A_3 {strides = array<i32>} : memref<641x64xf32, #tpu.memory_space<vmem>>, vector<16xf32>,
      %scan3A_340 = arith.constant 0 : i32
      scf.yield %scan3A_340 : i32
    }
    %scan3A_9 = arith.constant 2564 : i32
    %scan3A_10 = arith.constant 0 : i32
    %scan3A_11 = arith.constant 0 : i32
    %scan3A_12 = arith.constant 5 : i32
    %scan3A_13 = arith.addi %scan3A_11, %scan3A_12 : i32
    %scan3A_14 = arith.constant 1 : i32
    %scan3A_15 = scf.for %scan3A_312 = %scan3A_11 to %scan3A_13 step %scan3A_14 iter_args(%scan3A_313 = %scan3A_10) -> (i32)  : i32 {
      %mul3A_314 = arith.constant 16 : i32
      %mul3A_315 = arith.muli %scan3A_312, %mul3A_314 : i32
      %mul3A_316 = arith.constant 320 : i32
      %mul3A_317 = arith.muli %mul3A_315, %mul3A_316 : i32
      "tpu.region"() ({
        %run_scoped3A = tpu.sem_alloc : memref<!tpu.dma_semaphore, #tpu.memory_space<semaphore_mem>>
        %dma_start3A_945 = tpu.memref_slice %arg3[%arg1, %mul3A_317] : memref<16x25600xi32, #tpu.memory_space<hbm>> -> memref<1x5120xi32, #tpu.memory_space<hbm>>
        %dma_start3A_946 = tpu.memref_squeeze %dma_start3A_945 : memref<1x5120xi32, #tpu.memory_space<hbm>> -> memref<5120xi32, #tpu.memory_space<hbm>>
        %dma_start3A_947 = tpu.memref_slice %arg3[%arg1, %mul3A_317] : memref<16x25600xi32, #tpu.memory_space<hbm>> -> memref<1x5120xi32, #tpu.memory_space<hbm>>
        %dma_start3A_948 = tpu.memref_squeeze %dma_start3A_947 : memref<1x5120xi32, #tpu.memory_space<hbm>> -> memref<5120xi32, #tpu.memory_space<hbm>>
        tpu.enqueue_dma source(%dma_start3A_948 : memref<5120xi32, #tpu.memory_space<hbm>>) target(%arg9 : memref<5120xi32, #tpu.memory_space<vmem>>) target_semaphore(%run_scoped3A : memref<!tpu.dma_semaphore, #tpu.memory_space<semaphore_mem>>)
        %dma_wait3A_949 = tpu.memref_slice %arg3[%arg1, %mul3A_317] : memref<16x25600xi32, #tpu.memory_space<hbm>> -> memref<1x5120xi32, #tpu.memory_space<hbm>>
        %dma_wait3A_950 = tpu.memref_squeeze %dma_wait3A_949 : memref<1x5120xi32, #tpu.memory_space<hbm>> -> memref<5120xi32, #tpu.memory_space<hbm>>
        %dma_wait3A_951 = tpu.memref_slice %arg3[%arg1, %mul3A_317] : memref<16x25600xi32, #tpu.memory_space<hbm>> -> memref<1x5120xi32, #tpu.memory_space<hbm>>
        %dma_wait3A_952 = tpu.memref_squeeze %dma_wait3A_951 : memref<1x5120xi32, #tpu.memory_space<hbm>> -> memref<5120xi32, #tpu.memory_space<hbm>>
        tpu.wait_dma2 semaphore(%run_scoped3A : memref<!tpu.dma_semaphore, #tpu.memory_space<semaphore_mem>>) src(%dma_wait3A_952 : memref<5120xi32, #tpu.memory_space<hbm>>) dst(%arg9 : memref<5120xi32, #tpu.memory_space<vmem>>)
        tpu.yield
      }) : () -> ()
      %mul3A_318 = arith.constant 16 : i32
      %mul3A_319 = arith.muli %scan3A_312, %mul3A_318 : i32
      %mul3A_320 = arith.constant 320 : i32
      %mul3A_321 = arith.muli %mul3A_319, %mul3A_320 : i32
      "tpu.region"() ({
        %run_scoped3A = tpu.sem_alloc : memref<!tpu.dma_semaphore, #tpu.memory_space<semaphore_mem>>
        %dma_start3A_945 = tpu.memref_slice %arg4[%arg1, %mul3A_321] : memref<16x25600xi32, #tpu.memory_space<hbm>> -> memref<1x5120xi32, #tpu.memory_space<hbm>>
        %dma_start3A_946 = tpu.memref_squeeze %dma_start3A_945 : memref<1x5120xi32, #tpu.memory_space<hbm>> -> memref<5120xi32, #tpu.memory_space<hbm>>
        %dma_start3A_947 = tpu.memref_slice %arg4[%arg1, %mul3A_321] : memref<16x25600xi32, #tpu.memory_space<hbm>> -> memref<1x5120xi32, #tpu.memory_space<hbm>>
        %dma_start3A_948 = tpu.memref_squeeze %dma_start3A_947 : memref<1x5120xi32, #tpu.memory_space<hbm>> -> memref<5120xi32, #tpu.memory_space<hbm>>
        tpu.enqueue_dma source(%dma_start3A_948 : memref<5120xi32, #tpu.memory_space<hbm>>) target(%arg10 : memref<5120xi32, #tpu.memory_space<vmem>>) target_semaphore(%run_scoped3A : memref<!tpu.dma_semaphore, #tpu.memory_space<semaphore_mem>>)
        %dma_wait3A_949 = tpu.memref_slice %arg4[%arg1, %mul3A_321] : memref<16x25600xi32, #tpu.memory_space<hbm>> -> memref<1x5120xi32, #tpu.memory_space<hbm>>
        %dma_wait3A_950 = tpu.memref_squeeze %dma_wait3A_949 : memref<1x5120xi32, #tpu.memory_space<hbm>> -> memref<5120xi32, #tpu.memory_space<hbm>>
        %dma_wait3A_951 = tpu.memref_slice %arg4[%arg1, %mul3A_321] : memref<16x25600xi32, #tpu.memory_space<hbm>> -> memref<1x5120xi32, #tpu.memory_space<hbm>>
        %dma_wait3A_952 = tpu.memref_squeeze %dma_wait3A_951 : memref<1x5120xi32, #tpu.memory_space<hbm>> -> memref<5120xi32, #tpu.memory_space<hbm>>
        tpu.wait_dma2 semaphore(%run_scoped3A : memref<!tpu.dma_semaphore, #tpu.memory_space<semaphore_mem>>) src(%dma_wait3A_952 : memref<5120xi32, #tpu.memory_space<hbm>>) dst(%arg10 : memref<5120xi32, #tpu.memory_space<vmem>>)
        tpu.yield
      }) : () -> ()
      %dma_start3A = arith.constant 0 : i32
      %dma_start3A_322 = arith.constant 0 : i32
      %dma_start3A_323 = tpu.memref_slice %arg11[%dma_start3A, %dma_start3A_322] : memref<320x64xf32, #tpu.memory_space<vmem>> -> memref<160x64xf32, #tpu.memory_space<vmem>>
      %dma_start3A_324 = arith.constant 0 : i32
      %dma_start3A_325 = tpu.memref_slice %arg10[%dma_start3A_324] : memref<5120xi32, #tpu.memory_space<vmem>> -> memref<160xi32, #tpu.memory_space<vmem>>
      %dma_start3A_326 = arith.constant 0 : i32
      %dma_start3A_327 = arith.constant 0 : i32
      %dma_start3A_328 = tpu.memref_slice %arg14[%dma_start3A_326, %dma_start3A_327] : memref<10000x64xf32, #tpu.memory_space<vmem_shared>> -> memref<10000x64xf32, #tpu.memory_space<vmem_shared>>
      tpu.enqueue_indirect_dma source(%dma_start3A_328 : memref<10000x64xf32, #tpu.memory_space<vmem_shared>>) target(%dma_start3A_323 : memref<160x64xf32, #tpu.memory_space<vmem>>) offsets(%dma_start3A_325 : memref<160xi32, #tpu.memory_space<vmem>>) semaphore(%arg15 : memref<!tpu.dma_semaphore, #tpu.memory_space<semaphore_mem>>)
      %dma_start3A_329 = arith.constant 160 : i32
      %dma_start3A_330 = arith.constant 0 : i32
      %dma_start3A_331 = tpu.memref_slice %arg11[%dma_start3A_329, %dma_start3A_330] : memref<320x64xf32, #tpu.memory_space<vmem>> -> memref<160x64xf32, #tpu.memory_space<vmem>>
      %dma_start3A_332 = arith.constant 160 : i32
      %dma_start3A_333 = tpu.memref_slice %arg10[%dma_start3A_332] : memref<5120xi32, #tpu.memory_space<vmem>> -> memref<160xi32, #tpu.memory_space<vmem>>
      %dma_start3A_334 = arith.constant 0 : i32
      %dma_start3A_335 = arith.constant 0 : i32
      %dma_start3A_336 = tpu.memref_slice %arg14[%dma_start3A_334, %dma_start3A_335] : memref<10000x64xf32, #tpu.memory_space<vmem_shared>> -> memref<10000x64xf32, #tpu.memory_space<vmem_shared>>
      tpu.enqueue_indirect_dma source(%dma_start3A_336 : memref<10000x64xf32, #tpu.memory_space<vmem_shared>>) target(%dma_start3A_331 : memref<160x64xf32, #tpu.memory_space<vmem>>) offsets(%dma_start3A_333 : memref<160xi32, #tpu.memory_space<vmem>>) semaphore(%arg15 : memref<!tpu.dma_semaphore, #tpu.memory_space<semaphore_mem>>)
      %dma_wait3A = arith.constant 0 : i32
      %dma_wait3A_337 = arith.constant 0 : i32
      %dma_wait3A_338 = tpu.memref_slice %arg11[%dma_wait3A, %dma_wait3A_337] : memref<320x64xf32, #tpu.memory_space<vmem>> -> memref<160x64xf32, #tpu.memory_space<vmem>>
      %dma_wait3A_339 = arith.constant 0 : i32
      %dma_wait3A_340 = tpu.memref_slice %arg10[%dma_wait3A_339] : memref<5120xi32, #tpu.memory_space<vmem>> -> memref<160xi32, #tpu.memory_space<vmem>>
      %dma_wait3A_341 = arith.constant 0 : i32
      %dma_wait3A_342 = arith.constant 0 : i32
      %dma_wait3A_343 = tpu.memref_slice %arg14[%dma_wait3A_341, %dma_wait3A_342] : memref<10000x64xf32, #tpu.memory_space<vmem_shared>> -> memref<10000x64xf32, #tpu.memory_space<vmem_shared>>
      tpu.wait_indirect_dma semaphore(%arg15 : memref<!tpu.dma_semaphore, #tpu.memory_space<semaphore_mem>>) src(%dma_wait3A_343 : memref<10000x64xf32, #tpu.memory_space<vmem_shared>>) dst(%dma_wait3A_338 : memref<160x64xf32, #tpu.memory_space<vmem>>)
      %dma_wait3A_344 = arith.constant 160 : i32
      %dma_wait3A_345 = arith.constant 0 : i32
      %dma_wait3A_346 = tpu.memref_slice %arg11[%dma_wait3A_344, %dma_wait3A_345] : memref<320x64xf32, #tpu.memory_space<vmem>> -> memref<160x64xf32, #tpu.memory_space<vmem>>
      %dma_wait3A_347 = arith.constant 160 : i32
      %dma_wait3A_348 = tpu.memref_slice %arg10[%dma_wait3A_347] : memref<5120xi32, #tpu.memory_space<vmem>> -> memref<160xi32, #tpu.memory_space<vmem>>
      %dma_wait3A_349 = arith.constant 0 : i32
      %dma_wait3A_350 = arith.constant 0 : i32
      %dma_wait3A_351 = tpu.memref_slice %arg14[%dma_wait3A_349, %dma_wait3A_350] : memref<10000x64xf32, #tpu.memory_space<vmem_shared>> -> memref<10000x64xf32, #tpu.memory_space<vmem_shared>>
      tpu.wait_indirect_dma semaphore(%arg15 : memref<!tpu.dma_semaphore, #tpu.memory_space<semaphore_mem>>) src(%dma_wait3A_351 : memref<10000x64xf32, #tpu.memory_space<vmem_shared>>) dst(%dma_wait3A_346 : memref<160x64xf32, #tpu.memory_space<vmem>>)
      %scan3A_352 = arith.constant 0 : i32
      %scan3A_353 = arith.constant 0 : i32
      %scan3A_354 = arith.constant 320 : i32
      %scan3A_355 = arith.addi %scan3A_353, %scan3A_354 : i32
      %scan3A_356 = arith.constant 1 : i32
      %scan3A_357 = scf.for %scan3A_945 = %scan3A_353 to %scan3A_355 step %scan3A_356 iter_args(%scan3A_946 = %scan3A_352) -> (i32)  : i32 {
        %broadcast_in_dim3A_947 = vector.broadcast %scan3A_945 : i32 to vector<16xi32>
        %broadcast_in_dim3A_948 = arith.constant 0 : i32
        %broadcast_in_dim3A_949 = vector.broadcast %broadcast_in_dim3A_948 : i32 to vector<16xi32>
        %add3A_950 = arith.addi %broadcast_in_dim3A_949, %broadcast_in_dim3A_947 : vector<16xi32>
        %gather3A = tpu.vector_load_idx %arg9[%add3A_950] : memref<5120xi32, #tpu.memory_space<vmem>>[vector<16xi32>], vector<16xi32>,
        %add3A_951 = arith.constant 0 : i32
        %add3A_952 = vector.broadcast %add3A_951 : i32 to vector<16xi32>
        %add3A_953 = arith.addi %iota3A, %add3A_952 : vector<16xi32>
        %gather3A_954 = tpu.vector_load_idx %arg12[%gather3A, %add3A_953] : memref<641x64xf32, #tpu.memory_space<vmem>>[vector<16xi32>, vector<16xi32>], vector<16xf32>,
        %gather3A_955 = tpu.vector_load_idx %arg11[%broadcast_in_dim3A_947, %add3A_953] : memref<320x64xf32, #tpu.memory_space<vmem>>[vector<16xi32>, vector<16xi32>], vector<16xf32>,
        %max3A = arith.maximumf %gather3A_954, %gather3A_955 : vector<16xf32>
        tpu.vector_store_idx %arg12[%gather3A, %add3A_953], %max3A : memref<641x64xf32, #tpu.memory_space<vmem>>[vector<16xi32>, vector<16xi32>], vector<16xf32>,
        %add3A_956 = arith.constant 16 : i32
        %add3A_957 = vector.broadcast %add3A_956 : i32 to vector<16xi32>
        %add3A_958 = arith.addi %iota3A, %add3A_957 : vector<16xi32>
        %gather3A_959 = tpu.vector_load_idx %arg12[%gather3A, %add3A_958] : memref<641x64xf32, #tpu.memory_space<vmem>>[vector<16xi32>, vector<16xi32>], vector<16xf32>,
        %gather3A_960 = tpu.vector_load_idx %arg11[%broadcast_in_dim3A_947, %add3A_958] : memref<320x64xf32, #tpu.memory_space<vmem>>[vector<16xi32>, vector<16xi32>], vector<16xf32>,
        %max3A_961 = arith.maximumf %gather3A_959, %gather3A_960 : vector<16xf32>
        tpu.vector_store_idx %arg12[%gather3A, %add3A_958], %max3A_961 : memref<641x64xf32, #tpu.memory_space<vmem>>[vector<16xi32>, vector<16xi32>], vector<16xf32>,
        %add3A_962 = arith.constant 32 : i32
        %add3A_963 = vector.broadcast %add3A_962 : i32 to vector<16xi32>
        %add3A_964 = arith.addi %iota3A, %add3A_963 : vector<16xi32>
        %gather3A_965 = tpu.vector_load_idx %arg12[%gather3A, %add3A_964] : memref<641x64xf32, #tpu.memory_space<vmem>>[vector<16xi32>, vector<16xi32>], vector<16xf32>,
        %gather3A_966 = tpu.vector_load_idx %arg11[%broadcast_in_dim3A_947, %add3A_964] : memref<320x64xf32, #tpu.memory_space<vmem>>[vector<16xi32>, vector<16xi32>], vector<16xf32>,
        %max3A_967 = arith.maximumf %gather3A_965, %gather3A_966 : vector<16xf32>
        tpu.vector_store_idx %arg12[%gather3A, %add3A_964], %max3A_967 : memref<641x64xf32, #tpu.memory_space<vmem>>[vector<16xi32>, vector<16xi32>], vector<16xf32>,
        %add3A_968 = arith.constant 48 : i32
        %add3A_969 = vector.broadcast %add3A_968 : i32 to vector<16xi32>
        %add3A_970 = arith.addi %iota3A, %add3A_969 : vector<16xi32>
        %gather3A_971 = tpu.vector_load_idx %arg12[%gather3A, %add3A_970] : memref<641x64xf32, #tpu.memory_space<vmem>>[vector<16xi32>, vector<16xi32>], vector<16xf32>,
        %gather3A_972 = tpu.vector_load_idx %arg11[%broadcast_in_dim3A_947, %add3A_970] : memref<320x64xf32, #tpu.memory_space<vmem>>[vector<16xi32>, vector<16xi32>], vector<16xf32>,
        %max3A_973 = arith.maximumf %gather3A_971, %gather3A_972 : vector<16xf32>
        tpu.vector_store_idx %arg12[%gather3A, %add3A_970], %max3A_973 : memref<641x64xf32, #tpu.memory_space<vmem>>[vector<16xi32>, vector<16xi32>], vector<16xf32>,
        %scan3A_974 = arith.constant 0 : i32
        scf.yield %scan3A_974 : i32
      }
      %scan3A_358 = arith.constant 320 : i32
      %dma_start3A_359 = arith.constant 0 : i32
      %dma_start3A_360 = arith.constant 0 : i32
      %dma_start3A_361 = tpu.memref_slice %arg11[%dma_start3A_359, %dma_start3A_360] : memref<320x64xf32, #tpu.memory_space<vmem>> -> memref<160x64xf32, #tpu.memory_space<vmem>>
      %dma_start3A_362 = arith.constant 320 : i32
      %dma_start3A_363 = tpu.memref_slice %arg10[%dma_start3A_362] : memref<5120xi32, #tpu.memory_space<vmem>> -> memref<160xi32, #tpu.memory_space<vmem>>
      %dma_start3A_364 = arith.constant 0 : i32
      %dma_start3A_365 = arith.constant 0 : i32
      %dma_start3A_366 = tpu.memref_slice %arg14[%dma_start3A_364, %dma_start3A_365] : memref<10000x64xf32, #tpu.memory_space<vmem_shared>> -> memref<10000x64xf32, #tpu.memory_space<vmem_shared>>
      tpu.enqueue_indirect_dma source(%dma_start3A_366 : memref<10000x64xf32, #tpu.memory_space<vmem_shared>>) target(%dma_start3A_361 : memref<160x64xf32, #tpu.memory_space<vmem>>) offsets(%dma_start3A_363 : memref<160xi32, #tpu.memory_space<vmem>>) semaphore(%arg15 : memref<!tpu.dma_semaphore, #tpu.memory_space<semaphore_mem>>)
      %dma_start3A_367 = arith.constant 160 : i32
      %dma_start3A_368 = arith.constant 0 : i32
      %dma_start3A_369 = tpu.memref_slice %arg11[%dma_start3A_367, %dma_start3A_368] : memref<320x64xf32, #tpu.memory_space<vmem>> -> memref<160x64xf32, #tpu.memory_space<vmem>>
      %dma_start3A_370 = arith.constant 480 : i32
      %dma_start3A_371 = tpu.memref_slice %arg10[%dma_start3A_370] : memref<5120xi32, #tpu.memory_space<vmem>> -> memref<160xi32, #tpu.memory_space<vmem>>
      %dma_start3A_372 = arith.constant 0 : i32
      %dma_start3A_373 = arith.constant 0 : i32
      %dma_start3A_374 = tpu.memref_slice %arg14[%dma_start3A_372, %dma_start3A_373] : memref<10000x64xf32, #tpu.memory_space<vmem_shared>> -> memref<10000x64xf32, #tpu.memory_space<vmem_shared>>
      tpu.enqueue_indirect_dma source(%dma_start3A_374 : memref<10000x64xf32, #tpu.memory_space<vmem_shared>>) target(%dma_start3A_369 : memref<160x64xf32, #tpu.memory_space<vmem>>) offsets(%dma_start3A_371 : memref<160xi32, #tpu.memory_space<vmem>>) semaphore(%arg15 : memref<!tpu.dma_semaphore, #tpu.memory_space<semaphore_mem>>)
      %dma_wait3A_375 = arith.constant 0 : i32
      %dma_wait3A_376 = arith.constant 0 : i32
      %dma_wait3A_377 = tpu.memref_slice %arg11[%dma_wait3A_375, %dma_wait3A_376] : memref<320x64xf32, #tpu.memory_space<vmem>> -> memref<160x64xf32, #tpu.memory_space<vmem>>
      %dma_wait3A_378 = arith.constant 320 : i32
      %dma_wait3A_379 = tpu.memref_slice %arg10[%dma_wait3A_378] : memref<5120xi32, #tpu.memory_space<vmem>> -> memref<160xi32, #tpu.memory_space<vmem>>
      %dma_wait3A_380 = arith.constant 0 : i32
      %dma_wait3A_381 = arith.constant 0 : i32
      %dma_wait3A_382 = tpu.memref_slice %arg14[%dma_wait3A_380, %dma_wait3A_381] : memref<10000x64xf32, #tpu.memory_space<vmem_shared>> -> memref<10000x64xf32, #tpu.memory_space<vmem_shared>>
      tpu.wait_indirect_dma semaphore(%arg15 : memref<!tpu.dma_semaphore, #tpu.memory_space<semaphore_mem>>) src(%dma_wait3A_382 : memref<10000x64xf32, #tpu.memory_space<vmem_shared>>) dst(%dma_wait3A_377 : memref<160x64xf32, #tpu.memory_space<vmem>>)
      %dma_wait3A_383 = arith.constant 160 : i32
      %dma_wait3A_384 = arith.constant 0 : i32
      %dma_wait3A_385 = tpu.memref_slice %arg11[%dma_wait3A_383, %dma_wait3A_384] : memref<320x64xf32, #tpu.memory_space<vmem>> -> memref<160x64xf32, #tpu.memory_space<vmem>>
      %dma_wait3A_386 = arith.constant 480 : i32
      %dma_wait3A_387 = tpu.memref_slice %arg10[%dma_wait3A_386] : memref<5120xi32, #tpu.memory_space<vmem>> -> memref<160xi32, #tpu.memory_space<vmem>>
      %dma_wait3A_388 = arith.constant 0 : i32
      %dma_wait3A_389 = arith.constant 0 : i32
      %dma_wait3A_390 = tpu.memref_slice %arg14[%dma_wait3A_388, %dma_wait3A_389] : memref<10000x64xf32, #tpu.memory_space<vmem_shared>> -> memref<10000x64xf32, #tpu.memory_space<vmem_shared>>
      tpu.wait_indirect_dma semaphore(%arg15 : memref<!tpu.dma_semaphore, #tpu.memory_space<semaphore_mem>>) src(%dma_wait3A_390 : memref<10000x64xf32, #tpu.memory_space<vmem_shared>>) dst(%dma_wait3A_385 : memref<160x64xf32, #tpu.memory_space<vmem>>)
      %scan3A_391 = arith.constant 0 : i32
      %scan3A_392 = arith.constant 0 : i32
      %scan3A_393 = arith.constant 320 : i32
      %scan3A_394 = arith.addi %scan3A_392, %scan3A_393 : i32
      %scan3A_395 = arith.constant 1 : i32
      %scan3A_396 = scf.for %scan3A_945 = %scan3A_392 to %scan3A_394 step %scan3A_395 iter_args(%scan3A_946 = %scan3A_391) -> (i32)  : i32 {
        %broadcast_in_dim3A_947 = vector.broadcast %scan3A_945 : i32 to vector<16xi32>
        %broadcast_in_dim3A_948 = arith.constant 320 : i32
        %broadcast_in_dim3A_949 = vector.broadcast %broadcast_in_dim3A_948 : i32 to vector<16xi32>
        %add3A_950 = arith.addi %broadcast_in_dim3A_949, %broadcast_in_dim3A_947 : vector<16xi32>
        %gather3A = tpu.vector_load_idx %arg9[%add3A_950] : memref<5120xi32, #tpu.memory_space<vmem>>[vector<16xi32>], vector<16xi32>,
        %add3A_951 = arith.constant 0 : i32
        %add3A_952 = vector.broadcast %add3A_951 : i32 to vector<16xi32>
        %add3A_953 = arith.addi %iota3A, %add3A_952 : vector<16xi32>
        %gather3A_954 = tpu.vector_load_idx %arg12[%gather3A, %add3A_953] : memref<641x64xf32, #tpu.memory_space<vmem>>[vector<16xi32>, vector<16xi32>], vector<16xf32>,
        %gather3A_955 = tpu.vector_load_idx %arg11[%broadcast_in_dim3A_947, %add3A_953] : memref<320x64xf32, #tpu.memory_space<vmem>>[vector<16xi32>, vector<16xi32>], vector<16xf32>,
        %max3A = arith.maximumf %gather3A_954, %gather3A_955 : vector<16xf32>
        tpu.vector_store_idx %arg12[%gather3A, %add3A_953], %max3A : memref<641x64xf32, #tpu.memory_space<vmem>>[vector<16xi32>, vector<16xi32>], vector<16xf32>,
        %add3A_956 = arith.constant 16 : i32
        %add3A_957 = vector.broadcast %add3A_956 : i32 to vector<16xi32>
        %add3A_958 = arith.addi %iota3A, %add3A_957 : vector<16xi32>
        %gather3A_959 = tpu.vector_load_idx %arg12[%gather3A, %add3A_958] : memref<641x64xf32, #tpu.memory_space<vmem>>[vector<16xi32>, vector<16xi32>], vector<16xf32>,
        %gather3A_960 = tpu.vector_load_idx %arg11[%broadcast_in_dim3A_947, %add3A_958] : memref<320x64xf32, #tpu.memory_space<vmem>>[vector<16xi32>, vector<16xi32>], vector<16xf32>,
        %max3A_961 = arith.maximumf %gather3A_959, %gather3A_960 : vector<16xf32>
        tpu.vector_store_idx %arg12[%gather3A, %add3A_958], %max3A_961 : memref<641x64xf32, #tpu.memory_space<vmem>>[vector<16xi32>, vector<16xi32>], vector<16xf32>,
        %add3A_962 = arith.constant 32 : i32
        %add3A_963 = vector.broadcast %add3A_962 : i32 to vector<16xi32>
        %add3A_964 = arith.addi %iota3A, %add3A_963 : vector<16xi32>
        %gather3A_965 = tpu.vector_load_idx %arg12[%gather3A, %add3A_964] : memref<641x64xf32, #tpu.memory_space<vmem>>[vector<16xi32>, vector<16xi32>], vector<16xf32>,
        %gather3A_966 = tpu.vector_load_idx %arg11[%broadcast_in_dim3A_947, %add3A_964] : memref<320x64xf32, #tpu.memory_space<vmem>>[vector<16xi32>, vector<16xi32>], vector<16xf32>,
        %max3A_967 = arith.maximumf %gather3A_965, %gather3A_966 : vector<16xf32>
        tpu.vector_store_idx %arg12[%gather3A, %add3A_964], %max3A_967 : memref<641x64xf32, #tpu.memory_space<vmem>>[vector<16xi32>, vector<16xi32>], vector<16xf32>,
        %add3A_968 = arith.constant 48 : i32
        %add3A_969 = vector.broadcast %add3A_968 : i32 to vector<16xi32>
        %add3A_970 = arith.addi %iota3A, %add3A_969 : vector<16xi32>
        %gather3A_971 = tpu.vector_load_idx %arg12[%gather3A, %add3A_970] : memref<641x64xf32, #tpu.memory_space<vmem>>[vector<16xi32>, vector<16xi32>], vector<16xf32>,
        %gather3A_972 = tpu.vector_load_idx %arg11[%broadcast_in_dim3A_947, %add3A_970] : memref<320x64xf32, #tpu.memory_space<vmem>>[vector<16xi32>, vector<16xi32>], vector<16xf32>,
        %max3A_973 = arith.maximumf %gather3A_971, %gather3A_972 : vector<16xf32>
        tpu.vector_store_idx %arg12[%gather3A, %add3A_970], %max3A_973 : memref<641x64xf32, #tpu.memory_space<vmem>>[vector<16xi32>, vector<16xi32>], vector<16xf32>,
        %scan3A_974 = arith.constant 0 : i32
        scf.yield %scan3A_974 : i32
      }
      %scan3A_397 = arith.constant 320 : i32
      %dma_start3A_398 = arith.constant 0 : i32
      %dma_start3A_399 = arith.constant 0 : i32
      %dma_start3A_400 = tpu.memref_slice %arg11[%dma_start3A_398, %dma_start3A_399] : memref<320x64xf32, #tpu.memory_space<vmem>> -> memref<160x64xf32, #tpu.memory_space<vmem>>
      %dma_start3A_401 = arith.constant 640 : i32
      %dma_start3A_402 = tpu.memref_slice %arg10[%dma_start3A_401] : memref<5120xi32, #tpu.memory_space<vmem>> -> memref<160xi32, #tpu.memory_space<vmem>>
      %dma_start3A_403 = arith.constant 0 : i32
      %dma_start3A_404 = arith.constant 0 : i32
      %dma_start3A_405 = tpu.memref_slice %arg14[%dma_start3A_403, %dma_start3A_404] : memref<10000x64xf32, #tpu.memory_space<vmem_shared>> -> memref<10000x64xf32, #tpu.memory_space<vmem_shared>>
      tpu.enqueue_indirect_dma source(%dma_start3A_405 : memref<10000x64xf32, #tpu.memory_space<vmem_shared>>) target(%dma_start3A_400 : memref<160x64xf32, #tpu.memory_space<vmem>>) offsets(%dma_start3A_402 : memref<160xi32, #tpu.memory_space<vmem>>) semaphore(%arg15 : memref<!tpu.dma_semaphore, #tpu.memory_space<semaphore_mem>>)
      %dma_start3A_406 = arith.constant 160 : i32
      %dma_start3A_407 = arith.constant 0 : i32
      %dma_start3A_408 = tpu.memref_slice %arg11[%dma_start3A_406, %dma_start3A_407] : memref<320x64xf32, #tpu.memory_space<vmem>> -> memref<160x64xf32, #tpu.memory_space<vmem>>
      %dma_start3A_409 = arith.constant 800 : i32
      %dma_start3A_410 = tpu.memref_slice %arg10[%dma_start3A_409] : memref<5120xi32, #tpu.memory_space<vmem>> -> memref<160xi32, #tpu.memory_space<vmem>>
      %dma_start3A_411 = arith.constant 0 : i32
      %dma_start3A_412 = arith.constant 0 : i32
      %dma_start3A_413 = tpu.memref_slice %arg14[%dma_start3A_411, %dma_start3A_412] : memref<10000x64xf32, #tpu.memory_space<vmem_shared>> -> memref<10000x64xf32, #tpu.memory_space<vmem_shared>>
      tpu.enqueue_indirect_dma source(%dma_start3A_413 : memref<10000x64xf32, #tpu.memory_space<vmem_shared>>) target(%dma_start3A_408 : memref<160x64xf32, #tpu.memory_space<vmem>>) offsets(%dma_start3A_410 : memref<160xi32, #tpu.memory_space<vmem>>) semaphore(%arg15 : memref<!tpu.dma_semaphore, #tpu.memory_space<semaphore_mem>>)
      %dma_wait3A_414 = arith.constant 0 : i32
      %dma_wait3A_415 = arith.constant 0 : i32
      %dma_wait3A_416 = tpu.memref_slice %arg11[%dma_wait3A_414, %dma_wait3A_415] : memref<320x64xf32, #tpu.memory_space<vmem>> -> memref<160x64xf32, #tpu.memory_space<vmem>>
      %dma_wait3A_417 = arith.constant 640 : i32
      %dma_wait3A_418 = tpu.memref_slice %arg10[%dma_wait3A_417] : memref<5120xi32, #tpu.memory_space<vmem>> -> memref<160xi32, #tpu.memory_space<vmem>>
      %dma_wait3A_419 = arith.constant 0 : i32
      %dma_wait3A_420 = arith.constant 0 : i32
      %dma_wait3A_421 = tpu.memref_slice %arg14[%dma_wait3A_419, %dma_wait3A_420] : memref<10000x64xf32, #tpu.memory_space<vmem_shared>> -> memref<10000x64xf32, #tpu.memory_space<vmem_shared>>
      tpu.wait_indirect_dma semaphore(%arg15 : memref<!tpu.dma_semaphore, #tpu.memory_space<semaphore_mem>>) src(%dma_wait3A_421 : memref<10000x64xf32, #tpu.memory_space<vmem_shared>>) dst(%dma_wait3A_416 : memref<160x64xf32, #tpu.memory_space<vmem>>)
      %dma_wait3A_422 = arith.constant 160 : i32
      %dma_wait3A_423 = arith.constant 0 : i32
      %dma_wait3A_424 = tpu.memref_slice %arg11[%dma_wait3A_422, %dma_wait3A_423] : memref<320x64xf32, #tpu.memory_space<vmem>> -> memref<160x64xf32, #tpu.memory_space<vmem>>
      %dma_wait3A_425 = arith.constant 800 : i32
      %dma_wait3A_426 = tpu.memref_slice %arg10[%dma_wait3A_425] : memref<5120xi32, #tpu.memory_space<vmem>> -> memref<160xi32, #tpu.memory_space<vmem>>
      %dma_wait3A_427 = arith.constant 0 : i32
      %dma_wait3A_428 = arith.constant 0 : i32
      %dma_wait3A_429 = tpu.memref_slice %arg14[%dma_wait3A_427, %dma_wait3A_428] : memref<10000x64xf32, #tpu.memory_space<vmem_shared>> -> memref<10000x64xf32, #tpu.memory_space<vmem_shared>>
      tpu.wait_indirect_dma semaphore(%arg15 : memref<!tpu.dma_semaphore, #tpu.memory_space<semaphore_mem>>) src(%dma_wait3A_429 : memref<10000x64xf32, #tpu.memory_space<vmem_shared>>) dst(%dma_wait3A_424 : memref<160x64xf32, #tpu.memory_space<vmem>>)
      %scan3A_430 = arith.constant 0 : i32
      %scan3A_431 = arith.constant 0 : i32
      %scan3A_432 = arith.constant 320 : i32
      %scan3A_433 = arith.addi %scan3A_431, %scan3A_432 : i32
      %scan3A_434 = arith.constant 1 : i32
      %scan3A_435 = scf.for %scan3A_945 = %scan3A_431 to %scan3A_433 step %scan3A_434 iter_args(%scan3A_946 = %scan3A_430) -> (i32)  : i32 {
        %broadcast_in_dim3A_947 = vector.broadcast %scan3A_945 : i32 to vector<16xi32>
        %broadcast_in_dim3A_948 = arith.constant 640 : i32
        %broadcast_in_dim3A_949 = vector.broadcast %broadcast_in_dim3A_948 : i32 to vector<16xi32>
        %add3A_950 = arith.addi %broadcast_in_dim3A_949, %broadcast_in_dim3A_947 : vector<16xi32>
        %gather3A = tpu.vector_load_idx %arg9[%add3A_950] : memref<5120xi32, #tpu.memory_space<vmem>>[vector<16xi32>], vector<16xi32>,
        %add3A_951 = arith.constant 0 : i32
        %add3A_952 = vector.broadcast %add3A_951 : i32 to vector<16xi32>
        %add3A_953 = arith.addi %iota3A, %add3A_952 : vector<16xi32>
        %gather3A_954 = tpu.vector_load_idx %arg12[%gather3A, %add3A_953] : memref<641x64xf32, #tpu.memory_space<vmem>>[vector<16xi32>, vector<16xi32>], vector<16xf32>,
        %gather3A_955 = tpu.vector_load_idx %arg11[%broadcast_in_dim3A_947, %add3A_953] : memref<320x64xf32, #tpu.memory_space<vmem>>[vector<16xi32>, vector<16xi32>], vector<16xf32>,
        %max3A = arith.maximumf %gather3A_954, %gather3A_955 : vector<16xf32>
        tpu.vector_store_idx %arg12[%gather3A, %add3A_953], %max3A : memref<641x64xf32, #tpu.memory_space<vmem>>[vector<16xi32>, vector<16xi32>], vector<16xf32>,
        %add3A_956 = arith.constant 16 : i32
        %add3A_957 = vector.broadcast %add3A_956 : i32 to vector<16xi32>
        %add3A_958 = arith.addi %iota3A, %add3A_957 : vector<16xi32>
        %gather3A_959 = tpu.vector_load_idx %arg12[%gather3A, %add3A_958] : memref<641x64xf32, #tpu.memory_space<vmem>>[vector<16xi32>, vector<16xi32>], vector<16xf32>,
        %gather3A_960 = tpu.vector_load_idx %arg11[%broadcast_in_dim3A_947, %add3A_958] : memref<320x64xf32, #tpu.memory_space<vmem>>[vector<16xi32>, vector<16xi32>], vector<16xf32>,
        %max3A_961 = arith.maximumf %gather3A_959, %gather3A_960 : vector<16xf32>
        tpu.vector_store_idx %arg12[%gather3A, %add3A_958], %max3A_961 : memref<641x64xf32, #tpu.memory_space<vmem>>[vector<16xi32>, vector<16xi32>], vector<16xf32>,
        %add3A_962 = arith.constant 32 : i32
        %add3A_963 = vector.broadcast %add3A_962 : i32 to vector<16xi32>
        %add3A_964 = arith.addi %iota3A, %add3A_963 : vector<16xi32>
        %gather3A_965 = tpu.vector_load_idx %arg12[%gather3A, %add3A_964] : memref<641x64xf32, #tpu.memory_space<vmem>>[vector<16xi32>, vector<16xi32>], vector<16xf32>,
        %gather3A_966 = tpu.vector_load_idx %arg11[%broadcast_in_dim3A_947, %add3A_964] : memref<320x64xf32, #tpu.memory_space<vmem>>[vector<16xi32>, vector<16xi32>], vector<16xf32>,
        %max3A_967 = arith.maximumf %gather3A_965, %gather3A_966 : vector<16xf32>
        tpu.vector_store_idx %arg12[%gather3A, %add3A_964], %max3A_967 : memref<641x64xf32, #tpu.memory_space<vmem>>[vector<16xi32>, vector<16xi32>], vector<16xf32>,
        %add3A_968 = arith.constant 48 : i32
        %add3A_969 = vector.broadcast %add3A_968 : i32 to vector<16xi32>
        %add3A_970 = arith.addi %iota3A, %add3A_969 : vector<16xi32>
        %gather3A_971 = tpu.vector_load_idx %arg12[%gather3A, %add3A_970] : memref<641x64xf32, #tpu.memory_space<vmem>>[vector<16xi32>, vector<16xi32>], vector<16xf32>,
        %gather3A_972 = tpu.vector_load_idx %arg11[%broadcast_in_dim3A_947, %add3A_970] : memref<320x64xf32, #tpu.memory_space<vmem>>[vector<16xi32>, vector<16xi32>], vector<16xf32>,
        %max3A_973 = arith.maximumf %gather3A_971, %gather3A_972 : vector<16xf32>
        tpu.vector_store_idx %arg12[%gather3A, %add3A_970], %max3A_973 : memref<641x64xf32, #tpu.memory_space<vmem>>[vector<16xi32>, vector<16xi32>], vector<16xf32>,
        %scan3A_974 = arith.constant 0 : i32
        scf.yield %scan3A_974 : i32
      }
      %scan3A_436 = arith.constant 320 : i32
      %dma_start3A_437 = arith.constant 0 : i32
      %dma_start3A_438 = arith.constant 0 : i32
      %dma_start3A_439 = tpu.memref_slice %arg11[%dma_start3A_437, %dma_start3A_438] : memref<320x64xf32, #tpu.memory_space<vmem>> -> memref<160x64xf32, #tpu.memory_space<vmem>>
      %dma_start3A_440 = arith.constant 960 : i32
      %dma_start3A_441 = tpu.memref_slice %arg10[%dma_start3A_440] : memref<5120xi32, #tpu.memory_space<vmem>> -> memref<160xi32, #tpu.memory_space<vmem>>
      %dma_start3A_442 = arith.constant 0 : i32
      %dma_start3A_443 = arith.constant 0 : i32
      %dma_start3A_444 = tpu.memref_slice %arg14[%dma_start3A_442, %dma_start3A_443] : memref<10000x64xf32, #tpu.memory_space<vmem_shared>> -> memref<10000x64xf32, #tpu.memory_space<vmem_shared>>
      tpu.enqueue_indirect_dma source(%dma_start3A_444 : memref<10000x64xf32, #tpu.memory_space<vmem_shared>>) target(%dma_start3A_439 : memref<160x64xf32, #tpu.memory_space<vmem>>) offsets(%dma_start3A_441 : memref<160xi32, #tpu.memory_space<vmem>>) semaphore(%arg15 : memref<!tpu.dma_semaphore, #tpu.memory_space<semaphore_mem>>)
      %dma_start3A_445 = arith.constant 160 : i32
      %dma_start3A_446 = arith.constant 0 : i32
      %dma_start3A_447 = tpu.memref_slice %arg11[%dma_start3A_445, %dma_start3A_446] : memref<320x64xf32, #tpu.memory_space<vmem>> -> memref<160x64xf32, #tpu.memory_space<vmem>>
      %dma_start3A_448 = arith.constant 1120 : i32
      %dma_start3A_449 = tpu.memref_slice %arg10[%dma_start3A_448] : memref<5120xi32, #tpu.memory_space<vmem>> -> memref<160xi32, #tpu.memory_space<vmem>>
      %dma_start3A_450 = arith.constant 0 : i32
      %dma_start3A_451 = arith.constant 0 : i32
      %dma_start3A_452 = tpu.memref_slice %arg14[%dma_start3A_450, %dma_start3A_451] : memref<10000x64xf32, #tpu.memory_space<vmem_shared>> -> memref<10000x64xf32, #tpu.memory_space<vmem_shared>>
      tpu.enqueue_indirect_dma source(%dma_start3A_452 : memref<10000x64xf32, #tpu.memory_space<vmem_shared>>) target(%dma_start3A_447 : memref<160x64xf32, #tpu.memory_space<vmem>>) offsets(%dma_start3A_449 : memref<160xi32, #tpu.memory_space<vmem>>) semaphore(%arg15 : memref<!tpu.dma_semaphore, #tpu.memory_space<semaphore_mem>>)
      %dma_wait3A_453 = arith.constant 0 : i32
      %dma_wait3A_454 = arith.constant 0 : i32
      %dma_wait3A_455 = tpu.memref_slice %arg11[%dma_wait3A_453, %dma_wait3A_454] : memref<320x64xf32, #tpu.memory_space<vmem>> -> memref<160x64xf32, #tpu.memory_space<vmem>>
      %dma_wait3A_456 = arith.constant 960 : i32
      %dma_wait3A_457 = tpu.memref_slice %arg10[%dma_wait3A_456] : memref<5120xi32, #tpu.memory_space<vmem>> -> memref<160xi32, #tpu.memory_space<vmem>>
      %dma_wait3A_458 = arith.constant 0 : i32
      %dma_wait3A_459 = arith.constant 0 : i32
      %dma_wait3A_460 = tpu.memref_slice %arg14[%dma_wait3A_458, %dma_wait3A_459] : memref<10000x64xf32, #tpu.memory_space<vmem_shared>> -> memref<10000x64xf32, #tpu.memory_space<vmem_shared>>
      tpu.wait_indirect_dma semaphore(%arg15 : memref<!tpu.dma_semaphore, #tpu.memory_space<semaphore_mem>>) src(%dma_wait3A_460 : memref<10000x64xf32, #tpu.memory_space<vmem_shared>>) dst(%dma_wait3A_455 : memref<160x64xf32, #tpu.memory_space<vmem>>)
      %dma_wait3A_461 = arith.constant 160 : i32
      %dma_wait3A_462 = arith.constant 0 : i32
      %dma_wait3A_463 = tpu.memref_slice %arg11[%dma_wait3A_461, %dma_wait3A_462] : memref<320x64xf32, #tpu.memory_space<vmem>> -> memref<160x64xf32, #tpu.memory_space<vmem>>
      %dma_wait3A_464 = arith.constant 1120 : i32
      %dma_wait3A_465 = tpu.memref_slice %arg10[%dma_wait3A_464] : memref<5120xi32, #tpu.memory_space<vmem>> -> memref<160xi32, #tpu.memory_space<vmem>>
      %dma_wait3A_466 = arith.constant 0 : i32
      %dma_wait3A_467 = arith.constant 0 : i32
      %dma_wait3A_468 = tpu.memref_slice %arg14[%dma_wait3A_466, %dma_wait3A_467] : memref<10000x64xf32, #tpu.memory_space<vmem_shared>> -> memref<10000x64xf32, #tpu.memory_space<vmem_shared>>
      tpu.wait_indirect_dma semaphore(%arg15 : memref<!tpu.dma_semaphore, #tpu.memory_space<semaphore_mem>>) src(%dma_wait3A_468 : memref<10000x64xf32, #tpu.memory_space<vmem_shared>>) dst(%dma_wait3A_463 : memref<160x64xf32, #tpu.memory_space<vmem>>)
      %scan3A_469 = arith.constant 0 : i32
      %scan3A_470 = arith.constant 0 : i32
      %scan3A_471 = arith.constant 320 : i32
      %scan3A_472 = arith.addi %scan3A_470, %scan3A_471 : i32
      %scan3A_473 = arith.constant 1 : i32
      %scan3A_474 = scf.for %scan3A_945 = %scan3A_470 to %scan3A_472 step %scan3A_473 iter_args(%scan3A_946 = %scan3A_469) -> (i32)  : i32 {
        %broadcast_in_dim3A_947 = vector.broadcast %scan3A_945 : i32 to vector<16xi32>
        %broadcast_in_dim3A_948 = arith.constant 960 : i32
        %broadcast_in_dim3A_949 = vector.broadcast %broadcast_in_dim3A_948 : i32 to vector<16xi32>
        %add3A_950 = arith.addi %broadcast_in_dim3A_949, %broadcast_in_dim3A_947 : vector<16xi32>
        %gather3A = tpu.vector_load_idx %arg9[%add3A_950] : memref<5120xi32, #tpu.memory_space<vmem>>[vector<16xi32>], vector<16xi32>,
        %add3A_951 = arith.constant 0 : i32
        %add3A_952 = vector.broadcast %add3A_951 : i32 to vector<16xi32>
        %add3A_953 = arith.addi %iota3A, %add3A_952 : vector<16xi32>
        %gather3A_954 = tpu.vector_load_idx %arg12[%gather3A, %add3A_953] : memref<641x64xf32, #tpu.memory_space<vmem>>[vector<16xi32>, vector<16xi32>], vector<16xf32>,
        %gather3A_955 = tpu.vector_load_idx %arg11[%broadcast_in_dim3A_947, %add3A_953] : memref<320x64xf32, #tpu.memory_space<vmem>>[vector<16xi32>, vector<16xi32>], vector<16xf32>,
        %max3A = arith.maximumf %gather3A_954, %gather3A_955 : vector<16xf32>
        tpu.vector_store_idx %arg12[%gather3A, %add3A_953], %max3A : memref<641x64xf32, #tpu.memory_space<vmem>>[vector<16xi32>, vector<16xi32>], vector<16xf32>,
        %add3A_956 = arith.constant 16 : i32
        %add3A_957 = vector.broadcast %add3A_956 : i32 to vector<16xi32>
        %add3A_958 = arith.addi %iota3A, %add3A_957 : vector<16xi32>
        %gather3A_959 = tpu.vector_load_idx %arg12[%gather3A, %add3A_958] : memref<641x64xf32, #tpu.memory_space<vmem>>[vector<16xi32>, vector<16xi32>], vector<16xf32>,
        %gather3A_960 = tpu.vector_load_idx %arg11[%broadcast_in_dim3A_947, %add3A_958] : memref<320x64xf32, #tpu.memory_space<vmem>>[vector<16xi32>, vector<16xi32>], vector<16xf32>,
        %max3A_961 = arith.maximumf %gather3A_959, %gather3A_960 : vector<16xf32>
        tpu.vector_store_idx %arg12[%gather3A, %add3A_958], %max3A_961 : memref<641x64xf32, #tpu.memory_space<vmem>>[vector<16xi32>, vector<16xi32>], vector<16xf32>,
        %add3A_962 = arith.constant 32 : i32
        %add3A_963 = vector.broadcast %add3A_962 : i32 to vector<16xi32>
        %add3A_964 = arith.addi %iota3A, %add3A_963 : vector<16xi32>
        %gather3A_965 = tpu.vector_load_idx %arg12[%gather3A, %add3A_964] : memref<641x64xf32, #tpu.memory_space<vmem>>[vector<16xi32>, vector<16xi32>], vector<16xf32>,
        %gather3A_966 = tpu.vector_load_idx %arg11[%broadcast_in_dim3A_947, %add3A_964] : memref<320x64xf32, #tpu.memory_space<vmem>>[vector<16xi32>, vector<16xi32>], vector<16xf32>,
        %max3A_967 = arith.maximumf %gather3A_965, %gather3A_966 : vector<16xf32>
        tpu.vector_store_idx %arg12[%gather3A, %add3A_964], %max3A_967 : memref<641x64xf32, #tpu.memory_space<vmem>>[vector<16xi32>, vector<16xi32>], vector<16xf32>,
        %add3A_968 = arith.constant 48 : i32
        %add3A_969 = vector.broadcast %add3A_968 : i32 to vector<16xi32>
        %add3A_970 = arith.addi %iota3A, %add3A_969 : vector<16xi32>
        %gather3A_971 = tpu.vector_load_idx %arg12[%gather3A, %add3A_970] : memref<641x64xf32, #tpu.memory_space<vmem>>[vector<16xi32>, vector<16xi32>], vector<16xf32>,
        %gather3A_972 = tpu.vector_load_idx %arg11[%broadcast_in_dim3A_947, %add3A_970] : memref<320x64xf32, #tpu.memory_space<vmem>>[vector<16xi32>, vector<16xi32>], vector<16xf32>,
        %max3A_973 = arith.maximumf %gather3A_971, %gather3A_972 : vector<16xf32>
        tpu.vector_store_idx %arg12[%gather3A, %add3A_970], %max3A_973 : memref<641x64xf32, #tpu.memory_space<vmem>>[vector<16xi32>, vector<16xi32>], vector<16xf32>,
        %scan3A_974 = arith.constant 0 : i32
        scf.yield %scan3A_974 : i32
      }
      %scan3A_475 = arith.constant 320 : i32
      %dma_start3A_476 = arith.constant 0 : i32
      %dma_start3A_477 = arith.constant 0 : i32
      %dma_start3A_478 = tpu.memref_slice %arg11[%dma_start3A_476, %dma_start3A_477] : memref<320x64xf32, #tpu.memory_space<vmem>> -> memref<160x64xf32, #tpu.memory_space<vmem>>
      %dma_start3A_479 = arith.constant 1280 : i32
      %dma_start3A_480 = tpu.memref_slice %arg10[%dma_start3A_479] : memref<5120xi32, #tpu.memory_space<vmem>> -> memref<160xi32, #tpu.memory_space<vmem>>
      %dma_start3A_481 = arith.constant 0 : i32
      %dma_start3A_482 = arith.constant 0 : i32
      %dma_start3A_483 = tpu.memref_slice %arg14[%dma_start3A_481, %dma_start3A_482] : memref<10000x64xf32, #tpu.memory_space<vmem_shared>> -> memref<10000x64xf32, #tpu.memory_space<vmem_shared>>
      tpu.enqueue_indirect_dma source(%dma_start3A_483 : memref<10000x64xf32, #tpu.memory_space<vmem_shared>>) target(%dma_start3A_478 : memref<160x64xf32, #tpu.memory_space<vmem>>) offsets(%dma_start3A_480 : memref<160xi32, #tpu.memory_space<vmem>>) semaphore(%arg15 : memref<!tpu.dma_semaphore, #tpu.memory_space<semaphore_mem>>)
      %dma_start3A_484 = arith.constant 160 : i32
      %dma_start3A_485 = arith.constant 0 : i32
      %dma_start3A_486 = tpu.memref_slice %arg11[%dma_start3A_484, %dma_start3A_485] : memref<320x64xf32, #tpu.memory_space<vmem>> -> memref<160x64xf32, #tpu.memory_space<vmem>>
      %dma_start3A_487 = arith.constant 1440 : i32
      %dma_start3A_488 = tpu.memref_slice %arg10[%dma_start3A_487] : memref<5120xi32, #tpu.memory_space<vmem>> -> memref<160xi32, #tpu.memory_space<vmem>>
      %dma_start3A_489 = arith.constant 0 : i32
      %dma_start3A_490 = arith.constant 0 : i32
      %dma_start3A_491 = tpu.memref_slice %arg14[%dma_start3A_489, %dma_start3A_490] : memref<10000x64xf32, #tpu.memory_space<vmem_shared>> -> memref<10000x64xf32, #tpu.memory_space<vmem_shared>>
      tpu.enqueue_indirect_dma source(%dma_start3A_491 : memref<10000x64xf32, #tpu.memory_space<vmem_shared>>) target(%dma_start3A_486 : memref<160x64xf32, #tpu.memory_space<vmem>>) offsets(%dma_start3A_488 : memref<160xi32, #tpu.memory_space<vmem>>) semaphore(%arg15 : memref<!tpu.dma_semaphore, #tpu.memory_space<semaphore_mem>>)
      %dma_wait3A_492 = arith.constant 0 : i32
      %dma_wait3A_493 = arith.constant 0 : i32
      %dma_wait3A_494 = tpu.memref_slice %arg11[%dma_wait3A_492, %dma_wait3A_493] : memref<320x64xf32, #tpu.memory_space<vmem>> -> memref<160x64xf32, #tpu.memory_space<vmem>>
      %dma_wait3A_495 = arith.constant 1280 : i32
      %dma_wait3A_496 = tpu.memref_slice %arg10[%dma_wait3A_495] : memref<5120xi32, #tpu.memory_space<vmem>> -> memref<160xi32, #tpu.memory_space<vmem>>
      %dma_wait3A_497 = arith.constant 0 : i32
      %dma_wait3A_498 = arith.constant 0 : i32
      %dma_wait3A_499 = tpu.memref_slice %arg14[%dma_wait3A_497, %dma_wait3A_498] : memref<10000x64xf32, #tpu.memory_space<vmem_shared>> -> memref<10000x64xf32, #tpu.memory_space<vmem_shared>>
      tpu.wait_indirect_dma semaphore(%arg15 : memref<!tpu.dma_semaphore, #tpu.memory_space<semaphore_mem>>) src(%dma_wait3A_499 : memref<10000x64xf32, #tpu.memory_space<vmem_shared>>) dst(%dma_wait3A_494 : memref<160x64xf32, #tpu.memory_space<vmem>>)
      %dma_wait3A_500 = arith.constant 160 : i32
      %dma_wait3A_501 = arith.constant 0 : i32
      %dma_wait3A_502 = tpu.memref_slice %arg11[%dma_wait3A_500, %dma_wait3A_501] : memref<320x64xf32, #tpu.memory_space<vmem>> -> memref<160x64xf32, #tpu.memory_space<vmem>>
      %dma_wait3A_503 = arith.constant 1440 : i32
      %dma_wait3A_504 = tpu.memref_slice %arg10[%dma_wait3A_503] : memref<5120xi32, #tpu.memory_space<vmem>> -> memref<160xi32, #tpu.memory_space<vmem>>
      %dma_wait3A_505 = arith.constant 0 : i32
      %dma_wait3A_506 = arith.constant 0 : i32
      %dma_wait3A_507 = tpu.memref_slice %arg14[%dma_wait3A_505, %dma_wait3A_506] : memref<10000x64xf32, #tpu.memory_space<vmem_shared>> -> memref<10000x64xf32, #tpu.memory_space<vmem_shared>>
      tpu.wait_indirect_dma semaphore(%arg15 : memref<!tpu.dma_semaphore, #tpu.memory_space<semaphore_mem>>) src(%dma_wait3A_507 : memref<10000x64xf32, #tpu.memory_space<vmem_shared>>) dst(%dma_wait3A_502 : memref<160x64xf32, #tpu.memory_space<vmem>>)
      %scan3A_508 = arith.constant 0 : i32
      %scan3A_509 = arith.constant 0 : i32
      %scan3A_510 = arith.constant 320 : i32
      %scan3A_511 = arith.addi %scan3A_509, %scan3A_510 : i32
      %scan3A_512 = arith.constant 1 : i32
      %scan3A_513 = scf.for %scan3A_945 = %scan3A_509 to %scan3A_511 step %scan3A_512 iter_args(%scan3A_946 = %scan3A_508) -> (i32)  : i32 {
        %broadcast_in_dim3A_947 = vector.broadcast %scan3A_945 : i32 to vector<16xi32>
        %broadcast_in_dim3A_948 = arith.constant 1280 : i32
        %broadcast_in_dim3A_949 = vector.broadcast %broadcast_in_dim3A_948 : i32 to vector<16xi32>
        %add3A_950 = arith.addi %broadcast_in_dim3A_949, %broadcast_in_dim3A_947 : vector<16xi32>
        %gather3A = tpu.vector_load_idx %arg9[%add3A_950] : memref<5120xi32, #tpu.memory_space<vmem>>[vector<16xi32>], vector<16xi32>,
        %add3A_951 = arith.constant 0 : i32
        %add3A_952 = vector.broadcast %add3A_951 : i32 to vector<16xi32>
        %add3A_953 = arith.addi %iota3A, %add3A_952 : vector<16xi32>
        %gather3A_954 = tpu.vector_load_idx %arg12[%gather3A, %add3A_953] : memref<641x64xf32, #tpu.memory_space<vmem>>[vector<16xi32>, vector<16xi32>], vector<16xf32>,
        %gather3A_955 = tpu.vector_load_idx %arg11[%broadcast_in_dim3A_947, %add3A_953] : memref<320x64xf32, #tpu.memory_space<vmem>>[vector<16xi32>, vector<16xi32>], vector<16xf32>,
        %max3A = arith.maximumf %gather3A_954, %gather3A_955 : vector<16xf32>
        tpu.vector_store_idx %arg12[%gather3A, %add3A_953], %max3A : memref<641x64xf32, #tpu.memory_space<vmem>>[vector<16xi32>, vector<16xi32>], vector<16xf32>,
        %add3A_956 = arith.constant 16 : i32
        %add3A_957 = vector.broadcast %add3A_956 : i32 to vector<16xi32>
        %add3A_958 = arith.addi %iota3A, %add3A_957 : vector<16xi32>
        %gather3A_959 = tpu.vector_load_idx %arg12[%gather3A, %add3A_958] : memref<641x64xf32, #tpu.memory_space<vmem>>[vector<16xi32>, vector<16xi32>], vector<16xf32>,
        %gather3A_960 = tpu.vector_load_idx %arg11[%broadcast_in_dim3A_947, %add3A_958] : memref<320x64xf32, #tpu.memory_space<vmem>>[vector<16xi32>, vector<16xi32>], vector<16xf32>,
        %max3A_961 = arith.maximumf %gather3A_959, %gather3A_960 : vector<16xf32>
        tpu.vector_store_idx %arg12[%gather3A, %add3A_958], %max3A_961 : memref<641x64xf32, #tpu.memory_space<vmem>>[vector<16xi32>, vector<16xi32>], vector<16xf32>,
        %add3A_962 = arith.constant 32 : i32
        %add3A_963 = vector.broadcast %add3A_962 : i32 to vector<16xi32>
        %add3A_964 = arith.addi %iota3A, %add3A_963 : vector<16xi32>
        %gather3A_965 = tpu.vector_load_idx %arg12[%gather3A, %add3A_964] : memref<641x64xf32, #tpu.memory_space<vmem>>[vector<16xi32>, vector<16xi32>], vector<16xf32>,
        %gather3A_966 = tpu.vector_load_idx %arg11[%broadcast_in_dim3A_947, %add3A_964] : memref<320x64xf32, #tpu.memory_space<vmem>>[vector<16xi32>, vector<16xi32>], vector<16xf32>,
        %max3A_967 = arith.maximumf %gather3A_965, %gather3A_966 : vector<16xf32>
        tpu.vector_store_idx %arg12[%gather3A, %add3A_964], %max3A_967 : memref<641x64xf32, #tpu.memory_space<vmem>>[vector<16xi32>, vector<16xi32>], vector<16xf32>,
        %add3A_968 = arith.constant 48 : i32
        %add3A_969 = vector.broadcast %add3A_968 : i32 to vector<16xi32>
        %add3A_970 = arith.addi %iota3A, %add3A_969 : vector<16xi32>
        %gather3A_971 = tpu.vector_load_idx %arg12[%gather3A, %add3A_970] : memref<641x64xf32, #tpu.memory_space<vmem>>[vector<16xi32>, vector<16xi32>], vector<16xf32>,
        %gather3A_972 = tpu.vector_load_idx %arg11[%broadcast_in_dim3A_947, %add3A_970] : memref<320x64xf32, #tpu.memory_space<vmem>>[vector<16xi32>, vector<16xi32>], vector<16xf32>,
        %max3A_973 = arith.maximumf %gather3A_971, %gather3A_972 : vector<16xf32>
        tpu.vector_store_idx %arg12[%gather3A, %add3A_970], %max3A_973 : memref<641x64xf32, #tpu.memory_space<vmem>>[vector<16xi32>, vector<16xi32>], vector<16xf32>,
        %scan3A_974 = arith.constant 0 : i32
        scf.yield %scan3A_974 : i32
      }
      %scan3A_514 = arith.constant 320 : i32
      %dma_start3A_515 = arith.constant 0 : i32
      %dma_start3A_516 = arith.constant 0 : i32
      %dma_start3A_517 = tpu.memref_slice %arg11[%dma_start3A_515, %dma_start3A_516] : memref<320x64xf32, #tpu.memory_space<vmem>> -> memref<160x64xf32, #tpu.memory_space<vmem>>
      %dma_start3A_518 = arith.constant 1600 : i32
      %dma_start3A_519 = tpu.memref_slice %arg10[%dma_start3A_518] : memref<5120xi32, #tpu.memory_space<vmem>> -> memref<160xi32, #tpu.memory_space<vmem>>
      %dma_start3A_520 = arith.constant 0 : i32
      %dma_start3A_521 = arith.constant 0 : i32
      %dma_start3A_522 = tpu.memref_slice %arg14[%dma_start3A_520, %dma_start3A_521] : memref<10000x64xf32, #tpu.memory_space<vmem_shared>> -> memref<10000x64xf32, #tpu.memory_space<vmem_shared>>
      tpu.enqueue_indirect_dma source(%dma_start3A_522 : memref<10000x64xf32, #tpu.memory_space<vmem_shared>>) target(%dma_start3A_517 : memref<160x64xf32, #tpu.memory_space<vmem>>) offsets(%dma_start3A_519 : memref<160xi32, #tpu.memory_space<vmem>>) semaphore(%arg15 : memref<!tpu.dma_semaphore, #tpu.memory_space<semaphore_mem>>)
      %dma_start3A_523 = arith.constant 160 : i32
      %dma_start3A_524 = arith.constant 0 : i32
      %dma_start3A_525 = tpu.memref_slice %arg11[%dma_start3A_523, %dma_start3A_524] : memref<320x64xf32, #tpu.memory_space<vmem>> -> memref<160x64xf32, #tpu.memory_space<vmem>>
      %dma_start3A_526 = arith.constant 1760 : i32
      %dma_start3A_527 = tpu.memref_slice %arg10[%dma_start3A_526] : memref<5120xi32, #tpu.memory_space<vmem>> -> memref<160xi32, #tpu.memory_space<vmem>>
      %dma_start3A_528 = arith.constant 0 : i32
      %dma_start3A_529 = arith.constant 0 : i32
      %dma_start3A_530 = tpu.memref_slice %arg14[%dma_start3A_528, %dma_start3A_529] : memref<10000x64xf32, #tpu.memory_space<vmem_shared>> -> memref<10000x64xf32, #tpu.memory_space<vmem_shared>>
      tpu.enqueue_indirect_dma source(%dma_start3A_530 : memref<10000x64xf32, #tpu.memory_space<vmem_shared>>) target(%dma_start3A_525 : memref<160x64xf32, #tpu.memory_space<vmem>>) offsets(%dma_start3A_527 : memref<160xi32, #tpu.memory_space<vmem>>) semaphore(%arg15 : memref<!tpu.dma_semaphore, #tpu.memory_space<semaphore_mem>>)
      %dma_wait3A_531 = arith.constant 0 : i32
      %dma_wait3A_532 = arith.constant 0 : i32
      %dma_wait3A_533 = tpu.memref_slice %arg11[%dma_wait3A_531, %dma_wait3A_532] : memref<320x64xf32, #tpu.memory_space<vmem>> -> memref<160x64xf32, #tpu.memory_space<vmem>>
      %dma_wait3A_534 = arith.constant 1600 : i32
      %dma_wait3A_535 = tpu.memref_slice %arg10[%dma_wait3A_534] : memref<5120xi32, #tpu.memory_space<vmem>> -> memref<160xi32, #tpu.memory_space<vmem>>
      %dma_wait3A_536 = arith.constant 0 : i32
      %dma_wait3A_537 = arith.constant 0 : i32
      %dma_wait3A_538 = tpu.memref_slice %arg14[%dma_wait3A_536, %dma_wait3A_537] : memref<10000x64xf32, #tpu.memory_space<vmem_shared>> -> memref<10000x64xf32, #tpu.memory_space<vmem_shared>>
      tpu.wait_indirect_dma semaphore(%arg15 : memref<!tpu.dma_semaphore, #tpu.memory_space<semaphore_mem>>) src(%dma_wait3A_538 : memref<10000x64xf32, #tpu.memory_space<vmem_shared>>) dst(%dma_wait3A_533 : memref<160x64xf32, #tpu.memory_space<vmem>>)
      %dma_wait3A_539 = arith.constant 160 : i32
      %dma_wait3A_540 = arith.constant 0 : i32
      %dma_wait3A_541 = tpu.memref_slice %arg11[%dma_wait3A_539, %dma_wait3A_540] : memref<320x64xf32, #tpu.memory_space<vmem>> -> memref<160x64xf32, #tpu.memory_space<vmem>>
      %dma_wait3A_542 = arith.constant 1760 : i32
      %dma_wait3A_543 = tpu.memref_slice %arg10[%dma_wait3A_542] : memref<5120xi32, #tpu.memory_space<vmem>> -> memref<160xi32, #tpu.memory_space<vmem>>
      %dma_wait3A_544 = arith.constant 0 : i32
      %dma_wait3A_545 = arith.constant 0 : i32
      %dma_wait3A_546 = tpu.memref_slice %arg14[%dma_wait3A_544, %dma_wait3A_545] : memref<10000x64xf32, #tpu.memory_space<vmem_shared>> -> memref<10000x64xf32, #tpu.memory_space<vmem_shared>>
      tpu.wait_indirect_dma semaphore(%arg15 : memref<!tpu.dma_semaphore, #tpu.memory_space<semaphore_mem>>) src(%dma_wait3A_546 : memref<10000x64xf32, #tpu.memory_space<vmem_shared>>) dst(%dma_wait3A_541 : memref<160x64xf32, #tpu.memory_space<vmem>>)
      %scan3A_547 = arith.constant 0 : i32
      %scan3A_548 = arith.constant 0 : i32
      %scan3A_549 = arith.constant 320 : i32
      %scan3A_550 = arith.addi %scan3A_548, %scan3A_549 : i32
      %scan3A_551 = arith.constant 1 : i32
      %scan3A_552 = scf.for %scan3A_945 = %scan3A_548 to %scan3A_550 step %scan3A_551 iter_args(%scan3A_946 = %scan3A_547) -> (i32)  : i32 {
        %broadcast_in_dim3A_947 = vector.broadcast %scan3A_945 : i32 to vector<16xi32>
        %broadcast_in_dim3A_948 = arith.constant 1600 : i32
        %broadcast_in_dim3A_949 = vector.broadcast %broadcast_in_dim3A_948 : i32 to vector<16xi32>
        %add3A_950 = arith.addi %broadcast_in_dim3A_949, %broadcast_in_dim3A_947 : vector<16xi32>
        %gather3A = tpu.vector_load_idx %arg9[%add3A_950] : memref<5120xi32, #tpu.memory_space<vmem>>[vector<16xi32>], vector<16xi32>,
        %add3A_951 = arith.constant 0 : i32
        %add3A_952 = vector.broadcast %add3A_951 : i32 to vector<16xi32>
        %add3A_953 = arith.addi %iota3A, %add3A_952 : vector<16xi32>
        %gather3A_954 = tpu.vector_load_idx %arg12[%gather3A, %add3A_953] : memref<641x64xf32, #tpu.memory_space<vmem>>[vector<16xi32>, vector<16xi32>], vector<16xf32>,
        %gather3A_955 = tpu.vector_load_idx %arg11[%broadcast_in_dim3A_947, %add3A_953] : memref<320x64xf32, #tpu.memory_space<vmem>>[vector<16xi32>, vector<16xi32>], vector<16xf32>,
        %max3A = arith.maximumf %gather3A_954, %gather3A_955 : vector<16xf32>
        tpu.vector_store_idx %arg12[%gather3A, %add3A_953], %max3A : memref<641x64xf32, #tpu.memory_space<vmem>>[vector<16xi32>, vector<16xi32>], vector<16xf32>,
        %add3A_956 = arith.constant 16 : i32
        %add3A_957 = vector.broadcast %add3A_956 : i32 to vector<16xi32>
        %add3A_958 = arith.addi %iota3A, %add3A_957 : vector<16xi32>
        %gather3A_959 = tpu.vector_load_idx %arg12[%gather3A, %add3A_958] : memref<641x64xf32, #tpu.memory_space<vmem>>[vector<16xi32>, vector<16xi32>], vector<16xf32>,
        %gather3A_960 = tpu.vector_load_idx %arg11[%broadcast_in_dim3A_947, %add3A_958] : memref<320x64xf32, #tpu.memory_space<vmem>>[vector<16xi32>, vector<16xi32>], vector<16xf32>,
        %max3A_961 = arith.maximumf %gather3A_959, %gather3A_960 : vector<16xf32>
        tpu.vector_store_idx %arg12[%gather3A, %add3A_958], %max3A_961 : memref<641x64xf32, #tpu.memory_space<vmem>>[vector<16xi32>, vector<16xi32>], vector<16xf32>,
        %add3A_962 = arith.constant 32 : i32
        %add3A_963 = vector.broadcast %add3A_962 : i32 to vector<16xi32>
        %add3A_964 = arith.addi %iota3A, %add3A_963 : vector<16xi32>
        %gather3A_965 = tpu.vector_load_idx %arg12[%gather3A, %add3A_964] : memref<641x64xf32, #tpu.memory_space<vmem>>[vector<16xi32>, vector<16xi32>], vector<16xf32>,
        %gather3A_966 = tpu.vector_load_idx %arg11[%broadcast_in_dim3A_947, %add3A_964] : memref<320x64xf32, #tpu.memory_space<vmem>>[vector<16xi32>, vector<16xi32>], vector<16xf32>,
        %max3A_967 = arith.maximumf %gather3A_965, %gather3A_966 : vector<16xf32>
        tpu.vector_store_idx %arg12[%gather3A, %add3A_964], %max3A_967 : memref<641x64xf32, #tpu.memory_space<vmem>>[vector<16xi32>, vector<16xi32>], vector<16xf32>,
        %add3A_968 = arith.constant 48 : i32
        %add3A_969 = vector.broadcast %add3A_968 : i32 to vector<16xi32>
        %add3A_970 = arith.addi %iota3A, %add3A_969 : vector<16xi32>
        %gather3A_971 = tpu.vector_load_idx %arg12[%gather3A, %add3A_970] : memref<641x64xf32, #tpu.memory_space<vmem>>[vector<16xi32>, vector<16xi32>], vector<16xf32>,
        %gather3A_972 = tpu.vector_load_idx %arg11[%broadcast_in_dim3A_947, %add3A_970] : memref<320x64xf32, #tpu.memory_space<vmem>>[vector<16xi32>, vector<16xi32>], vector<16xf32>,
        %max3A_973 = arith.maximumf %gather3A_971, %gather3A_972 : vector<16xf32>
        tpu.vector_store_idx %arg12[%gather3A, %add3A_970], %max3A_973 : memref<641x64xf32, #tpu.memory_space<vmem>>[vector<16xi32>, vector<16xi32>], vector<16xf32>,
        %scan3A_974 = arith.constant 0 : i32
        scf.yield %scan3A_974 : i32
      }
      %scan3A_553 = arith.constant 320 : i32
      %dma_start3A_554 = arith.constant 0 : i32
      %dma_start3A_555 = arith.constant 0 : i32
      %dma_start3A_556 = tpu.memref_slice %arg11[%dma_start3A_554, %dma_start3A_555] : memref<320x64xf32, #tpu.memory_space<vmem>> -> memref<160x64xf32, #tpu.memory_space<vmem>>
      %dma_start3A_557 = arith.constant 1920 : i32
      %dma_start3A_558 = tpu.memref_slice %arg10[%dma_start3A_557] : memref<5120xi32, #tpu.memory_space<vmem>> -> memref<160xi32, #tpu.memory_space<vmem>>
      %dma_start3A_559 = arith.constant 0 : i32
      %dma_start3A_560 = arith.constant 0 : i32
      %dma_start3A_561 = tpu.memref_slice %arg14[%dma_start3A_559, %dma_start3A_560] : memref<10000x64xf32, #tpu.memory_space<vmem_shared>> -> memref<10000x64xf32, #tpu.memory_space<vmem_shared>>
      tpu.enqueue_indirect_dma source(%dma_start3A_561 : memref<10000x64xf32, #tpu.memory_space<vmem_shared>>) target(%dma_start3A_556 : memref<160x64xf32, #tpu.memory_space<vmem>>) offsets(%dma_start3A_558 : memref<160xi32, #tpu.memory_space<vmem>>) semaphore(%arg15 : memref<!tpu.dma_semaphore, #tpu.memory_space<semaphore_mem>>)
      %dma_start3A_562 = arith.constant 160 : i32
      %dma_start3A_563 = arith.constant 0 : i32
      %dma_start3A_564 = tpu.memref_slice %arg11[%dma_start3A_562, %dma_start3A_563] : memref<320x64xf32, #tpu.memory_space<vmem>> -> memref<160x64xf32, #tpu.memory_space<vmem>>
      %dma_start3A_565 = arith.constant 2080 : i32
      %dma_start3A_566 = tpu.memref_slice %arg10[%dma_start3A_565] : memref<5120xi32, #tpu.memory_space<vmem>> -> memref<160xi32, #tpu.memory_space<vmem>>
      %dma_start3A_567 = arith.constant 0 : i32
      %dma_start3A_568 = arith.constant 0 : i32
      %dma_start3A_569 = tpu.memref_slice %arg14[%dma_start3A_567, %dma_start3A_568] : memref<10000x64xf32, #tpu.memory_space<vmem_shared>> -> memref<10000x64xf32, #tpu.memory_space<vmem_shared>>
      tpu.enqueue_indirect_dma source(%dma_start3A_569 : memref<10000x64xf32, #tpu.memory_space<vmem_shared>>) target(%dma_start3A_564 : memref<160x64xf32, #tpu.memory_space<vmem>>) offsets(%dma_start3A_566 : memref<160xi32, #tpu.memory_space<vmem>>) semaphore(%arg15 : memref<!tpu.dma_semaphore, #tpu.memory_space<semaphore_mem>>)
      %dma_wait3A_570 = arith.constant 0 : i32
      %dma_wait3A_571 = arith.constant 0 : i32
      %dma_wait3A_572 = tpu.memref_slice %arg11[%dma_wait3A_570, %dma_wait3A_571] : memref<320x64xf32, #tpu.memory_space<vmem>> -> memref<160x64xf32, #tpu.memory_space<vmem>>
      %dma_wait3A_573 = arith.constant 1920 : i32
      %dma_wait3A_574 = tpu.memref_slice %arg10[%dma_wait3A_573] : memref<5120xi32, #tpu.memory_space<vmem>> -> memref<160xi32, #tpu.memory_space<vmem>>
      %dma_wait3A_575 = arith.constant 0 : i32
      %dma_wait3A_576 = arith.constant 0 : i32
      %dma_wait3A_577 = tpu.memref_slice %arg14[%dma_wait3A_575, %dma_wait3A_576] : memref<10000x64xf32, #tpu.memory_space<vmem_shared>> -> memref<10000x64xf32, #tpu.memory_space<vmem_shared>>
      tpu.wait_indirect_dma semaphore(%arg15 : memref<!tpu.dma_semaphore, #tpu.memory_space<semaphore_mem>>) src(%dma_wait3A_577 : memref<10000x64xf32, #tpu.memory_space<vmem_shared>>) dst(%dma_wait3A_572 : memref<160x64xf32, #tpu.memory_space<vmem>>)
      %dma_wait3A_578 = arith.constant 160 : i32
      %dma_wait3A_579 = arith.constant 0 : i32
      %dma_wait3A_580 = tpu.memref_slice %arg11[%dma_wait3A_578, %dma_wait3A_579] : memref<320x64xf32, #tpu.memory_space<vmem>> -> memref<160x64xf32, #tpu.memory_space<vmem>>
      %dma_wait3A_581 = arith.constant 2080 : i32
      %dma_wait3A_582 = tpu.memref_slice %arg10[%dma_wait3A_581] : memref<5120xi32, #tpu.memory_space<vmem>> -> memref<160xi32, #tpu.memory_space<vmem>>
      %dma_wait3A_583 = arith.constant 0 : i32
      %dma_wait3A_584 = arith.constant 0 : i32
      %dma_wait3A_585 = tpu.memref_slice %arg14[%dma_wait3A_583, %dma_wait3A_584] : memref<10000x64xf32, #tpu.memory_space<vmem_shared>> -> memref<10000x64xf32, #tpu.memory_space<vmem_shared>>
      tpu.wait_indirect_dma semaphore(%arg15 : memref<!tpu.dma_semaphore, #tpu.memory_space<semaphore_mem>>) src(%dma_wait3A_585 : memref<10000x64xf32, #tpu.memory_space<vmem_shared>>) dst(%dma_wait3A_580 : memref<160x64xf32, #tpu.memory_space<vmem>>)
      %scan3A_586 = arith.constant 0 : i32
      %scan3A_587 = arith.constant 0 : i32
      %scan3A_588 = arith.constant 320 : i32
      %scan3A_589 = arith.addi %scan3A_587, %scan3A_588 : i32
      %scan3A_590 = arith.constant 1 : i32
      %scan3A_591 = scf.for %scan3A_945 = %scan3A_587 to %scan3A_589 step %scan3A_590 iter_args(%scan3A_946 = %scan3A_586) -> (i32)  : i32 {
        %broadcast_in_dim3A_947 = vector.broadcast %scan3A_945 : i32 to vector<16xi32>
        %broadcast_in_dim3A_948 = arith.constant 1920 : i32
        %broadcast_in_dim3A_949 = vector.broadcast %broadcast_in_dim3A_948 : i32 to vector<16xi32>
        %add3A_950 = arith.addi %broadcast_in_dim3A_949, %broadcast_in_dim3A_947 : vector<16xi32>
        %gather3A = tpu.vector_load_idx %arg9[%add3A_950] : memref<5120xi32, #tpu.memory_space<vmem>>[vector<16xi32>], vector<16xi32>,
        %add3A_951 = arith.constant 0 : i32
        %add3A_952 = vector.broadcast %add3A_951 : i32 to vector<16xi32>
        %add3A_953 = arith.addi %iota3A, %add3A_952 : vector<16xi32>
        %gather3A_954 = tpu.vector_load_idx %arg12[%gather3A, %add3A_953] : memref<641x64xf32, #tpu.memory_space<vmem>>[vector<16xi32>, vector<16xi32>], vector<16xf32>,
        %gather3A_955 = tpu.vector_load_idx %arg11[%broadcast_in_dim3A_947, %add3A_953] : memref<320x64xf32, #tpu.memory_space<vmem>>[vector<16xi32>, vector<16xi32>], vector<16xf32>,
        %max3A = arith.maximumf %gather3A_954, %gather3A_955 : vector<16xf32>
        tpu.vector_store_idx %arg12[%gather3A, %add3A_953], %max3A : memref<641x64xf32, #tpu.memory_space<vmem>>[vector<16xi32>, vector<16xi32>], vector<16xf32>,
        %add3A_956 = arith.constant 16 : i32
        %add3A_957 = vector.broadcast %add3A_956 : i32 to vector<16xi32>
        %add3A_958 = arith.addi %iota3A, %add3A_957 : vector<16xi32>
        %gather3A_959 = tpu.vector_load_idx %arg12[%gather3A, %add3A_958] : memref<641x64xf32, #tpu.memory_space<vmem>>[vector<16xi32>, vector<16xi32>], vector<16xf32>,
        %gather3A_960 = tpu.vector_load_idx %arg11[%broadcast_in_dim3A_947, %add3A_958] : memref<320x64xf32, #tpu.memory_space<vmem>>[vector<16xi32>, vector<16xi32>], vector<16xf32>,
        %max3A_961 = arith.maximumf %gather3A_959, %gather3A_960 : vector<16xf32>
        tpu.vector_store_idx %arg12[%gather3A, %add3A_958], %max3A_961 : memref<641x64xf32, #tpu.memory_space<vmem>>[vector<16xi32>, vector<16xi32>], vector<16xf32>,
        %add3A_962 = arith.constant 32 : i32
        %add3A_963 = vector.broadcast %add3A_962 : i32 to vector<16xi32>
        %add3A_964 = arith.addi %iota3A, %add3A_963 : vector<16xi32>
        %gather3A_965 = tpu.vector_load_idx %arg12[%gather3A, %add3A_964] : memref<641x64xf32, #tpu.memory_space<vmem>>[vector<16xi32>, vector<16xi32>], vector<16xf32>,
        %gather3A_966 = tpu.vector_load_idx %arg11[%broadcast_in_dim3A_947, %add3A_964] : memref<320x64xf32, #tpu.memory_space<vmem>>[vector<16xi32>, vector<16xi32>], vector<16xf32>,
        %max3A_967 = arith.maximumf %gather3A_965, %gather3A_966 : vector<16xf32>
        tpu.vector_store_idx %arg12[%gather3A, %add3A_964], %max3A_967 : memref<641x64xf32, #tpu.memory_space<vmem>>[vector<16xi32>, vector<16xi32>], vector<16xf32>,
        %add3A_968 = arith.constant 48 : i32
        %add3A_969 = vector.broadcast %add3A_968 : i32 to vector<16xi32>
        %add3A_970 = arith.addi %iota3A, %add3A_969 : vector<16xi32>
        %gather3A_971 = tpu.vector_load_idx %arg12[%gather3A, %add3A_970] : memref<641x64xf32, #tpu.memory_space<vmem>>[vector<16xi32>, vector<16xi32>], vector<16xf32>,
        %gather3A_972 = tpu.vector_load_idx %arg11[%broadcast_in_dim3A_947, %add3A_970] : memref<320x64xf32, #tpu.memory_space<vmem>>[vector<16xi32>, vector<16xi32>], vector<16xf32>,
        %max3A_973 = arith.maximumf %gather3A_971, %gather3A_972 : vector<16xf32>
        tpu.vector_store_idx %arg12[%gather3A, %add3A_970], %max3A_973 : memref<641x64xf32, #tpu.memory_space<vmem>>[vector<16xi32>, vector<16xi32>], vector<16xf32>,
        %scan3A_974 = arith.constant 0 : i32
        scf.yield %scan3A_974 : i32
      }
      %scan3A_592 = arith.constant 320 : i32
      %dma_start3A_593 = arith.constant 0 : i32
      %dma_start3A_594 = arith.constant 0 : i32
      %dma_start3A_595 = tpu.memref_slice %arg11[%dma_start3A_593, %dma_start3A_594] : memref<320x64xf32, #tpu.memory_space<vmem>> -> memref<160x64xf32, #tpu.memory_space<vmem>>
      %dma_start3A_596 = arith.constant 2240 : i32
      %dma_start3A_597 = tpu.memref_slice %arg10[%dma_start3A_596] : memref<5120xi32, #tpu.memory_space<vmem>> -> memref<160xi32, #tpu.memory_space<vmem>>
      %dma_start3A_598 = arith.constant 0 : i32
      %dma_start3A_599 = arith.constant 0 : i32
      %dma_start3A_600 = tpu.memref_slice %arg14[%dma_start3A_598, %dma_start3A_599] : memref<10000x64xf32, #tpu.memory_space<vmem_shared>> -> memref<10000x64xf32, #tpu.memory_space<vmem_shared>>
      tpu.enqueue_indirect_dma source(%dma_start3A_600 : memref<10000x64xf32, #tpu.memory_space<vmem_shared>>) target(%dma_start3A_595 : memref<160x64xf32, #tpu.memory_space<vmem>>) offsets(%dma_start3A_597 : memref<160xi32, #tpu.memory_space<vmem>>) semaphore(%arg15 : memref<!tpu.dma_semaphore, #tpu.memory_space<semaphore_mem>>)
      %dma_start3A_601 = arith.constant 160 : i32
      %dma_start3A_602 = arith.constant 0 : i32
      %dma_start3A_603 = tpu.memref_slice %arg11[%dma_start3A_601, %dma_start3A_602] : memref<320x64xf32, #tpu.memory_space<vmem>> -> memref<160x64xf32, #tpu.memory_space<vmem>>
      %dma_start3A_604 = arith.constant 2400 : i32
      %dma_start3A_605 = tpu.memref_slice %arg10[%dma_start3A_604] : memref<5120xi32, #tpu.memory_space<vmem>> -> memref<160xi32, #tpu.memory_space<vmem>>
      %dma_start3A_606 = arith.constant 0 : i32
      %dma_start3A_607 = arith.constant 0 : i32
      %dma_start3A_608 = tpu.memref_slice %arg14[%dma_start3A_606, %dma_start3A_607] : memref<10000x64xf32, #tpu.memory_space<vmem_shared>> -> memref<10000x64xf32, #tpu.memory_space<vmem_shared>>
      tpu.enqueue_indirect_dma source(%dma_start3A_608 : memref<10000x64xf32, #tpu.memory_space<vmem_shared>>) target(%dma_start3A_603 : memref<160x64xf32, #tpu.memory_space<vmem>>) offsets(%dma_start3A_605 : memref<160xi32, #tpu.memory_space<vmem>>) semaphore(%arg15 : memref<!tpu.dma_semaphore, #tpu.memory_space<semaphore_mem>>)
      %dma_wait3A_609 = arith.constant 0 : i32
      %dma_wait3A_610 = arith.constant 0 : i32
      %dma_wait3A_611 = tpu.memref_slice %arg11[%dma_wait3A_609, %dma_wait3A_610] : memref<320x64xf32, #tpu.memory_space<vmem>> -> memref<160x64xf32, #tpu.memory_space<vmem>>
      %dma_wait3A_612 = arith.constant 2240 : i32
      %dma_wait3A_613 = tpu.memref_slice %arg10[%dma_wait3A_612] : memref<5120xi32, #tpu.memory_space<vmem>> -> memref<160xi32, #tpu.memory_space<vmem>>
      %dma_wait3A_614 = arith.constant 0 : i32
      %dma_wait3A_615 = arith.constant 0 : i32
      %dma_wait3A_616 = tpu.memref_slice %arg14[%dma_wait3A_614, %dma_wait3A_615] : memref<10000x64xf32, #tpu.memory_space<vmem_shared>> -> memref<10000x64xf32, #tpu.memory_space<vmem_shared>>
      tpu.wait_indirect_dma semaphore(%arg15 : memref<!tpu.dma_semaphore, #tpu.memory_space<semaphore_mem>>) src(%dma_wait3A_616 : memref<10000x64xf32, #tpu.memory_space<vmem_shared>>) dst(%dma_wait3A_611 : memref<160x64xf32, #tpu.memory_space<vmem>>)
      %dma_wait3A_617 = arith.constant 160 : i32
      %dma_wait3A_618 = arith.constant 0 : i32
      %dma_wait3A_619 = tpu.memref_slice %arg11[%dma_wait3A_617, %dma_wait3A_618] : memref<320x64xf32, #tpu.memory_space<vmem>> -> memref<160x64xf32, #tpu.memory_space<vmem>>
      %dma_wait3A_620 = arith.constant 2400 : i32
      %dma_wait3A_621 = tpu.memref_slice %arg10[%dma_wait3A_620] : memref<5120xi32, #tpu.memory_space<vmem>> -> memref<160xi32, #tpu.memory_space<vmem>>
      %dma_wait3A_622 = arith.constant 0 : i32
      %dma_wait3A_623 = arith.constant 0 : i32
      %dma_wait3A_624 = tpu.memref_slice %arg14[%dma_wait3A_622, %dma_wait3A_623] : memref<10000x64xf32, #tpu.memory_space<vmem_shared>> -> memref<10000x64xf32, #tpu.memory_space<vmem_shared>>
      tpu.wait_indirect_dma semaphore(%arg15 : memref<!tpu.dma_semaphore, #tpu.memory_space<semaphore_mem>>) src(%dma_wait3A_624 : memref<10000x64xf32, #tpu.memory_space<vmem_shared>>) dst(%dma_wait3A_619 : memref<160x64xf32, #tpu.memory_space<vmem>>)
      %scan3A_625 = arith.constant 0 : i32
      %scan3A_626 = arith.constant 0 : i32
      %scan3A_627 = arith.constant 320 : i32
      %scan3A_628 = arith.addi %scan3A_626, %scan3A_627 : i32
      %scan3A_629 = arith.constant 1 : i32
      %scan3A_630 = scf.for %scan3A_945 = %scan3A_626 to %scan3A_628 step %scan3A_629 iter_args(%scan3A_946 = %scan3A_625) -> (i32)  : i32 {
        %broadcast_in_dim3A_947 = vector.broadcast %scan3A_945 : i32 to vector<16xi32>
        %broadcast_in_dim3A_948 = arith.constant 2240 : i32
        %broadcast_in_dim3A_949 = vector.broadcast %broadcast_in_dim3A_948 : i32 to vector<16xi32>
        %add3A_950 = arith.addi %broadcast_in_dim3A_949, %broadcast_in_dim3A_947 : vector<16xi32>
        %gather3A = tpu.vector_load_idx %arg9[%add3A_950] : memref<5120xi32, #tpu.memory_space<vmem>>[vector<16xi32>], vector<16xi32>,
        %add3A_951 = arith.constant 0 : i32
        %add3A_952 = vector.broadcast %add3A_951 : i32 to vector<16xi32>
        %add3A_953 = arith.addi %iota3A, %add3A_952 : vector<16xi32>
        %gather3A_954 = tpu.vector_load_idx %arg12[%gather3A, %add3A_953] : memref<641x64xf32, #tpu.memory_space<vmem>>[vector<16xi32>, vector<16xi32>], vector<16xf32>,
        %gather3A_955 = tpu.vector_load_idx %arg11[%broadcast_in_dim3A_947, %add3A_953] : memref<320x64xf32, #tpu.memory_space<vmem>>[vector<16xi32>, vector<16xi32>], vector<16xf32>,
        %max3A = arith.maximumf %gather3A_954, %gather3A_955 : vector<16xf32>
        tpu.vector_store_idx %arg12[%gather3A, %add3A_953], %max3A : memref<641x64xf32, #tpu.memory_space<vmem>>[vector<16xi32>, vector<16xi32>], vector<16xf32>,
        %add3A_956 = arith.constant 16 : i32
        %add3A_957 = vector.broadcast %add3A_956 : i32 to vector<16xi32>
        %add3A_958 = arith.addi %iota3A, %add3A_957 : vector<16xi32>
        %gather3A_959 = tpu.vector_load_idx %arg12[%gather3A, %add3A_958] : memref<641x64xf32, #tpu.memory_space<vmem>>[vector<16xi32>, vector<16xi32>], vector<16xf32>,
        %gather3A_960 = tpu.vector_load_idx %arg11[%broadcast_in_dim3A_947, %add3A_958] : memref<320x64xf32, #tpu.memory_space<vmem>>[vector<16xi32>, vector<16xi32>], vector<16xf32>,
        %max3A_961 = arith.maximumf %gather3A_959, %gather3A_960 : vector<16xf32>
        tpu.vector_store_idx %arg12[%gather3A, %add3A_958], %max3A_961 : memref<641x64xf32, #tpu.memory_space<vmem>>[vector<16xi32>, vector<16xi32>], vector<16xf32>,
        %add3A_962 = arith.constant 32 : i32
        %add3A_963 = vector.broadcast %add3A_962 : i32 to vector<16xi32>
        %add3A_964 = arith.addi %iota3A, %add3A_963 : vector<16xi32>
        %gather3A_965 = tpu.vector_load_idx %arg12[%gather3A, %add3A_964] : memref<641x64xf32, #tpu.memory_space<vmem>>[vector<16xi32>, vector<16xi32>], vector<16xf32>,
        %gather3A_966 = tpu.vector_load_idx %arg11[%broadcast_in_dim3A_947, %add3A_964] : memref<320x64xf32, #tpu.memory_space<vmem>>[vector<16xi32>, vector<16xi32>], vector<16xf32>,
        %max3A_967 = arith.maximumf %gather3A_965, %gather3A_966 : vector<16xf32>
        tpu.vector_store_idx %arg12[%gather3A, %add3A_964], %max3A_967 : memref<641x64xf32, #tpu.memory_space<vmem>>[vector<16xi32>, vector<16xi32>], vector<16xf32>,
        %add3A_968 = arith.constant 48 : i32
        %add3A_969 = vector.broadcast %add3A_968 : i32 to vector<16xi32>
        %add3A_970 = arith.addi %iota3A, %add3A_969 : vector<16xi32>
        %gather3A_971 = tpu.vector_load_idx %arg12[%gather3A, %add3A_970] : memref<641x64xf32, #tpu.memory_space<vmem>>[vector<16xi32>, vector<16xi32>], vector<16xf32>,
        %gather3A_972 = tpu.vector_load_idx %arg11[%broadcast_in_dim3A_947, %add3A_970] : memref<320x64xf32, #tpu.memory_space<vmem>>[vector<16xi32>, vector<16xi32>], vector<16xf32>,
        %max3A_973 = arith.maximumf %gather3A_971, %gather3A_972 : vector<16xf32>
        tpu.vector_store_idx %arg12[%gather3A, %add3A_970], %max3A_973 : memref<641x64xf32, #tpu.memory_space<vmem>>[vector<16xi32>, vector<16xi32>], vector<16xf32>,
        %scan3A_974 = arith.constant 0 : i32
        scf.yield %scan3A_974 : i32
      }
      %scan3A_631 = arith.constant 320 : i32
      %dma_start3A_632 = arith.constant 0 : i32
      %dma_start3A_633 = arith.constant 0 : i32
      %dma_start3A_634 = tpu.memref_slice %arg11[%dma_start3A_632, %dma_start3A_633] : memref<320x64xf32, #tpu.memory_space<vmem>> -> memref<160x64xf32, #tpu.memory_space<vmem>>
      %dma_start3A_635 = arith.constant 2560 : i32
      %dma_start3A_636 = tpu.memref_slice %arg10[%dma_start3A_635] : memref<5120xi32, #tpu.memory_space<vmem>> -> memref<160xi32, #tpu.memory_space<vmem>>
      %dma_start3A_637 = arith.constant 0 : i32
      %dma_start3A_638 = arith.constant 0 : i32
      %dma_start3A_639 = tpu.memref_slice %arg14[%dma_start3A_637, %dma_start3A_638] : memref<10000x64xf32, #tpu.memory_space<vmem_shared>> -> memref<10000x64xf32, #tpu.memory_space<vmem_shared>>
      tpu.enqueue_indirect_dma source(%dma_start3A_639 : memref<10000x64xf32, #tpu.memory_space<vmem_shared>>) target(%dma_start3A_634 : memref<160x64xf32, #tpu.memory_space<vmem>>) offsets(%dma_start3A_636 : memref<160xi32, #tpu.memory_space<vmem>>) semaphore(%arg15 : memref<!tpu.dma_semaphore, #tpu.memory_space<semaphore_mem>>)
      %dma_start3A_640 = arith.constant 160 : i32
      %dma_start3A_641 = arith.constant 0 : i32
      %dma_start3A_642 = tpu.memref_slice %arg11[%dma_start3A_640, %dma_start3A_641] : memref<320x64xf32, #tpu.memory_space<vmem>> -> memref<160x64xf32, #tpu.memory_space<vmem>>
      %dma_start3A_643 = arith.constant 2720 : i32
      %dma_start3A_644 = tpu.memref_slice %arg10[%dma_start3A_643] : memref<5120xi32, #tpu.memory_space<vmem>> -> memref<160xi32, #tpu.memory_space<vmem>>
      %dma_start3A_645 = arith.constant 0 : i32
      %dma_start3A_646 = arith.constant 0 : i32
      %dma_start3A_647 = tpu.memref_slice %arg14[%dma_start3A_645, %dma_start3A_646] : memref<10000x64xf32, #tpu.memory_space<vmem_shared>> -> memref<10000x64xf32, #tpu.memory_space<vmem_shared>>
      tpu.enqueue_indirect_dma source(%dma_start3A_647 : memref<10000x64xf32, #tpu.memory_space<vmem_shared>>) target(%dma_start3A_642 : memref<160x64xf32, #tpu.memory_space<vmem>>) offsets(%dma_start3A_644 : memref<160xi32, #tpu.memory_space<vmem>>) semaphore(%arg15 : memref<!tpu.dma_semaphore, #tpu.memory_space<semaphore_mem>>)
      %dma_wait3A_648 = arith.constant 0 : i32
      %dma_wait3A_649 = arith.constant 0 : i32
      %dma_wait3A_650 = tpu.memref_slice %arg11[%dma_wait3A_648, %dma_wait3A_649] : memref<320x64xf32, #tpu.memory_space<vmem>> -> memref<160x64xf32, #tpu.memory_space<vmem>>
      %dma_wait3A_651 = arith.constant 2560 : i32
      %dma_wait3A_652 = tpu.memref_slice %arg10[%dma_wait3A_651] : memref<5120xi32, #tpu.memory_space<vmem>> -> memref<160xi32, #tpu.memory_space<vmem>>
      %dma_wait3A_653 = arith.constant 0 : i32
      %dma_wait3A_654 = arith.constant 0 : i32
      %dma_wait3A_655 = tpu.memref_slice %arg14[%dma_wait3A_653, %dma_wait3A_654] : memref<10000x64xf32, #tpu.memory_space<vmem_shared>> -> memref<10000x64xf32, #tpu.memory_space<vmem_shared>>
      tpu.wait_indirect_dma semaphore(%arg15 : memref<!tpu.dma_semaphore, #tpu.memory_space<semaphore_mem>>) src(%dma_wait3A_655 : memref<10000x64xf32, #tpu.memory_space<vmem_shared>>) dst(%dma_wait3A_650 : memref<160x64xf32, #tpu.memory_space<vmem>>)
      %dma_wait3A_656 = arith.constant 160 : i32
      %dma_wait3A_657 = arith.constant 0 : i32
      %dma_wait3A_658 = tpu.memref_slice %arg11[%dma_wait3A_656, %dma_wait3A_657] : memref<320x64xf32, #tpu.memory_space<vmem>> -> memref<160x64xf32, #tpu.memory_space<vmem>>
      %dma_wait3A_659 = arith.constant 2720 : i32
      %dma_wait3A_660 = tpu.memref_slice %arg10[%dma_wait3A_659] : memref<5120xi32, #tpu.memory_space<vmem>> -> memref<160xi32, #tpu.memory_space<vmem>>
      %dma_wait3A_661 = arith.constant 0 : i32
      %dma_wait3A_662 = arith.constant 0 : i32
      %dma_wait3A_663 = tpu.memref_slice %arg14[%dma_wait3A_661, %dma_wait3A_662] : memref<10000x64xf32, #tpu.memory_space<vmem_shared>> -> memref<10000x64xf32, #tpu.memory_space<vmem_shared>>
      tpu.wait_indirect_dma semaphore(%arg15 : memref<!tpu.dma_semaphore, #tpu.memory_space<semaphore_mem>>) src(%dma_wait3A_663 : memref<10000x64xf32, #tpu.memory_space<vmem_shared>>) dst(%dma_wait3A_658 : memref<160x64xf32, #tpu.memory_space<vmem>>)
      %scan3A_664 = arith.constant 0 : i32
      %scan3A_665 = arith.constant 0 : i32
      %scan3A_666 = arith.constant 320 : i32
      %scan3A_667 = arith.addi %scan3A_665, %scan3A_666 : i32
      %scan3A_668 = arith.constant 1 : i32
      %scan3A_669 = scf.for %scan3A_945 = %scan3A_665 to %scan3A_667 step %scan3A_668 iter_args(%scan3A_946 = %scan3A_664) -> (i32)  : i32 {
        %broadcast_in_dim3A_947 = vector.broadcast %scan3A_945 : i32 to vector<16xi32>
        %broadcast_in_dim3A_948 = arith.constant 2560 : i32
        %broadcast_in_dim3A_949 = vector.broadcast %broadcast_in_dim3A_948 : i32 to vector<16xi32>
        %add3A_950 = arith.addi %broadcast_in_dim3A_949, %broadcast_in_dim3A_947 : vector<16xi32>
        %gather3A = tpu.vector_load_idx %arg9[%add3A_950] : memref<5120xi32, #tpu.memory_space<vmem>>[vector<16xi32>], vector<16xi32>,
        %add3A_951 = arith.constant 0 : i32
        %add3A_952 = vector.broadcast %add3A_951 : i32 to vector<16xi32>
        %add3A_953 = arith.addi %iota3A, %add3A_952 : vector<16xi32>
        %gather3A_954 = tpu.vector_load_idx %arg12[%gather3A, %add3A_953] : memref<641x64xf32, #tpu.memory_space<vmem>>[vector<16xi32>, vector<16xi32>], vector<16xf32>,
        %gather3A_955 = tpu.vector_load_idx %arg11[%broadcast_in_dim3A_947, %add3A_953] : memref<320x64xf32, #tpu.memory_space<vmem>>[vector<16xi32>, vector<16xi32>], vector<16xf32>,
        %max3A = arith.maximumf %gather3A_954, %gather3A_955 : vector<16xf32>
        tpu.vector_store_idx %arg12[%gather3A, %add3A_953], %max3A : memref<641x64xf32, #tpu.memory_space<vmem>>[vector<16xi32>, vector<16xi32>], vector<16xf32>,
        %add3A_956 = arith.constant 16 : i32
        %add3A_957 = vector.broadcast %add3A_956 : i32 to vector<16xi32>
        %add3A_958 = arith.addi %iota3A, %add3A_957 : vector<16xi32>
        %gather3A_959 = tpu.vector_load_idx %arg12[%gather3A, %add3A_958] : memref<641x64xf32, #tpu.memory_space<vmem>>[vector<16xi32>, vector<16xi32>], vector<16xf32>,
        %gather3A_960 = tpu.vector_load_idx %arg11[%broadcast_in_dim3A_947, %add3A_958] : memref<320x64xf32, #tpu.memory_space<vmem>>[vector<16xi32>, vector<16xi32>], vector<16xf32>,
        %max3A_961 = arith.maximumf %gather3A_959, %gather3A_960 : vector<16xf32>
        tpu.vector_store_idx %arg12[%gather3A, %add3A_958], %max3A_961 : memref<641x64xf32, #tpu.memory_space<vmem>>[vector<16xi32>, vector<16xi32>], vector<16xf32>,
        %add3A_962 = arith.constant 32 : i32
        %add3A_963 = vector.broadcast %add3A_962 : i32 to vector<16xi32>
        %add3A_964 = arith.addi %iota3A, %add3A_963 : vector<16xi32>
        %gather3A_965 = tpu.vector_load_idx %arg12[%gather3A, %add3A_964] : memref<641x64xf32, #tpu.memory_space<vmem>>[vector<16xi32>, vector<16xi32>], vector<16xf32>,
        %gather3A_966 = tpu.vector_load_idx %arg11[%broadcast_in_dim3A_947, %add3A_964] : memref<320x64xf32, #tpu.memory_space<vmem>>[vector<16xi32>, vector<16xi32>], vector<16xf32>,
        %max3A_967 = arith.maximumf %gather3A_965, %gather3A_966 : vector<16xf32>
        tpu.vector_store_idx %arg12[%gather3A, %add3A_964], %max3A_967 : memref<641x64xf32, #tpu.memory_space<vmem>>[vector<16xi32>, vector<16xi32>], vector<16xf32>,
        %add3A_968 = arith.constant 48 : i32
        %add3A_969 = vector.broadcast %add3A_968 : i32 to vector<16xi32>
        %add3A_970 = arith.addi %iota3A, %add3A_969 : vector<16xi32>
        %gather3A_971 = tpu.vector_load_idx %arg12[%gather3A, %add3A_970] : memref<641x64xf32, #tpu.memory_space<vmem>>[vector<16xi32>, vector<16xi32>], vector<16xf32>,
        %gather3A_972 = tpu.vector_load_idx %arg11[%broadcast_in_dim3A_947, %add3A_970] : memref<320x64xf32, #tpu.memory_space<vmem>>[vector<16xi32>, vector<16xi32>], vector<16xf32>,
        %max3A_973 = arith.maximumf %gather3A_971, %gather3A_972 : vector<16xf32>
        tpu.vector_store_idx %arg12[%gather3A, %add3A_970], %max3A_973 : memref<641x64xf32, #tpu.memory_space<vmem>>[vector<16xi32>, vector<16xi32>], vector<16xf32>,
        %scan3A_974 = arith.constant 0 : i32
        scf.yield %scan3A_974 : i32
      }
      %scan3A_670 = arith.constant 320 : i32
      %dma_start3A_671 = arith.constant 0 : i32
      %dma_start3A_672 = arith.constant 0 : i32
      %dma_start3A_673 = tpu.memref_slice %arg11[%dma_start3A_671, %dma_start3A_672] : memref<320x64xf32, #tpu.memory_space<vmem>> -> memref<160x64xf32, #tpu.memory_space<vmem>>
      %dma_start3A_674 = arith.constant 2880 : i32
      %dma_start3A_675 = tpu.memref_slice %arg10[%dma_start3A_674] : memref<5120xi32, #tpu.memory_space<vmem>> -> memref<160xi32, #tpu.memory_space<vmem>>
      %dma_start3A_676 = arith.constant 0 : i32
      %dma_start3A_677 = arith.constant 0 : i32
      %dma_start3A_678 = tpu.memref_slice %arg14[%dma_start3A_676, %dma_start3A_677] : memref<10000x64xf32, #tpu.memory_space<vmem_shared>> -> memref<10000x64xf32, #tpu.memory_space<vmem_shared>>
      tpu.enqueue_indirect_dma source(%dma_start3A_678 : memref<10000x64xf32, #tpu.memory_space<vmem_shared>>) target(%dma_start3A_673 : memref<160x64xf32, #tpu.memory_space<vmem>>) offsets(%dma_start3A_675 : memref<160xi32, #tpu.memory_space<vmem>>) semaphore(%arg15 : memref<!tpu.dma_semaphore, #tpu.memory_space<semaphore_mem>>)
      %dma_start3A_679 = arith.constant 160 : i32
      %dma_start3A_680 = arith.constant 0 : i32
      %dma_start3A_681 = tpu.memref_slice %arg11[%dma_start3A_679, %dma_start3A_680] : memref<320x64xf32, #tpu.memory_space<vmem>> -> memref<160x64xf32, #tpu.memory_space<vmem>>
      %dma_start3A_682 = arith.constant 3040 : i32
      %dma_start3A_683 = tpu.memref_slice %arg10[%dma_start3A_682] : memref<5120xi32, #tpu.memory_space<vmem>> -> memref<160xi32, #tpu.memory_space<vmem>>
      %dma_start3A_684 = arith.constant 0 : i32
      %dma_start3A_685 = arith.constant 0 : i32
      %dma_start3A_686 = tpu.memref_slice %arg14[%dma_start3A_684, %dma_start3A_685] : memref<10000x64xf32, #tpu.memory_space<vmem_shared>> -> memref<10000x64xf32, #tpu.memory_space<vmem_shared>>
      tpu.enqueue_indirect_dma source(%dma_start3A_686 : memref<10000x64xf32, #tpu.memory_space<vmem_shared>>) target(%dma_start3A_681 : memref<160x64xf32, #tpu.memory_space<vmem>>) offsets(%dma_start3A_683 : memref<160xi32, #tpu.memory_space<vmem>>) semaphore(%arg15 : memref<!tpu.dma_semaphore, #tpu.memory_space<semaphore_mem>>)
      %dma_wait3A_687 = arith.constant 0 : i32
      %dma_wait3A_688 = arith.constant 0 : i32
      %dma_wait3A_689 = tpu.memref_slice %arg11[%dma_wait3A_687, %dma_wait3A_688] : memref<320x64xf32, #tpu.memory_space<vmem>> -> memref<160x64xf32, #tpu.memory_space<vmem>>
      %dma_wait3A_690 = arith.constant 2880 : i32
      %dma_wait3A_691 = tpu.memref_slice %arg10[%dma_wait3A_690] : memref<5120xi32, #tpu.memory_space<vmem>> -> memref<160xi32, #tpu.memory_space<vmem>>
      %dma_wait3A_692 = arith.constant 0 : i32
      %dma_wait3A_693 = arith.constant 0 : i32
      %dma_wait3A_694 = tpu.memref_slice %arg14[%dma_wait3A_692, %dma_wait3A_693] : memref<10000x64xf32, #tpu.memory_space<vmem_shared>> -> memref<10000x64xf32, #tpu.memory_space<vmem_shared>>
      tpu.wait_indirect_dma semaphore(%arg15 : memref<!tpu.dma_semaphore, #tpu.memory_space<semaphore_mem>>) src(%dma_wait3A_694 : memref<10000x64xf32, #tpu.memory_space<vmem_shared>>) dst(%dma_wait3A_689 : memref<160x64xf32, #tpu.memory_space<vmem>>)
      %dma_wait3A_695 = arith.constant 160 : i32
      %dma_wait3A_696 = arith.constant 0 : i32
      %dma_wait3A_697 = tpu.memref_slice %arg11[%dma_wait3A_695, %dma_wait3A_696] : memref<320x64xf32, #tpu.memory_space<vmem>> -> memref<160x64xf32, #tpu.memory_space<vmem>>
      %dma_wait3A_698 = arith.constant 3040 : i32
      %dma_wait3A_699 = tpu.memref_slice %arg10[%dma_wait3A_698] : memref<5120xi32, #tpu.memory_space<vmem>> -> memref<160xi32, #tpu.memory_space<vmem>>
      %dma_wait3A_700 = arith.constant 0 : i32
      %dma_wait3A_701 = arith.constant 0 : i32
      %dma_wait3A_702 = tpu.memref_slice %arg14[%dma_wait3A_700, %dma_wait3A_701] : memref<10000x64xf32, #tpu.memory_space<vmem_shared>> -> memref<10000x64xf32, #tpu.memory_space<vmem_shared>>
      tpu.wait_indirect_dma semaphore(%arg15 : memref<!tpu.dma_semaphore, #tpu.memory_space<semaphore_mem>>) src(%dma_wait3A_702 : memref<10000x64xf32, #tpu.memory_space<vmem_shared>>) dst(%dma_wait3A_697 : memref<160x64xf32, #tpu.memory_space<vmem>>)
      %scan3A_703 = arith.constant 0 : i32
      %scan3A_704 = arith.constant 0 : i32
      %scan3A_705 = arith.constant 320 : i32
      %scan3A_706 = arith.addi %scan3A_704, %scan3A_705 : i32
      %scan3A_707 = arith.constant 1 : i32
      %scan3A_708 = scf.for %scan3A_945 = %scan3A_704 to %scan3A_706 step %scan3A_707 iter_args(%scan3A_946 = %scan3A_703) -> (i32)  : i32 {
        %broadcast_in_dim3A_947 = vector.broadcast %scan3A_945 : i32 to vector<16xi32>
        %broadcast_in_dim3A_948 = arith.constant 2880 : i32
        %broadcast_in_dim3A_949 = vector.broadcast %broadcast_in_dim3A_948 : i32 to vector<16xi32>
        %add3A_950 = arith.addi %broadcast_in_dim3A_949, %broadcast_in_dim3A_947 : vector<16xi32>
        %gather3A = tpu.vector_load_idx %arg9[%add3A_950] : memref<5120xi32, #tpu.memory_space<vmem>>[vector<16xi32>], vector<16xi32>,
        %add3A_951 = arith.constant 0 : i32
        %add3A_952 = vector.broadcast %add3A_951 : i32 to vector<16xi32>
        %add3A_953 = arith.addi %iota3A, %add3A_952 : vector<16xi32>
        %gather3A_954 = tpu.vector_load_idx %arg12[%gather3A, %add3A_953] : memref<641x64xf32, #tpu.memory_space<vmem>>[vector<16xi32>, vector<16xi32>], vector<16xf32>,
        %gather3A_955 = tpu.vector_load_idx %arg11[%broadcast_in_dim3A_947, %add3A_953] : memref<320x64xf32, #tpu.memory_space<vmem>>[vector<16xi32>, vector<16xi32>], vector<16xf32>,
        %max3A = arith.maximumf %gather3A_954, %gather3A_955 : vector<16xf32>
        tpu.vector_store_idx %arg12[%gather3A, %add3A_953], %max3A : memref<641x64xf32, #tpu.memory_space<vmem>>[vector<16xi32>, vector<16xi32>], vector<16xf32>,
        %add3A_956 = arith.constant 16 : i32
        %add3A_957 = vector.broadcast %add3A_956 : i32 to vector<16xi32>
        %add3A_958 = arith.addi %iota3A, %add3A_957 : vector<16xi32>
        %gather3A_959 = tpu.vector_load_idx %arg12[%gather3A, %add3A_958] : memref<641x64xf32, #tpu.memory_space<vmem>>[vector<16xi32>, vector<16xi32>], vector<16xf32>,
        %gather3A_960 = tpu.vector_load_idx %arg11[%broadcast_in_dim3A_947, %add3A_958] : memref<320x64xf32, #tpu.memory_space<vmem>>[vector<16xi32>, vector<16xi32>], vector<16xf32>,
        %max3A_961 = arith.maximumf %gather3A_959, %gather3A_960 : vector<16xf32>
        tpu.vector_store_idx %arg12[%gather3A, %add3A_958], %max3A_961 : memref<641x64xf32, #tpu.memory_space<vmem>>[vector<16xi32>, vector<16xi32>], vector<16xf32>,
        %add3A_962 = arith.constant 32 : i32
        %add3A_963 = vector.broadcast %add3A_962 : i32 to vector<16xi32>
        %add3A_964 = arith.addi %iota3A, %add3A_963 : vector<16xi32>
        %gather3A_965 = tpu.vector_load_idx %arg12[%gather3A, %add3A_964] : memref<641x64xf32, #tpu.memory_space<vmem>>[vector<16xi32>, vector<16xi32>], vector<16xf32>,
        %gather3A_966 = tpu.vector_load_idx %arg11[%broadcast_in_dim3A_947, %add3A_964] : memref<320x64xf32, #tpu.memory_space<vmem>>[vector<16xi32>, vector<16xi32>], vector<16xf32>,
        %max3A_967 = arith.maximumf %gather3A_965, %gather3A_966 : vector<16xf32>
        tpu.vector_store_idx %arg12[%gather3A, %add3A_964], %max3A_967 : memref<641x64xf32, #tpu.memory_space<vmem>>[vector<16xi32>, vector<16xi32>], vector<16xf32>,
        %add3A_968 = arith.constant 48 : i32
        %add3A_969 = vector.broadcast %add3A_968 : i32 to vector<16xi32>
        %add3A_970 = arith.addi %iota3A, %add3A_969 : vector<16xi32>
        %gather3A_971 = tpu.vector_load_idx %arg12[%gather3A, %add3A_970] : memref<641x64xf32, #tpu.memory_space<vmem>>[vector<16xi32>, vector<16xi32>], vector<16xf32>,
        %gather3A_972 = tpu.vector_load_idx %arg11[%broadcast_in_dim3A_947, %add3A_970] : memref<320x64xf32, #tpu.memory_space<vmem>>[vector<16xi32>, vector<16xi32>], vector<16xf32>,
        %max3A_973 = arith.maximumf %gather3A_971, %gather3A_972 : vector<16xf32>
        tpu.vector_store_idx %arg12[%gather3A, %add3A_970], %max3A_973 : memref<641x64xf32, #tpu.memory_space<vmem>>[vector<16xi32>, vector<16xi32>], vector<16xf32>,
        %scan3A_974 = arith.constant 0 : i32
        scf.yield %scan3A_974 : i32
      }
      %scan3A_709 = arith.constant 320 : i32
      %dma_start3A_710 = arith.constant 0 : i32
      %dma_start3A_711 = arith.constant 0 : i32
      %dma_start3A_712 = tpu.memref_slice %arg11[%dma_start3A_710, %dma_start3A_711] : memref<320x64xf32, #tpu.memory_space<vmem>> -> memref<160x64xf32, #tpu.memory_space<vmem>>
      %dma_start3A_713 = arith.constant 3200 : i32
      %dma_start3A_714 = tpu.memref_slice %arg10[%dma_start3A_713] : memref<5120xi32, #tpu.memory_space<vmem>> -> memref<160xi32, #tpu.memory_space<vmem>>
      %dma_start3A_715 = arith.constant 0 : i32
      %dma_start3A_716 = arith.constant 0 : i32
      %dma_start3A_717 = tpu.memref_slice %arg14[%dma_start3A_715, %dma_start3A_716] : memref<10000x64xf32, #tpu.memory_space<vmem_shared>> -> memref<10000x64xf32, #tpu.memory_space<vmem_shared>>
      tpu.enqueue_indirect_dma source(%dma_start3A_717 : memref<10000x64xf32, #tpu.memory_space<vmem_shared>>) target(%dma_start3A_712 : memref<160x64xf32, #tpu.memory_space<vmem>>) offsets(%dma_start3A_714 : memref<160xi32, #tpu.memory_space<vmem>>) semaphore(%arg15 : memref<!tpu.dma_semaphore, #tpu.memory_space<semaphore_mem>>)
      %dma_start3A_718 = arith.constant 160 : i32
      %dma_start3A_719 = arith.constant 0 : i32
      %dma_start3A_720 = tpu.memref_slice %arg11[%dma_start3A_718, %dma_start3A_719] : memref<320x64xf32, #tpu.memory_space<vmem>> -> memref<160x64xf32, #tpu.memory_space<vmem>>
      %dma_start3A_721 = arith.constant 3360 : i32
      %dma_start3A_722 = tpu.memref_slice %arg10[%dma_start3A_721] : memref<5120xi32, #tpu.memory_space<vmem>> -> memref<160xi32, #tpu.memory_space<vmem>>
      %dma_start3A_723 = arith.constant 0 : i32
      %dma_start3A_724 = arith.constant 0 : i32
      %dma_start3A_725 = tpu.memref_slice %arg14[%dma_start3A_723, %dma_start3A_724] : memref<10000x64xf32, #tpu.memory_space<vmem_shared>> -> memref<10000x64xf32, #tpu.memory_space<vmem_shared>>
      tpu.enqueue_indirect_dma source(%dma_start3A_725 : memref<10000x64xf32, #tpu.memory_space<vmem_shared>>) target(%dma_start3A_720 : memref<160x64xf32, #tpu.memory_space<vmem>>) offsets(%dma_start3A_722 : memref<160xi32, #tpu.memory_space<vmem>>) semaphore(%arg15 : memref<!tpu.dma_semaphore, #tpu.memory_space<semaphore_mem>>)
      %dma_wait3A_726 = arith.constant 0 : i32
      %dma_wait3A_727 = arith.constant 0 : i32
      %dma_wait3A_728 = tpu.memref_slice %arg11[%dma_wait3A_726, %dma_wait3A_727] : memref<320x64xf32, #tpu.memory_space<vmem>> -> memref<160x64xf32, #tpu.memory_space<vmem>>
      %dma_wait3A_729 = arith.constant 3200 : i32
      %dma_wait3A_730 = tpu.memref_slice %arg10[%dma_wait3A_729] : memref<5120xi32, #tpu.memory_space<vmem>> -> memref<160xi32, #tpu.memory_space<vmem>>
      %dma_wait3A_731 = arith.constant 0 : i32
      %dma_wait3A_732 = arith.constant 0 : i32
      %dma_wait3A_733 = tpu.memref_slice %arg14[%dma_wait3A_731, %dma_wait3A_732] : memref<10000x64xf32, #tpu.memory_space<vmem_shared>> -> memref<10000x64xf32, #tpu.memory_space<vmem_shared>>
      tpu.wait_indirect_dma semaphore(%arg15 : memref<!tpu.dma_semaphore, #tpu.memory_space<semaphore_mem>>) src(%dma_wait3A_733 : memref<10000x64xf32, #tpu.memory_space<vmem_shared>>) dst(%dma_wait3A_728 : memref<160x64xf32, #tpu.memory_space<vmem>>)
      %dma_wait3A_734 = arith.constant 160 : i32
      %dma_wait3A_735 = arith.constant 0 : i32
      %dma_wait3A_736 = tpu.memref_slice %arg11[%dma_wait3A_734, %dma_wait3A_735] : memref<320x64xf32, #tpu.memory_space<vmem>> -> memref<160x64xf32, #tpu.memory_space<vmem>>
      %dma_wait3A_737 = arith.constant 3360 : i32
      %dma_wait3A_738 = tpu.memref_slice %arg10[%dma_wait3A_737] : memref<5120xi32, #tpu.memory_space<vmem>> -> memref<160xi32, #tpu.memory_space<vmem>>
      %dma_wait3A_739 = arith.constant 0 : i32
      %dma_wait3A_740 = arith.constant 0 : i32
      %dma_wait3A_741 = tpu.memref_slice %arg14[%dma_wait3A_739, %dma_wait3A_740] : memref<10000x64xf32, #tpu.memory_space<vmem_shared>> -> memref<10000x64xf32, #tpu.memory_space<vmem_shared>>
      tpu.wait_indirect_dma semaphore(%arg15 : memref<!tpu.dma_semaphore, #tpu.memory_space<semaphore_mem>>) src(%dma_wait3A_741 : memref<10000x64xf32, #tpu.memory_space<vmem_shared>>) dst(%dma_wait3A_736 : memref<160x64xf32, #tpu.memory_space<vmem>>)
      %scan3A_742 = arith.constant 0 : i32
      %scan3A_743 = arith.constant 0 : i32
      %scan3A_744 = arith.constant 320 : i32
      %scan3A_745 = arith.addi %scan3A_743, %scan3A_744 : i32
      %scan3A_746 = arith.constant 1 : i32
      %scan3A_747 = scf.for %scan3A_945 = %scan3A_743 to %scan3A_745 step %scan3A_746 iter_args(%scan3A_946 = %scan3A_742) -> (i32)  : i32 {
        %broadcast_in_dim3A_947 = vector.broadcast %scan3A_945 : i32 to vector<16xi32>
        %broadcast_in_dim3A_948 = arith.constant 3200 : i32
        %broadcast_in_dim3A_949 = vector.broadcast %broadcast_in_dim3A_948 : i32 to vector<16xi32>
        %add3A_950 = arith.addi %broadcast_in_dim3A_949, %broadcast_in_dim3A_947 : vector<16xi32>
        %gather3A = tpu.vector_load_idx %arg9[%add3A_950] : memref<5120xi32, #tpu.memory_space<vmem>>[vector<16xi32>], vector<16xi32>,
        %add3A_951 = arith.constant 0 : i32
        %add3A_952 = vector.broadcast %add3A_951 : i32 to vector<16xi32>
        %add3A_953 = arith.addi %iota3A, %add3A_952 : vector<16xi32>
        %gather3A_954 = tpu.vector_load_idx %arg12[%gather3A, %add3A_953] : memref<641x64xf32, #tpu.memory_space<vmem>>[vector<16xi32>, vector<16xi32>], vector<16xf32>,
        %gather3A_955 = tpu.vector_load_idx %arg11[%broadcast_in_dim3A_947, %add3A_953] : memref<320x64xf32, #tpu.memory_space<vmem>>[vector<16xi32>, vector<16xi32>], vector<16xf32>,
        %max3A = arith.maximumf %gather3A_954, %gather3A_955 : vector<16xf32>
        tpu.vector_store_idx %arg12[%gather3A, %add3A_953], %max3A : memref<641x64xf32, #tpu.memory_space<vmem>>[vector<16xi32>, vector<16xi32>], vector<16xf32>,
        %add3A_956 = arith.constant 16 : i32
        %add3A_957 = vector.broadcast %add3A_956 : i32 to vector<16xi32>
        %add3A_958 = arith.addi %iota3A, %add3A_957 : vector<16xi32>
        %gather3A_959 = tpu.vector_load_idx %arg12[%gather3A, %add3A_958] : memref<641x64xf32, #tpu.memory_space<vmem>>[vector<16xi32>, vector<16xi32>], vector<16xf32>,
        %gather3A_960 = tpu.vector_load_idx %arg11[%broadcast_in_dim3A_947, %add3A_958] : memref<320x64xf32, #tpu.memory_space<vmem>>[vector<16xi32>, vector<16xi32>], vector<16xf32>,
        %max3A_961 = arith.maximumf %gather3A_959, %gather3A_960 : vector<16xf32>
        tpu.vector_store_idx %arg12[%gather3A, %add3A_958], %max3A_961 : memref<641x64xf32, #tpu.memory_space<vmem>>[vector<16xi32>, vector<16xi32>], vector<16xf32>,
        %add3A_962 = arith.constant 32 : i32
        %add3A_963 = vector.broadcast %add3A_962 : i32 to vector<16xi32>
        %add3A_964 = arith.addi %iota3A, %add3A_963 : vector<16xi32>
        %gather3A_965 = tpu.vector_load_idx %arg12[%gather3A, %add3A_964] : memref<641x64xf32, #tpu.memory_space<vmem>>[vector<16xi32>, vector<16xi32>], vector<16xf32>,
        %gather3A_966 = tpu.vector_load_idx %arg11[%broadcast_in_dim3A_947, %add3A_964] : memref<320x64xf32, #tpu.memory_space<vmem>>[vector<16xi32>, vector<16xi32>], vector<16xf32>,
        %max3A_967 = arith.maximumf %gather3A_965, %gather3A_966 : vector<16xf32>
        tpu.vector_store_idx %arg12[%gather3A, %add3A_964], %max3A_967 : memref<641x64xf32, #tpu.memory_space<vmem>>[vector<16xi32>, vector<16xi32>], vector<16xf32>,
        %add3A_968 = arith.constant 48 : i32
        %add3A_969 = vector.broadcast %add3A_968 : i32 to vector<16xi32>
        %add3A_970 = arith.addi %iota3A, %add3A_969 : vector<16xi32>
        %gather3A_971 = tpu.vector_load_idx %arg12[%gather3A, %add3A_970] : memref<641x64xf32, #tpu.memory_space<vmem>>[vector<16xi32>, vector<16xi32>], vector<16xf32>,
        %gather3A_972 = tpu.vector_load_idx %arg11[%broadcast_in_dim3A_947, %add3A_970] : memref<320x64xf32, #tpu.memory_space<vmem>>[vector<16xi32>, vector<16xi32>], vector<16xf32>,
        %max3A_973 = arith.maximumf %gather3A_971, %gather3A_972 : vector<16xf32>
        tpu.vector_store_idx %arg12[%gather3A, %add3A_970], %max3A_973 : memref<641x64xf32, #tpu.memory_space<vmem>>[vector<16xi32>, vector<16xi32>], vector<16xf32>,
        %scan3A_974 = arith.constant 0 : i32
        scf.yield %scan3A_974 : i32
      }
      %scan3A_748 = arith.constant 320 : i32
      %dma_start3A_749 = arith.constant 0 : i32
      %dma_start3A_750 = arith.constant 0 : i32
      %dma_start3A_751 = tpu.memref_slice %arg11[%dma_start3A_749, %dma_start3A_750] : memref<320x64xf32, #tpu.memory_space<vmem>> -> memref<160x64xf32, #tpu.memory_space<vmem>>
      %dma_start3A_752 = arith.constant 3520 : i32
      %dma_start3A_753 = tpu.memref_slice %arg10[%dma_start3A_752] : memref<5120xi32, #tpu.memory_space<vmem>> -> memref<160xi32, #tpu.memory_space<vmem>>
      %dma_start3A_754 = arith.constant 0 : i32
      %dma_start3A_755 = arith.constant 0 : i32
      %dma_start3A_756 = tpu.memref_slice %arg14[%dma_start3A_754, %dma_start3A_755] : memref<10000x64xf32, #tpu.memory_space<vmem_shared>> -> memref<10000x64xf32, #tpu.memory_space<vmem_shared>>
      tpu.enqueue_indirect_dma source(%dma_start3A_756 : memref<10000x64xf32, #tpu.memory_space<vmem_shared>>) target(%dma_start3A_751 : memref<160x64xf32, #tpu.memory_space<vmem>>) offsets(%dma_start3A_753 : memref<160xi32, #tpu.memory_space<vmem>>) semaphore(%arg15 : memref<!tpu.dma_semaphore, #tpu.memory_space<semaphore_mem>>)
      %dma_start3A_757 = arith.constant 160 : i32
      %dma_start3A_758 = arith.constant 0 : i32
      %dma_start3A_759 = tpu.memref_slice %arg11[%dma_start3A_757, %dma_start3A_758] : memref<320x64xf32, #tpu.memory_space<vmem>> -> memref<160x64xf32, #tpu.memory_space<vmem>>
      %dma_start3A_760 = arith.constant 3680 : i32
      %dma_start3A_761 = tpu.memref_slice %arg10[%dma_start3A_760] : memref<5120xi32, #tpu.memory_space<vmem>> -> memref<160xi32, #tpu.memory_space<vmem>>
      %dma_start3A_762 = arith.constant 0 : i32
      %dma_start3A_763 = arith.constant 0 : i32
      %dma_start3A_764 = tpu.memref_slice %arg14[%dma_start3A_762, %dma_start3A_763] : memref<10000x64xf32, #tpu.memory_space<vmem_shared>> -> memref<10000x64xf32, #tpu.memory_space<vmem_shared>>
      tpu.enqueue_indirect_dma source(%dma_start3A_764 : memref<10000x64xf32, #tpu.memory_space<vmem_shared>>) target(%dma_start3A_759 : memref<160x64xf32, #tpu.memory_space<vmem>>) offsets(%dma_start3A_761 : memref<160xi32, #tpu.memory_space<vmem>>) semaphore(%arg15 : memref<!tpu.dma_semaphore, #tpu.memory_space<semaphore_mem>>)
      %dma_wait3A_765 = arith.constant 0 : i32
      %dma_wait3A_766 = arith.constant 0 : i32
      %dma_wait3A_767 = tpu.memref_slice %arg11[%dma_wait3A_765, %dma_wait3A_766] : memref<320x64xf32, #tpu.memory_space<vmem>> -> memref<160x64xf32, #tpu.memory_space<vmem>>
      %dma_wait3A_768 = arith.constant 3520 : i32
      %dma_wait3A_769 = tpu.memref_slice %arg10[%dma_wait3A_768] : memref<5120xi32, #tpu.memory_space<vmem>> -> memref<160xi32, #tpu.memory_space<vmem>>
      %dma_wait3A_770 = arith.constant 0 : i32
      %dma_wait3A_771 = arith.constant 0 : i32
      %dma_wait3A_772 = tpu.memref_slice %arg14[%dma_wait3A_770, %dma_wait3A_771] : memref<10000x64xf32, #tpu.memory_space<vmem_shared>> -> memref<10000x64xf32, #tpu.memory_space<vmem_shared>>
      tpu.wait_indirect_dma semaphore(%arg15 : memref<!tpu.dma_semaphore, #tpu.memory_space<semaphore_mem>>) src(%dma_wait3A_772 : memref<10000x64xf32, #tpu.memory_space<vmem_shared>>) dst(%dma_wait3A_767 : memref<160x64xf32, #tpu.memory_space<vmem>>)
      %dma_wait3A_773 = arith.constant 160 : i32
      %dma_wait3A_774 = arith.constant 0 : i32
      %dma_wait3A_775 = tpu.memref_slice %arg11[%dma_wait3A_773, %dma_wait3A_774] : memref<320x64xf32, #tpu.memory_space<vmem>> -> memref<160x64xf32, #tpu.memory_space<vmem>>
      %dma_wait3A_776 = arith.constant 3680 : i32
      %dma_wait3A_777 = tpu.memref_slice %arg10[%dma_wait3A_776] : memref<5120xi32, #tpu.memory_space<vmem>> -> memref<160xi32, #tpu.memory_space<vmem>>
      %dma_wait3A_778 = arith.constant 0 : i32
      %dma_wait3A_779 = arith.constant 0 : i32
      %dma_wait3A_780 = tpu.memref_slice %arg14[%dma_wait3A_778, %dma_wait3A_779] : memref<10000x64xf32, #tpu.memory_space<vmem_shared>> -> memref<10000x64xf32, #tpu.memory_space<vmem_shared>>
      tpu.wait_indirect_dma semaphore(%arg15 : memref<!tpu.dma_semaphore, #tpu.memory_space<semaphore_mem>>) src(%dma_wait3A_780 : memref<10000x64xf32, #tpu.memory_space<vmem_shared>>) dst(%dma_wait3A_775 : memref<160x64xf32, #tpu.memory_space<vmem>>)
      %scan3A_781 = arith.constant 0 : i32
      %scan3A_782 = arith.constant 0 : i32
      %scan3A_783 = arith.constant 320 : i32
      %scan3A_784 = arith.addi %scan3A_782, %scan3A_783 : i32
      %scan3A_785 = arith.constant 1 : i32
      %scan3A_786 = scf.for %scan3A_945 = %scan3A_782 to %scan3A_784 step %scan3A_785 iter_args(%scan3A_946 = %scan3A_781) -> (i32)  : i32 {
        %broadcast_in_dim3A_947 = vector.broadcast %scan3A_945 : i32 to vector<16xi32>
        %broadcast_in_dim3A_948 = arith.constant 3520 : i32
        %broadcast_in_dim3A_949 = vector.broadcast %broadcast_in_dim3A_948 : i32 to vector<16xi32>
        %add3A_950 = arith.addi %broadcast_in_dim3A_949, %broadcast_in_dim3A_947 : vector<16xi32>
        %gather3A = tpu.vector_load_idx %arg9[%add3A_950] : memref<5120xi32, #tpu.memory_space<vmem>>[vector<16xi32>], vector<16xi32>,
        %add3A_951 = arith.constant 0 : i32
        %add3A_952 = vector.broadcast %add3A_951 : i32 to vector<16xi32>
        %add3A_953 = arith.addi %iota3A, %add3A_952 : vector<16xi32>
        %gather3A_954 = tpu.vector_load_idx %arg12[%gather3A, %add3A_953] : memref<641x64xf32, #tpu.memory_space<vmem>>[vector<16xi32>, vector<16xi32>], vector<16xf32>,
        %gather3A_955 = tpu.vector_load_idx %arg11[%broadcast_in_dim3A_947, %add3A_953] : memref<320x64xf32, #tpu.memory_space<vmem>>[vector<16xi32>, vector<16xi32>], vector<16xf32>,
        %max3A = arith.maximumf %gather3A_954, %gather3A_955 : vector<16xf32>
        tpu.vector_store_idx %arg12[%gather3A, %add3A_953], %max3A : memref<641x64xf32, #tpu.memory_space<vmem>>[vector<16xi32>, vector<16xi32>], vector<16xf32>,
        %add3A_956 = arith.constant 16 : i32
        %add3A_957 = vector.broadcast %add3A_956 : i32 to vector<16xi32>
        %add3A_958 = arith.addi %iota3A, %add3A_957 : vector<16xi32>
        %gather3A_959 = tpu.vector_load_idx %arg12[%gather3A, %add3A_958] : memref<641x64xf32, #tpu.memory_space<vmem>>[vector<16xi32>, vector<16xi32>], vector<16xf32>,
        %gather3A_960 = tpu.vector_load_idx %arg11[%broadcast_in_dim3A_947, %add3A_958] : memref<320x64xf32, #tpu.memory_space<vmem>>[vector<16xi32>, vector<16xi32>], vector<16xf32>,
        %max3A_961 = arith.maximumf %gather3A_959, %gather3A_960 : vector<16xf32>
        tpu.vector_store_idx %arg12[%gather3A, %add3A_958], %max3A_961 : memref<641x64xf32, #tpu.memory_space<vmem>>[vector<16xi32>, vector<16xi32>], vector<16xf32>,
        %add3A_962 = arith.constant 32 : i32
        %add3A_963 = vector.broadcast %add3A_962 : i32 to vector<16xi32>
        %add3A_964 = arith.addi %iota3A, %add3A_963 : vector<16xi32>
        %gather3A_965 = tpu.vector_load_idx %arg12[%gather3A, %add3A_964] : memref<641x64xf32, #tpu.memory_space<vmem>>[vector<16xi32>, vector<16xi32>], vector<16xf32>,
        %gather3A_966 = tpu.vector_load_idx %arg11[%broadcast_in_dim3A_947, %add3A_964] : memref<320x64xf32, #tpu.memory_space<vmem>>[vector<16xi32>, vector<16xi32>], vector<16xf32>,
        %max3A_967 = arith.maximumf %gather3A_965, %gather3A_966 : vector<16xf32>
        tpu.vector_store_idx %arg12[%gather3A, %add3A_964], %max3A_967 : memref<641x64xf32, #tpu.memory_space<vmem>>[vector<16xi32>, vector<16xi32>], vector<16xf32>,
        %add3A_968 = arith.constant 48 : i32
        %add3A_969 = vector.broadcast %add3A_968 : i32 to vector<16xi32>
        %add3A_970 = arith.addi %iota3A, %add3A_969 : vector<16xi32>
        %gather3A_971 = tpu.vector_load_idx %arg12[%gather3A, %add3A_970] : memref<641x64xf32, #tpu.memory_space<vmem>>[vector<16xi32>, vector<16xi32>], vector<16xf32>,
        %gather3A_972 = tpu.vector_load_idx %arg11[%broadcast_in_dim3A_947, %add3A_970] : memref<320x64xf32, #tpu.memory_space<vmem>>[vector<16xi32>, vector<16xi32>], vector<16xf32>,
        %max3A_973 = arith.maximumf %gather3A_971, %gather3A_972 : vector<16xf32>
        tpu.vector_store_idx %arg12[%gather3A, %add3A_970], %max3A_973 : memref<641x64xf32, #tpu.memory_space<vmem>>[vector<16xi32>, vector<16xi32>], vector<16xf32>,
        %scan3A_974 = arith.constant 0 : i32
        scf.yield %scan3A_974 : i32
      }
      %scan3A_787 = arith.constant 320 : i32
      %dma_start3A_788 = arith.constant 0 : i32
      %dma_start3A_789 = arith.constant 0 : i32
      %dma_start3A_790 = tpu.memref_slice %arg11[%dma_start3A_788, %dma_start3A_789] : memref<320x64xf32, #tpu.memory_space<vmem>> -> memref<160x64xf32, #tpu.memory_space<vmem>>
      %dma_start3A_791 = arith.constant 3840 : i32
      %dma_start3A_792 = tpu.memref_slice %arg10[%dma_start3A_791] : memref<5120xi32, #tpu.memory_space<vmem>> -> memref<160xi32, #tpu.memory_space<vmem>>
      %dma_start3A_793 = arith.constant 0 : i32
      %dma_start3A_794 = arith.constant 0 : i32
      %dma_start3A_795 = tpu.memref_slice %arg14[%dma_start3A_793, %dma_start3A_794] : memref<10000x64xf32, #tpu.memory_space<vmem_shared>> -> memref<10000x64xf32, #tpu.memory_space<vmem_shared>>
      tpu.enqueue_indirect_dma source(%dma_start3A_795 : memref<10000x64xf32, #tpu.memory_space<vmem_shared>>) target(%dma_start3A_790 : memref<160x64xf32, #tpu.memory_space<vmem>>) offsets(%dma_start3A_792 : memref<160xi32, #tpu.memory_space<vmem>>) semaphore(%arg15 : memref<!tpu.dma_semaphore, #tpu.memory_space<semaphore_mem>>)
      %dma_start3A_796 = arith.constant 160 : i32
      %dma_start3A_797 = arith.constant 0 : i32
      %dma_start3A_798 = tpu.memref_slice %arg11[%dma_start3A_796, %dma_start3A_797] : memref<320x64xf32, #tpu.memory_space<vmem>> -> memref<160x64xf32, #tpu.memory_space<vmem>>
      %dma_start3A_799 = arith.constant 4000 : i32
      %dma_start3A_800 = tpu.memref_slice %arg10[%dma_start3A_799] : memref<5120xi32, #tpu.memory_space<vmem>> -> memref<160xi32, #tpu.memory_space<vmem>>
      %dma_start3A_801 = arith.constant 0 : i32
      %dma_start3A_802 = arith.constant 0 : i32
      %dma_start3A_803 = tpu.memref_slice %arg14[%dma_start3A_801, %dma_start3A_802] : memref<10000x64xf32, #tpu.memory_space<vmem_shared>> -> memref<10000x64xf32, #tpu.memory_space<vmem_shared>>
      tpu.enqueue_indirect_dma source(%dma_start3A_803 : memref<10000x64xf32, #tpu.memory_space<vmem_shared>>) target(%dma_start3A_798 : memref<160x64xf32, #tpu.memory_space<vmem>>) offsets(%dma_start3A_800 : memref<160xi32, #tpu.memory_space<vmem>>) semaphore(%arg15 : memref<!tpu.dma_semaphore, #tpu.memory_space<semaphore_mem>>)
      %dma_wait3A_804 = arith.constant 0 : i32
      %dma_wait3A_805 = arith.constant 0 : i32
      %dma_wait3A_806 = tpu.memref_slice %arg11[%dma_wait3A_804, %dma_wait3A_805] : memref<320x64xf32, #tpu.memory_space<vmem>> -> memref<160x64xf32, #tpu.memory_space<vmem>>
      %dma_wait3A_807 = arith.constant 3840 : i32
      %dma_wait3A_808 = tpu.memref_slice %arg10[%dma_wait3A_807] : memref<5120xi32, #tpu.memory_space<vmem>> -> memref<160xi32, #tpu.memory_space<vmem>>
      %dma_wait3A_809 = arith.constant 0 : i32
      %dma_wait3A_810 = arith.constant 0 : i32
      %dma_wait3A_811 = tpu.memref_slice %arg14[%dma_wait3A_809, %dma_wait3A_810] : memref<10000x64xf32, #tpu.memory_space<vmem_shared>> -> memref<10000x64xf32, #tpu.memory_space<vmem_shared>>
      tpu.wait_indirect_dma semaphore(%arg15 : memref<!tpu.dma_semaphore, #tpu.memory_space<semaphore_mem>>) src(%dma_wait3A_811 : memref<10000x64xf32, #tpu.memory_space<vmem_shared>>) dst(%dma_wait3A_806 : memref<160x64xf32, #tpu.memory_space<vmem>>)
      %dma_wait3A_812 = arith.constant 160 : i32
      %dma_wait3A_813 = arith.constant 0 : i32
      %dma_wait3A_814 = tpu.memref_slice %arg11[%dma_wait3A_812, %dma_wait3A_813] : memref<320x64xf32, #tpu.memory_space<vmem>> -> memref<160x64xf32, #tpu.memory_space<vmem>>
      %dma_wait3A_815 = arith.constant 4000 : i32
      %dma_wait3A_816 = tpu.memref_slice %arg10[%dma_wait3A_815] : memref<5120xi32, #tpu.memory_space<vmem>> -> memref<160xi32, #tpu.memory_space<vmem>>
      %dma_wait3A_817 = arith.constant 0 : i32
      %dma_wait3A_818 = arith.constant 0 : i32
      %dma_wait3A_819 = tpu.memref_slice %arg14[%dma_wait3A_817, %dma_wait3A_818] : memref<10000x64xf32, #tpu.memory_space<vmem_shared>> -> memref<10000x64xf32, #tpu.memory_space<vmem_shared>>
      tpu.wait_indirect_dma semaphore(%arg15 : memref<!tpu.dma_semaphore, #tpu.memory_space<semaphore_mem>>) src(%dma_wait3A_819 : memref<10000x64xf32, #tpu.memory_space<vmem_shared>>) dst(%dma_wait3A_814 : memref<160x64xf32, #tpu.memory_space<vmem>>)
      %scan3A_820 = arith.constant 0 : i32
      %scan3A_821 = arith.constant 0 : i32
      %scan3A_822 = arith.constant 320 : i32
      %scan3A_823 = arith.addi %scan3A_821, %scan3A_822 : i32
      %scan3A_824 = arith.constant 1 : i32
      %scan3A_825 = scf.for %scan3A_945 = %scan3A_821 to %scan3A_823 step %scan3A_824 iter_args(%scan3A_946 = %scan3A_820) -> (i32)  : i32 {
        %broadcast_in_dim3A_947 = vector.broadcast %scan3A_945 : i32 to vector<16xi32>
        %broadcast_in_dim3A_948 = arith.constant 3840 : i32
        %broadcast_in_dim3A_949 = vector.broadcast %broadcast_in_dim3A_948 : i32 to vector<16xi32>
        %add3A_950 = arith.addi %broadcast_in_dim3A_949, %broadcast_in_dim3A_947 : vector<16xi32>
        %gather3A = tpu.vector_load_idx %arg9[%add3A_950] : memref<5120xi32, #tpu.memory_space<vmem>>[vector<16xi32>], vector<16xi32>,
        %add3A_951 = arith.constant 0 : i32
        %add3A_952 = vector.broadcast %add3A_951 : i32 to vector<16xi32>
        %add3A_953 = arith.addi %iota3A, %add3A_952 : vector<16xi32>
        %gather3A_954 = tpu.vector_load_idx %arg12[%gather3A, %add3A_953] : memref<641x64xf32, #tpu.memory_space<vmem>>[vector<16xi32>, vector<16xi32>], vector<16xf32>,
        %gather3A_955 = tpu.vector_load_idx %arg11[%broadcast_in_dim3A_947, %add3A_953] : memref<320x64xf32, #tpu.memory_space<vmem>>[vector<16xi32>, vector<16xi32>], vector<16xf32>,
        %max3A = arith.maximumf %gather3A_954, %gather3A_955 : vector<16xf32>
        tpu.vector_store_idx %arg12[%gather3A, %add3A_953], %max3A : memref<641x64xf32, #tpu.memory_space<vmem>>[vector<16xi32>, vector<16xi32>], vector<16xf32>,
        %add3A_956 = arith.constant 16 : i32
        %add3A_957 = vector.broadcast %add3A_956 : i32 to vector<16xi32>
        %add3A_958 = arith.addi %iota3A, %add3A_957 : vector<16xi32>
        %gather3A_959 = tpu.vector_load_idx %arg12[%gather3A, %add3A_958] : memref<641x64xf32, #tpu.memory_space<vmem>>[vector<16xi32>, vector<16xi32>], vector<16xf32>,
        %gather3A_960 = tpu.vector_load_idx %arg11[%broadcast_in_dim3A_947, %add3A_958] : memref<320x64xf32, #tpu.memory_space<vmem>>[vector<16xi32>, vector<16xi32>], vector<16xf32>,
        %max3A_961 = arith.maximumf %gather3A_959, %gather3A_960 : vector<16xf32>
        tpu.vector_store_idx %arg12[%gather3A, %add3A_958], %max3A_961 : memref<641x64xf32, #tpu.memory_space<vmem>>[vector<16xi32>, vector<16xi32>], vector<16xf32>,
        %add3A_962 = arith.constant 32 : i32
        %add3A_963 = vector.broadcast %add3A_962 : i32 to vector<16xi32>
        %add3A_964 = arith.addi %iota3A, %add3A_963 : vector<16xi32>
        %gather3A_965 = tpu.vector_load_idx %arg12[%gather3A, %add3A_964] : memref<641x64xf32, #tpu.memory_space<vmem>>[vector<16xi32>, vector<16xi32>], vector<16xf32>,
        %gather3A_966 = tpu.vector_load_idx %arg11[%broadcast_in_dim3A_947, %add3A_964] : memref<320x64xf32, #tpu.memory_space<vmem>>[vector<16xi32>, vector<16xi32>], vector<16xf32>,
        %max3A_967 = arith.maximumf %gather3A_965, %gather3A_966 : vector<16xf32>
        tpu.vector_store_idx %arg12[%gather3A, %add3A_964], %max3A_967 : memref<641x64xf32, #tpu.memory_space<vmem>>[vector<16xi32>, vector<16xi32>], vector<16xf32>,
        %add3A_968 = arith.constant 48 : i32
        %add3A_969 = vector.broadcast %add3A_968 : i32 to vector<16xi32>
        %add3A_970 = arith.addi %iota3A, %add3A_969 : vector<16xi32>
        %gather3A_971 = tpu.vector_load_idx %arg12[%gather3A, %add3A_970] : memref<641x64xf32, #tpu.memory_space<vmem>>[vector<16xi32>, vector<16xi32>], vector<16xf32>,
        %gather3A_972 = tpu.vector_load_idx %arg11[%broadcast_in_dim3A_947, %add3A_970] : memref<320x64xf32, #tpu.memory_space<vmem>>[vector<16xi32>, vector<16xi32>], vector<16xf32>,
        %max3A_973 = arith.maximumf %gather3A_971, %gather3A_972 : vector<16xf32>
        tpu.vector_store_idx %arg12[%gather3A, %add3A_970], %max3A_973 : memref<641x64xf32, #tpu.memory_space<vmem>>[vector<16xi32>, vector<16xi32>], vector<16xf32>,
        %scan3A_974 = arith.constant 0 : i32
        scf.yield %scan3A_974 : i32
      }
      %scan3A_826 = arith.constant 320 : i32
      %dma_start3A_827 = arith.constant 0 : i32
      %dma_start3A_828 = arith.constant 0 : i32
      %dma_start3A_829 = tpu.memref_slice %arg11[%dma_start3A_827, %dma_start3A_828] : memref<320x64xf32, #tpu.memory_space<vmem>> -> memref<160x64xf32, #tpu.memory_space<vmem>>
      %dma_start3A_830 = arith.constant 4160 : i32
      %dma_start3A_831 = tpu.memref_slice %arg10[%dma_start3A_830] : memref<5120xi32, #tpu.memory_space<vmem>> -> memref<160xi32, #tpu.memory_space<vmem>>
      %dma_start3A_832 = arith.constant 0 : i32
      %dma_start3A_833 = arith.constant 0 : i32
      %dma_start3A_834 = tpu.memref_slice %arg14[%dma_start3A_832, %dma_start3A_833] : memref<10000x64xf32, #tpu.memory_space<vmem_shared>> -> memref<10000x64xf32, #tpu.memory_space<vmem_shared>>
      tpu.enqueue_indirect_dma source(%dma_start3A_834 : memref<10000x64xf32, #tpu.memory_space<vmem_shared>>) target(%dma_start3A_829 : memref<160x64xf32, #tpu.memory_space<vmem>>) offsets(%dma_start3A_831 : memref<160xi32, #tpu.memory_space<vmem>>) semaphore(%arg15 : memref<!tpu.dma_semaphore, #tpu.memory_space<semaphore_mem>>)
      %dma_start3A_835 = arith.constant 160 : i32
      %dma_start3A_836 = arith.constant 0 : i32
      %dma_start3A_837 = tpu.memref_slice %arg11[%dma_start3A_835, %dma_start3A_836] : memref<320x64xf32, #tpu.memory_space<vmem>> -> memref<160x64xf32, #tpu.memory_space<vmem>>
      %dma_start3A_838 = arith.constant 4320 : i32
      %dma_start3A_839 = tpu.memref_slice %arg10[%dma_start3A_838] : memref<5120xi32, #tpu.memory_space<vmem>> -> memref<160xi32, #tpu.memory_space<vmem>>
      %dma_start3A_840 = arith.constant 0 : i32
      %dma_start3A_841 = arith.constant 0 : i32
      %dma_start3A_842 = tpu.memref_slice %arg14[%dma_start3A_840, %dma_start3A_841] : memref<10000x64xf32, #tpu.memory_space<vmem_shared>> -> memref<10000x64xf32, #tpu.memory_space<vmem_shared>>
      tpu.enqueue_indirect_dma source(%dma_start3A_842 : memref<10000x64xf32, #tpu.memory_space<vmem_shared>>) target(%dma_start3A_837 : memref<160x64xf32, #tpu.memory_space<vmem>>) offsets(%dma_start3A_839 : memref<160xi32, #tpu.memory_space<vmem>>) semaphore(%arg15 : memref<!tpu.dma_semaphore, #tpu.memory_space<semaphore_mem>>)
      %dma_wait3A_843 = arith.constant 0 : i32
      %dma_wait3A_844 = arith.constant 0 : i32
      %dma_wait3A_845 = tpu.memref_slice %arg11[%dma_wait3A_843, %dma_wait3A_844] : memref<320x64xf32, #tpu.memory_space<vmem>> -> memref<160x64xf32, #tpu.memory_space<vmem>>
      %dma_wait3A_846 = arith.constant 4160 : i32
      %dma_wait3A_847 = tpu.memref_slice %arg10[%dma_wait3A_846] : memref<5120xi32, #tpu.memory_space<vmem>> -> memref<160xi32, #tpu.memory_space<vmem>>
      %dma_wait3A_848 = arith.constant 0 : i32
      %dma_wait3A_849 = arith.constant 0 : i32
      %dma_wait3A_850 = tpu.memref_slice %arg14[%dma_wait3A_848, %dma_wait3A_849] : memref<10000x64xf32, #tpu.memory_space<vmem_shared>> -> memref<10000x64xf32, #tpu.memory_space<vmem_shared>>
      tpu.wait_indirect_dma semaphore(%arg15 : memref<!tpu.dma_semaphore, #tpu.memory_space<semaphore_mem>>) src(%dma_wait3A_850 : memref<10000x64xf32, #tpu.memory_space<vmem_shared>>) dst(%dma_wait3A_845 : memref<160x64xf32, #tpu.memory_space<vmem>>)
      %dma_wait3A_851 = arith.constant 160 : i32
      %dma_wait3A_852 = arith.constant 0 : i32
      %dma_wait3A_853 = tpu.memref_slice %arg11[%dma_wait3A_851, %dma_wait3A_852] : memref<320x64xf32, #tpu.memory_space<vmem>> -> memref<160x64xf32, #tpu.memory_space<vmem>>
      %dma_wait3A_854 = arith.constant 4320 : i32
      %dma_wait3A_855 = tpu.memref_slice %arg10[%dma_wait3A_854] : memref<5120xi32, #tpu.memory_space<vmem>> -> memref<160xi32, #tpu.memory_space<vmem>>
      %dma_wait3A_856 = arith.constant 0 : i32
      %dma_wait3A_857 = arith.constant 0 : i32
      %dma_wait3A_858 = tpu.memref_slice %arg14[%dma_wait3A_856, %dma_wait3A_857] : memref<10000x64xf32, #tpu.memory_space<vmem_shared>> -> memref<10000x64xf32, #tpu.memory_space<vmem_shared>>
      tpu.wait_indirect_dma semaphore(%arg15 : memref<!tpu.dma_semaphore, #tpu.memory_space<semaphore_mem>>) src(%dma_wait3A_858 : memref<10000x64xf32, #tpu.memory_space<vmem_shared>>) dst(%dma_wait3A_853 : memref<160x64xf32, #tpu.memory_space<vmem>>)
      %scan3A_859 = arith.constant 0 : i32
      %scan3A_860 = arith.constant 0 : i32
      %scan3A_861 = arith.constant 320 : i32
      %scan3A_862 = arith.addi %scan3A_860, %scan3A_861 : i32
      %scan3A_863 = arith.constant 1 : i32
      %scan3A_864 = scf.for %scan3A_945 = %scan3A_860 to %scan3A_862 step %scan3A_863 iter_args(%scan3A_946 = %scan3A_859) -> (i32)  : i32 {
        %broadcast_in_dim3A_947 = vector.broadcast %scan3A_945 : i32 to vector<16xi32>
        %broadcast_in_dim3A_948 = arith.constant 4160 : i32
        %broadcast_in_dim3A_949 = vector.broadcast %broadcast_in_dim3A_948 : i32 to vector<16xi32>
        %add3A_950 = arith.addi %broadcast_in_dim3A_949, %broadcast_in_dim3A_947 : vector<16xi32>
        %gather3A = tpu.vector_load_idx %arg9[%add3A_950] : memref<5120xi32, #tpu.memory_space<vmem>>[vector<16xi32>], vector<16xi32>,
        %add3A_951 = arith.constant 0 : i32
        %add3A_952 = vector.broadcast %add3A_951 : i32 to vector<16xi32>
        %add3A_953 = arith.addi %iota3A, %add3A_952 : vector<16xi32>
        %gather3A_954 = tpu.vector_load_idx %arg12[%gather3A, %add3A_953] : memref<641x64xf32, #tpu.memory_space<vmem>>[vector<16xi32>, vector<16xi32>], vector<16xf32>,
        %gather3A_955 = tpu.vector_load_idx %arg11[%broadcast_in_dim3A_947, %add3A_953] : memref<320x64xf32, #tpu.memory_space<vmem>>[vector<16xi32>, vector<16xi32>], vector<16xf32>,
        %max3A = arith.maximumf %gather3A_954, %gather3A_955 : vector<16xf32>
        tpu.vector_store_idx %arg12[%gather3A, %add3A_953], %max3A : memref<641x64xf32, #tpu.memory_space<vmem>>[vector<16xi32>, vector<16xi32>], vector<16xf32>,
        %add3A_956 = arith.constant 16 : i32
        %add3A_957 = vector.broadcast %add3A_956 : i32 to vector<16xi32>
        %add3A_958 = arith.addi %iota3A, %add3A_957 : vector<16xi32>
        %gather3A_959 = tpu.vector_load_idx %arg12[%gather3A, %add3A_958] : memref<641x64xf32, #tpu.memory_space<vmem>>[vector<16xi32>, vector<16xi32>], vector<16xf32>,
        %gather3A_960 = tpu.vector_load_idx %arg11[%broadcast_in_dim3A_947, %add3A_958] : memref<320x64xf32, #tpu.memory_space<vmem>>[vector<16xi32>, vector<16xi32>], vector<16xf32>,
        %max3A_961 = arith.maximumf %gather3A_959, %gather3A_960 : vector<16xf32>
        tpu.vector_store_idx %arg12[%gather3A, %add3A_958], %max3A_961 : memref<641x64xf32, #tpu.memory_space<vmem>>[vector<16xi32>, vector<16xi32>], vector<16xf32>,
        %add3A_962 = arith.constant 32 : i32
        %add3A_963 = vector.broadcast %add3A_962 : i32 to vector<16xi32>
        %add3A_964 = arith.addi %iota3A, %add3A_963 : vector<16xi32>
        %gather3A_965 = tpu.vector_load_idx %arg12[%gather3A, %add3A_964] : memref<641x64xf32, #tpu.memory_space<vmem>>[vector<16xi32>, vector<16xi32>], vector<16xf32>,
        %gather3A_966 = tpu.vector_load_idx %arg11[%broadcast_in_dim3A_947, %add3A_964] : memref<320x64xf32, #tpu.memory_space<vmem>>[vector<16xi32>, vector<16xi32>], vector<16xf32>,
        %max3A_967 = arith.maximumf %gather3A_965, %gather3A_966 : vector<16xf32>
        tpu.vector_store_idx %arg12[%gather3A, %add3A_964], %max3A_967 : memref<641x64xf32, #tpu.memory_space<vmem>>[vector<16xi32>, vector<16xi32>], vector<16xf32>,
        %add3A_968 = arith.constant 48 : i32
        %add3A_969 = vector.broadcast %add3A_968 : i32 to vector<16xi32>
        %add3A_970 = arith.addi %iota3A, %add3A_969 : vector<16xi32>
        %gather3A_971 = tpu.vector_load_idx %arg12[%gather3A, %add3A_970] : memref<641x64xf32, #tpu.memory_space<vmem>>[vector<16xi32>, vector<16xi32>], vector<16xf32>,
        %gather3A_972 = tpu.vector_load_idx %arg11[%broadcast_in_dim3A_947, %add3A_970] : memref<320x64xf32, #tpu.memory_space<vmem>>[vector<16xi32>, vector<16xi32>], vector<16xf32>,
        %max3A_973 = arith.maximumf %gather3A_971, %gather3A_972 : vector<16xf32>
        tpu.vector_store_idx %arg12[%gather3A, %add3A_970], %max3A_973 : memref<641x64xf32, #tpu.memory_space<vmem>>[vector<16xi32>, vector<16xi32>], vector<16xf32>,
        %scan3A_974 = arith.constant 0 : i32
        scf.yield %scan3A_974 : i32
      }
      %scan3A_865 = arith.constant 320 : i32
      %dma_start3A_866 = arith.constant 0 : i32
      %dma_start3A_867 = arith.constant 0 : i32
      %dma_start3A_868 = tpu.memref_slice %arg11[%dma_start3A_866, %dma_start3A_867] : memref<320x64xf32, #tpu.memory_space<vmem>> -> memref<160x64xf32, #tpu.memory_space<vmem>>
      %dma_start3A_869 = arith.constant 4480 : i32
      %dma_start3A_870 = tpu.memref_slice %arg10[%dma_start3A_869] : memref<5120xi32, #tpu.memory_space<vmem>> -> memref<160xi32, #tpu.memory_space<vmem>>
      %dma_start3A_871 = arith.constant 0 : i32
      %dma_start3A_872 = arith.constant 0 : i32
      %dma_start3A_873 = tpu.memref_slice %arg14[%dma_start3A_871, %dma_start3A_872] : memref<10000x64xf32, #tpu.memory_space<vmem_shared>> -> memref<10000x64xf32, #tpu.memory_space<vmem_shared>>
      tpu.enqueue_indirect_dma source(%dma_start3A_873 : memref<10000x64xf32, #tpu.memory_space<vmem_shared>>) target(%dma_start3A_868 : memref<160x64xf32, #tpu.memory_space<vmem>>) offsets(%dma_start3A_870 : memref<160xi32, #tpu.memory_space<vmem>>) semaphore(%arg15 : memref<!tpu.dma_semaphore, #tpu.memory_space<semaphore_mem>>)
      %dma_start3A_874 = arith.constant 160 : i32
      %dma_start3A_875 = arith.constant 0 : i32
      %dma_start3A_876 = tpu.memref_slice %arg11[%dma_start3A_874, %dma_start3A_875] : memref<320x64xf32, #tpu.memory_space<vmem>> -> memref<160x64xf32, #tpu.memory_space<vmem>>
      %dma_start3A_877 = arith.constant 4640 : i32
      %dma_start3A_878 = tpu.memref_slice %arg10[%dma_start3A_877] : memref<5120xi32, #tpu.memory_space<vmem>> -> memref<160xi32, #tpu.memory_space<vmem>>
      %dma_start3A_879 = arith.constant 0 : i32
      %dma_start3A_880 = arith.constant 0 : i32
      %dma_start3A_881 = tpu.memref_slice %arg14[%dma_start3A_879, %dma_start3A_880] : memref<10000x64xf32, #tpu.memory_space<vmem_shared>> -> memref<10000x64xf32, #tpu.memory_space<vmem_shared>>
      tpu.enqueue_indirect_dma source(%dma_start3A_881 : memref<10000x64xf32, #tpu.memory_space<vmem_shared>>) target(%dma_start3A_876 : memref<160x64xf32, #tpu.memory_space<vmem>>) offsets(%dma_start3A_878 : memref<160xi32, #tpu.memory_space<vmem>>) semaphore(%arg15 : memref<!tpu.dma_semaphore, #tpu.memory_space<semaphore_mem>>)
      %dma_wait3A_882 = arith.constant 0 : i32
      %dma_wait3A_883 = arith.constant 0 : i32
      %dma_wait3A_884 = tpu.memref_slice %arg11[%dma_wait3A_882, %dma_wait3A_883] : memref<320x64xf32, #tpu.memory_space<vmem>> -> memref<160x64xf32, #tpu.memory_space<vmem>>
      %dma_wait3A_885 = arith.constant 4480 : i32
      %dma_wait3A_886 = tpu.memref_slice %arg10[%dma_wait3A_885] : memref<5120xi32, #tpu.memory_space<vmem>> -> memref<160xi32, #tpu.memory_space<vmem>>
      %dma_wait3A_887 = arith.constant 0 : i32
      %dma_wait3A_888 = arith.constant 0 : i32
      %dma_wait3A_889 = tpu.memref_slice %arg14[%dma_wait3A_887, %dma_wait3A_888] : memref<10000x64xf32, #tpu.memory_space<vmem_shared>> -> memref<10000x64xf32, #tpu.memory_space<vmem_shared>>
      tpu.wait_indirect_dma semaphore(%arg15 : memref<!tpu.dma_semaphore, #tpu.memory_space<semaphore_mem>>) src(%dma_wait3A_889 : memref<10000x64xf32, #tpu.memory_space<vmem_shared>>) dst(%dma_wait3A_884 : memref<160x64xf32, #tpu.memory_space<vmem>>)
      %dma_wait3A_890 = arith.constant 160 : i32
      %dma_wait3A_891 = arith.constant 0 : i32
      %dma_wait3A_892 = tpu.memref_slice %arg11[%dma_wait3A_890, %dma_wait3A_891] : memref<320x64xf32, #tpu.memory_space<vmem>> -> memref<160x64xf32, #tpu.memory_space<vmem>>
      %dma_wait3A_893 = arith.constant 4640 : i32
      %dma_wait3A_894 = tpu.memref_slice %arg10[%dma_wait3A_893] : memref<5120xi32, #tpu.memory_space<vmem>> -> memref<160xi32, #tpu.memory_space<vmem>>
      %dma_wait3A_895 = arith.constant 0 : i32
      %dma_wait3A_896 = arith.constant 0 : i32
      %dma_wait3A_897 = tpu.memref_slice %arg14[%dma_wait3A_895, %dma_wait3A_896] : memref<10000x64xf32, #tpu.memory_space<vmem_shared>> -> memref<10000x64xf32, #tpu.memory_space<vmem_shared>>
      tpu.wait_indirect_dma semaphore(%arg15 : memref<!tpu.dma_semaphore, #tpu.memory_space<semaphore_mem>>) src(%dma_wait3A_897 : memref<10000x64xf32, #tpu.memory_space<vmem_shared>>) dst(%dma_wait3A_892 : memref<160x64xf32, #tpu.memory_space<vmem>>)
      %scan3A_898 = arith.constant 0 : i32
      %scan3A_899 = arith.constant 0 : i32
      %scan3A_900 = arith.constant 320 : i32
      %scan3A_901 = arith.addi %scan3A_899, %scan3A_900 : i32
      %scan3A_902 = arith.constant 1 : i32
      %scan3A_903 = scf.for %scan3A_945 = %scan3A_899 to %scan3A_901 step %scan3A_902 iter_args(%scan3A_946 = %scan3A_898) -> (i32)  : i32 {
        %broadcast_in_dim3A_947 = vector.broadcast %scan3A_945 : i32 to vector<16xi32>
        %broadcast_in_dim3A_948 = arith.constant 4480 : i32
        %broadcast_in_dim3A_949 = vector.broadcast %broadcast_in_dim3A_948 : i32 to vector<16xi32>
        %add3A_950 = arith.addi %broadcast_in_dim3A_949, %broadcast_in_dim3A_947 : vector<16xi32>
        %gather3A = tpu.vector_load_idx %arg9[%add3A_950] : memref<5120xi32, #tpu.memory_space<vmem>>[vector<16xi32>], vector<16xi32>,
        %add3A_951 = arith.constant 0 : i32
        %add3A_952 = vector.broadcast %add3A_951 : i32 to vector<16xi32>
        %add3A_953 = arith.addi %iota3A, %add3A_952 : vector<16xi32>
        %gather3A_954 = tpu.vector_load_idx %arg12[%gather3A, %add3A_953] : memref<641x64xf32, #tpu.memory_space<vmem>>[vector<16xi32>, vector<16xi32>], vector<16xf32>,
        %gather3A_955 = tpu.vector_load_idx %arg11[%broadcast_in_dim3A_947, %add3A_953] : memref<320x64xf32, #tpu.memory_space<vmem>>[vector<16xi32>, vector<16xi32>], vector<16xf32>,
        %max3A = arith.maximumf %gather3A_954, %gather3A_955 : vector<16xf32>
        tpu.vector_store_idx %arg12[%gather3A, %add3A_953], %max3A : memref<641x64xf32, #tpu.memory_space<vmem>>[vector<16xi32>, vector<16xi32>], vector<16xf32>,
        %add3A_956 = arith.constant 16 : i32
        %add3A_957 = vector.broadcast %add3A_956 : i32 to vector<16xi32>
        %add3A_958 = arith.addi %iota3A, %add3A_957 : vector<16xi32>
        %gather3A_959 = tpu.vector_load_idx %arg12[%gather3A, %add3A_958] : memref<641x64xf32, #tpu.memory_space<vmem>>[vector<16xi32>, vector<16xi32>], vector<16xf32>,
        %gather3A_960 = tpu.vector_load_idx %arg11[%broadcast_in_dim3A_947, %add3A_958] : memref<320x64xf32, #tpu.memory_space<vmem>>[vector<16xi32>, vector<16xi32>], vector<16xf32>,
        %max3A_961 = arith.maximumf %gather3A_959, %gather3A_960 : vector<16xf32>
        tpu.vector_store_idx %arg12[%gather3A, %add3A_958], %max3A_961 : memref<641x64xf32, #tpu.memory_space<vmem>>[vector<16xi32>, vector<16xi32>], vector<16xf32>,
        %add3A_962 = arith.constant 32 : i32
        %add3A_963 = vector.broadcast %add3A_962 : i32 to vector<16xi32>
        %add3A_964 = arith.addi %iota3A, %add3A_963 : vector<16xi32>
        %gather3A_965 = tpu.vector_load_idx %arg12[%gather3A, %add3A_964] : memref<641x64xf32, #tpu.memory_space<vmem>>[vector<16xi32>, vector<16xi32>], vector<16xf32>,
        %gather3A_966 = tpu.vector_load_idx %arg11[%broadcast_in_dim3A_947, %add3A_964] : memref<320x64xf32, #tpu.memory_space<vmem>>[vector<16xi32>, vector<16xi32>], vector<16xf32>,
        %max3A_967 = arith.maximumf %gather3A_965, %gather3A_966 : vector<16xf32>
        tpu.vector_store_idx %arg12[%gather3A, %add3A_964], %max3A_967 : memref<641x64xf32, #tpu.memory_space<vmem>>[vector<16xi32>, vector<16xi32>], vector<16xf32>,
        %add3A_968 = arith.constant 48 : i32
        %add3A_969 = vector.broadcast %add3A_968 : i32 to vector<16xi32>
        %add3A_970 = arith.addi %iota3A, %add3A_969 : vector<16xi32>
        %gather3A_971 = tpu.vector_load_idx %arg12[%gather3A, %add3A_970] : memref<641x64xf32, #tpu.memory_space<vmem>>[vector<16xi32>, vector<16xi32>], vector<16xf32>,
        %gather3A_972 = tpu.vector_load_idx %arg11[%broadcast_in_dim3A_947, %add3A_970] : memref<320x64xf32, #tpu.memory_space<vmem>>[vector<16xi32>, vector<16xi32>], vector<16xf32>,
        %max3A_973 = arith.maximumf %gather3A_971, %gather3A_972 : vector<16xf32>
        tpu.vector_store_idx %arg12[%gather3A, %add3A_970], %max3A_973 : memref<641x64xf32, #tpu.memory_space<vmem>>[vector<16xi32>, vector<16xi32>], vector<16xf32>,
        %scan3A_974 = arith.constant 0 : i32
        scf.yield %scan3A_974 : i32
      }
      %scan3A_904 = arith.constant 320 : i32
      %dma_start3A_905 = arith.constant 0 : i32
      %dma_start3A_906 = arith.constant 0 : i32
      %dma_start3A_907 = tpu.memref_slice %arg11[%dma_start3A_905, %dma_start3A_906] : memref<320x64xf32, #tpu.memory_space<vmem>> -> memref<160x64xf32, #tpu.memory_space<vmem>>
      %dma_start3A_908 = arith.constant 4800 : i32
      %dma_start3A_909 = tpu.memref_slice %arg10[%dma_start3A_908] : memref<5120xi32, #tpu.memory_space<vmem>> -> memref<160xi32, #tpu.memory_space<vmem>>
      %dma_start3A_910 = arith.constant 0 : i32
      %dma_start3A_911 = arith.constant 0 : i32
      %dma_start3A_912 = tpu.memref_slice %arg14[%dma_start3A_910, %dma_start3A_911] : memref<10000x64xf32, #tpu.memory_space<vmem_shared>> -> memref<10000x64xf32, #tpu.memory_space<vmem_shared>>
      tpu.enqueue_indirect_dma source(%dma_start3A_912 : memref<10000x64xf32, #tpu.memory_space<vmem_shared>>) target(%dma_start3A_907 : memref<160x64xf32, #tpu.memory_space<vmem>>) offsets(%dma_start3A_909 : memref<160xi32, #tpu.memory_space<vmem>>) semaphore(%arg15 : memref<!tpu.dma_semaphore, #tpu.memory_space<semaphore_mem>>)
      %dma_start3A_913 = arith.constant 160 : i32
      %dma_start3A_914 = arith.constant 0 : i32
      %dma_start3A_915 = tpu.memref_slice %arg11[%dma_start3A_913, %dma_start3A_914] : memref<320x64xf32, #tpu.memory_space<vmem>> -> memref<160x64xf32, #tpu.memory_space<vmem>>
      %dma_start3A_916 = arith.constant 4960 : i32
      %dma_start3A_917 = tpu.memref_slice %arg10[%dma_start3A_916] : memref<5120xi32, #tpu.memory_space<vmem>> -> memref<160xi32, #tpu.memory_space<vmem>>
      %dma_start3A_918 = arith.constant 0 : i32
      %dma_start3A_919 = arith.constant 0 : i32
      %dma_start3A_920 = tpu.memref_slice %arg14[%dma_start3A_918, %dma_start3A_919] : memref<10000x64xf32, #tpu.memory_space<vmem_shared>> -> memref<10000x64xf32, #tpu.memory_space<vmem_shared>>
      tpu.enqueue_indirect_dma source(%dma_start3A_920 : memref<10000x64xf32, #tpu.memory_space<vmem_shared>>) target(%dma_start3A_915 : memref<160x64xf32, #tpu.memory_space<vmem>>) offsets(%dma_start3A_917 : memref<160xi32, #tpu.memory_space<vmem>>) semaphore(%arg15 : memref<!tpu.dma_semaphore, #tpu.memory_space<semaphore_mem>>)
      %dma_wait3A_921 = arith.constant 0 : i32
      %dma_wait3A_922 = arith.constant 0 : i32
      %dma_wait3A_923 = tpu.memref_slice %arg11[%dma_wait3A_921, %dma_wait3A_922] : memref<320x64xf32, #tpu.memory_space<vmem>> -> memref<160x64xf32, #tpu.memory_space<vmem>>
      %dma_wait3A_924 = arith.constant 4800 : i32
      %dma_wait3A_925 = tpu.memref_slice %arg10[%dma_wait3A_924] : memref<5120xi32, #tpu.memory_space<vmem>> -> memref<160xi32, #tpu.memory_space<vmem>>
      %dma_wait3A_926 = arith.constant 0 : i32
      %dma_wait3A_927 = arith.constant 0 : i32
      %dma_wait3A_928 = tpu.memref_slice %arg14[%dma_wait3A_926, %dma_wait3A_927] : memref<10000x64xf32, #tpu.memory_space<vmem_shared>> -> memref<10000x64xf32, #tpu.memory_space<vmem_shared>>
      tpu.wait_indirect_dma semaphore(%arg15 : memref<!tpu.dma_semaphore, #tpu.memory_space<semaphore_mem>>) src(%dma_wait3A_928 : memref<10000x64xf32, #tpu.memory_space<vmem_shared>>) dst(%dma_wait3A_923 : memref<160x64xf32, #tpu.memory_space<vmem>>)
      %dma_wait3A_929 = arith.constant 160 : i32
      %dma_wait3A_930 = arith.constant 0 : i32
      %dma_wait3A_931 = tpu.memref_slice %arg11[%dma_wait3A_929, %dma_wait3A_930] : memref<320x64xf32, #tpu.memory_space<vmem>> -> memref<160x64xf32, #tpu.memory_space<vmem>>
      %dma_wait3A_932 = arith.constant 4960 : i32
      %dma_wait3A_933 = tpu.memref_slice %arg10[%dma_wait3A_932] : memref<5120xi32, #tpu.memory_space<vmem>> -> memref<160xi32, #tpu.memory_space<vmem>>
      %dma_wait3A_934 = arith.constant 0 : i32
      %dma_wait3A_935 = arith.constant 0 : i32
      %dma_wait3A_936 = tpu.memref_slice %arg14[%dma_wait3A_934, %dma_wait3A_935] : memref<10000x64xf32, #tpu.memory_space<vmem_shared>> -> memref<10000x64xf32, #tpu.memory_space<vmem_shared>>
      tpu.wait_indirect_dma semaphore(%arg15 : memref<!tpu.dma_semaphore, #tpu.memory_space<semaphore_mem>>) src(%dma_wait3A_936 : memref<10000x64xf32, #tpu.memory_space<vmem_shared>>) dst(%dma_wait3A_931 : memref<160x64xf32, #tpu.memory_space<vmem>>)
      %scan3A_937 = arith.constant 0 : i32
      %scan3A_938 = arith.constant 0 : i32
      %scan3A_939 = arith.constant 320 : i32
      %scan3A_940 = arith.addi %scan3A_938, %scan3A_939 : i32
      %scan3A_941 = arith.constant 1 : i32
      %scan3A_942 = scf.for %scan3A_945 = %scan3A_938 to %scan3A_940 step %scan3A_941 iter_args(%scan3A_946 = %scan3A_937) -> (i32)  : i32 {
        %broadcast_in_dim3A_947 = vector.broadcast %scan3A_945 : i32 to vector<16xi32>
        %broadcast_in_dim3A_948 = arith.constant 4800 : i32
        %broadcast_in_dim3A_949 = vector.broadcast %broadcast_in_dim3A_948 : i32 to vector<16xi32>
        %add3A_950 = arith.addi %broadcast_in_dim3A_949, %broadcast_in_dim3A_947 : vector<16xi32>
        %gather3A = tpu.vector_load_idx %arg9[%add3A_950] : memref<5120xi32, #tpu.memory_space<vmem>>[vector<16xi32>], vector<16xi32>,
        %add3A_951 = arith.constant 0 : i32
        %add3A_952 = vector.broadcast %add3A_951 : i32 to vector<16xi32>
        %add3A_953 = arith.addi %iota3A, %add3A_952 : vector<16xi32>
        %gather3A_954 = tpu.vector_load_idx %arg12[%gather3A, %add3A_953] : memref<641x64xf32, #tpu.memory_space<vmem>>[vector<16xi32>, vector<16xi32>], vector<16xf32>,
        %gather3A_955 = tpu.vector_load_idx %arg11[%broadcast_in_dim3A_947, %add3A_953] : memref<320x64xf32, #tpu.memory_space<vmem>>[vector<16xi32>, vector<16xi32>], vector<16xf32>,
        %max3A = arith.maximumf %gather3A_954, %gather3A_955 : vector<16xf32>
        tpu.vector_store_idx %arg12[%gather3A, %add3A_953], %max3A : memref<641x64xf32, #tpu.memory_space<vmem>>[vector<16xi32>, vector<16xi32>], vector<16xf32>,
        %add3A_956 = arith.constant 16 : i32
        %add3A_957 = vector.broadcast %add3A_956 : i32 to vector<16xi32>
        %add3A_958 = arith.addi %iota3A, %add3A_957 : vector<16xi32>
        %gather3A_959 = tpu.vector_load_idx %arg12[%gather3A, %add3A_958] : memref<641x64xf32, #tpu.memory_space<vmem>>[vector<16xi32>, vector<16xi32>], vector<16xf32>,
        %gather3A_960 = tpu.vector_load_idx %arg11[%broadcast_in_dim3A_947, %add3A_958] : memref<320x64xf32, #tpu.memory_space<vmem>>[vector<16xi32>, vector<16xi32>], vector<16xf32>,
        %max3A_961 = arith.maximumf %gather3A_959, %gather3A_960 : vector<16xf32>
        tpu.vector_store_idx %arg12[%gather3A, %add3A_958], %max3A_961 : memref<641x64xf32, #tpu.memory_space<vmem>>[vector<16xi32>, vector<16xi32>], vector<16xf32>,
        %add3A_962 = arith.constant 32 : i32
        %add3A_963 = vector.broadcast %add3A_962 : i32 to vector<16xi32>
        %add3A_964 = arith.addi %iota3A, %add3A_963 : vector<16xi32>
        %gather3A_965 = tpu.vector_load_idx %arg12[%gather3A, %add3A_964] : memref<641x64xf32, #tpu.memory_space<vmem>>[vector<16xi32>, vector<16xi32>], vector<16xf32>,
        %gather3A_966 = tpu.vector_load_idx %arg11[%broadcast_in_dim3A_947, %add3A_964] : memref<320x64xf32, #tpu.memory_space<vmem>>[vector<16xi32>, vector<16xi32>], vector<16xf32>,
        %max3A_967 = arith.maximumf %gather3A_965, %gather3A_966 : vector<16xf32>
        tpu.vector_store_idx %arg12[%gather3A, %add3A_964], %max3A_967 : memref<641x64xf32, #tpu.memory_space<vmem>>[vector<16xi32>, vector<16xi32>], vector<16xf32>,
        %add3A_968 = arith.constant 48 : i32
        %add3A_969 = vector.broadcast %add3A_968 : i32 to vector<16xi32>
        %add3A_970 = arith.addi %iota3A, %add3A_969 : vector<16xi32>
        %gather3A_971 = tpu.vector_load_idx %arg12[%gather3A, %add3A_970] : memref<641x64xf32, #tpu.memory_space<vmem>>[vector<16xi32>, vector<16xi32>], vector<16xf32>,
        %gather3A_972 = tpu.vector_load_idx %arg11[%broadcast_in_dim3A_947, %add3A_970] : memref<320x64xf32, #tpu.memory_space<vmem>>[vector<16xi32>, vector<16xi32>], vector<16xf32>,
        %max3A_973 = arith.maximumf %gather3A_971, %gather3A_972 : vector<16xf32>
        tpu.vector_store_idx %arg12[%gather3A, %add3A_970], %max3A_973 : memref<641x64xf32, #tpu.memory_space<vmem>>[vector<16xi32>, vector<16xi32>], vector<16xf32>,
        %scan3A_974 = arith.constant 0 : i32
        scf.yield %scan3A_974 : i32
      }
      %scan3A_943 = arith.constant 320 : i32
      %scan3A_944 = arith.constant 0 : i32
      scf.yield %scan3A_944 : i32
    }
    %scan3A_16 = arith.constant 5 : i32
    "tpu.region"() ({
      %run_scoped3A = tpu.sem_alloc : memref<!tpu.dma_semaphore, #tpu.memory_space<semaphore_mem>>
      %dma_start3A = arith.constant 0 : i32
      %dma_start3A_312 = tpu.memref_slice %arg7[%arg1, %dma_start3A] : memref<16x16xi32, #tpu.memory_space<hbm>> -> memref<1x16xi32, #tpu.memory_space<hbm>>
      %dma_start3A_313 = tpu.memref_squeeze %dma_start3A_312 : memref<1x16xi32, #tpu.memory_space<hbm>> -> memref<16xi32, #tpu.memory_space<hbm>>
      %dma_start3A_314 = arith.constant 0 : i32
      %dma_start3A_315 = tpu.memref_slice %arg7[%arg1, %dma_start3A_314] : memref<16x16xi32, #tpu.memory_space<hbm>> -> memref<1x16xi32, #tpu.memory_space<hbm>>
      %dma_start3A_316 = tpu.memref_squeeze %dma_start3A_315 : memref<1x16xi32, #tpu.memory_space<hbm>> -> memref<16xi32, #tpu.memory_space<hbm>>
      tpu.enqueue_dma source(%dma_start3A_316 : memref<16xi32, #tpu.memory_space<hbm>>) target(%arg13 : memref<16xi32, #tpu.memory_space<vmem>>) target_semaphore(%run_scoped3A : memref<!tpu.dma_semaphore, #tpu.memory_space<semaphore_mem>>)
      %dma_wait3A = arith.constant 0 : i32
      %dma_wait3A_317 = tpu.memref_slice %arg7[%arg1, %dma_wait3A] : memref<16x16xi32, #tpu.memory_space<hbm>> -> memref<1x16xi32, #tpu.memory_space<hbm>>
      %dma_wait3A_318 = tpu.memref_squeeze %dma_wait3A_317 : memref<1x16xi32, #tpu.memory_space<hbm>> -> memref<16xi32, #tpu.memory_space<hbm>>
      %dma_wait3A_319 = arith.constant 0 : i32
      %dma_wait3A_320 = tpu.memref_slice %arg7[%arg1, %dma_wait3A_319] : memref<16x16xi32, #tpu.memory_space<hbm>> -> memref<1x16xi32, #tpu.memory_space<hbm>>
      %dma_wait3A_321 = tpu.memref_squeeze %dma_wait3A_320 : memref<1x16xi32, #tpu.memory_space<hbm>> -> memref<16xi32, #tpu.memory_space<hbm>>
      tpu.wait_dma2 semaphore(%run_scoped3A : memref<!tpu.dma_semaphore, #tpu.memory_space<semaphore_mem>>) src(%dma_wait3A_321 : memref<16xi32, #tpu.memory_space<hbm>>) dst(%arg13 : memref<16xi32, #tpu.memory_space<vmem>>)
      tpu.yield
    }) : () -> ()
    %get3A = arith.constant 0 : index
    %get3A_17 = tpu.vector_load %arg13[%get3A] {strides = array<i32>} : memref<16xi32, #tpu.memory_space<vmem>>, vector<16xi32>,
    %shift_right_arithmetic3A = arith.constant 0 : i32
    %shift_right_arithmetic3A_18 = vector.broadcast %shift_right_arithmetic3A : i32 to vector<16xi32>
    %shift_right_arithmetic3A_19 = arith.shrsi %get3A_17, %shift_right_arithmetic3A_18 : vector<16xi32>
    %and3A = arith.constant 1 : i32
    %and3A_20 = vector.broadcast %and3A : i32 to vector<16xi32>
    %and3A_21 = arith.andi %shift_right_arithmetic3A_19, %and3A_20 : vector<16xi32>
    %eq3A_22 = arith.constant 1 : i32
    %eq3A_23 = vector.broadcast %eq3A_22 : i32 to vector<16xi32>
    %eq3A_24 = arith.cmpi eq, %and3A_21, %eq3A_23 : vector<16xi32>
    %reduce_or3A = arith.constant 1.000000e+00 : f32
    %reduce_or3A_25 = arith.constant 0.000000e+00 : f32
    %reduce_or3A_26 = vector.broadcast %reduce_or3A : f32 to vector<16xf32>
    %reduce_or3A_27 = vector.broadcast %reduce_or3A_25 : f32 to vector<16xf32>
    %reduce_or3A_28 = arith.select %eq3A_24, %reduce_or3A_26, %reduce_or3A_27 : vector<16xi1>, vector<16xf32>
    %reduce_or3A_29 = arith.constant true
    %reduce_or3A_30 = vector.broadcast %reduce_or3A_29 : i1 to vector<16xi1>
    %reduce_or3A_31 = tpu.scan <max>, %reduce_or3A_28 masked %reduce_or3A_30 : vector<16xf32>, vector<16xi1> -> vector<16xf32>
    %reduce_or3A_32 = vector.extract %reduce_or3A_31[15] : f32 from vector<16xf32>
    %reduce_or3A_33 = arith.constant 0.000000e+00 : f32
    %reduce_or3A_34 = arith.cmpf ogt, %reduce_or3A_32, %reduce_or3A_33 : f32
    %jit3A = arith.constant 1 : i32
    %jit3A_35 = arith.constant 0 : i32
    %select_n3A = arith.select %reduce_or3A_34, %jit3A, %jit3A_35 : i32
    %add3A = arith.constant 0 : i32
    %add3A_36 = arith.addi %add3A, %select_n3A : i32
    %shift_right_arithmetic3A_37 = arith.constant 1 : i32
    %shift_right_arithmetic3A_38 = vector.broadcast %shift_right_arithmetic3A_37 : i32 to vector<16xi32>
    %shift_right_arithmetic3A_39 = arith.shrsi %get3A_17, %shift_right_arithmetic3A_38 : vector<16xi32>
    %and3A_40 = arith.constant 1 : i32
    %and3A_41 = vector.broadcast %and3A_40 : i32 to vector<16xi32>
    %and3A_42 = arith.andi %shift_right_arithmetic3A_39, %and3A_41 : vector<16xi32>
    %eq3A_43 = arith.constant 1 : i32
    %eq3A_44 = vector.broadcast %eq3A_43 : i32 to vector<16xi32>
    %eq3A_45 = arith.cmpi eq, %and3A_42, %eq3A_44 : vector<16xi32>
    %reduce_or3A_46 = arith.constant 1.000000e+00 : f32
    %reduce_or3A_47 = arith.constant 0.000000e+00 : f32
    %reduce_or3A_48 = vector.broadcast %reduce_or3A_46 : f32 to vector<16xf32>
    %reduce_or3A_49 = vector.broadcast %reduce_or3A_47 : f32 to vector<16xf32>
    %reduce_or3A_50 = arith.select %eq3A_45, %reduce_or3A_48, %reduce_or3A_49 : vector<16xi1>, vector<16xf32>
    %reduce_or3A_51 = arith.constant true
    %reduce_or3A_52 = vector.broadcast %reduce_or3A_51 : i1 to vector<16xi1>
    %reduce_or3A_53 = tpu.scan <max>, %reduce_or3A_50 masked %reduce_or3A_52 : vector<16xf32>, vector<16xi1> -> vector<16xf32>
    %reduce_or3A_54 = vector.extract %reduce_or3A_53[15] : f32 from vector<16xf32>
    %reduce_or3A_55 = arith.constant 0.000000e+00 : f32
    %reduce_or3A_56 = arith.cmpf ogt, %reduce_or3A_54, %reduce_or3A_55 : f32
    %jit3A_57 = arith.constant 2 : i32
    %jit3A_58 = arith.constant 0 : i32
    %select_n3A_59 = arith.select %reduce_or3A_56, %jit3A_57, %jit3A_58 : i32
    %add3A_60 = arith.addi %add3A_36, %select_n3A_59 : i32
    %shift_right_arithmetic3A_61 = arith.constant 2 : i32
    %shift_right_arithmetic3A_62 = vector.broadcast %shift_right_arithmetic3A_61 : i32 to vector<16xi32>
    %shift_right_arithmetic3A_63 = arith.shrsi %get3A_17, %shift_right_arithmetic3A_62 : vector<16xi32>
    %and3A_64 = arith.constant 1 : i32
    %and3A_65 = vector.broadcast %and3A_64 : i32 to vector<16xi32>
    %and3A_66 = arith.andi %shift_right_arithmetic3A_63, %and3A_65 : vector<16xi32>
    %eq3A_67 = arith.constant 1 : i32
    %eq3A_68 = vector.broadcast %eq3A_67 : i32 to vector<16xi32>
    %eq3A_69 = arith.cmpi eq, %and3A_66, %eq3A_68 : vector<16xi32>
    %reduce_or3A_70 = arith.constant 1.000000e+00 : f32
    %reduce_or3A_71 = arith.constant 0.000000e+00 : f32
    %reduce_or3A_72 = vector.broadcast %reduce_or3A_70 : f32 to vector<16xf32>
    %reduce_or3A_73 = vector.broadcast %reduce_or3A_71 : f32 to vector<16xf32>
    %reduce_or3A_74 = arith.select %eq3A_69, %reduce_or3A_72, %reduce_or3A_73 : vector<16xi1>, vector<16xf32>
    %reduce_or3A_75 = arith.constant true
    %reduce_or3A_76 = vector.broadcast %reduce_or3A_75 : i1 to vector<16xi1>
    %reduce_or3A_77 = tpu.scan <max>, %reduce_or3A_74 masked %reduce_or3A_76 : vector<16xf32>, vector<16xi1> -> vector<16xf32>
    %reduce_or3A_78 = vector.extract %reduce_or3A_77[15] : f32 from vector<16xf32>
    %reduce_or3A_79 = arith.constant 0.000000e+00 : f32
    %reduce_or3A_80 = arith.cmpf ogt, %reduce_or3A_78, %reduce_or3A_79 : f32
    %jit3A_81 = arith.constant 4 : i32
    %jit3A_82 = arith.constant 0 : i32
    %select_n3A_83 = arith.select %reduce_or3A_80, %jit3A_81, %jit3A_82 : i32
    %add3A_84 = arith.addi %add3A_60, %select_n3A_83 : i32
    %shift_right_arithmetic3A_85 = arith.constant 3 : i32
    %shift_right_arithmetic3A_86 = vector.broadcast %shift_right_arithmetic3A_85 : i32 to vector<16xi32>
    %shift_right_arithmetic3A_87 = arith.shrsi %get3A_17, %shift_right_arithmetic3A_86 : vector<16xi32>
    %and3A_88 = arith.constant 1 : i32
    %and3A_89 = vector.broadcast %and3A_88 : i32 to vector<16xi32>
    %and3A_90 = arith.andi %shift_right_arithmetic3A_87, %and3A_89 : vector<16xi32>
    %eq3A_91 = arith.constant 1 : i32
    %eq3A_92 = vector.broadcast %eq3A_91 : i32 to vector<16xi32>
    %eq3A_93 = arith.cmpi eq, %and3A_90, %eq3A_92 : vector<16xi32>
    %reduce_or3A_94 = arith.constant 1.000000e+00 : f32
    %reduce_or3A_95 = arith.constant 0.000000e+00 : f32
    %reduce_or3A_96 = vector.broadcast %reduce_or3A_94 : f32 to vector<16xf32>
    %reduce_or3A_97 = vector.broadcast %reduce_or3A_95 : f32 to vector<16xf32>
    %reduce_or3A_98 = arith.select %eq3A_93, %reduce_or3A_96, %reduce_or3A_97 : vector<16xi1>, vector<16xf32>
    %reduce_or3A_99 = arith.constant true
    %reduce_or3A_100 = vector.broadcast %reduce_or3A_99 : i1 to vector<16xi1>
    %reduce_or3A_101 = tpu.scan <max>, %reduce_or3A_98 masked %reduce_or3A_100 : vector<16xf32>, vector<16xi1> -> vector<16xf32>
    %reduce_or3A_102 = vector.extract %reduce_or3A_101[15] : f32 from vector<16xf32>
    %reduce_or3A_103 = arith.constant 0.000000e+00 : f32
    %reduce_or3A_104 = arith.cmpf ogt, %reduce_or3A_102, %reduce_or3A_103 : f32
    %jit3A_105 = arith.constant 8 : i32
    %jit3A_106 = arith.constant 0 : i32
    %select_n3A_107 = arith.select %reduce_or3A_104, %jit3A_105, %jit3A_106 : i32
    %add3A_108 = arith.addi %add3A_84, %select_n3A_107 : i32
    %shift_right_arithmetic3A_109 = arith.constant 4 : i32
    %shift_right_arithmetic3A_110 = vector.broadcast %shift_right_arithmetic3A_109 : i32 to vector<16xi32>
    %shift_right_arithmetic3A_111 = arith.shrsi %get3A_17, %shift_right_arithmetic3A_110 : vector<16xi32>
    %and3A_112 = arith.constant 1 : i32
    %and3A_113 = vector.broadcast %and3A_112 : i32 to vector<16xi32>
    %and3A_114 = arith.andi %shift_right_arithmetic3A_111, %and3A_113 : vector<16xi32>
    %eq3A_115 = arith.constant 1 : i32
    %eq3A_116 = vector.broadcast %eq3A_115 : i32 to vector<16xi32>
    %eq3A_117 = arith.cmpi eq, %and3A_114, %eq3A_116 : vector<16xi32>
    %reduce_or3A_118 = arith.constant 1.000000e+00 : f32
    %reduce_or3A_119 = arith.constant 0.000000e+00 : f32
    %reduce_or3A_120 = vector.broadcast %reduce_or3A_118 : f32 to vector<16xf32>
    %reduce_or3A_121 = vector.broadcast %reduce_or3A_119 : f32 to vector<16xf32>
    %reduce_or3A_122 = arith.select %eq3A_117, %reduce_or3A_120, %reduce_or3A_121 : vector<16xi1>, vector<16xf32>
    %reduce_or3A_123 = arith.constant true
    %reduce_or3A_124 = vector.broadcast %reduce_or3A_123 : i1 to vector<16xi1>
    %reduce_or3A_125 = tpu.scan <max>, %reduce_or3A_122 masked %reduce_or3A_124 : vector<16xf32>, vector<16xi1> -> vector<16xf32>
    %reduce_or3A_126 = vector.extract %reduce_or3A_125[15] : f32 from vector<16xf32>
    %reduce_or3A_127 = arith.constant 0.000000e+00 : f32
    %reduce_or3A_128 = arith.cmpf ogt, %reduce_or3A_126, %reduce_or3A_127 : f32
    %jit3A_129 = arith.constant 16 : i32
    %jit3A_130 = arith.constant 0 : i32
    %select_n3A_131 = arith.select %reduce_or3A_128, %jit3A_129, %jit3A_130 : i32
    %add3A_132 = arith.addi %add3A_108, %select_n3A_131 : i32
    %shift_right_arithmetic3A_133 = arith.constant 5 : i32
    %shift_right_arithmetic3A_134 = vector.broadcast %shift_right_arithmetic3A_133 : i32 to vector<16xi32>
    %shift_right_arithmetic3A_135 = arith.shrsi %get3A_17, %shift_right_arithmetic3A_134 : vector<16xi32>
    %and3A_136 = arith.constant 1 : i32
    %and3A_137 = vector.broadcast %and3A_136 : i32 to vector<16xi32>
    %and3A_138 = arith.andi %shift_right_arithmetic3A_135, %and3A_137 : vector<16xi32>
    %eq3A_139 = arith.constant 1 : i32
    %eq3A_140 = vector.broadcast %eq3A_139 : i32 to vector<16xi32>
    %eq3A_141 = arith.cmpi eq, %and3A_138, %eq3A_140 : vector<16xi32>
    %reduce_or3A_142 = arith.constant 1.000000e+00 : f32
    %reduce_or3A_143 = arith.constant 0.000000e+00 : f32
    %reduce_or3A_144 = vector.broadcast %reduce_or3A_142 : f32 to vector<16xf32>
    %reduce_or3A_145 = vector.broadcast %reduce_or3A_143 : f32 to vector<16xf32>
    %reduce_or3A_146 = arith.select %eq3A_141, %reduce_or3A_144, %reduce_or3A_145 : vector<16xi1>, vector<16xf32>
    %reduce_or3A_147 = arith.constant true
    %reduce_or3A_148 = vector.broadcast %reduce_or3A_147 : i1 to vector<16xi1>
    %reduce_or3A_149 = tpu.scan <max>, %reduce_or3A_146 masked %reduce_or3A_148 : vector<16xf32>, vector<16xi1> -> vector<16xf32>
    %reduce_or3A_150 = vector.extract %reduce_or3A_149[15] : f32 from vector<16xf32>
    %reduce_or3A_151 = arith.constant 0.000000e+00 : f32
    %reduce_or3A_152 = arith.cmpf ogt, %reduce_or3A_150, %reduce_or3A_151 : f32
    %jit3A_153 = arith.constant 32 : i32
    %jit3A_154 = arith.constant 0 : i32
    %select_n3A_155 = arith.select %reduce_or3A_152, %jit3A_153, %jit3A_154 : i32
    %add3A_156 = arith.addi %add3A_132, %select_n3A_155 : i32
    %shift_right_arithmetic3A_157 = arith.constant 6 : i32
    %shift_right_arithmetic3A_158 = vector.broadcast %shift_right_arithmetic3A_157 : i32 to vector<16xi32>
    %shift_right_arithmetic3A_159 = arith.shrsi %get3A_17, %shift_right_arithmetic3A_158 : vector<16xi32>
    %and3A_160 = arith.constant 1 : i32
    %and3A_161 = vector.broadcast %and3A_160 : i32 to vector<16xi32>
    %and3A_162 = arith.andi %shift_right_arithmetic3A_159, %and3A_161 : vector<16xi32>
    %eq3A_163 = arith.constant 1 : i32
    %eq3A_164 = vector.broadcast %eq3A_163 : i32 to vector<16xi32>
    %eq3A_165 = arith.cmpi eq, %and3A_162, %eq3A_164 : vector<16xi32>
    %reduce_or3A_166 = arith.constant 1.000000e+00 : f32
    %reduce_or3A_167 = arith.constant 0.000000e+00 : f32
    %reduce_or3A_168 = vector.broadcast %reduce_or3A_166 : f32 to vector<16xf32>
    %reduce_or3A_169 = vector.broadcast %reduce_or3A_167 : f32 to vector<16xf32>
    %reduce_or3A_170 = arith.select %eq3A_165, %reduce_or3A_168, %reduce_or3A_169 : vector<16xi1>, vector<16xf32>
    %reduce_or3A_171 = arith.constant true
    %reduce_or3A_172 = vector.broadcast %reduce_or3A_171 : i1 to vector<16xi1>
    %reduce_or3A_173 = tpu.scan <max>, %reduce_or3A_170 masked %reduce_or3A_172 : vector<16xf32>, vector<16xi1> -> vector<16xf32>
    %reduce_or3A_174 = vector.extract %reduce_or3A_173[15] : f32 from vector<16xf32>
    %reduce_or3A_175 = arith.constant 0.000000e+00 : f32
    %reduce_or3A_176 = arith.cmpf ogt, %reduce_or3A_174, %reduce_or3A_175 : f32
    %jit3A_177 = arith.constant 64 : i32
    %jit3A_178 = arith.constant 0 : i32
    %select_n3A_179 = arith.select %reduce_or3A_176, %jit3A_177, %jit3A_178 : i32
    %add3A_180 = arith.addi %add3A_156, %select_n3A_179 : i32
    %shift_right_arithmetic3A_181 = arith.constant 7 : i32
    %shift_right_arithmetic3A_182 = vector.broadcast %shift_right_arithmetic3A_181 : i32 to vector<16xi32>
    %shift_right_arithmetic3A_183 = arith.shrsi %get3A_17, %shift_right_arithmetic3A_182 : vector<16xi32>
    %and3A_184 = arith.constant 1 : i32
    %and3A_185 = vector.broadcast %and3A_184 : i32 to vector<16xi32>
    %and3A_186 = arith.andi %shift_right_arithmetic3A_183, %and3A_185 : vector<16xi32>
    %eq3A_187 = arith.constant 1 : i32
    %eq3A_188 = vector.broadcast %eq3A_187 : i32 to vector<16xi32>
    %eq3A_189 = arith.cmpi eq, %and3A_186, %eq3A_188 : vector<16xi32>
    %reduce_or3A_190 = arith.constant 1.000000e+00 : f32
    %reduce_or3A_191 = arith.constant 0.000000e+00 : f32
    %reduce_or3A_192 = vector.broadcast %reduce_or3A_190 : f32 to vector<16xf32>
    %reduce_or3A_193 = vector.broadcast %reduce_or3A_191 : f32 to vector<16xf32>
    %reduce_or3A_194 = arith.select %eq3A_189, %reduce_or3A_192, %reduce_or3A_193 : vector<16xi1>, vector<16xf32>
    %reduce_or3A_195 = arith.constant true
    %reduce_or3A_196 = vector.broadcast %reduce_or3A_195 : i1 to vector<16xi1>
    %reduce_or3A_197 = tpu.scan <max>, %reduce_or3A_194 masked %reduce_or3A_196 : vector<16xf32>, vector<16xi1> -> vector<16xf32>
    %reduce_or3A_198 = vector.extract %reduce_or3A_197[15] : f32 from vector<16xf32>
    %reduce_or3A_199 = arith.constant 0.000000e+00 : f32
    %reduce_or3A_200 = arith.cmpf ogt, %reduce_or3A_198, %reduce_or3A_199 : f32
    %jit3A_201 = arith.constant 128 : i32
    %jit3A_202 = arith.constant 0 : i32
    %select_n3A_203 = arith.select %reduce_or3A_200, %jit3A_201, %jit3A_202 : i32
    %add3A_204 = arith.addi %add3A_180, %select_n3A_203 : i32
    %shift_right_arithmetic3A_205 = arith.constant 8 : i32
    %shift_right_arithmetic3A_206 = vector.broadcast %shift_right_arithmetic3A_205 : i32 to vector<16xi32>
    %shift_right_arithmetic3A_207 = arith.shrsi %get3A_17, %shift_right_arithmetic3A_206 : vector<16xi32>
    %and3A_208 = arith.constant 1 : i32
    %and3A_209 = vector.broadcast %and3A_208 : i32 to vector<16xi32>
    %and3A_210 = arith.andi %shift_right_arithmetic3A_207, %and3A_209 : vector<16xi32>
    %eq3A_211 = arith.constant 1 : i32
    %eq3A_212 = vector.broadcast %eq3A_211 : i32 to vector<16xi32>
    %eq3A_213 = arith.cmpi eq, %and3A_210, %eq3A_212 : vector<16xi32>
    %reduce_or3A_214 = arith.constant 1.000000e+00 : f32
    %reduce_or3A_215 = arith.constant 0.000000e+00 : f32
    %reduce_or3A_216 = vector.broadcast %reduce_or3A_214 : f32 to vector<16xf32>
    %reduce_or3A_217 = vector.broadcast %reduce_or3A_215 : f32 to vector<16xf32>
    %reduce_or3A_218 = arith.select %eq3A_213, %reduce_or3A_216, %reduce_or3A_217 : vector<16xi1>, vector<16xf32>
    %reduce_or3A_219 = arith.constant true
    %reduce_or3A_220 = vector.broadcast %reduce_or3A_219 : i1 to vector<16xi1>
    %reduce_or3A_221 = tpu.scan <max>, %reduce_or3A_218 masked %reduce_or3A_220 : vector<16xf32>, vector<16xi1> -> vector<16xf32>
    %reduce_or3A_222 = vector.extract %reduce_or3A_221[15] : f32 from vector<16xf32>
    %reduce_or3A_223 = arith.constant 0.000000e+00 : f32
    %reduce_or3A_224 = arith.cmpf ogt, %reduce_or3A_222, %reduce_or3A_223 : f32
    %jit3A_225 = arith.constant 256 : i32
    %jit3A_226 = arith.constant 0 : i32
    %select_n3A_227 = arith.select %reduce_or3A_224, %jit3A_225, %jit3A_226 : i32
    %add3A_228 = arith.addi %add3A_204, %select_n3A_227 : i32
    %shift_right_arithmetic3A_229 = arith.constant 9 : i32
    %shift_right_arithmetic3A_230 = vector.broadcast %shift_right_arithmetic3A_229 : i32 to vector<16xi32>
    %shift_right_arithmetic3A_231 = arith.shrsi %get3A_17, %shift_right_arithmetic3A_230 : vector<16xi32>
    %and3A_232 = arith.constant 1 : i32
    %and3A_233 = vector.broadcast %and3A_232 : i32 to vector<16xi32>
    %and3A_234 = arith.andi %shift_right_arithmetic3A_231, %and3A_233 : vector<16xi32>
    %eq3A_235 = arith.constant 1 : i32
    %eq3A_236 = vector.broadcast %eq3A_235 : i32 to vector<16xi32>
    %eq3A_237 = arith.cmpi eq, %and3A_234, %eq3A_236 : vector<16xi32>
    %reduce_or3A_238 = arith.constant 1.000000e+00 : f32
    %reduce_or3A_239 = arith.constant 0.000000e+00 : f32
    %reduce_or3A_240 = vector.broadcast %reduce_or3A_238 : f32 to vector<16xf32>
    %reduce_or3A_241 = vector.broadcast %reduce_or3A_239 : f32 to vector<16xf32>
    %reduce_or3A_242 = arith.select %eq3A_237, %reduce_or3A_240, %reduce_or3A_241 : vector<16xi1>, vector<16xf32>
    %reduce_or3A_243 = arith.constant true
    %reduce_or3A_244 = vector.broadcast %reduce_or3A_243 : i1 to vector<16xi1>
    %reduce_or3A_245 = tpu.scan <max>, %reduce_or3A_242 masked %reduce_or3A_244 : vector<16xf32>, vector<16xi1> -> vector<16xf32>
    %reduce_or3A_246 = vector.extract %reduce_or3A_245[15] : f32 from vector<16xf32>
    %reduce_or3A_247 = arith.constant 0.000000e+00 : f32
    %reduce_or3A_248 = arith.cmpf ogt, %reduce_or3A_246, %reduce_or3A_247 : f32
    %jit3A_249 = arith.constant 512 : i32
    %jit3A_250 = arith.constant 0 : i32
    %select_n3A_251 = arith.select %reduce_or3A_248, %jit3A_249, %jit3A_250 : i32
    %add3A_252 = arith.addi %add3A_228, %select_n3A_251 : i32
    %shift_right_arithmetic3A_253 = arith.constant 10 : i32
    %shift_right_arithmetic3A_254 = vector.broadcast %shift_right_arithmetic3A_253 : i32 to vector<16xi32>
    %shift_right_arithmetic3A_255 = arith.shrsi %get3A_17, %shift_right_arithmetic3A_254 : vector<16xi32>
    %and3A_256 = arith.constant 1 : i32
    %and3A_257 = vector.broadcast %and3A_256 : i32 to vector<16xi32>
    %and3A_258 = arith.andi %shift_right_arithmetic3A_255, %and3A_257 : vector<16xi32>
    %eq3A_259 = arith.constant 1 : i32
    %eq3A_260 = vector.broadcast %eq3A_259 : i32 to vector<16xi32>
    %eq3A_261 = arith.cmpi eq, %and3A_258, %eq3A_260 : vector<16xi32>
    %reduce_or3A_262 = arith.constant 1.000000e+00 : f32
    %reduce_or3A_263 = arith.constant 0.000000e+00 : f32
    %reduce_or3A_264 = vector.broadcast %reduce_or3A_262 : f32 to vector<16xf32>
    %reduce_or3A_265 = vector.broadcast %reduce_or3A_263 : f32 to vector<16xf32>
    %reduce_or3A_266 = arith.select %eq3A_261, %reduce_or3A_264, %reduce_or3A_265 : vector<16xi1>, vector<16xf32>
    %reduce_or3A_267 = arith.constant true
    %reduce_or3A_268 = vector.broadcast %reduce_or3A_267 : i1 to vector<16xi1>
    %reduce_or3A_269 = tpu.scan <max>, %reduce_or3A_266 masked %reduce_or3A_268 : vector<16xf32>, vector<16xi1> -> vector<16xf32>
    %reduce_or3A_270 = vector.extract %reduce_or3A_269[15] : f32 from vector<16xf32>
    %reduce_or3A_271 = arith.constant 0.000000e+00 : f32
    %reduce_or3A_272 = arith.cmpf ogt, %reduce_or3A_270, %reduce_or3A_271 : f32
    %jit3A_273 = arith.constant 1024 : i32
    %jit3A_274 = arith.constant 0 : i32
    %select_n3A_275 = arith.select %reduce_or3A_272, %jit3A_273, %jit3A_274 : i32
    %add3A_276 = arith.addi %add3A_252, %select_n3A_275 : i32
    %shift_right_arithmetic3A_277 = arith.constant 11 : i32
    %shift_right_arithmetic3A_278 = vector.broadcast %shift_right_arithmetic3A_277 : i32 to vector<16xi32>
    %shift_right_arithmetic3A_279 = arith.shrsi %get3A_17, %shift_right_arithmetic3A_278 : vector<16xi32>
    %and3A_280 = arith.constant 1 : i32
    %and3A_281 = vector.broadcast %and3A_280 : i32 to vector<16xi32>
    %and3A_282 = arith.andi %shift_right_arithmetic3A_279, %and3A_281 : vector<16xi32>
    %eq3A_283 = arith.constant 1 : i32
    %eq3A_284 = vector.broadcast %eq3A_283 : i32 to vector<16xi32>
    %eq3A_285 = arith.cmpi eq, %and3A_282, %eq3A_284 : vector<16xi32>
    %reduce_or3A_286 = arith.constant 1.000000e+00 : f32
    %reduce_or3A_287 = arith.constant 0.000000e+00 : f32
    %reduce_or3A_288 = vector.broadcast %reduce_or3A_286 : f32 to vector<16xf32>
    %reduce_or3A_289 = vector.broadcast %reduce_or3A_287 : f32 to vector<16xf32>
    %reduce_or3A_290 = arith.select %eq3A_285, %reduce_or3A_288, %reduce_or3A_289 : vector<16xi1>, vector<16xf32>
    %reduce_or3A_291 = arith.constant true
    %reduce_or3A_292 = vector.broadcast %reduce_or3A_291 : i1 to vector<16xi1>
    %reduce_or3A_293 = tpu.scan <max>, %reduce_or3A_290 masked %reduce_or3A_292 : vector<16xf32>, vector<16xi1> -> vector<16xf32>
    %reduce_or3A_294 = vector.extract %reduce_or3A_293[15] : f32 from vector<16xf32>
    %reduce_or3A_295 = arith.constant 0.000000e+00 : f32
    %reduce_or3A_296 = arith.cmpf ogt, %reduce_or3A_294, %reduce_or3A_295 : f32
    %jit3A_297 = arith.constant 2048 : i32
    %jit3A_298 = arith.constant 0 : i32
    %select_n3A_299 = arith.select %reduce_or3A_296, %jit3A_297, %jit3A_298 : i32
    %add3A_300 = arith.addi %add3A_276, %select_n3A_299 : i32
    %while3A = arith.constant 0 : i32
    %while3A_301 = arith.constant 0 : i32
    %while3A_302 = arith.subi %add3A_300, %while3A : i32
    %while3A_303 = arith.addi %while3A, %while3A_302 : i32
    %while3A_304 = arith.constant 1 : i32
    %while3A_305 = arith.divsi %while3A_302, %while3A_304 : i32
    %while3A_306 = arith.muli %while3A_305, %while3A_304 : i32
    %while3A_307 = arith.addi %while3A, %while3A_306 : i32
    %while3A_308 = arith.constant 1 : i32
    %while3A_309 = scf.for %while3A_312 = %while3A to %while3A_307 step %while3A_308 iter_args(%while3A_313 = %while3A_301) -> (i32)  : i32 {
      %mul3A_314 = arith.constant 320 : i32
      %mul3A_315 = arith.muli %while3A_312, %mul3A_314 : i32
      "tpu.region"() ({
        %run_scoped3A = tpu.sem_alloc : memref<!tpu.dma_semaphore, #tpu.memory_space<semaphore_mem>>
        %dma_start3A_356 = arith.constant 0 : i32
        %dma_start3A_357 = tpu.memref_slice %arg9[%dma_start3A_356] : memref<5120xi32, #tpu.memory_space<vmem>> -> memref<320xi32, #tpu.memory_space<vmem>>
        %dma_start3A_358 = tpu.memref_slice %arg5[%arg1, %mul3A_315] : memref<16x345600xi32, #tpu.memory_space<hbm>> -> memref<1x320xi32, #tpu.memory_space<hbm>>
        %dma_start3A_359 = tpu.memref_squeeze %dma_start3A_358 : memref<1x320xi32, #tpu.memory_space<hbm>> -> memref<320xi32, #tpu.memory_space<hbm>>
        %dma_start3A_360 = arith.constant 0 : i32
        %dma_start3A_361 = tpu.memref_slice %arg9[%dma_start3A_360] : memref<5120xi32, #tpu.memory_space<vmem>> -> memref<320xi32, #tpu.memory_space<vmem>>
        %dma_start3A_362 = tpu.memref_slice %arg5[%arg1, %mul3A_315] : memref<16x345600xi32, #tpu.memory_space<hbm>> -> memref<1x320xi32, #tpu.memory_space<hbm>>
        %dma_start3A_363 = tpu.memref_squeeze %dma_start3A_362 : memref<1x320xi32, #tpu.memory_space<hbm>> -> memref<320xi32, #tpu.memory_space<hbm>>
        tpu.enqueue_dma source(%dma_start3A_363 : memref<320xi32, #tpu.memory_space<hbm>>) target(%dma_start3A_361 : memref<320xi32, #tpu.memory_space<vmem>>) target_semaphore(%run_scoped3A : memref<!tpu.dma_semaphore, #tpu.memory_space<semaphore_mem>>)
        %dma_wait3A_364 = arith.constant 0 : i32
        %dma_wait3A_365 = tpu.memref_slice %arg9[%dma_wait3A_364] : memref<5120xi32, #tpu.memory_space<vmem>> -> memref<320xi32, #tpu.memory_space<vmem>>
        %dma_wait3A_366 = tpu.memref_slice %arg5[%arg1, %mul3A_315] : memref<16x345600xi32, #tpu.memory_space<hbm>> -> memref<1x320xi32, #tpu.memory_space<hbm>>
        %dma_wait3A_367 = tpu.memref_squeeze %dma_wait3A_366 : memref<1x320xi32, #tpu.memory_space<hbm>> -> memref<320xi32, #tpu.memory_space<hbm>>
        %dma_wait3A_368 = arith.constant 0 : i32
        %dma_wait3A_369 = tpu.memref_slice %arg9[%dma_wait3A_368] : memref<5120xi32, #tpu.memory_space<vmem>> -> memref<320xi32, #tpu.memory_space<vmem>>
        %dma_wait3A_370 = tpu.memref_slice %arg5[%arg1, %mul3A_315] : memref<16x345600xi32, #tpu.memory_space<hbm>> -> memref<1x320xi32, #tpu.memory_space<hbm>>
        %dma_wait3A_371 = tpu.memref_squeeze %dma_wait3A_370 : memref<1x320xi32, #tpu.memory_space<hbm>> -> memref<320xi32, #tpu.memory_space<hbm>>
        tpu.wait_dma2 semaphore(%run_scoped3A : memref<!tpu.dma_semaphore, #tpu.memory_space<semaphore_mem>>) src(%dma_wait3A_371 : memref<320xi32, #tpu.memory_space<hbm>>) dst(%dma_wait3A_369 : memref<320xi32, #tpu.memory_space<vmem>>)
        tpu.yield
      }) : () -> ()
      %mul3A_316 = arith.constant 320 : i32
      %mul3A_317 = arith.muli %while3A_312, %mul3A_316 : i32
      "tpu.region"() ({
        %run_scoped3A = tpu.sem_alloc : memref<!tpu.dma_semaphore, #tpu.memory_space<semaphore_mem>>
        %dma_start3A_356 = arith.constant 0 : i32
        %dma_start3A_357 = tpu.memref_slice %arg10[%dma_start3A_356] : memref<5120xi32, #tpu.memory_space<vmem>> -> memref<320xi32, #tpu.memory_space<vmem>>
        %dma_start3A_358 = tpu.memref_slice %arg6[%arg1, %mul3A_317] : memref<16x345600xi32, #tpu.memory_space<hbm>> -> memref<1x320xi32, #tpu.memory_space<hbm>>
        %dma_start3A_359 = tpu.memref_squeeze %dma_start3A_358 : memref<1x320xi32, #tpu.memory_space<hbm>> -> memref<320xi32, #tpu.memory_space<hbm>>
        %dma_start3A_360 = arith.constant 0 : i32
        %dma_start3A_361 = tpu.memref_slice %arg10[%dma_start3A_360] : memref<5120xi32, #tpu.memory_space<vmem>> -> memref<320xi32, #tpu.memory_space<vmem>>
        %dma_start3A_362 = tpu.memref_slice %arg6[%arg1, %mul3A_317] : memref<16x345600xi32, #tpu.memory_space<hbm>> -> memref<1x320xi32, #tpu.memory_space<hbm>>
        %dma_start3A_363 = tpu.memref_squeeze %dma_start3A_362 : memref<1x320xi32, #tpu.memory_space<hbm>> -> memref<320xi32, #tpu.memory_space<hbm>>
        tpu.enqueue_dma source(%dma_start3A_363 : memref<320xi32, #tpu.memory_space<hbm>>) target(%dma_start3A_361 : memref<320xi32, #tpu.memory_space<vmem>>) target_semaphore(%run_scoped3A : memref<!tpu.dma_semaphore, #tpu.memory_space<semaphore_mem>>)
        %dma_wait3A_364 = arith.constant 0 : i32
        %dma_wait3A_365 = tpu.memref_slice %arg10[%dma_wait3A_364] : memref<5120xi32, #tpu.memory_space<vmem>> -> memref<320xi32, #tpu.memory_space<vmem>>
        %dma_wait3A_366 = tpu.memref_slice %arg6[%arg1, %mul3A_317] : memref<16x345600xi32, #tpu.memory_space<hbm>> -> memref<1x320xi32, #tpu.memory_space<hbm>>
        %dma_wait3A_367 = tpu.memref_squeeze %dma_wait3A_366 : memref<1x320xi32, #tpu.memory_space<hbm>> -> memref<320xi32, #tpu.memory_space<hbm>>
        %dma_wait3A_368 = arith.constant 0 : i32
        %dma_wait3A_369 = tpu.memref_slice %arg10[%dma_wait3A_368] : memref<5120xi32, #tpu.memory_space<vmem>> -> memref<320xi32, #tpu.memory_space<vmem>>
        %dma_wait3A_370 = tpu.memref_slice %arg6[%arg1, %mul3A_317] : memref<16x345600xi32, #tpu.memory_space<hbm>> -> memref<1x320xi32, #tpu.memory_space<hbm>>
        %dma_wait3A_371 = tpu.memref_squeeze %dma_wait3A_370 : memref<1x320xi32, #tpu.memory_space<hbm>> -> memref<320xi32, #tpu.memory_space<hbm>>
        tpu.wait_dma2 semaphore(%run_scoped3A : memref<!tpu.dma_semaphore, #tpu.memory_space<semaphore_mem>>) src(%dma_wait3A_371 : memref<320xi32, #tpu.memory_space<hbm>>) dst(%dma_wait3A_369 : memref<320xi32, #tpu.memory_space<vmem>>)
        tpu.yield
      }) : () -> ()
      %dma_start3A = arith.constant 0 : i32
      %dma_start3A_318 = arith.constant 0 : i32
      %dma_start3A_319 = tpu.memref_slice %arg11[%dma_start3A, %dma_start3A_318] : memref<320x64xf32, #tpu.memory_space<vmem>> -> memref<160x64xf32, #tpu.memory_space<vmem>>
      %dma_start3A_320 = arith.constant 0 : i32
      %dma_start3A_321 = tpu.memref_slice %arg10[%dma_start3A_320] : memref<5120xi32, #tpu.memory_space<vmem>> -> memref<160xi32, #tpu.memory_space<vmem>>
      %dma_start3A_322 = arith.constant 0 : i32
      %dma_start3A_323 = arith.constant 0 : i32
      %dma_start3A_324 = tpu.memref_slice %arg14[%dma_start3A_322, %dma_start3A_323] : memref<10000x64xf32, #tpu.memory_space<vmem_shared>> -> memref<10000x64xf32, #tpu.memory_space<vmem_shared>>
      tpu.enqueue_indirect_dma source(%dma_start3A_324 : memref<10000x64xf32, #tpu.memory_space<vmem_shared>>) target(%dma_start3A_319 : memref<160x64xf32, #tpu.memory_space<vmem>>) offsets(%dma_start3A_321 : memref<160xi32, #tpu.memory_space<vmem>>) semaphore(%arg15 : memref<!tpu.dma_semaphore, #tpu.memory_space<semaphore_mem>>)
      %dma_start3A_325 = arith.constant 160 : i32
      %dma_start3A_326 = arith.constant 0 : i32
      %dma_start3A_327 = tpu.memref_slice %arg11[%dma_start3A_325, %dma_start3A_326] : memref<320x64xf32, #tpu.memory_space<vmem>> -> memref<160x64xf32, #tpu.memory_space<vmem>>
      %dma_start3A_328 = arith.constant 160 : i32
      %dma_start3A_329 = tpu.memref_slice %arg10[%dma_start3A_328] : memref<5120xi32, #tpu.memory_space<vmem>> -> memref<160xi32, #tpu.memory_space<vmem>>
      %dma_start3A_330 = arith.constant 0 : i32
      %dma_start3A_331 = arith.constant 0 : i32
      %dma_start3A_332 = tpu.memref_slice %arg14[%dma_start3A_330, %dma_start3A_331] : memref<10000x64xf32, #tpu.memory_space<vmem_shared>> -> memref<10000x64xf32, #tpu.memory_space<vmem_shared>>
      tpu.enqueue_indirect_dma source(%dma_start3A_332 : memref<10000x64xf32, #tpu.memory_space<vmem_shared>>) target(%dma_start3A_327 : memref<160x64xf32, #tpu.memory_space<vmem>>) offsets(%dma_start3A_329 : memref<160xi32, #tpu.memory_space<vmem>>) semaphore(%arg15 : memref<!tpu.dma_semaphore, #tpu.memory_space<semaphore_mem>>)
      %dma_wait3A = arith.constant 0 : i32
      %dma_wait3A_333 = arith.constant 0 : i32
      %dma_wait3A_334 = tpu.memref_slice %arg11[%dma_wait3A, %dma_wait3A_333] : memref<320x64xf32, #tpu.memory_space<vmem>> -> memref<160x64xf32, #tpu.memory_space<vmem>>
      %dma_wait3A_335 = arith.constant 0 : i32
      %dma_wait3A_336 = tpu.memref_slice %arg10[%dma_wait3A_335] : memref<5120xi32, #tpu.memory_space<vmem>> -> memref<160xi32, #tpu.memory_space<vmem>>
      %dma_wait3A_337 = arith.constant 0 : i32
      %dma_wait3A_338 = arith.constant 0 : i32
      %dma_wait3A_339 = tpu.memref_slice %arg14[%dma_wait3A_337, %dma_wait3A_338] : memref<10000x64xf32, #tpu.memory_space<vmem_shared>> -> memref<10000x64xf32, #tpu.memory_space<vmem_shared>>
      tpu.wait_indirect_dma semaphore(%arg15 : memref<!tpu.dma_semaphore, #tpu.memory_space<semaphore_mem>>) src(%dma_wait3A_339 : memref<10000x64xf32, #tpu.memory_space<vmem_shared>>) dst(%dma_wait3A_334 : memref<160x64xf32, #tpu.memory_space<vmem>>)
      %dma_wait3A_340 = arith.constant 160 : i32
      %dma_wait3A_341 = arith.constant 0 : i32
      %dma_wait3A_342 = tpu.memref_slice %arg11[%dma_wait3A_340, %dma_wait3A_341] : memref<320x64xf32, #tpu.memory_space<vmem>> -> memref<160x64xf32, #tpu.memory_space<vmem>>
      %dma_wait3A_343 = arith.constant 160 : i32
      %dma_wait3A_344 = tpu.memref_slice %arg10[%dma_wait3A_343] : memref<5120xi32, #tpu.memory_space<vmem>> -> memref<160xi32, #tpu.memory_space<vmem>>
      %dma_wait3A_345 = arith.constant 0 : i32
      %dma_wait3A_346 = arith.constant 0 : i32
      %dma_wait3A_347 = tpu.memref_slice %arg14[%dma_wait3A_345, %dma_wait3A_346] : memref<10000x64xf32, #tpu.memory_space<vmem_shared>> -> memref<10000x64xf32, #tpu.memory_space<vmem_shared>>
      tpu.wait_indirect_dma semaphore(%arg15 : memref<!tpu.dma_semaphore, #tpu.memory_space<semaphore_mem>>) src(%dma_wait3A_347 : memref<10000x64xf32, #tpu.memory_space<vmem_shared>>) dst(%dma_wait3A_342 : memref<160x64xf32, #tpu.memory_space<vmem>>)
      %scan3A_348 = arith.constant 0 : i32
      %scan3A_349 = arith.constant 0 : i32
      %scan3A_350 = arith.constant 320 : i32
      %scan3A_351 = arith.addi %scan3A_349, %scan3A_350 : i32
      %scan3A_352 = arith.constant 1 : i32
      %scan3A_353 = scf.for %scan3A_356 = %scan3A_349 to %scan3A_351 step %scan3A_352 iter_args(%scan3A_357 = %scan3A_348) -> (i32)  : i32 {
        %broadcast_in_dim3A_358 = vector.broadcast %scan3A_356 : i32 to vector<16xi32>
        %broadcast_in_dim3A_359 = arith.constant 0 : i32
        %broadcast_in_dim3A_360 = vector.broadcast %broadcast_in_dim3A_359 : i32 to vector<16xi32>
        %add3A_361 = arith.addi %broadcast_in_dim3A_360, %broadcast_in_dim3A_358 : vector<16xi32>
        %gather3A = tpu.vector_load_idx %arg9[%add3A_361] : memref<5120xi32, #tpu.memory_space<vmem>>[vector<16xi32>], vector<16xi32>,
        %add3A_362 = arith.constant 0 : i32
        %add3A_363 = vector.broadcast %add3A_362 : i32 to vector<16xi32>
        %add3A_364 = arith.addi %iota3A, %add3A_363 : vector<16xi32>
        %gather3A_365 = tpu.vector_load_idx %arg12[%gather3A, %add3A_364] : memref<641x64xf32, #tpu.memory_space<vmem>>[vector<16xi32>, vector<16xi32>], vector<16xf32>,
        %gather3A_366 = tpu.vector_load_idx %arg11[%broadcast_in_dim3A_358, %add3A_364] : memref<320x64xf32, #tpu.memory_space<vmem>>[vector<16xi32>, vector<16xi32>], vector<16xf32>,
        %max3A = arith.maximumf %gather3A_365, %gather3A_366 : vector<16xf32>
        tpu.vector_store_idx %arg12[%gather3A, %add3A_364], %max3A : memref<641x64xf32, #tpu.memory_space<vmem>>[vector<16xi32>, vector<16xi32>], vector<16xf32>,
        %add3A_367 = arith.constant 16 : i32
        %add3A_368 = vector.broadcast %add3A_367 : i32 to vector<16xi32>
        %add3A_369 = arith.addi %iota3A, %add3A_368 : vector<16xi32>
        %gather3A_370 = tpu.vector_load_idx %arg12[%gather3A, %add3A_369] : memref<641x64xf32, #tpu.memory_space<vmem>>[vector<16xi32>, vector<16xi32>], vector<16xf32>,
        %gather3A_371 = tpu.vector_load_idx %arg11[%broadcast_in_dim3A_358, %add3A_369] : memref<320x64xf32, #tpu.memory_space<vmem>>[vector<16xi32>, vector<16xi32>], vector<16xf32>,
        %max3A_372 = arith.maximumf %gather3A_370, %gather3A_371 : vector<16xf32>
        tpu.vector_store_idx %arg12[%gather3A, %add3A_369], %max3A_372 : memref<641x64xf32, #tpu.memory_space<vmem>>[vector<16xi32>, vector<16xi32>], vector<16xf32>,
        %add3A_373 = arith.constant 32 : i32
        %add3A_374 = vector.broadcast %add3A_373 : i32 to vector<16xi32>
        %add3A_375 = arith.addi %iota3A, %add3A_374 : vector<16xi32>
        %gather3A_376 = tpu.vector_load_idx %arg12[%gather3A, %add3A_375] : memref<641x64xf32, #tpu.memory_space<vmem>>[vector<16xi32>, vector<16xi32>], vector<16xf32>,
        %gather3A_377 = tpu.vector_load_idx %arg11[%broadcast_in_dim3A_358, %add3A_375] : memref<320x64xf32, #tpu.memory_space<vmem>>[vector<16xi32>, vector<16xi32>], vector<16xf32>,
        %max3A_378 = arith.maximumf %gather3A_376, %gather3A_377 : vector<16xf32>
        tpu.vector_store_idx %arg12[%gather3A, %add3A_375], %max3A_378 : memref<641x64xf32, #tpu.memory_space<vmem>>[vector<16xi32>, vector<16xi32>], vector<16xf32>,
        %add3A_379 = arith.constant 48 : i32
        %add3A_380 = vector.broadcast %add3A_379 : i32 to vector<16xi32>
        %add3A_381 = arith.addi %iota3A, %add3A_380 : vector<16xi32>
        %gather3A_382 = tpu.vector_load_idx %arg12[%gather3A, %add3A_381] : memref<641x64xf32, #tpu.memory_space<vmem>>[vector<16xi32>, vector<16xi32>], vector<16xf32>,
        %gather3A_383 = tpu.vector_load_idx %arg11[%broadcast_in_dim3A_358, %add3A_381] : memref<320x64xf32, #tpu.memory_space<vmem>>[vector<16xi32>, vector<16xi32>], vector<16xf32>,
        %max3A_384 = arith.maximumf %gather3A_382, %gather3A_383 : vector<16xf32>
        tpu.vector_store_idx %arg12[%gather3A, %add3A_381], %max3A_384 : memref<641x64xf32, #tpu.memory_space<vmem>>[vector<16xi32>, vector<16xi32>], vector<16xf32>,
        %scan3A_385 = arith.constant 0 : i32
        scf.yield %scan3A_385 : i32
      }
      %scan3A_354 = arith.constant 320 : i32
      %while3A_355 = arith.constant 0 : i32
      scf.yield %while3A_355 : i32
    }
    %while3A_310 = arith.constant 1 : i32
    %while3A_311 = scf.for %while3A_312 = %while3A_307 to %while3A_303 step %while3A_310 iter_args(%while3A_313 = %while3A_309) -> (i32)  : i32 {
      %mul3A_314 = arith.constant 320 : i32
      %mul3A_315 = arith.muli %while3A_312, %mul3A_314 : i32
      "tpu.region"() ({
        %run_scoped3A = tpu.sem_alloc : memref<!tpu.dma_semaphore, #tpu.memory_space<semaphore_mem>>
        %dma_start3A_356 = arith.constant 0 : i32
        %dma_start3A_357 = tpu.memref_slice %arg9[%dma_start3A_356] : memref<5120xi32, #tpu.memory_space<vmem>> -> memref<320xi32, #tpu.memory_space<vmem>>
        %dma_start3A_358 = tpu.memref_slice %arg5[%arg1, %mul3A_315] : memref<16x345600xi32, #tpu.memory_space<hbm>> -> memref<1x320xi32, #tpu.memory_space<hbm>>
        %dma_start3A_359 = tpu.memref_squeeze %dma_start3A_358 : memref<1x320xi32, #tpu.memory_space<hbm>> -> memref<320xi32, #tpu.memory_space<hbm>>
        %dma_start3A_360 = arith.constant 0 : i32
        %dma_start3A_361 = tpu.memref_slice %arg9[%dma_start3A_360] : memref<5120xi32, #tpu.memory_space<vmem>> -> memref<320xi32, #tpu.memory_space<vmem>>
        %dma_start3A_362 = tpu.memref_slice %arg5[%arg1, %mul3A_315] : memref<16x345600xi32, #tpu.memory_space<hbm>> -> memref<1x320xi32, #tpu.memory_space<hbm>>
        %dma_start3A_363 = tpu.memref_squeeze %dma_start3A_362 : memref<1x320xi32, #tpu.memory_space<hbm>> -> memref<320xi32, #tpu.memory_space<hbm>>
        tpu.enqueue_dma source(%dma_start3A_363 : memref<320xi32, #tpu.memory_space<hbm>>) target(%dma_start3A_361 : memref<320xi32, #tpu.memory_space<vmem>>) target_semaphore(%run_scoped3A : memref<!tpu.dma_semaphore, #tpu.memory_space<semaphore_mem>>)
        %dma_wait3A_364 = arith.constant 0 : i32
        %dma_wait3A_365 = tpu.memref_slice %arg9[%dma_wait3A_364] : memref<5120xi32, #tpu.memory_space<vmem>> -> memref<320xi32, #tpu.memory_space<vmem>>
        %dma_wait3A_366 = tpu.memref_slice %arg5[%arg1, %mul3A_315] : memref<16x345600xi32, #tpu.memory_space<hbm>> -> memref<1x320xi32, #tpu.memory_space<hbm>>
        %dma_wait3A_367 = tpu.memref_squeeze %dma_wait3A_366 : memref<1x320xi32, #tpu.memory_space<hbm>> -> memref<320xi32, #tpu.memory_space<hbm>>
        %dma_wait3A_368 = arith.constant 0 : i32
        %dma_wait3A_369 = tpu.memref_slice %arg9[%dma_wait3A_368] : memref<5120xi32, #tpu.memory_space<vmem>> -> memref<320xi32, #tpu.memory_space<vmem>>
        %dma_wait3A_370 = tpu.memref_slice %arg5[%arg1, %mul3A_315] : memref<16x345600xi32, #tpu.memory_space<hbm>> -> memref<1x320xi32, #tpu.memory_space<hbm>>
        %dma_wait3A_371 = tpu.memref_squeeze %dma_wait3A_370 : memref<1x320xi32, #tpu.memory_space<hbm>> -> memref<320xi32, #tpu.memory_space<hbm>>
        tpu.wait_dma2 semaphore(%run_scoped3A : memref<!tpu.dma_semaphore, #tpu.memory_space<semaphore_mem>>) src(%dma_wait3A_371 : memref<320xi32, #tpu.memory_space<hbm>>) dst(%dma_wait3A_369 : memref<320xi32, #tpu.memory_space<vmem>>)
        tpu.yield
      }) : () -> ()
      %mul3A_316 = arith.constant 320 : i32
      %mul3A_317 = arith.muli %while3A_312, %mul3A_316 : i32
      "tpu.region"() ({
        %run_scoped3A = tpu.sem_alloc : memref<!tpu.dma_semaphore, #tpu.memory_space<semaphore_mem>>
        %dma_start3A_356 = arith.constant 0 : i32
        %dma_start3A_357 = tpu.memref_slice %arg10[%dma_start3A_356] : memref<5120xi32, #tpu.memory_space<vmem>> -> memref<320xi32, #tpu.memory_space<vmem>>
        %dma_start3A_358 = tpu.memref_slice %arg6[%arg1, %mul3A_317] : memref<16x345600xi32, #tpu.memory_space<hbm>> -> memref<1x320xi32, #tpu.memory_space<hbm>>
        %dma_start3A_359 = tpu.memref_squeeze %dma_start3A_358 : memref<1x320xi32, #tpu.memory_space<hbm>> -> memref<320xi32, #tpu.memory_space<hbm>>
        %dma_start3A_360 = arith.constant 0 : i32
        %dma_start3A_361 = tpu.memref_slice %arg10[%dma_start3A_360] : memref<5120xi32, #tpu.memory_space<vmem>> -> memref<320xi32, #tpu.memory_space<vmem>>
        %dma_start3A_362 = tpu.memref_slice %arg6[%arg1, %mul3A_317] : memref<16x345600xi32, #tpu.memory_space<hbm>> -> memref<1x320xi32, #tpu.memory_space<hbm>>
        %dma_start3A_363 = tpu.memref_squeeze %dma_start3A_362 : memref<1x320xi32, #tpu.memory_space<hbm>> -> memref<320xi32, #tpu.memory_space<hbm>>
        tpu.enqueue_dma source(%dma_start3A_363 : memref<320xi32, #tpu.memory_space<hbm>>) target(%dma_start3A_361 : memref<320xi32, #tpu.memory_space<vmem>>) target_semaphore(%run_scoped3A : memref<!tpu.dma_semaphore, #tpu.memory_space<semaphore_mem>>)
        %dma_wait3A_364 = arith.constant 0 : i32
        %dma_wait3A_365 = tpu.memref_slice %arg10[%dma_wait3A_364] : memref<5120xi32, #tpu.memory_space<vmem>> -> memref<320xi32, #tpu.memory_space<vmem>>
        %dma_wait3A_366 = tpu.memref_slice %arg6[%arg1, %mul3A_317] : memref<16x345600xi32, #tpu.memory_space<hbm>> -> memref<1x320xi32, #tpu.memory_space<hbm>>
        %dma_wait3A_367 = tpu.memref_squeeze %dma_wait3A_366 : memref<1x320xi32, #tpu.memory_space<hbm>> -> memref<320xi32, #tpu.memory_space<hbm>>
        %dma_wait3A_368 = arith.constant 0 : i32
        %dma_wait3A_369 = tpu.memref_slice %arg10[%dma_wait3A_368] : memref<5120xi32, #tpu.memory_space<vmem>> -> memref<320xi32, #tpu.memory_space<vmem>>
        %dma_wait3A_370 = tpu.memref_slice %arg6[%arg1, %mul3A_317] : memref<16x345600xi32, #tpu.memory_space<hbm>> -> memref<1x320xi32, #tpu.memory_space<hbm>>
        %dma_wait3A_371 = tpu.memref_squeeze %dma_wait3A_370 : memref<1x320xi32, #tpu.memory_space<hbm>> -> memref<320xi32, #tpu.memory_space<hbm>>
        tpu.wait_dma2 semaphore(%run_scoped3A : memref<!tpu.dma_semaphore, #tpu.memory_space<semaphore_mem>>) src(%dma_wait3A_371 : memref<320xi32, #tpu.memory_space<hbm>>) dst(%dma_wait3A_369 : memref<320xi32, #tpu.memory_space<vmem>>)
        tpu.yield
      }) : () -> ()
      %dma_start3A = arith.constant 0 : i32
      %dma_start3A_318 = arith.constant 0 : i32
      %dma_start3A_319 = tpu.memref_slice %arg11[%dma_start3A, %dma_start3A_318] : memref<320x64xf32, #tpu.memory_space<vmem>> -> memref<160x64xf32, #tpu.memory_space<vmem>>
      %dma_start3A_320 = arith.constant 0 : i32
      %dma_start3A_321 = tpu.memref_slice %arg10[%dma_start3A_320] : memref<5120xi32, #tpu.memory_space<vmem>> -> memref<160xi32, #tpu.memory_space<vmem>>
      %dma_start3A_322 = arith.constant 0 : i32
      %dma_start3A_323 = arith.constant 0 : i32
      %dma_start3A_324 = tpu.memref_slice %arg14[%dma_start3A_322, %dma_start3A_323] : memref<10000x64xf32, #tpu.memory_space<vmem_shared>> -> memref<10000x64xf32, #tpu.memory_space<vmem_shared>>
      tpu.enqueue_indirect_dma source(%dma_start3A_324 : memref<10000x64xf32, #tpu.memory_space<vmem_shared>>) target(%dma_start3A_319 : memref<160x64xf32, #tpu.memory_space<vmem>>) offsets(%dma_start3A_321 : memref<160xi32, #tpu.memory_space<vmem>>) semaphore(%arg15 : memref<!tpu.dma_semaphore, #tpu.memory_space<semaphore_mem>>)
      %dma_start3A_325 = arith.constant 160 : i32
      %dma_start3A_326 = arith.constant 0 : i32
      %dma_start3A_327 = tpu.memref_slice %arg11[%dma_start3A_325, %dma_start3A_326] : memref<320x64xf32, #tpu.memory_space<vmem>> -> memref<160x64xf32, #tpu.memory_space<vmem>>
      %dma_start3A_328 = arith.constant 160 : i32
      %dma_start3A_329 = tpu.memref_slice %arg10[%dma_start3A_328] : memref<5120xi32, #tpu.memory_space<vmem>> -> memref<160xi32, #tpu.memory_space<vmem>>
      %dma_start3A_330 = arith.constant 0 : i32
      %dma_start3A_331 = arith.constant 0 : i32
      %dma_start3A_332 = tpu.memref_slice %arg14[%dma_start3A_330, %dma_start3A_331] : memref<10000x64xf32, #tpu.memory_space<vmem_shared>> -> memref<10000x64xf32, #tpu.memory_space<vmem_shared>>
      tpu.enqueue_indirect_dma source(%dma_start3A_332 : memref<10000x64xf32, #tpu.memory_space<vmem_shared>>) target(%dma_start3A_327 : memref<160x64xf32, #tpu.memory_space<vmem>>) offsets(%dma_start3A_329 : memref<160xi32, #tpu.memory_space<vmem>>) semaphore(%arg15 : memref<!tpu.dma_semaphore, #tpu.memory_space<semaphore_mem>>)
      %dma_wait3A = arith.constant 0 : i32
      %dma_wait3A_333 = arith.constant 0 : i32
      %dma_wait3A_334 = tpu.memref_slice %arg11[%dma_wait3A, %dma_wait3A_333] : memref<320x64xf32, #tpu.memory_space<vmem>> -> memref<160x64xf32, #tpu.memory_space<vmem>>
      %dma_wait3A_335 = arith.constant 0 : i32
      %dma_wait3A_336 = tpu.memref_slice %arg10[%dma_wait3A_335] : memref<5120xi32, #tpu.memory_space<vmem>> -> memref<160xi32, #tpu.memory_space<vmem>>
      %dma_wait3A_337 = arith.constant 0 : i32
      %dma_wait3A_338 = arith.constant 0 : i32
      %dma_wait3A_339 = tpu.memref_slice %arg14[%dma_wait3A_337, %dma_wait3A_338] : memref<10000x64xf32, #tpu.memory_space<vmem_shared>> -> memref<10000x64xf32, #tpu.memory_space<vmem_shared>>
      tpu.wait_indirect_dma semaphore(%arg15 : memref<!tpu.dma_semaphore, #tpu.memory_space<semaphore_mem>>) src(%dma_wait3A_339 : memref<10000x64xf32, #tpu.memory_space<vmem_shared>>) dst(%dma_wait3A_334 : memref<160x64xf32, #tpu.memory_space<vmem>>)
      %dma_wait3A_340 = arith.constant 160 : i32
      %dma_wait3A_341 = arith.constant 0 : i32
      %dma_wait3A_342 = tpu.memref_slice %arg11[%dma_wait3A_340, %dma_wait3A_341] : memref<320x64xf32, #tpu.memory_space<vmem>> -> memref<160x64xf32, #tpu.memory_space<vmem>>
      %dma_wait3A_343 = arith.constant 160 : i32
      %dma_wait3A_344 = tpu.memref_slice %arg10[%dma_wait3A_343] : memref<5120xi32, #tpu.memory_space<vmem>> -> memref<160xi32, #tpu.memory_space<vmem>>
      %dma_wait3A_345 = arith.constant 0 : i32
      %dma_wait3A_346 = arith.constant 0 : i32
      %dma_wait3A_347 = tpu.memref_slice %arg14[%dma_wait3A_345, %dma_wait3A_346] : memref<10000x64xf32, #tpu.memory_space<vmem_shared>> -> memref<10000x64xf32, #tpu.memory_space<vmem_shared>>
      tpu.wait_indirect_dma semaphore(%arg15 : memref<!tpu.dma_semaphore, #tpu.memory_space<semaphore_mem>>) src(%dma_wait3A_347 : memref<10000x64xf32, #tpu.memory_space<vmem_shared>>) dst(%dma_wait3A_342 : memref<160x64xf32, #tpu.memory_space<vmem>>)
      %scan3A_348 = arith.constant 0 : i32
      %scan3A_349 = arith.constant 0 : i32
      %scan3A_350 = arith.constant 320 : i32
      %scan3A_351 = arith.addi %scan3A_349, %scan3A_350 : i32
      %scan3A_352 = arith.constant 1 : i32
      %scan3A_353 = scf.for %scan3A_356 = %scan3A_349 to %scan3A_351 step %scan3A_352 iter_args(%scan3A_357 = %scan3A_348) -> (i32)  : i32 {
        %broadcast_in_dim3A_358 = vector.broadcast %scan3A_356 : i32 to vector<16xi32>
        %broadcast_in_dim3A_359 = arith.constant 0 : i32
        %broadcast_in_dim3A_360 = vector.broadcast %broadcast_in_dim3A_359 : i32 to vector<16xi32>
        %add3A_361 = arith.addi %broadcast_in_dim3A_360, %broadcast_in_dim3A_358 : vector<16xi32>
        %gather3A = tpu.vector_load_idx %arg9[%add3A_361] : memref<5120xi32, #tpu.memory_space<vmem>>[vector<16xi32>], vector<16xi32>,
        %add3A_362 = arith.constant 0 : i32
        %add3A_363 = vector.broadcast %add3A_362 : i32 to vector<16xi32>
        %add3A_364 = arith.addi %iota3A, %add3A_363 : vector<16xi32>
        %gather3A_365 = tpu.vector_load_idx %arg12[%gather3A, %add3A_364] : memref<641x64xf32, #tpu.memory_space<vmem>>[vector<16xi32>, vector<16xi32>], vector<16xf32>,
        %gather3A_366 = tpu.vector_load_idx %arg11[%broadcast_in_dim3A_358, %add3A_364] : memref<320x64xf32, #tpu.memory_space<vmem>>[vector<16xi32>, vector<16xi32>], vector<16xf32>,
        %max3A = arith.maximumf %gather3A_365, %gather3A_366 : vector<16xf32>
        tpu.vector_store_idx %arg12[%gather3A, %add3A_364], %max3A : memref<641x64xf32, #tpu.memory_space<vmem>>[vector<16xi32>, vector<16xi32>], vector<16xf32>,
        %add3A_367 = arith.constant 16 : i32
        %add3A_368 = vector.broadcast %add3A_367 : i32 to vector<16xi32>
        %add3A_369 = arith.addi %iota3A, %add3A_368 : vector<16xi32>
        %gather3A_370 = tpu.vector_load_idx %arg12[%gather3A, %add3A_369] : memref<641x64xf32, #tpu.memory_space<vmem>>[vector<16xi32>, vector<16xi32>], vector<16xf32>,
        %gather3A_371 = tpu.vector_load_idx %arg11[%broadcast_in_dim3A_358, %add3A_369] : memref<320x64xf32, #tpu.memory_space<vmem>>[vector<16xi32>, vector<16xi32>], vector<16xf32>,
        %max3A_372 = arith.maximumf %gather3A_370, %gather3A_371 : vector<16xf32>
        tpu.vector_store_idx %arg12[%gather3A, %add3A_369], %max3A_372 : memref<641x64xf32, #tpu.memory_space<vmem>>[vector<16xi32>, vector<16xi32>], vector<16xf32>,
        %add3A_373 = arith.constant 32 : i32
        %add3A_374 = vector.broadcast %add3A_373 : i32 to vector<16xi32>
        %add3A_375 = arith.addi %iota3A, %add3A_374 : vector<16xi32>
        %gather3A_376 = tpu.vector_load_idx %arg12[%gather3A, %add3A_375] : memref<641x64xf32, #tpu.memory_space<vmem>>[vector<16xi32>, vector<16xi32>], vector<16xf32>,
        %gather3A_377 = tpu.vector_load_idx %arg11[%broadcast_in_dim3A_358, %add3A_375] : memref<320x64xf32, #tpu.memory_space<vmem>>[vector<16xi32>, vector<16xi32>], vector<16xf32>,
        %max3A_378 = arith.maximumf %gather3A_376, %gather3A_377 : vector<16xf32>
        tpu.vector_store_idx %arg12[%gather3A, %add3A_375], %max3A_378 : memref<641x64xf32, #tpu.memory_space<vmem>>[vector<16xi32>, vector<16xi32>], vector<16xf32>,
        %add3A_379 = arith.constant 48 : i32
        %add3A_380 = vector.broadcast %add3A_379 : i32 to vector<16xi32>
        %add3A_381 = arith.addi %iota3A, %add3A_380 : vector<16xi32>
        %gather3A_382 = tpu.vector_load_idx %arg12[%gather3A, %add3A_381] : memref<641x64xf32, #tpu.memory_space<vmem>>[vector<16xi32>, vector<16xi32>], vector<16xf32>,
        %gather3A_383 = tpu.vector_load_idx %arg11[%broadcast_in_dim3A_358, %add3A_381] : memref<320x64xf32, #tpu.memory_space<vmem>>[vector<16xi32>, vector<16xi32>], vector<16xf32>,
        %max3A_384 = arith.maximumf %gather3A_382, %gather3A_383 : vector<16xf32>
        tpu.vector_store_idx %arg12[%gather3A, %add3A_381], %max3A_384 : memref<641x64xf32, #tpu.memory_space<vmem>>[vector<16xi32>, vector<16xi32>], vector<16xf32>,
        %scan3A_385 = arith.constant 0 : i32
        scf.yield %scan3A_385 : i32
      }
      %scan3A_354 = arith.constant 320 : i32
      %while3A_355 = arith.constant 0 : i32
      scf.yield %while3A_355 : i32
    }
    "tpu.region"() ({
      %run_scoped3A = tpu.sem_alloc : memref<!tpu.dma_semaphore, #tpu.memory_space<semaphore_mem>>
      %dma_start3A = arith.constant 0 : i32
      %dma_start3A_312 = arith.constant 0 : i32
      %dma_start3A_313 = tpu.memref_slice %arg12[%dma_start3A, %dma_start3A_312] : memref<641x64xf32, #tpu.memory_space<vmem>> -> memref<640x64xf32, #tpu.memory_space<vmem>>
      %dma_start3A_314 = arith.constant 0 : i32
      %dma_start3A_315 = tpu.memref_slice %arg8[%arg0, %mul3A_0, %dma_start3A_314] : memref<2x10240x64xf32, #tpu.memory_space<hbm>> -> memref<1x640x64xf32, #tpu.memory_space<hbm>>
      %dma_start3A_316 = tpu.memref_squeeze %dma_start3A_315 : memref<1x640x64xf32, #tpu.memory_space<hbm>> -> memref<640x64xf32, #tpu.memory_space<hbm>>
      %dma_start3A_317 = arith.constant 0 : i32
      %dma_start3A_318 = tpu.memref_slice %arg8[%arg0, %mul3A_0, %dma_start3A_317] : memref<2x10240x64xf32, #tpu.memory_space<hbm>> -> memref<1x640x64xf32, #tpu.memory_space<hbm>>
      %dma_start3A_319 = tpu.memref_squeeze %dma_start3A_318 : memref<1x640x64xf32, #tpu.memory_space<hbm>> -> memref<640x64xf32, #tpu.memory_space<hbm>>
      %dma_start3A_320 = arith.constant 0 : i32
      %dma_start3A_321 = arith.constant 0 : i32
      %dma_start3A_322 = tpu.memref_slice %arg12[%dma_start3A_320, %dma_start3A_321] : memref<641x64xf32, #tpu.memory_space<vmem>> -> memref<640x64xf32, #tpu.memory_space<vmem>>
      tpu.enqueue_dma source(%dma_start3A_322 : memref<640x64xf32, #tpu.memory_space<vmem>>) target(%dma_start3A_319 : memref<640x64xf32, #tpu.memory_space<hbm>>) target_semaphore(%run_scoped3A : memref<!tpu.dma_semaphore, #tpu.memory_space<semaphore_mem>>)
      %dma_wait3A = arith.constant 0 : i32
      %dma_wait3A_323 = arith.constant 0 : i32
      %dma_wait3A_324 = tpu.memref_slice %arg12[%dma_wait3A, %dma_wait3A_323] : memref<641x64xf32, #tpu.memory_space<vmem>> -> memref<640x64xf32, #tpu.memory_space<vmem>>
      %dma_wait3A_325 = arith.constant 0 : i32
      %dma_wait3A_326 = tpu.memref_slice %arg8[%arg0, %mul3A_0, %dma_wait3A_325] : memref<2x10240x64xf32, #tpu.memory_space<hbm>> -> memref<1x640x64xf32, #tpu.memory_space<hbm>>
      %dma_wait3A_327 = tpu.memref_squeeze %dma_wait3A_326 : memref<1x640x64xf32, #tpu.memory_space<hbm>> -> memref<640x64xf32, #tpu.memory_space<hbm>>
      %dma_wait3A_328 = arith.constant 0 : i32
      %dma_wait3A_329 = tpu.memref_slice %arg8[%arg0, %mul3A_0, %dma_wait3A_328] : memref<2x10240x64xf32, #tpu.memory_space<hbm>> -> memref<1x640x64xf32, #tpu.memory_space<hbm>>
      %dma_wait3A_330 = tpu.memref_squeeze %dma_wait3A_329 : memref<1x640x64xf32, #tpu.memory_space<hbm>> -> memref<640x64xf32, #tpu.memory_space<hbm>>
      %dma_wait3A_331 = arith.constant 0 : i32
      %dma_wait3A_332 = arith.constant 0 : i32
      %dma_wait3A_333 = tpu.memref_slice %arg12[%dma_wait3A_331, %dma_wait3A_332] : memref<641x64xf32, #tpu.memory_space<vmem>> -> memref<640x64xf32, #tpu.memory_space<vmem>>
      tpu.wait_dma2 semaphore(%run_scoped3A : memref<!tpu.dma_semaphore, #tpu.memory_space<semaphore_mem>>) src(%dma_wait3A_333 : memref<640x64xf32, #tpu.memory_space<vmem>>) dst(%dma_wait3A_330 : memref<640x64xf32, #tpu.memory_space<hbm>>)
      tpu.yield
    }) : () -> ()
    return
  }
}

#map = affine_map<(d0, d1) -> (0, 0, 0)>
#map1 = affine_map<(d0, d1) -> (0)>
#map2 = affine_map<(d0, d1) -> (0, 0)>
module attributes {stable_mosaic.version = 14 : i64} {
  func.func @_segmax1_body(%arg0: i32, %arg1: i32, %arg2: memref<2x10000x64xf32, #tpu.memory_space<hbm>>, %arg3: memref<320000xi32, #tpu.memory_space<hbm>>, %arg4: memref<320000xi32, #tpu.memory_space<hbm>>, %arg5: memref<2x10240x64xf32, #tpu.memory_space<hbm>>, %arg6: memref<16x25600xi32, #tpu.memory_space<hbm>>, %arg7: memref<16x25600xi32, #tpu.memory_space<hbm>>, %arg8: memref<16x345600xi32, #tpu.memory_space<hbm>>, %arg9: memref<16x345600xi32, #tpu.memory_space<hbm>>, %arg10: memref<16x16xi32, #tpu.memory_space<hbm>>, %arg11: memref<4000xi32, #tpu.memory_space<vmem>>, %arg12: memref<4000xi32, #tpu.memory_space<vmem>>, %arg13: memref<4320xi32, #tpu.memory_space<vmem>>, %arg14: memref<4320xi32, #tpu.memory_space<vmem>>, %arg15: memref<320x64xf32, #tpu.memory_space<vmem>>, %arg16: memref<641x64xf32, #tpu.memory_space<vmem>>, %arg17: memref<10000x64xf32, #tpu.memory_space<vmem_shared>>, %arg18: memref<!tpu.dma_semaphore, #tpu.memory_space<semaphore_mem>>, %arg19: memref<!tpu.dma_semaphore, #tpu.memory_space<semaphore_mem>>) attributes {dimension_semantics = [#tpu.dimension_semantics<core_parallel>, #tpu.dimension_semantics<subcore_parallel>], iteration_bounds = array<i64: 2, 16>, scalar_prefetch = 0 : i64, scratch_operands = 9 : i64, tpu.core_type = #tpu.core_type<sc_vector_subcore>, window_params = [{transform_indices = #map}, {transform_indices = #map1}, {transform_indices = #map1}, {transform_indices = #map}, {transform_indices = #map2}, {transform_indices = #map2}, {transform_indices = #map2}, {transform_indices = #map2}, {transform_indices = #map2}]} {
    %mul3A = arith.constant 640 : i32
    %mul3A_0 = arith.muli %arg1, %mul3A : i32
    %iota3A = tpu.iota {dimensions = array<i32: 0>} : vector<16xi32>
    %eq3A = arith.constant 0 : i32
    %eq3A_1 = arith.cmpi eq, %arg1, %eq3A : i32
    %convert_element_type3A = arith.extui %eq3A_1 : i1 to i32
    %cond3A = arith.constant 0 : i32
    %cond3A_2 = arith.cmpi ne, %convert_element_type3A, %cond3A : i32
    scf.if %cond3A_2 {
      "tpu.region"() ({
        %run_scoped3A = tpu.sem_alloc : memref<!tpu.dma_semaphore, #tpu.memory_space<semaphore_mem>>
        %dma_start3A = arith.constant 0 : i32
        %dma_start3A_22 = arith.constant 0 : i32
        %dma_start3A_23 = tpu.memref_slice %arg2[%arg0, %dma_start3A, %dma_start3A_22] : memref<2x10000x64xf32, #tpu.memory_space<hbm>> -> memref<1x10000x64xf32, #tpu.memory_space<hbm>>
        %dma_start3A_24 = tpu.memref_squeeze %dma_start3A_23 : memref<1x10000x64xf32, #tpu.memory_space<hbm>> -> memref<10000x64xf32, #tpu.memory_space<hbm>>
        tpu.enqueue_dma source(%dma_start3A_24 : memref<10000x64xf32, #tpu.memory_space<hbm>>) target(%arg17 : memref<10000x64xf32, #tpu.memory_space<vmem_shared>>) target_semaphore(%run_scoped3A : memref<!tpu.dma_semaphore, #tpu.memory_space<semaphore_mem>>)
        %dma_wait3A = arith.constant 0 : i32
        %dma_wait3A_25 = arith.constant 0 : i32
        %dma_wait3A_26 = tpu.memref_slice %arg2[%arg0, %dma_wait3A, %dma_wait3A_25] : memref<2x10000x64xf32, #tpu.memory_space<hbm>> -> memref<1x10000x64xf32, #tpu.memory_space<hbm>>
        %dma_wait3A_27 = tpu.memref_squeeze %dma_wait3A_26 : memref<1x10000x64xf32, #tpu.memory_space<hbm>> -> memref<10000x64xf32, #tpu.memory_space<hbm>>
        tpu.wait_dma2 semaphore(%run_scoped3A : memref<!tpu.dma_semaphore, #tpu.memory_space<semaphore_mem>>) src(%dma_wait3A_27 : memref<10000x64xf32, #tpu.memory_space<hbm>>) dst(%arg17 : memref<10000x64xf32, #tpu.memory_space<vmem_shared>>)
        tpu.yield
      }) : () -> ()
    } else {
    }
    %barrier3A = arith.constant 0 : index
    tpu.barrier barrier_id(%barrier3A)
    %broadcast_in_dim3A = arith.constant 0xFF800000 : f32
    %broadcast_in_dim3A_3 = vector.broadcast %broadcast_in_dim3A : f32 to vector<16xf32>
    %scan3A = arith.constant 0 : i32
    %scan3A_4 = arith.constant 0 : i32
    %scan3A_5 = arith.constant 2564 : i32
    %scan3A_6 = arith.addi %scan3A_4, %scan3A_5 : i32
    %scan3A_7 = arith.constant 1 : i32
    %scan3A_8 = scf.for %scan3A_22 = %scan3A_4 to %scan3A_6 step %scan3A_7 iter_args(%scan3A_23 = %scan3A) -> (i32)  : i32 {
      %jit3A = arith.constant 4 : i32
      %div3A = arith.divsi %scan3A_22, %jit3A : i32
      %sign3A = arith.constant 0 : i32
      %sign3A_24 = arith.cmpi sgt, %scan3A_22, %sign3A : i32
      %sign3A_25 = arith.extui %sign3A_24 : i1 to i32
      %sign3A_26 = arith.constant 0 : i32
      %sign3A_27 = arith.cmpi slt, %scan3A_22, %sign3A_26 : i32
      %sign3A_28 = arith.extui %sign3A_27 : i1 to i32
      %sign3A_29 = arith.subi %sign3A_25, %sign3A_28 : i32
      %sign3A_30 = arith.constant 0 : i32
      %sign3A_31 = arith.cmpi sgt, %jit3A, %sign3A_30 : i32
      %sign3A_32 = arith.extui %sign3A_31 : i1 to i32
      %sign3A_33 = arith.constant 0 : i32
      %sign3A_34 = arith.cmpi slt, %jit3A, %sign3A_33 : i32
      %sign3A_35 = arith.extui %sign3A_34 : i1 to i32
      %sign3A_36 = arith.subi %sign3A_32, %sign3A_35 : i32
      %ne3A = arith.cmpi ne, %sign3A_29, %sign3A_36 : i32
      %rem3A = arith.remsi %scan3A_22, %jit3A : i32
      %ne3A_37 = arith.constant 0 : i32
      %ne3A_38 = arith.cmpi ne, %rem3A, %ne3A_37 : i32
      %and3A = arith.andi %ne3A, %ne3A_38 : i1
      %sub3A = arith.constant 1 : i32
      %sub3A_39 = arith.subi %div3A, %sub3A : i32
      %select_n3A = arith.select %and3A, %sub3A_39, %div3A : i32
      %mul3A_40 = arith.constant 4 : i32
      %mul3A_41 = arith.muli %select_n3A, %mul3A_40 : i32
      %sub3A_42 = arith.subi %scan3A_22, %mul3A_41 : i32
      %mul3A_43 = arith.constant 16 : i32
      %mul3A_44 = arith.muli %sub3A_42, %mul3A_43 : i32
      %swap3A = arith.index_cast %select_n3A : i32 to index
      %swap3A_45 = arith.index_cast %mul3A_44 : i32 to index
      %swap3A_46 = tpu.vector_load %arg16[%swap3A, %swap3A_45] {strides = array<i32>} : memref<641x64xf32, #tpu.memory_space<vmem>>, vector<16xf32>,
      tpu.vector_store %arg16[%swap3A, %swap3A_45], %broadcast_in_dim3A_3 {strides = array<i32>} : memref<641x64xf32, #tpu.memory_space<vmem>>, vector<16xf32>,
      %scan3A_47 = arith.constant 0 : i32
      scf.yield %scan3A_47 : i32
    }
    %scan3A_9 = arith.constant 2564 : i32
    %scan3A_10 = arith.constant 0 : i32
    %scan3A_11 = arith.constant 0 : i32
    %scan3A_12 = arith.constant 80 : i32
    %scan3A_13 = arith.addi %scan3A_11, %scan3A_12 : i32
    %scan3A_14 = arith.constant 1 : i32
    %scan3A_15 = scf.for %scan3A_22 = %scan3A_11 to %scan3A_13 step %scan3A_14 iter_args(%scan3A_23 = %scan3A_10) -> (i32)  : i32 {
      %eq3A_24 = arith.constant 0 : i32
      %eq3A_25 = arith.cmpi eq, %arg0, %eq3A_24 : i32
      %gt3A = arith.constant 0 : i32
      %gt3A_26 = arith.cmpi sgt, %scan3A_22, %gt3A : i32
      %and3A = arith.andi %eq3A_25, %gt3A_26 : i1
      %convert_element_type3A_27 = arith.extui %and3A : i1 to i32
      %cond3A_28 = arith.constant 0 : i32
      %cond3A_29 = arith.cmpi ne, %convert_element_type3A_27, %cond3A_28 : i32
      scf.if %cond3A_29 {
        %dma_wait3A = arith.constant 0 : i32
        %dma_wait3A_248 = arith.constant 0 : i32
        %dma_wait3A_249 = tpu.memref_slice %arg13[%dma_wait3A_248] : memref<4320xi32, #tpu.memory_space<vmem>> -> memref<320xi32, #tpu.memory_space<vmem>>
        %dma_wait3A_250 = arith.constant 0 : i32
        %dma_wait3A_251 = tpu.memref_slice %arg6[%dma_wait3A, %dma_wait3A_250] : memref<16x25600xi32, #tpu.memory_space<hbm>> -> memref<1x320xi32, #tpu.memory_space<hbm>>
        %dma_wait3A_252 = tpu.memref_squeeze %dma_wait3A_251 : memref<1x320xi32, #tpu.memory_space<hbm>> -> memref<320xi32, #tpu.memory_space<hbm>>
        %dma_wait3A_253 = arith.constant 0 : i32
        %dma_wait3A_254 = tpu.memref_slice %arg6[%dma_wait3A, %dma_wait3A_253] : memref<16x25600xi32, #tpu.memory_space<hbm>> -> memref<1x320xi32, #tpu.memory_space<hbm>>
        %dma_wait3A_255 = tpu.memref_squeeze %dma_wait3A_254 : memref<1x320xi32, #tpu.memory_space<hbm>> -> memref<320xi32, #tpu.memory_space<hbm>>
        %dma_wait3A_256 = arith.constant 0 : i32
        %dma_wait3A_257 = tpu.memref_slice %arg13[%dma_wait3A_256] : memref<4320xi32, #tpu.memory_space<vmem>> -> memref<320xi32, #tpu.memory_space<vmem>>
        tpu.wait_dma2 semaphore(%arg19 : memref<!tpu.dma_semaphore, #tpu.memory_space<semaphore_mem>>) src(%dma_wait3A_257 : memref<320xi32, #tpu.memory_space<vmem>>) dst(%dma_wait3A_255 : memref<320xi32, #tpu.memory_space<hbm>>)
        %dma_wait3A_258 = arith.constant 0 : i32
        %dma_wait3A_259 = arith.constant 0 : i32
        %dma_wait3A_260 = tpu.memref_slice %arg14[%dma_wait3A_259] : memref<4320xi32, #tpu.memory_space<vmem>> -> memref<320xi32, #tpu.memory_space<vmem>>
        %dma_wait3A_261 = arith.constant 0 : i32
        %dma_wait3A_262 = tpu.memref_slice %arg7[%dma_wait3A_258, %dma_wait3A_261] : memref<16x25600xi32, #tpu.memory_space<hbm>> -> memref<1x320xi32, #tpu.memory_space<hbm>>
        %dma_wait3A_263 = tpu.memref_squeeze %dma_wait3A_262 : memref<1x320xi32, #tpu.memory_space<hbm>> -> memref<320xi32, #tpu.memory_space<hbm>>
        %dma_wait3A_264 = arith.constant 0 : i32
        %dma_wait3A_265 = tpu.memref_slice %arg7[%dma_wait3A_258, %dma_wait3A_264] : memref<16x25600xi32, #tpu.memory_space<hbm>> -> memref<1x320xi32, #tpu.memory_space<hbm>>
        %dma_wait3A_266 = tpu.memref_squeeze %dma_wait3A_265 : memref<1x320xi32, #tpu.memory_space<hbm>> -> memref<320xi32, #tpu.memory_space<hbm>>
        %dma_wait3A_267 = arith.constant 0 : i32
        %dma_wait3A_268 = tpu.memref_slice %arg14[%dma_wait3A_267] : memref<4320xi32, #tpu.memory_space<vmem>> -> memref<320xi32, #tpu.memory_space<vmem>>
        tpu.wait_dma2 semaphore(%arg19 : memref<!tpu.dma_semaphore, #tpu.memory_space<semaphore_mem>>) src(%dma_wait3A_268 : memref<320xi32, #tpu.memory_space<vmem>>) dst(%dma_wait3A_266 : memref<320xi32, #tpu.memory_space<hbm>>)
      } else {
      }
      %mul3A_30 = arith.constant 4000 : i32
      %mul3A_31 = arith.muli %scan3A_22, %mul3A_30 : i32
      "tpu.region"() ({
        %run_scoped3A = tpu.sem_alloc : memref<!tpu.dma_semaphore, #tpu.memory_space<semaphore_mem>>
        %dma_start3A = tpu.memref_slice %arg3[%mul3A_31] : memref<320000xi32, #tpu.memory_space<hbm>> -> memref<4000xi32, #tpu.memory_space<hbm>>
        %dma_start3A_248 = tpu.memref_slice %arg3[%mul3A_31] : memref<320000xi32, #tpu.memory_space<hbm>> -> memref<4000xi32, #tpu.memory_space<hbm>>
        tpu.enqueue_dma source(%dma_start3A_248 : memref<4000xi32, #tpu.memory_space<hbm>>) target(%arg11 : memref<4000xi32, #tpu.memory_space<vmem>>) target_semaphore(%run_scoped3A : memref<!tpu.dma_semaphore, #tpu.memory_space<semaphore_mem>>)
        %dma_wait3A = tpu.memref_slice %arg3[%mul3A_31] : memref<320000xi32, #tpu.memory_space<hbm>> -> memref<4000xi32, #tpu.memory_space<hbm>>
        %dma_wait3A_249 = tpu.memref_slice %arg3[%mul3A_31] : memref<320000xi32, #tpu.memory_space<hbm>> -> memref<4000xi32, #tpu.memory_space<hbm>>
        tpu.wait_dma2 semaphore(%run_scoped3A : memref<!tpu.dma_semaphore, #tpu.memory_space<semaphore_mem>>) src(%dma_wait3A_249 : memref<4000xi32, #tpu.memory_space<hbm>>) dst(%arg11 : memref<4000xi32, #tpu.memory_space<vmem>>)
        tpu.yield
      }) : () -> ()
      %mul3A_32 = arith.constant 4000 : i32
      %mul3A_33 = arith.muli %scan3A_22, %mul3A_32 : i32
      "tpu.region"() ({
        %run_scoped3A = tpu.sem_alloc : memref<!tpu.dma_semaphore, #tpu.memory_space<semaphore_mem>>
        %dma_start3A = tpu.memref_slice %arg4[%mul3A_33] : memref<320000xi32, #tpu.memory_space<hbm>> -> memref<4000xi32, #tpu.memory_space<hbm>>
        %dma_start3A_248 = tpu.memref_slice %arg4[%mul3A_33] : memref<320000xi32, #tpu.memory_space<hbm>> -> memref<4000xi32, #tpu.memory_space<hbm>>
        tpu.enqueue_dma source(%dma_start3A_248 : memref<4000xi32, #tpu.memory_space<hbm>>) target(%arg12 : memref<4000xi32, #tpu.memory_space<vmem>>) target_semaphore(%run_scoped3A : memref<!tpu.dma_semaphore, #tpu.memory_space<semaphore_mem>>)
        %dma_wait3A = tpu.memref_slice %arg4[%mul3A_33] : memref<320000xi32, #tpu.memory_space<hbm>> -> memref<4000xi32, #tpu.memory_space<hbm>>
        %dma_wait3A_249 = tpu.memref_slice %arg4[%mul3A_33] : memref<320000xi32, #tpu.memory_space<hbm>> -> memref<4000xi32, #tpu.memory_space<hbm>>
        tpu.wait_dma2 semaphore(%run_scoped3A : memref<!tpu.dma_semaphore, #tpu.memory_space<semaphore_mem>>) src(%dma_wait3A_249 : memref<4000xi32, #tpu.memory_space<hbm>>) dst(%arg12 : memref<4000xi32, #tpu.memory_space<vmem>>)
        tpu.yield
      }) : () -> ()
      %scan3A_34 = arith.constant 0 : i32
      %scan3A_35 = arith.constant 0 : i32
      %scan3A_36 = arith.constant 250 : i32
      %scan3A_37 = arith.addi %scan3A_35, %scan3A_36 : i32
      %scan3A_38 = arith.constant 1 : i32
      %scan3A_39 = scf.for %scan3A_248 = %scan3A_35 to %scan3A_37 step %scan3A_38 iter_args(%scan3A_249 = %scan3A_34) -> (i32)  : i32 {
        %mul3A_250 = arith.constant 16 : i32
        %mul3A_251 = arith.muli %scan3A_248, %mul3A_250 : i32
        %get3A = arith.index_cast %mul3A_251 : i32 to index
        %get3A_252 = tpu.vector_load %arg11[%get3A] {strides = array<i32>} : memref<4000xi32, #tpu.memory_space<vmem>>, vector<16xi32>,
        %mul3A_253 = arith.constant 16 : i32
        %mul3A_254 = arith.muli %scan3A_248, %mul3A_253 : i32
        %get3A_255 = arith.index_cast %mul3A_254 : i32 to index
        %get3A_256 = tpu.vector_load %arg12[%get3A_255] {strides = array<i32>} : memref<4000xi32, #tpu.memory_space<vmem>>, vector<16xi32>,
        %sub3A_257 = vector.broadcast %mul3A_0 : i32 to vector<16xi32>
        %sub3A_258 = arith.subi %get3A_252, %sub3A_257 : vector<16xi32>
        %ge3A = arith.constant 0 : i32
        %ge3A_259 = vector.broadcast %ge3A : i32 to vector<16xi32>
        %ge3A_260 = arith.cmpi sge, %sub3A_258, %ge3A_259 : vector<16xi32>
        %lt3A = arith.constant 640 : i32
        %lt3A_261 = vector.broadcast %lt3A : i32 to vector<16xi32>
        %lt3A_262 = arith.cmpi slt, %sub3A_258, %lt3A_261 : vector<16xi32>
        %and3A_263 = arith.andi %ge3A_260, %lt3A_262 : vector<16xi1>
        %convert_element_type3A_264 = arith.extui %and3A_263 : vector<16xi1> to vector<16xi32>
        %swap3A = arith.index_cast %scan3A_249 : i32 to index
        %swap3A_265 = tpu.vector_load %arg13[%swap3A] masked %and3A_263 {strides = array<i32>} : memref<4320xi32, #tpu.memory_space<vmem>>, vector<16xi32>, vector<16xi1>
        tpu.vector_store %arg13[%swap3A], %sub3A_258 masked %and3A_263 {strides = array<i32>} : memref<4320xi32, #tpu.memory_space<vmem>>, vector<16xi32>, vector<16xi1>
        %swap3A_266 = arith.index_cast %scan3A_249 : i32 to index
        %swap3A_267 = tpu.vector_load %arg14[%swap3A_266] masked %and3A_263 {strides = array<i32>} : memref<4320xi32, #tpu.memory_space<vmem>>, vector<16xi32>, vector<16xi1>
        tpu.vector_store %arg14[%swap3A_266], %get3A_256 masked %and3A_263 {strides = array<i32>} : memref<4320xi32, #tpu.memory_space<vmem>>, vector<16xi32>, vector<16xi1>
        %reduce_sum3A = arith.constant true
        %reduce_sum3A_268 = vector.broadcast %reduce_sum3A : i1 to vector<16xi1>
        %reduce_sum3A_269 = tpu.scan <sum>, %convert_element_type3A_264 masked %reduce_sum3A_268 : vector<16xi32>, vector<16xi1> -> vector<16xi32>
        %reduce_sum3A_270 = vector.extract %reduce_sum3A_269[15] : i32 from vector<16xi32>
        %add3A_271 = arith.addi %scan3A_249, %reduce_sum3A_270 : i32
        scf.yield %add3A_271 : i32
      }
      %scan3A_40 = arith.constant 250 : i32
      %add3A = arith.constant 0 : i32
      %add3A_41 = arith.addi %scan3A_39, %add3A : i32
      %add3A_42 = vector.broadcast %add3A_41 : i32 to vector<16xi32>
      %add3A_43 = arith.addi %add3A_42, %iota3A : vector<16xi32>
      %broadcast_in_dim3A_44 = arith.constant 640 : i32
      %broadcast_in_dim3A_45 = vector.broadcast %broadcast_in_dim3A_44 : i32 to vector<16xi32>
      tpu.vector_store_idx %arg13[%add3A_43], %broadcast_in_dim3A_45 : memref<4320xi32, #tpu.memory_space<vmem>>[vector<16xi32>], vector<16xi32>,
      %broadcast_in_dim3A_46 = arith.constant 0 : i32
      %broadcast_in_dim3A_47 = vector.broadcast %broadcast_in_dim3A_46 : i32 to vector<16xi32>
      tpu.vector_store_idx %arg14[%add3A_43], %broadcast_in_dim3A_47 : memref<4320xi32, #tpu.memory_space<vmem>>[vector<16xi32>], vector<16xi32>,
      %add3A_48 = arith.constant 16 : i32
      %add3A_49 = arith.addi %scan3A_39, %add3A_48 : i32
      %add3A_50 = vector.broadcast %add3A_49 : i32 to vector<16xi32>
      %add3A_51 = arith.addi %add3A_50, %iota3A : vector<16xi32>
      %broadcast_in_dim3A_52 = arith.constant 640 : i32
      %broadcast_in_dim3A_53 = vector.broadcast %broadcast_in_dim3A_52 : i32 to vector<16xi32>
      tpu.vector_store_idx %arg13[%add3A_51], %broadcast_in_dim3A_53 : memref<4320xi32, #tpu.memory_space<vmem>>[vector<16xi32>], vector<16xi32>,
      %broadcast_in_dim3A_54 = arith.constant 0 : i32
      %broadcast_in_dim3A_55 = vector.broadcast %broadcast_in_dim3A_54 : i32 to vector<16xi32>
      tpu.vector_store_idx %arg14[%add3A_51], %broadcast_in_dim3A_55 : memref<4320xi32, #tpu.memory_space<vmem>>[vector<16xi32>], vector<16xi32>,
      %add3A_56 = arith.constant 32 : i32
      %add3A_57 = arith.addi %scan3A_39, %add3A_56 : i32
      %add3A_58 = vector.broadcast %add3A_57 : i32 to vector<16xi32>
      %add3A_59 = arith.addi %add3A_58, %iota3A : vector<16xi32>
      %broadcast_in_dim3A_60 = arith.constant 640 : i32
      %broadcast_in_dim3A_61 = vector.broadcast %broadcast_in_dim3A_60 : i32 to vector<16xi32>
      tpu.vector_store_idx %arg13[%add3A_59], %broadcast_in_dim3A_61 : memref<4320xi32, #tpu.memory_space<vmem>>[vector<16xi32>], vector<16xi32>,
      %broadcast_in_dim3A_62 = arith.constant 0 : i32
      %broadcast_in_dim3A_63 = vector.broadcast %broadcast_in_dim3A_62 : i32 to vector<16xi32>
      tpu.vector_store_idx %arg14[%add3A_59], %broadcast_in_dim3A_63 : memref<4320xi32, #tpu.memory_space<vmem>>[vector<16xi32>], vector<16xi32>,
      %add3A_64 = arith.constant 48 : i32
      %add3A_65 = arith.addi %scan3A_39, %add3A_64 : i32
      %add3A_66 = vector.broadcast %add3A_65 : i32 to vector<16xi32>
      %add3A_67 = arith.addi %add3A_66, %iota3A : vector<16xi32>
      %broadcast_in_dim3A_68 = arith.constant 640 : i32
      %broadcast_in_dim3A_69 = vector.broadcast %broadcast_in_dim3A_68 : i32 to vector<16xi32>
      tpu.vector_store_idx %arg13[%add3A_67], %broadcast_in_dim3A_69 : memref<4320xi32, #tpu.memory_space<vmem>>[vector<16xi32>], vector<16xi32>,
      %broadcast_in_dim3A_70 = arith.constant 0 : i32
      %broadcast_in_dim3A_71 = vector.broadcast %broadcast_in_dim3A_70 : i32 to vector<16xi32>
      tpu.vector_store_idx %arg14[%add3A_67], %broadcast_in_dim3A_71 : memref<4320xi32, #tpu.memory_space<vmem>>[vector<16xi32>], vector<16xi32>,
      %add3A_72 = arith.constant 64 : i32
      %add3A_73 = arith.addi %scan3A_39, %add3A_72 : i32
      %add3A_74 = vector.broadcast %add3A_73 : i32 to vector<16xi32>
      %add3A_75 = arith.addi %add3A_74, %iota3A : vector<16xi32>
      %broadcast_in_dim3A_76 = arith.constant 640 : i32
      %broadcast_in_dim3A_77 = vector.broadcast %broadcast_in_dim3A_76 : i32 to vector<16xi32>
      tpu.vector_store_idx %arg13[%add3A_75], %broadcast_in_dim3A_77 : memref<4320xi32, #tpu.memory_space<vmem>>[vector<16xi32>], vector<16xi32>,
      %broadcast_in_dim3A_78 = arith.constant 0 : i32
      %broadcast_in_dim3A_79 = vector.broadcast %broadcast_in_dim3A_78 : i32 to vector<16xi32>
      tpu.vector_store_idx %arg14[%add3A_75], %broadcast_in_dim3A_79 : memref<4320xi32, #tpu.memory_space<vmem>>[vector<16xi32>], vector<16xi32>,
      %add3A_80 = arith.constant 80 : i32
      %add3A_81 = arith.addi %scan3A_39, %add3A_80 : i32
      %add3A_82 = vector.broadcast %add3A_81 : i32 to vector<16xi32>
      %add3A_83 = arith.addi %add3A_82, %iota3A : vector<16xi32>
      %broadcast_in_dim3A_84 = arith.constant 640 : i32
      %broadcast_in_dim3A_85 = vector.broadcast %broadcast_in_dim3A_84 : i32 to vector<16xi32>
      tpu.vector_store_idx %arg13[%add3A_83], %broadcast_in_dim3A_85 : memref<4320xi32, #tpu.memory_space<vmem>>[vector<16xi32>], vector<16xi32>,
      %broadcast_in_dim3A_86 = arith.constant 0 : i32
      %broadcast_in_dim3A_87 = vector.broadcast %broadcast_in_dim3A_86 : i32 to vector<16xi32>
      tpu.vector_store_idx %arg14[%add3A_83], %broadcast_in_dim3A_87 : memref<4320xi32, #tpu.memory_space<vmem>>[vector<16xi32>], vector<16xi32>,
      %add3A_88 = arith.constant 96 : i32
      %add3A_89 = arith.addi %scan3A_39, %add3A_88 : i32
      %add3A_90 = vector.broadcast %add3A_89 : i32 to vector<16xi32>
      %add3A_91 = arith.addi %add3A_90, %iota3A : vector<16xi32>
      %broadcast_in_dim3A_92 = arith.constant 640 : i32
      %broadcast_in_dim3A_93 = vector.broadcast %broadcast_in_dim3A_92 : i32 to vector<16xi32>
      tpu.vector_store_idx %arg13[%add3A_91], %broadcast_in_dim3A_93 : memref<4320xi32, #tpu.memory_space<vmem>>[vector<16xi32>], vector<16xi32>,
      %broadcast_in_dim3A_94 = arith.constant 0 : i32
      %broadcast_in_dim3A_95 = vector.broadcast %broadcast_in_dim3A_94 : i32 to vector<16xi32>
      tpu.vector_store_idx %arg14[%add3A_91], %broadcast_in_dim3A_95 : memref<4320xi32, #tpu.memory_space<vmem>>[vector<16xi32>], vector<16xi32>,
      %add3A_96 = arith.constant 112 : i32
      %add3A_97 = arith.addi %scan3A_39, %add3A_96 : i32
      %add3A_98 = vector.broadcast %add3A_97 : i32 to vector<16xi32>
      %add3A_99 = arith.addi %add3A_98, %iota3A : vector<16xi32>
      %broadcast_in_dim3A_100 = arith.constant 640 : i32
      %broadcast_in_dim3A_101 = vector.broadcast %broadcast_in_dim3A_100 : i32 to vector<16xi32>
      tpu.vector_store_idx %arg13[%add3A_99], %broadcast_in_dim3A_101 : memref<4320xi32, #tpu.memory_space<vmem>>[vector<16xi32>], vector<16xi32>,
      %broadcast_in_dim3A_102 = arith.constant 0 : i32
      %broadcast_in_dim3A_103 = vector.broadcast %broadcast_in_dim3A_102 : i32 to vector<16xi32>
      tpu.vector_store_idx %arg14[%add3A_99], %broadcast_in_dim3A_103 : memref<4320xi32, #tpu.memory_space<vmem>>[vector<16xi32>], vector<16xi32>,
      %add3A_104 = arith.constant 128 : i32
      %add3A_105 = arith.addi %scan3A_39, %add3A_104 : i32
      %add3A_106 = vector.broadcast %add3A_105 : i32 to vector<16xi32>
      %add3A_107 = arith.addi %add3A_106, %iota3A : vector<16xi32>
      %broadcast_in_dim3A_108 = arith.constant 640 : i32
      %broadcast_in_dim3A_109 = vector.broadcast %broadcast_in_dim3A_108 : i32 to vector<16xi32>
      tpu.vector_store_idx %arg13[%add3A_107], %broadcast_in_dim3A_109 : memref<4320xi32, #tpu.memory_space<vmem>>[vector<16xi32>], vector<16xi32>,
      %broadcast_in_dim3A_110 = arith.constant 0 : i32
      %broadcast_in_dim3A_111 = vector.broadcast %broadcast_in_dim3A_110 : i32 to vector<16xi32>
      tpu.vector_store_idx %arg14[%add3A_107], %broadcast_in_dim3A_111 : memref<4320xi32, #tpu.memory_space<vmem>>[vector<16xi32>], vector<16xi32>,
      %add3A_112 = arith.constant 144 : i32
      %add3A_113 = arith.addi %scan3A_39, %add3A_112 : i32
      %add3A_114 = vector.broadcast %add3A_113 : i32 to vector<16xi32>
      %add3A_115 = arith.addi %add3A_114, %iota3A : vector<16xi32>
      %broadcast_in_dim3A_116 = arith.constant 640 : i32
      %broadcast_in_dim3A_117 = vector.broadcast %broadcast_in_dim3A_116 : i32 to vector<16xi32>
      tpu.vector_store_idx %arg13[%add3A_115], %broadcast_in_dim3A_117 : memref<4320xi32, #tpu.memory_space<vmem>>[vector<16xi32>], vector<16xi32>,
      %broadcast_in_dim3A_118 = arith.constant 0 : i32
      %broadcast_in_dim3A_119 = vector.broadcast %broadcast_in_dim3A_118 : i32 to vector<16xi32>
      tpu.vector_store_idx %arg14[%add3A_115], %broadcast_in_dim3A_119 : memref<4320xi32, #tpu.memory_space<vmem>>[vector<16xi32>], vector<16xi32>,
      %add3A_120 = arith.constant 160 : i32
      %add3A_121 = arith.addi %scan3A_39, %add3A_120 : i32
      %add3A_122 = vector.broadcast %add3A_121 : i32 to vector<16xi32>
      %add3A_123 = arith.addi %add3A_122, %iota3A : vector<16xi32>
      %broadcast_in_dim3A_124 = arith.constant 640 : i32
      %broadcast_in_dim3A_125 = vector.broadcast %broadcast_in_dim3A_124 : i32 to vector<16xi32>
      tpu.vector_store_idx %arg13[%add3A_123], %broadcast_in_dim3A_125 : memref<4320xi32, #tpu.memory_space<vmem>>[vector<16xi32>], vector<16xi32>,
      %broadcast_in_dim3A_126 = arith.constant 0 : i32
      %broadcast_in_dim3A_127 = vector.broadcast %broadcast_in_dim3A_126 : i32 to vector<16xi32>
      tpu.vector_store_idx %arg14[%add3A_123], %broadcast_in_dim3A_127 : memref<4320xi32, #tpu.memory_space<vmem>>[vector<16xi32>], vector<16xi32>,
      %add3A_128 = arith.constant 176 : i32
      %add3A_129 = arith.addi %scan3A_39, %add3A_128 : i32
      %add3A_130 = vector.broadcast %add3A_129 : i32 to vector<16xi32>
      %add3A_131 = arith.addi %add3A_130, %iota3A : vector<16xi32>
      %broadcast_in_dim3A_132 = arith.constant 640 : i32
      %broadcast_in_dim3A_133 = vector.broadcast %broadcast_in_dim3A_132 : i32 to vector<16xi32>
      tpu.vector_store_idx %arg13[%add3A_131], %broadcast_in_dim3A_133 : memref<4320xi32, #tpu.memory_space<vmem>>[vector<16xi32>], vector<16xi32>,
      %broadcast_in_dim3A_134 = arith.constant 0 : i32
      %broadcast_in_dim3A_135 = vector.broadcast %broadcast_in_dim3A_134 : i32 to vector<16xi32>
      tpu.vector_store_idx %arg14[%add3A_131], %broadcast_in_dim3A_135 : memref<4320xi32, #tpu.memory_space<vmem>>[vector<16xi32>], vector<16xi32>,
      %add3A_136 = arith.constant 192 : i32
      %add3A_137 = arith.addi %scan3A_39, %add3A_136 : i32
      %add3A_138 = vector.broadcast %add3A_137 : i32 to vector<16xi32>
      %add3A_139 = arith.addi %add3A_138, %iota3A : vector<16xi32>
      %broadcast_in_dim3A_140 = arith.constant 640 : i32
      %broadcast_in_dim3A_141 = vector.broadcast %broadcast_in_dim3A_140 : i32 to vector<16xi32>
      tpu.vector_store_idx %arg13[%add3A_139], %broadcast_in_dim3A_141 : memref<4320xi32, #tpu.memory_space<vmem>>[vector<16xi32>], vector<16xi32>,
      %broadcast_in_dim3A_142 = arith.constant 0 : i32
      %broadcast_in_dim3A_143 = vector.broadcast %broadcast_in_dim3A_142 : i32 to vector<16xi32>
      tpu.vector_store_idx %arg14[%add3A_139], %broadcast_in_dim3A_143 : memref<4320xi32, #tpu.memory_space<vmem>>[vector<16xi32>], vector<16xi32>,
      %add3A_144 = arith.constant 208 : i32
      %add3A_145 = arith.addi %scan3A_39, %add3A_144 : i32
      %add3A_146 = vector.broadcast %add3A_145 : i32 to vector<16xi32>
      %add3A_147 = arith.addi %add3A_146, %iota3A : vector<16xi32>
      %broadcast_in_dim3A_148 = arith.constant 640 : i32
      %broadcast_in_dim3A_149 = vector.broadcast %broadcast_in_dim3A_148 : i32 to vector<16xi32>
      tpu.vector_store_idx %arg13[%add3A_147], %broadcast_in_dim3A_149 : memref<4320xi32, #tpu.memory_space<vmem>>[vector<16xi32>], vector<16xi32>,
      %broadcast_in_dim3A_150 = arith.constant 0 : i32
      %broadcast_in_dim3A_151 = vector.broadcast %broadcast_in_dim3A_150 : i32 to vector<16xi32>
      tpu.vector_store_idx %arg14[%add3A_147], %broadcast_in_dim3A_151 : memref<4320xi32, #tpu.memory_space<vmem>>[vector<16xi32>], vector<16xi32>,
      %add3A_152 = arith.constant 224 : i32
      %add3A_153 = arith.addi %scan3A_39, %add3A_152 : i32
      %add3A_154 = vector.broadcast %add3A_153 : i32 to vector<16xi32>
      %add3A_155 = arith.addi %add3A_154, %iota3A : vector<16xi32>
      %broadcast_in_dim3A_156 = arith.constant 640 : i32
      %broadcast_in_dim3A_157 = vector.broadcast %broadcast_in_dim3A_156 : i32 to vector<16xi32>
      tpu.vector_store_idx %arg13[%add3A_155], %broadcast_in_dim3A_157 : memref<4320xi32, #tpu.memory_space<vmem>>[vector<16xi32>], vector<16xi32>,
      %broadcast_in_dim3A_158 = arith.constant 0 : i32
      %broadcast_in_dim3A_159 = vector.broadcast %broadcast_in_dim3A_158 : i32 to vector<16xi32>
      tpu.vector_store_idx %arg14[%add3A_155], %broadcast_in_dim3A_159 : memref<4320xi32, #tpu.memory_space<vmem>>[vector<16xi32>], vector<16xi32>,
      %add3A_160 = arith.constant 240 : i32
      %add3A_161 = arith.addi %scan3A_39, %add3A_160 : i32
      %add3A_162 = vector.broadcast %add3A_161 : i32 to vector<16xi32>
      %add3A_163 = arith.addi %add3A_162, %iota3A : vector<16xi32>
      %broadcast_in_dim3A_164 = arith.constant 640 : i32
      %broadcast_in_dim3A_165 = vector.broadcast %broadcast_in_dim3A_164 : i32 to vector<16xi32>
      tpu.vector_store_idx %arg13[%add3A_163], %broadcast_in_dim3A_165 : memref<4320xi32, #tpu.memory_space<vmem>>[vector<16xi32>], vector<16xi32>,
      %broadcast_in_dim3A_166 = arith.constant 0 : i32
      %broadcast_in_dim3A_167 = vector.broadcast %broadcast_in_dim3A_166 : i32 to vector<16xi32>
      tpu.vector_store_idx %arg14[%add3A_163], %broadcast_in_dim3A_167 : memref<4320xi32, #tpu.memory_space<vmem>>[vector<16xi32>], vector<16xi32>,
      %add3A_168 = arith.constant 256 : i32
      %add3A_169 = arith.addi %scan3A_39, %add3A_168 : i32
      %add3A_170 = vector.broadcast %add3A_169 : i32 to vector<16xi32>
      %add3A_171 = arith.addi %add3A_170, %iota3A : vector<16xi32>
      %broadcast_in_dim3A_172 = arith.constant 640 : i32
      %broadcast_in_dim3A_173 = vector.broadcast %broadcast_in_dim3A_172 : i32 to vector<16xi32>
      tpu.vector_store_idx %arg13[%add3A_171], %broadcast_in_dim3A_173 : memref<4320xi32, #tpu.memory_space<vmem>>[vector<16xi32>], vector<16xi32>,
      %broadcast_in_dim3A_174 = arith.constant 0 : i32
      %broadcast_in_dim3A_175 = vector.broadcast %broadcast_in_dim3A_174 : i32 to vector<16xi32>
      tpu.vector_store_idx %arg14[%add3A_171], %broadcast_in_dim3A_175 : memref<4320xi32, #tpu.memory_space<vmem>>[vector<16xi32>], vector<16xi32>,
      %add3A_176 = arith.constant 272 : i32
      %add3A_177 = arith.addi %scan3A_39, %add3A_176 : i32
      %add3A_178 = vector.broadcast %add3A_177 : i32 to vector<16xi32>
      %add3A_179 = arith.addi %add3A_178, %iota3A : vector<16xi32>
      %broadcast_in_dim3A_180 = arith.constant 640 : i32
      %broadcast_in_dim3A_181 = vector.broadcast %broadcast_in_dim3A_180 : i32 to vector<16xi32>
      tpu.vector_store_idx %arg13[%add3A_179], %broadcast_in_dim3A_181 : memref<4320xi32, #tpu.memory_space<vmem>>[vector<16xi32>], vector<16xi32>,
      %broadcast_in_dim3A_182 = arith.constant 0 : i32
      %broadcast_in_dim3A_183 = vector.broadcast %broadcast_in_dim3A_182 : i32 to vector<16xi32>
      tpu.vector_store_idx %arg14[%add3A_179], %broadcast_in_dim3A_183 : memref<4320xi32, #tpu.memory_space<vmem>>[vector<16xi32>], vector<16xi32>,
      %add3A_184 = arith.constant 288 : i32
      %add3A_185 = arith.addi %scan3A_39, %add3A_184 : i32
      %add3A_186 = vector.broadcast %add3A_185 : i32 to vector<16xi32>
      %add3A_187 = arith.addi %add3A_186, %iota3A : vector<16xi32>
      %broadcast_in_dim3A_188 = arith.constant 640 : i32
      %broadcast_in_dim3A_189 = vector.broadcast %broadcast_in_dim3A_188 : i32 to vector<16xi32>
      tpu.vector_store_idx %arg13[%add3A_187], %broadcast_in_dim3A_189 : memref<4320xi32, #tpu.memory_space<vmem>>[vector<16xi32>], vector<16xi32>,
      %broadcast_in_dim3A_190 = arith.constant 0 : i32
      %broadcast_in_dim3A_191 = vector.broadcast %broadcast_in_dim3A_190 : i32 to vector<16xi32>
      tpu.vector_store_idx %arg14[%add3A_187], %broadcast_in_dim3A_191 : memref<4320xi32, #tpu.memory_space<vmem>>[vector<16xi32>], vector<16xi32>,
      %add3A_192 = arith.constant 304 : i32
      %add3A_193 = arith.addi %scan3A_39, %add3A_192 : i32
      %add3A_194 = vector.broadcast %add3A_193 : i32 to vector<16xi32>
      %add3A_195 = arith.addi %add3A_194, %iota3A : vector<16xi32>
      %broadcast_in_dim3A_196 = arith.constant 640 : i32
      %broadcast_in_dim3A_197 = vector.broadcast %broadcast_in_dim3A_196 : i32 to vector<16xi32>
      tpu.vector_store_idx %arg13[%add3A_195], %broadcast_in_dim3A_197 : memref<4320xi32, #tpu.memory_space<vmem>>[vector<16xi32>], vector<16xi32>,
      %broadcast_in_dim3A_198 = arith.constant 0 : i32
      %broadcast_in_dim3A_199 = vector.broadcast %broadcast_in_dim3A_198 : i32 to vector<16xi32>
      tpu.vector_store_idx %arg14[%add3A_195], %broadcast_in_dim3A_199 : memref<4320xi32, #tpu.memory_space<vmem>>[vector<16xi32>], vector<16xi32>,
      %eq3A_200 = arith.constant 0 : i32
      %eq3A_201 = arith.cmpi eq, %arg0, %eq3A_200 : i32
      %convert_element_type3A_202 = arith.extui %eq3A_201 : i1 to i32
      %cond3A_203 = arith.constant 0 : i32
      %cond3A_204 = arith.cmpi ne, %convert_element_type3A_202, %cond3A_203 : i32
      scf.if %cond3A_204 {
        %mul3A_248 = arith.constant 320 : i32
        %mul3A_249 = arith.muli %scan3A_22, %mul3A_248 : i32
        %dma_start3A = arith.constant 0 : i32
        %dma_start3A_250 = tpu.memref_slice %arg13[%dma_start3A] : memref<4320xi32, #tpu.memory_space<vmem>> -> memref<320xi32, #tpu.memory_space<vmem>>
        %dma_start3A_251 = tpu.memref_slice %arg6[%arg1, %mul3A_249] : memref<16x25600xi32, #tpu.memory_space<hbm>> -> memref<1x320xi32, #tpu.memory_space<hbm>>
        %dma_start3A_252 = tpu.memref_squeeze %dma_start3A_251 : memref<1x320xi32, #tpu.memory_space<hbm>> -> memref<320xi32, #tpu.memory_space<hbm>>
        %dma_start3A_253 = tpu.memref_slice %arg6[%arg1, %mul3A_249] : memref<16x25600xi32, #tpu.memory_space<hbm>> -> memref<1x320xi32, #tpu.memory_space<hbm>>
        %dma_start3A_254 = tpu.memref_squeeze %dma_start3A_253 : memref<1x320xi32, #tpu.memory_space<hbm>> -> memref<320xi32, #tpu.memory_space<hbm>>
        %dma_start3A_255 = arith.constant 0 : i32
        %dma_start3A_256 = tpu.memref_slice %arg13[%dma_start3A_255] : memref<4320xi32, #tpu.memory_space<vmem>> -> memref<320xi32, #tpu.memory_space<vmem>>
        tpu.enqueue_dma source(%dma_start3A_256 : memref<320xi32, #tpu.memory_space<vmem>>) target(%dma_start3A_254 : memref<320xi32, #tpu.memory_space<hbm>>) target_semaphore(%arg19 : memref<!tpu.dma_semaphore, #tpu.memory_space<semaphore_mem>>)
        %mul3A_257 = arith.constant 320 : i32
        %mul3A_258 = arith.muli %scan3A_22, %mul3A_257 : i32
        %dma_start3A_259 = arith.constant 0 : i32
        %dma_start3A_260 = tpu.memref_slice %arg14[%dma_start3A_259] : memref<4320xi32, #tpu.memory_space<vmem>> -> memref<320xi32, #tpu.memory_space<vmem>>
        %dma_start3A_261 = tpu.memref_slice %arg7[%arg1, %mul3A_258] : memref<16x25600xi32, #tpu.memory_space<hbm>> -> memref<1x320xi32, #tpu.memory_space<hbm>>
        %dma_start3A_262 = tpu.memref_squeeze %dma_start3A_261 : memref<1x320xi32, #tpu.memory_space<hbm>> -> memref<320xi32, #tpu.memory_space<hbm>>
        %dma_start3A_263 = tpu.memref_slice %arg7[%arg1, %mul3A_258] : memref<16x25600xi32, #tpu.memory_space<hbm>> -> memref<1x320xi32, #tpu.memory_space<hbm>>
        %dma_start3A_264 = tpu.memref_squeeze %dma_start3A_263 : memref<1x320xi32, #tpu.memory_space<hbm>> -> memref<320xi32, #tpu.memory_space<hbm>>
        %dma_start3A_265 = arith.constant 0 : i32
        %dma_start3A_266 = tpu.memref_slice %arg14[%dma_start3A_265] : memref<4320xi32, #tpu.memory_space<vmem>> -> memref<320xi32, #tpu.memory_space<vmem>>
        tpu.enqueue_dma source(%dma_start3A_266 : memref<320xi32, #tpu.memory_space<vmem>>) target(%dma_start3A_264 : memref<320xi32, #tpu.memory_space<hbm>>) target_semaphore(%arg19 : memref<!tpu.dma_semaphore, #tpu.memory_space<semaphore_mem>>)
      } else {
      }
      %add3A_205 = arith.constant 320 : i32
      %add3A_206 = arith.addi %scan3A_39, %add3A_205 : i32
      %sub3A = arith.constant 1 : i32
      %sub3A_207 = arith.subi %add3A_206, %sub3A : i32
      %jit3A = arith.constant 320 : i32
      %div3A = arith.divsi %sub3A_207, %jit3A : i32
      %sign3A = arith.constant 0 : i32
      %sign3A_208 = arith.cmpi sgt, %sub3A_207, %sign3A : i32
      %sign3A_209 = arith.extui %sign3A_208 : i1 to i32
      %sign3A_210 = arith.constant 0 : i32
      %sign3A_211 = arith.cmpi slt, %sub3A_207, %sign3A_210 : i32
      %sign3A_212 = arith.extui %sign3A_211 : i1 to i32
      %sign3A_213 = arith.subi %sign3A_209, %sign3A_212 : i32
      %sign3A_214 = arith.constant 0 : i32
      %sign3A_215 = arith.cmpi sgt, %jit3A, %sign3A_214 : i32
      %sign3A_216 = arith.extui %sign3A_215 : i1 to i32
      %sign3A_217 = arith.constant 0 : i32
      %sign3A_218 = arith.cmpi slt, %jit3A, %sign3A_217 : i32
      %sign3A_219 = arith.extui %sign3A_218 : i1 to i32
      %sign3A_220 = arith.subi %sign3A_216, %sign3A_219 : i32
      %ne3A = arith.cmpi ne, %sign3A_213, %sign3A_220 : i32
      %rem3A = arith.remsi %sub3A_207, %jit3A : i32
      %ne3A_221 = arith.constant 0 : i32
      %ne3A_222 = arith.cmpi ne, %rem3A, %ne3A_221 : i32
      %and3A_223 = arith.andi %ne3A, %ne3A_222 : i1
      %sub3A_224 = arith.constant 1 : i32
      %sub3A_225 = arith.subi %div3A, %sub3A_224 : i32
      %select_n3A = arith.select %and3A_223, %sub3A_225, %div3A : i32
      %while3A = arith.constant 1 : i32
      %while3A_226 = arith.subi %select_n3A, %while3A : i32
      %while3A_227 = arith.addi %while3A, %while3A_226 : i32
      %while3A_228 = arith.constant 1 : i32
      %while3A_229 = arith.divsi %while3A_226, %while3A_228 : i32
      %while3A_230 = arith.muli %while3A_229, %while3A_228 : i32
      %while3A_231 = arith.addi %while3A, %while3A_230 : i32
      %while3A_232 = arith.constant 1 : i32
      %while3A_233 = scf.for %while3A_248 = %while3A to %while3A_231 step %while3A_232 iter_args(%while3A_249 = %scan3A_23) -> (i32)  : i32 {
        %eq3A_250 = arith.constant 0 : i32
        %eq3A_251 = arith.cmpi eq, %arg0, %eq3A_250 : i32
        %convert_element_type3A_252 = arith.extui %eq3A_251 : i1 to i32
        %cond3A_253 = arith.constant 0 : i32
        %cond3A_254 = arith.cmpi ne, %convert_element_type3A_252, %cond3A_253 : i32
        scf.if %cond3A_254 {
          %mul3A_257 = arith.constant 320 : i32
          %mul3A_258 = arith.muli %while3A_248, %mul3A_257 : i32
          %mul3A_259 = arith.constant 320 : i32
          %mul3A_260 = arith.muli %while3A_249, %mul3A_259 : i32
          "tpu.region"() ({
            %run_scoped3A = tpu.sem_alloc : memref<!tpu.dma_semaphore, #tpu.memory_space<semaphore_mem>>
            %dma_start3A = tpu.memref_slice %arg13[%mul3A_258] : memref<4320xi32, #tpu.memory_space<vmem>> -> memref<320xi32, #tpu.memory_space<vmem>>
            %dma_start3A_265 = tpu.memref_slice %arg8[%arg1, %mul3A_260] : memref<16x345600xi32, #tpu.memory_space<hbm>> -> memref<1x320xi32, #tpu.memory_space<hbm>>
            %dma_start3A_266 = tpu.memref_squeeze %dma_start3A_265 : memref<1x320xi32, #tpu.memory_space<hbm>> -> memref<320xi32, #tpu.memory_space<hbm>>
            %dma_start3A_267 = tpu.memref_slice %arg8[%arg1, %mul3A_260] : memref<16x345600xi32, #tpu.memory_space<hbm>> -> memref<1x320xi32, #tpu.memory_space<hbm>>
            %dma_start3A_268 = tpu.memref_squeeze %dma_start3A_267 : memref<1x320xi32, #tpu.memory_space<hbm>> -> memref<320xi32, #tpu.memory_space<hbm>>
            %dma_start3A_269 = tpu.memref_slice %arg13[%mul3A_258] : memref<4320xi32, #tpu.memory_space<vmem>> -> memref<320xi32, #tpu.memory_space<vmem>>
            tpu.enqueue_dma source(%dma_start3A_269 : memref<320xi32, #tpu.memory_space<vmem>>) target(%dma_start3A_268 : memref<320xi32, #tpu.memory_space<hbm>>) target_semaphore(%run_scoped3A : memref<!tpu.dma_semaphore, #tpu.memory_space<semaphore_mem>>)
            %dma_wait3A = tpu.memref_slice %arg13[%mul3A_258] : memref<4320xi32, #tpu.memory_space<vmem>> -> memref<320xi32, #tpu.memory_space<vmem>>
            %dma_wait3A_270 = tpu.memref_slice %arg8[%arg1, %mul3A_260] : memref<16x345600xi32, #tpu.memory_space<hbm>> -> memref<1x320xi32, #tpu.memory_space<hbm>>
            %dma_wait3A_271 = tpu.memref_squeeze %dma_wait3A_270 : memref<1x320xi32, #tpu.memory_space<hbm>> -> memref<320xi32, #tpu.memory_space<hbm>>
            %dma_wait3A_272 = tpu.memref_slice %arg8[%arg1, %mul3A_260] : memref<16x345600xi32, #tpu.memory_space<hbm>> -> memref<1x320xi32, #tpu.memory_space<hbm>>
            %dma_wait3A_273 = tpu.memref_squeeze %dma_wait3A_272 : memref<1x320xi32, #tpu.memory_space<hbm>> -> memref<320xi32, #tpu.memory_space<hbm>>
            %dma_wait3A_274 = tpu.memref_slice %arg13[%mul3A_258] : memref<4320xi32, #tpu.memory_space<vmem>> -> memref<320xi32, #tpu.memory_space<vmem>>
            tpu.wait_dma2 semaphore(%run_scoped3A : memref<!tpu.dma_semaphore, #tpu.memory_space<semaphore_mem>>) src(%dma_wait3A_274 : memref<320xi32, #tpu.memory_space<vmem>>) dst(%dma_wait3A_273 : memref<320xi32, #tpu.memory_space<hbm>>)
            tpu.yield
          }) : () -> ()
          %mul3A_261 = arith.constant 320 : i32
          %mul3A_262 = arith.muli %while3A_248, %mul3A_261 : i32
          %mul3A_263 = arith.constant 320 : i32
          %mul3A_264 = arith.muli %while3A_249, %mul3A_263 : i32
          "tpu.region"() ({
            %run_scoped3A = tpu.sem_alloc : memref<!tpu.dma_semaphore, #tpu.memory_space<semaphore_mem>>
            %dma_start3A = tpu.memref_slice %arg14[%mul3A_262] : memref<4320xi32, #tpu.memory_space<vmem>> -> memref<320xi32, #tpu.memory_space<vmem>>
            %dma_start3A_265 = tpu.memref_slice %arg9[%arg1, %mul3A_264] : memref<16x345600xi32, #tpu.memory_space<hbm>> -> memref<1x320xi32, #tpu.memory_space<hbm>>
            %dma_start3A_266 = tpu.memref_squeeze %dma_start3A_265 : memref<1x320xi32, #tpu.memory_space<hbm>> -> memref<320xi32, #tpu.memory_space<hbm>>
            %dma_start3A_267 = tpu.memref_slice %arg9[%arg1, %mul3A_264] : memref<16x345600xi32, #tpu.memory_space<hbm>> -> memref<1x320xi32, #tpu.memory_space<hbm>>
            %dma_start3A_268 = tpu.memref_squeeze %dma_start3A_267 : memref<1x320xi32, #tpu.memory_space<hbm>> -> memref<320xi32, #tpu.memory_space<hbm>>
            %dma_start3A_269 = tpu.memref_slice %arg14[%mul3A_262] : memref<4320xi32, #tpu.memory_space<vmem>> -> memref<320xi32, #tpu.memory_space<vmem>>
            tpu.enqueue_dma source(%dma_start3A_269 : memref<320xi32, #tpu.memory_space<vmem>>) target(%dma_start3A_268 : memref<320xi32, #tpu.memory_space<hbm>>) target_semaphore(%run_scoped3A : memref<!tpu.dma_semaphore, #tpu.memory_space<semaphore_mem>>)
            %dma_wait3A = tpu.memref_slice %arg14[%mul3A_262] : memref<4320xi32, #tpu.memory_space<vmem>> -> memref<320xi32, #tpu.memory_space<vmem>>
            %dma_wait3A_270 = tpu.memref_slice %arg9[%arg1, %mul3A_264] : memref<16x345600xi32, #tpu.memory_space<hbm>> -> memref<1x320xi32, #tpu.memory_space<hbm>>
            %dma_wait3A_271 = tpu.memref_squeeze %dma_wait3A_270 : memref<1x320xi32, #tpu.memory_space<hbm>> -> memref<320xi32, #tpu.memory_space<hbm>>
            %dma_wait3A_272 = tpu.memref_slice %arg9[%arg1, %mul3A_264] : memref<16x345600xi32, #tpu.memory_space<hbm>> -> memref<1x320xi32, #tpu.memory_space<hbm>>
            %dma_wait3A_273 = tpu.memref_squeeze %dma_wait3A_272 : memref<1x320xi32, #tpu.memory_space<hbm>> -> memref<320xi32, #tpu.memory_space<hbm>>
            %dma_wait3A_274 = tpu.memref_slice %arg14[%mul3A_262] : memref<4320xi32, #tpu.memory_space<vmem>> -> memref<320xi32, #tpu.memory_space<vmem>>
            tpu.wait_dma2 semaphore(%run_scoped3A : memref<!tpu.dma_semaphore, #tpu.memory_space<semaphore_mem>>) src(%dma_wait3A_274 : memref<320xi32, #tpu.memory_space<vmem>>) dst(%dma_wait3A_273 : memref<320xi32, #tpu.memory_space<hbm>>)
            tpu.yield
          }) : () -> ()
        } else {
        }
        %add3A_255 = arith.constant 1 : i32
        %add3A_256 = arith.addi %while3A_249, %add3A_255 : i32
        scf.yield %add3A_256 : i32
      }
      %while3A_234 = arith.constant 1 : i32
      %while3A_235 = scf.for %while3A_248 = %while3A_231 to %while3A_227 step %while3A_234 iter_args(%while3A_249 = %while3A_233) -> (i32)  : i32 {
        %eq3A_250 = arith.constant 0 : i32
        %eq3A_251 = arith.cmpi eq, %arg0, %eq3A_250 : i32
        %convert_element_type3A_252 = arith.extui %eq3A_251 : i1 to i32
        %cond3A_253 = arith.constant 0 : i32
        %cond3A_254 = arith.cmpi ne, %convert_element_type3A_252, %cond3A_253 : i32
        scf.if %cond3A_254 {
          %mul3A_257 = arith.constant 320 : i32
          %mul3A_258 = arith.muli %while3A_248, %mul3A_257 : i32
          %mul3A_259 = arith.constant 320 : i32
          %mul3A_260 = arith.muli %while3A_249, %mul3A_259 : i32
          "tpu.region"() ({
            %run_scoped3A = tpu.sem_alloc : memref<!tpu.dma_semaphore, #tpu.memory_space<semaphore_mem>>
            %dma_start3A = tpu.memref_slice %arg13[%mul3A_258] : memref<4320xi32, #tpu.memory_space<vmem>> -> memref<320xi32, #tpu.memory_space<vmem>>
            %dma_start3A_265 = tpu.memref_slice %arg8[%arg1, %mul3A_260] : memref<16x345600xi32, #tpu.memory_space<hbm>> -> memref<1x320xi32, #tpu.memory_space<hbm>>
            %dma_start3A_266 = tpu.memref_squeeze %dma_start3A_265 : memref<1x320xi32, #tpu.memory_space<hbm>> -> memref<320xi32, #tpu.memory_space<hbm>>
            %dma_start3A_267 = tpu.memref_slice %arg8[%arg1, %mul3A_260] : memref<16x345600xi32, #tpu.memory_space<hbm>> -> memref<1x320xi32, #tpu.memory_space<hbm>>
            %dma_start3A_268 = tpu.memref_squeeze %dma_start3A_267 : memref<1x320xi32, #tpu.memory_space<hbm>> -> memref<320xi32, #tpu.memory_space<hbm>>
            %dma_start3A_269 = tpu.memref_slice %arg13[%mul3A_258] : memref<4320xi32, #tpu.memory_space<vmem>> -> memref<320xi32, #tpu.memory_space<vmem>>
            tpu.enqueue_dma source(%dma_start3A_269 : memref<320xi32, #tpu.memory_space<vmem>>) target(%dma_start3A_268 : memref<320xi32, #tpu.memory_space<hbm>>) target_semaphore(%run_scoped3A : memref<!tpu.dma_semaphore, #tpu.memory_space<semaphore_mem>>)
            %dma_wait3A = tpu.memref_slice %arg13[%mul3A_258] : memref<4320xi32, #tpu.memory_space<vmem>> -> memref<320xi32, #tpu.memory_space<vmem>>
            %dma_wait3A_270 = tpu.memref_slice %arg8[%arg1, %mul3A_260] : memref<16x345600xi32, #tpu.memory_space<hbm>> -> memref<1x320xi32, #tpu.memory_space<hbm>>
            %dma_wait3A_271 = tpu.memref_squeeze %dma_wait3A_270 : memref<1x320xi32, #tpu.memory_space<hbm>> -> memref<320xi32, #tpu.memory_space<hbm>>
            %dma_wait3A_272 = tpu.memref_slice %arg8[%arg1, %mul3A_260] : memref<16x345600xi32, #tpu.memory_space<hbm>> -> memref<1x320xi32, #tpu.memory_space<hbm>>
            %dma_wait3A_273 = tpu.memref_squeeze %dma_wait3A_272 : memref<1x320xi32, #tpu.memory_space<hbm>> -> memref<320xi32, #tpu.memory_space<hbm>>
            %dma_wait3A_274 = tpu.memref_slice %arg13[%mul3A_258] : memref<4320xi32, #tpu.memory_space<vmem>> -> memref<320xi32, #tpu.memory_space<vmem>>
            tpu.wait_dma2 semaphore(%run_scoped3A : memref<!tpu.dma_semaphore, #tpu.memory_space<semaphore_mem>>) src(%dma_wait3A_274 : memref<320xi32, #tpu.memory_space<vmem>>) dst(%dma_wait3A_273 : memref<320xi32, #tpu.memory_space<hbm>>)
            tpu.yield
          }) : () -> ()
          %mul3A_261 = arith.constant 320 : i32
          %mul3A_262 = arith.muli %while3A_248, %mul3A_261 : i32
          %mul3A_263 = arith.constant 320 : i32
          %mul3A_264 = arith.muli %while3A_249, %mul3A_263 : i32
          "tpu.region"() ({
            %run_scoped3A = tpu.sem_alloc : memref<!tpu.dma_semaphore, #tpu.memory_space<semaphore_mem>>
            %dma_start3A = tpu.memref_slice %arg14[%mul3A_262] : memref<4320xi32, #tpu.memory_space<vmem>> -> memref<320xi32, #tpu.memory_space<vmem>>
            %dma_start3A_265 = tpu.memref_slice %arg9[%arg1, %mul3A_264] : memref<16x345600xi32, #tpu.memory_space<hbm>> -> memref<1x320xi32, #tpu.memory_space<hbm>>
            %dma_start3A_266 = tpu.memref_squeeze %dma_start3A_265 : memref<1x320xi32, #tpu.memory_space<hbm>> -> memref<320xi32, #tpu.memory_space<hbm>>
            %dma_start3A_267 = tpu.memref_slice %arg9[%arg1, %mul3A_264] : memref<16x345600xi32, #tpu.memory_space<hbm>> -> memref<1x320xi32, #tpu.memory_space<hbm>>
            %dma_start3A_268 = tpu.memref_squeeze %dma_start3A_267 : memref<1x320xi32, #tpu.memory_space<hbm>> -> memref<320xi32, #tpu.memory_space<hbm>>
            %dma_start3A_269 = tpu.memref_slice %arg14[%mul3A_262] : memref<4320xi32, #tpu.memory_space<vmem>> -> memref<320xi32, #tpu.memory_space<vmem>>
            tpu.enqueue_dma source(%dma_start3A_269 : memref<320xi32, #tpu.memory_space<vmem>>) target(%dma_start3A_268 : memref<320xi32, #tpu.memory_space<hbm>>) target_semaphore(%run_scoped3A : memref<!tpu.dma_semaphore, #tpu.memory_space<semaphore_mem>>)
            %dma_wait3A = tpu.memref_slice %arg14[%mul3A_262] : memref<4320xi32, #tpu.memory_space<vmem>> -> memref<320xi32, #tpu.memory_space<vmem>>
            %dma_wait3A_270 = tpu.memref_slice %arg9[%arg1, %mul3A_264] : memref<16x345600xi32, #tpu.memory_space<hbm>> -> memref<1x320xi32, #tpu.memory_space<hbm>>
            %dma_wait3A_271 = tpu.memref_squeeze %dma_wait3A_270 : memref<1x320xi32, #tpu.memory_space<hbm>> -> memref<320xi32, #tpu.memory_space<hbm>>
            %dma_wait3A_272 = tpu.memref_slice %arg9[%arg1, %mul3A_264] : memref<16x345600xi32, #tpu.memory_space<hbm>> -> memref<1x320xi32, #tpu.memory_space<hbm>>
            %dma_wait3A_273 = tpu.memref_squeeze %dma_wait3A_272 : memref<1x320xi32, #tpu.memory_space<hbm>> -> memref<320xi32, #tpu.memory_space<hbm>>
            %dma_wait3A_274 = tpu.memref_slice %arg14[%mul3A_262] : memref<4320xi32, #tpu.memory_space<vmem>> -> memref<320xi32, #tpu.memory_space<vmem>>
            tpu.wait_dma2 semaphore(%run_scoped3A : memref<!tpu.dma_semaphore, #tpu.memory_space<semaphore_mem>>) src(%dma_wait3A_274 : memref<320xi32, #tpu.memory_space<vmem>>) dst(%dma_wait3A_273 : memref<320xi32, #tpu.memory_space<hbm>>)
            tpu.yield
          }) : () -> ()
        } else {
        }
        %add3A_255 = arith.constant 1 : i32
        %add3A_256 = arith.addi %while3A_249, %add3A_255 : i32
        scf.yield %add3A_256 : i32
      }
      %while3A_236 = arith.constant 0 : i32
      %while3A_237 = arith.constant 0 : i32
      %while3A_238 = arith.subi %select_n3A, %while3A_236 : i32
      %while3A_239 = arith.addi %while3A_236, %while3A_238 : i32
      %while3A_240 = arith.constant 1 : i32
      %while3A_241 = arith.divsi %while3A_238, %while3A_240 : i32
      %while3A_242 = arith.muli %while3A_241, %while3A_240 : i32
      %while3A_243 = arith.addi %while3A_236, %while3A_242 : i32
      %while3A_244 = arith.constant 1 : i32
      %while3A_245 = scf.for %while3A_248 = %while3A_236 to %while3A_243 step %while3A_244 iter_args(%while3A_249 = %while3A_237) -> (i32)  : i32 {
        %mul3A_250 = arith.constant 320 : i32
        %mul3A_251 = arith.muli %while3A_248, %mul3A_250 : i32
        %dma_start3A = arith.constant 0 : i32
        %dma_start3A_252 = arith.constant 0 : i32
        %dma_start3A_253 = tpu.memref_slice %arg15[%dma_start3A, %dma_start3A_252] : memref<320x64xf32, #tpu.memory_space<vmem>> -> memref<160x64xf32, #tpu.memory_space<vmem>>
        %dma_start3A_254 = tpu.memref_slice %arg14[%mul3A_251] : memref<4320xi32, #tpu.memory_space<vmem>> -> memref<160xi32, #tpu.memory_space<vmem>>
        %dma_start3A_255 = arith.constant 0 : i32
        %dma_start3A_256 = arith.constant 0 : i32
        %dma_start3A_257 = tpu.memref_slice %arg17[%dma_start3A_255, %dma_start3A_256] : memref<10000x64xf32, #tpu.memory_space<vmem_shared>> -> memref<10000x64xf32, #tpu.memory_space<vmem_shared>>
        tpu.enqueue_indirect_dma source(%dma_start3A_257 : memref<10000x64xf32, #tpu.memory_space<vmem_shared>>) target(%dma_start3A_253 : memref<160x64xf32, #tpu.memory_space<vmem>>) offsets(%dma_start3A_254 : memref<160xi32, #tpu.memory_space<vmem>>) semaphore(%arg18 : memref<!tpu.dma_semaphore, #tpu.memory_space<semaphore_mem>>)
        %mul3A_258 = arith.constant 320 : i32
        %mul3A_259 = arith.muli %while3A_248, %mul3A_258 : i32
        %add3A_260 = arith.constant 160 : i32
        %add3A_261 = arith.addi %mul3A_259, %add3A_260 : i32
        %dma_start3A_262 = arith.constant 160 : i32
        %dma_start3A_263 = arith.constant 0 : i32
        %dma_start3A_264 = tpu.memref_slice %arg15[%dma_start3A_262, %dma_start3A_263] : memref<320x64xf32, #tpu.memory_space<vmem>> -> memref<160x64xf32, #tpu.memory_space<vmem>>
        %dma_start3A_265 = tpu.memref_slice %arg14[%add3A_261] : memref<4320xi32, #tpu.memory_space<vmem>> -> memref<160xi32, #tpu.memory_space<vmem>>
        %dma_start3A_266 = arith.constant 0 : i32
        %dma_start3A_267 = arith.constant 0 : i32
        %dma_start3A_268 = tpu.memref_slice %arg17[%dma_start3A_266, %dma_start3A_267] : memref<10000x64xf32, #tpu.memory_space<vmem_shared>> -> memref<10000x64xf32, #tpu.memory_space<vmem_shared>>
        tpu.enqueue_indirect_dma source(%dma_start3A_268 : memref<10000x64xf32, #tpu.memory_space<vmem_shared>>) target(%dma_start3A_264 : memref<160x64xf32, #tpu.memory_space<vmem>>) offsets(%dma_start3A_265 : memref<160xi32, #tpu.memory_space<vmem>>) semaphore(%arg18 : memref<!tpu.dma_semaphore, #tpu.memory_space<semaphore_mem>>)
        %dma_wait3A = arith.constant 0 : i32
        %dma_wait3A_269 = arith.constant 0 : i32
        %dma_wait3A_270 = tpu.memref_slice %arg15[%dma_wait3A, %dma_wait3A_269] : memref<320x64xf32, #tpu.memory_space<vmem>> -> memref<160x64xf32, #tpu.memory_space<vmem>>
        %dma_wait3A_271 = tpu.memref_slice %arg14[%mul3A_251] : memref<4320xi32, #tpu.memory_space<vmem>> -> memref<160xi32, #tpu.memory_space<vmem>>
        %dma_wait3A_272 = arith.constant 0 : i32
        %dma_wait3A_273 = arith.constant 0 : i32
        %dma_wait3A_274 = tpu.memref_slice %arg17[%dma_wait3A_272, %dma_wait3A_273] : memref<10000x64xf32, #tpu.memory_space<vmem_shared>> -> memref<10000x64xf32, #tpu.memory_space<vmem_shared>>
        tpu.wait_indirect_dma semaphore(%arg18 : memref<!tpu.dma_semaphore, #tpu.memory_space<semaphore_mem>>) src(%dma_wait3A_274 : memref<10000x64xf32, #tpu.memory_space<vmem_shared>>) dst(%dma_wait3A_270 : memref<160x64xf32, #tpu.memory_space<vmem>>)
        %dma_wait3A_275 = arith.constant 160 : i32
        %dma_wait3A_276 = arith.constant 0 : i32
        %dma_wait3A_277 = tpu.memref_slice %arg15[%dma_wait3A_275, %dma_wait3A_276] : memref<320x64xf32, #tpu.memory_space<vmem>> -> memref<160x64xf32, #tpu.memory_space<vmem>>
        %dma_wait3A_278 = tpu.memref_slice %arg14[%add3A_261] : memref<4320xi32, #tpu.memory_space<vmem>> -> memref<160xi32, #tpu.memory_space<vmem>>
        %dma_wait3A_279 = arith.constant 0 : i32
        %dma_wait3A_280 = arith.constant 0 : i32
        %dma_wait3A_281 = tpu.memref_slice %arg17[%dma_wait3A_279, %dma_wait3A_280] : memref<10000x64xf32, #tpu.memory_space<vmem_shared>> -> memref<10000x64xf32, #tpu.memory_space<vmem_shared>>
        tpu.wait_indirect_dma semaphore(%arg18 : memref<!tpu.dma_semaphore, #tpu.memory_space<semaphore_mem>>) src(%dma_wait3A_281 : memref<10000x64xf32, #tpu.memory_space<vmem_shared>>) dst(%dma_wait3A_277 : memref<160x64xf32, #tpu.memory_space<vmem>>)
        %mul3A_282 = arith.constant 320 : i32
        %mul3A_283 = arith.muli %while3A_248, %mul3A_282 : i32
        %scan3A_284 = arith.constant 0 : i32
        %scan3A_285 = arith.constant 0 : i32
        %scan3A_286 = arith.constant 320 : i32
        %scan3A_287 = arith.addi %scan3A_285, %scan3A_286 : i32
        %scan3A_288 = arith.constant 1 : i32
        %scan3A_289 = scf.for %scan3A_292 = %scan3A_285 to %scan3A_287 step %scan3A_288 iter_args(%scan3A_293 = %scan3A_284) -> (i32)  : i32 {
          %broadcast_in_dim3A_294 = vector.broadcast %scan3A_292 : i32 to vector<16xi32>
          %broadcast_in_dim3A_295 = vector.broadcast %mul3A_283 : i32 to vector<16xi32>
          %add3A_296 = arith.addi %broadcast_in_dim3A_295, %broadcast_in_dim3A_294 : vector<16xi32>
          %gather3A = tpu.vector_load_idx %arg13[%add3A_296] : memref<4320xi32, #tpu.memory_space<vmem>>[vector<16xi32>], vector<16xi32>,
          %add3A_297 = arith.constant 0 : i32
          %add3A_298 = vector.broadcast %add3A_297 : i32 to vector<16xi32>
          %add3A_299 = arith.addi %iota3A, %add3A_298 : vector<16xi32>
          %gather3A_300 = tpu.vector_load_idx %arg16[%gather3A, %add3A_299] : memref<641x64xf32, #tpu.memory_space<vmem>>[vector<16xi32>, vector<16xi32>], vector<16xf32>,
          %gather3A_301 = tpu.vector_load_idx %arg15[%broadcast_in_dim3A_294, %add3A_299] : memref<320x64xf32, #tpu.memory_space<vmem>>[vector<16xi32>, vector<16xi32>], vector<16xf32>,
          %max3A = arith.maximumf %gather3A_300, %gather3A_301 : vector<16xf32>
          tpu.vector_store_idx %arg16[%gather3A, %add3A_299], %max3A : memref<641x64xf32, #tpu.memory_space<vmem>>[vector<16xi32>, vector<16xi32>], vector<16xf32>,
          %add3A_302 = arith.constant 16 : i32
          %add3A_303 = vector.broadcast %add3A_302 : i32 to vector<16xi32>
          %add3A_304 = arith.addi %iota3A, %add3A_303 : vector<16xi32>
          %gather3A_305 = tpu.vector_load_idx %arg16[%gather3A, %add3A_304] : memref<641x64xf32, #tpu.memory_space<vmem>>[vector<16xi32>, vector<16xi32>], vector<16xf32>,
          %gather3A_306 = tpu.vector_load_idx %arg15[%broadcast_in_dim3A_294, %add3A_304] : memref<320x64xf32, #tpu.memory_space<vmem>>[vector<16xi32>, vector<16xi32>], vector<16xf32>,
          %max3A_307 = arith.maximumf %gather3A_305, %gather3A_306 : vector<16xf32>
          tpu.vector_store_idx %arg16[%gather3A, %add3A_304], %max3A_307 : memref<641x64xf32, #tpu.memory_space<vmem>>[vector<16xi32>, vector<16xi32>], vector<16xf32>,
          %add3A_308 = arith.constant 32 : i32
          %add3A_309 = vector.broadcast %add3A_308 : i32 to vector<16xi32>
          %add3A_310 = arith.addi %iota3A, %add3A_309 : vector<16xi32>
          %gather3A_311 = tpu.vector_load_idx %arg16[%gather3A, %add3A_310] : memref<641x64xf32, #tpu.memory_space<vmem>>[vector<16xi32>, vector<16xi32>], vector<16xf32>,
          %gather3A_312 = tpu.vector_load_idx %arg15[%broadcast_in_dim3A_294, %add3A_310] : memref<320x64xf32, #tpu.memory_space<vmem>>[vector<16xi32>, vector<16xi32>], vector<16xf32>,
          %max3A_313 = arith.maximumf %gather3A_311, %gather3A_312 : vector<16xf32>
          tpu.vector_store_idx %arg16[%gather3A, %add3A_310], %max3A_313 : memref<641x64xf32, #tpu.memory_space<vmem>>[vector<16xi32>, vector<16xi32>], vector<16xf32>,
          %add3A_314 = arith.constant 48 : i32
          %add3A_315 = vector.broadcast %add3A_314 : i32 to vector<16xi32>
          %add3A_316 = arith.addi %iota3A, %add3A_315 : vector<16xi32>
          %gather3A_317 = tpu.vector_load_idx %arg16[%gather3A, %add3A_316] : memref<641x64xf32, #tpu.memory_space<vmem>>[vector<16xi32>, vector<16xi32>], vector<16xf32>,
          %gather3A_318 = tpu.vector_load_idx %arg15[%broadcast_in_dim3A_294, %add3A_316] : memref<320x64xf32, #tpu.memory_space<vmem>>[vector<16xi32>, vector<16xi32>], vector<16xf32>,
          %max3A_319 = arith.maximumf %gather3A_317, %gather3A_318 : vector<16xf32>
          tpu.vector_store_idx %arg16[%gather3A, %add3A_316], %max3A_319 : memref<641x64xf32, #tpu.memory_space<vmem>>[vector<16xi32>, vector<16xi32>], vector<16xf32>,
          %scan3A_320 = arith.constant 0 : i32
          scf.yield %scan3A_320 : i32
        }
        %scan3A_290 = arith.constant 320 : i32
        %while3A_291 = arith.constant 0 : i32
        scf.yield %while3A_291 : i32
      }
      %while3A_246 = arith.constant 1 : i32
      %while3A_247 = scf.for %while3A_248 = %while3A_243 to %while3A_239 step %while3A_246 iter_args(%while3A_249 = %while3A_245) -> (i32)  : i32 {
        %mul3A_250 = arith.constant 320 : i32
        %mul3A_251 = arith.muli %while3A_248, %mul3A_250 : i32
        %dma_start3A = arith.constant 0 : i32
        %dma_start3A_252 = arith.constant 0 : i32
        %dma_start3A_253 = tpu.memref_slice %arg15[%dma_start3A, %dma_start3A_252] : memref<320x64xf32, #tpu.memory_space<vmem>> -> memref<160x64xf32, #tpu.memory_space<vmem>>
        %dma_start3A_254 = tpu.memref_slice %arg14[%mul3A_251] : memref<4320xi32, #tpu.memory_space<vmem>> -> memref<160xi32, #tpu.memory_space<vmem>>
        %dma_start3A_255 = arith.constant 0 : i32
        %dma_start3A_256 = arith.constant 0 : i32
        %dma_start3A_257 = tpu.memref_slice %arg17[%dma_start3A_255, %dma_start3A_256] : memref<10000x64xf32, #tpu.memory_space<vmem_shared>> -> memref<10000x64xf32, #tpu.memory_space<vmem_shared>>
        tpu.enqueue_indirect_dma source(%dma_start3A_257 : memref<10000x64xf32, #tpu.memory_space<vmem_shared>>) target(%dma_start3A_253 : memref<160x64xf32, #tpu.memory_space<vmem>>) offsets(%dma_start3A_254 : memref<160xi32, #tpu.memory_space<vmem>>) semaphore(%arg18 : memref<!tpu.dma_semaphore, #tpu.memory_space<semaphore_mem>>)
        %mul3A_258 = arith.constant 320 : i32
        %mul3A_259 = arith.muli %while3A_248, %mul3A_258 : i32
        %add3A_260 = arith.constant 160 : i32
        %add3A_261 = arith.addi %mul3A_259, %add3A_260 : i32
        %dma_start3A_262 = arith.constant 160 : i32
        %dma_start3A_263 = arith.constant 0 : i32
        %dma_start3A_264 = tpu.memref_slice %arg15[%dma_start3A_262, %dma_start3A_263] : memref<320x64xf32, #tpu.memory_space<vmem>> -> memref<160x64xf32, #tpu.memory_space<vmem>>
        %dma_start3A_265 = tpu.memref_slice %arg14[%add3A_261] : memref<4320xi32, #tpu.memory_space<vmem>> -> memref<160xi32, #tpu.memory_space<vmem>>
        %dma_start3A_266 = arith.constant 0 : i32
        %dma_start3A_267 = arith.constant 0 : i32
        %dma_start3A_268 = tpu.memref_slice %arg17[%dma_start3A_266, %dma_start3A_267] : memref<10000x64xf32, #tpu.memory_space<vmem_shared>> -> memref<10000x64xf32, #tpu.memory_space<vmem_shared>>
        tpu.enqueue_indirect_dma source(%dma_start3A_268 : memref<10000x64xf32, #tpu.memory_space<vmem_shared>>) target(%dma_start3A_264 : memref<160x64xf32, #tpu.memory_space<vmem>>) offsets(%dma_start3A_265 : memref<160xi32, #tpu.memory_space<vmem>>) semaphore(%arg18 : memref<!tpu.dma_semaphore, #tpu.memory_space<semaphore_mem>>)
        %dma_wait3A = arith.constant 0 : i32
        %dma_wait3A_269 = arith.constant 0 : i32
        %dma_wait3A_270 = tpu.memref_slice %arg15[%dma_wait3A, %dma_wait3A_269] : memref<320x64xf32, #tpu.memory_space<vmem>> -> memref<160x64xf32, #tpu.memory_space<vmem>>
        %dma_wait3A_271 = tpu.memref_slice %arg14[%mul3A_251] : memref<4320xi32, #tpu.memory_space<vmem>> -> memref<160xi32, #tpu.memory_space<vmem>>
        %dma_wait3A_272 = arith.constant 0 : i32
        %dma_wait3A_273 = arith.constant 0 : i32
        %dma_wait3A_274 = tpu.memref_slice %arg17[%dma_wait3A_272, %dma_wait3A_273] : memref<10000x64xf32, #tpu.memory_space<vmem_shared>> -> memref<10000x64xf32, #tpu.memory_space<vmem_shared>>
        tpu.wait_indirect_dma semaphore(%arg18 : memref<!tpu.dma_semaphore, #tpu.memory_space<semaphore_mem>>) src(%dma_wait3A_274 : memref<10000x64xf32, #tpu.memory_space<vmem_shared>>) dst(%dma_wait3A_270 : memref<160x64xf32, #tpu.memory_space<vmem>>)
        %dma_wait3A_275 = arith.constant 160 : i32
        %dma_wait3A_276 = arith.constant 0 : i32
        %dma_wait3A_277 = tpu.memref_slice %arg15[%dma_wait3A_275, %dma_wait3A_276] : memref<320x64xf32, #tpu.memory_space<vmem>> -> memref<160x64xf32, #tpu.memory_space<vmem>>
        %dma_wait3A_278 = tpu.memref_slice %arg14[%add3A_261] : memref<4320xi32, #tpu.memory_space<vmem>> -> memref<160xi32, #tpu.memory_space<vmem>>
        %dma_wait3A_279 = arith.constant 0 : i32
        %dma_wait3A_280 = arith.constant 0 : i32
        %dma_wait3A_281 = tpu.memref_slice %arg17[%dma_wait3A_279, %dma_wait3A_280] : memref<10000x64xf32, #tpu.memory_space<vmem_shared>> -> memref<10000x64xf32, #tpu.memory_space<vmem_shared>>
        tpu.wait_indirect_dma semaphore(%arg18 : memref<!tpu.dma_semaphore, #tpu.memory_space<semaphore_mem>>) src(%dma_wait3A_281 : memref<10000x64xf32, #tpu.memory_space<vmem_shared>>) dst(%dma_wait3A_277 : memref<160x64xf32, #tpu.memory_space<vmem>>)
        %mul3A_282 = arith.constant 320 : i32
        %mul3A_283 = arith.muli %while3A_248, %mul3A_282 : i32
        %scan3A_284 = arith.constant 0 : i32
        %scan3A_285 = arith.constant 0 : i32
        %scan3A_286 = arith.constant 320 : i32
        %scan3A_287 = arith.addi %scan3A_285, %scan3A_286 : i32
        %scan3A_288 = arith.constant 1 : i32
        %scan3A_289 = scf.for %scan3A_292 = %scan3A_285 to %scan3A_287 step %scan3A_288 iter_args(%scan3A_293 = %scan3A_284) -> (i32)  : i32 {
          %broadcast_in_dim3A_294 = vector.broadcast %scan3A_292 : i32 to vector<16xi32>
          %broadcast_in_dim3A_295 = vector.broadcast %mul3A_283 : i32 to vector<16xi32>
          %add3A_296 = arith.addi %broadcast_in_dim3A_295, %broadcast_in_dim3A_294 : vector<16xi32>
          %gather3A = tpu.vector_load_idx %arg13[%add3A_296] : memref<4320xi32, #tpu.memory_space<vmem>>[vector<16xi32>], vector<16xi32>,
          %add3A_297 = arith.constant 0 : i32
          %add3A_298 = vector.broadcast %add3A_297 : i32 to vector<16xi32>
          %add3A_299 = arith.addi %iota3A, %add3A_298 : vector<16xi32>
          %gather3A_300 = tpu.vector_load_idx %arg16[%gather3A, %add3A_299] : memref<641x64xf32, #tpu.memory_space<vmem>>[vector<16xi32>, vector<16xi32>], vector<16xf32>,
          %gather3A_301 = tpu.vector_load_idx %arg15[%broadcast_in_dim3A_294, %add3A_299] : memref<320x64xf32, #tpu.memory_space<vmem>>[vector<16xi32>, vector<16xi32>], vector<16xf32>,
          %max3A = arith.maximumf %gather3A_300, %gather3A_301 : vector<16xf32>
          tpu.vector_store_idx %arg16[%gather3A, %add3A_299], %max3A : memref<641x64xf32, #tpu.memory_space<vmem>>[vector<16xi32>, vector<16xi32>], vector<16xf32>,
          %add3A_302 = arith.constant 16 : i32
          %add3A_303 = vector.broadcast %add3A_302 : i32 to vector<16xi32>
          %add3A_304 = arith.addi %iota3A, %add3A_303 : vector<16xi32>
          %gather3A_305 = tpu.vector_load_idx %arg16[%gather3A, %add3A_304] : memref<641x64xf32, #tpu.memory_space<vmem>>[vector<16xi32>, vector<16xi32>], vector<16xf32>,
          %gather3A_306 = tpu.vector_load_idx %arg15[%broadcast_in_dim3A_294, %add3A_304] : memref<320x64xf32, #tpu.memory_space<vmem>>[vector<16xi32>, vector<16xi32>], vector<16xf32>,
          %max3A_307 = arith.maximumf %gather3A_305, %gather3A_306 : vector<16xf32>
          tpu.vector_store_idx %arg16[%gather3A, %add3A_304], %max3A_307 : memref<641x64xf32, #tpu.memory_space<vmem>>[vector<16xi32>, vector<16xi32>], vector<16xf32>,
          %add3A_308 = arith.constant 32 : i32
          %add3A_309 = vector.broadcast %add3A_308 : i32 to vector<16xi32>
          %add3A_310 = arith.addi %iota3A, %add3A_309 : vector<16xi32>
          %gather3A_311 = tpu.vector_load_idx %arg16[%gather3A, %add3A_310] : memref<641x64xf32, #tpu.memory_space<vmem>>[vector<16xi32>, vector<16xi32>], vector<16xf32>,
          %gather3A_312 = tpu.vector_load_idx %arg15[%broadcast_in_dim3A_294, %add3A_310] : memref<320x64xf32, #tpu.memory_space<vmem>>[vector<16xi32>, vector<16xi32>], vector<16xf32>,
          %max3A_313 = arith.maximumf %gather3A_311, %gather3A_312 : vector<16xf32>
          tpu.vector_store_idx %arg16[%gather3A, %add3A_310], %max3A_313 : memref<641x64xf32, #tpu.memory_space<vmem>>[vector<16xi32>, vector<16xi32>], vector<16xf32>,
          %add3A_314 = arith.constant 48 : i32
          %add3A_315 = vector.broadcast %add3A_314 : i32 to vector<16xi32>
          %add3A_316 = arith.addi %iota3A, %add3A_315 : vector<16xi32>
          %gather3A_317 = tpu.vector_load_idx %arg16[%gather3A, %add3A_316] : memref<641x64xf32, #tpu.memory_space<vmem>>[vector<16xi32>, vector<16xi32>], vector<16xf32>,
          %gather3A_318 = tpu.vector_load_idx %arg15[%broadcast_in_dim3A_294, %add3A_316] : memref<320x64xf32, #tpu.memory_space<vmem>>[vector<16xi32>, vector<16xi32>], vector<16xf32>,
          %max3A_319 = arith.maximumf %gather3A_317, %gather3A_318 : vector<16xf32>
          tpu.vector_store_idx %arg16[%gather3A, %add3A_316], %max3A_319 : memref<641x64xf32, #tpu.memory_space<vmem>>[vector<16xi32>, vector<16xi32>], vector<16xf32>,
          %scan3A_320 = arith.constant 0 : i32
          scf.yield %scan3A_320 : i32
        }
        %scan3A_290 = arith.constant 320 : i32
        %while3A_291 = arith.constant 0 : i32
        scf.yield %while3A_291 : i32
      }
      scf.yield %while3A_235 : i32
    }
    %scan3A_16 = arith.constant 80 : i32
    %eq3A_17 = arith.constant 0 : i32
    %eq3A_18 = arith.cmpi eq, %arg0, %eq3A_17 : i32
    %convert_element_type3A_19 = arith.extui %eq3A_18 : i1 to i32
    %cond3A_20 = arith.constant 0 : i32
    %cond3A_21 = arith.cmpi ne, %convert_element_type3A_19, %cond3A_20 : i32
    scf.if %cond3A_21 {
      %dma_wait3A = arith.constant 0 : i32
      %dma_wait3A_22 = arith.constant 0 : i32
      %dma_wait3A_23 = tpu.memref_slice %arg13[%dma_wait3A_22] : memref<4320xi32, #tpu.memory_space<vmem>> -> memref<320xi32, #tpu.memory_space<vmem>>
      %dma_wait3A_24 = arith.constant 0 : i32
      %dma_wait3A_25 = tpu.memref_slice %arg6[%dma_wait3A, %dma_wait3A_24] : memref<16x25600xi32, #tpu.memory_space<hbm>> -> memref<1x320xi32, #tpu.memory_space<hbm>>
      %dma_wait3A_26 = tpu.memref_squeeze %dma_wait3A_25 : memref<1x320xi32, #tpu.memory_space<hbm>> -> memref<320xi32, #tpu.memory_space<hbm>>
      %dma_wait3A_27 = arith.constant 0 : i32
      %dma_wait3A_28 = tpu.memref_slice %arg6[%dma_wait3A, %dma_wait3A_27] : memref<16x25600xi32, #tpu.memory_space<hbm>> -> memref<1x320xi32, #tpu.memory_space<hbm>>
      %dma_wait3A_29 = tpu.memref_squeeze %dma_wait3A_28 : memref<1x320xi32, #tpu.memory_space<hbm>> -> memref<320xi32, #tpu.memory_space<hbm>>
      %dma_wait3A_30 = arith.constant 0 : i32
      %dma_wait3A_31 = tpu.memref_slice %arg13[%dma_wait3A_30] : memref<4320xi32, #tpu.memory_space<vmem>> -> memref<320xi32, #tpu.memory_space<vmem>>
      tpu.wait_dma2 semaphore(%arg19 : memref<!tpu.dma_semaphore, #tpu.memory_space<semaphore_mem>>) src(%dma_wait3A_31 : memref<320xi32, #tpu.memory_space<vmem>>) dst(%dma_wait3A_29 : memref<320xi32, #tpu.memory_space<hbm>>)
      %dma_wait3A_32 = arith.constant 0 : i32
      %dma_wait3A_33 = arith.constant 0 : i32
      %dma_wait3A_34 = tpu.memref_slice %arg14[%dma_wait3A_33] : memref<4320xi32, #tpu.memory_space<vmem>> -> memref<320xi32, #tpu.memory_space<vmem>>
      %dma_wait3A_35 = arith.constant 0 : i32
      %dma_wait3A_36 = tpu.memref_slice %arg7[%dma_wait3A_32, %dma_wait3A_35] : memref<16x25600xi32, #tpu.memory_space<hbm>> -> memref<1x320xi32, #tpu.memory_space<hbm>>
      %dma_wait3A_37 = tpu.memref_squeeze %dma_wait3A_36 : memref<1x320xi32, #tpu.memory_space<hbm>> -> memref<320xi32, #tpu.memory_space<hbm>>
      %dma_wait3A_38 = arith.constant 0 : i32
      %dma_wait3A_39 = tpu.memref_slice %arg7[%dma_wait3A_32, %dma_wait3A_38] : memref<16x25600xi32, #tpu.memory_space<hbm>> -> memref<1x320xi32, #tpu.memory_space<hbm>>
      %dma_wait3A_40 = tpu.memref_squeeze %dma_wait3A_39 : memref<1x320xi32, #tpu.memory_space<hbm>> -> memref<320xi32, #tpu.memory_space<hbm>>
      %dma_wait3A_41 = arith.constant 0 : i32
      %dma_wait3A_42 = tpu.memref_slice %arg14[%dma_wait3A_41] : memref<4320xi32, #tpu.memory_space<vmem>> -> memref<320xi32, #tpu.memory_space<vmem>>
      tpu.wait_dma2 semaphore(%arg19 : memref<!tpu.dma_semaphore, #tpu.memory_space<semaphore_mem>>) src(%dma_wait3A_42 : memref<320xi32, #tpu.memory_space<vmem>>) dst(%dma_wait3A_40 : memref<320xi32, #tpu.memory_space<hbm>>)
      %broadcast_in_dim3A_43 = vector.broadcast %scan3A_15 : i32 to vector<16xi32>
      %swap3A = arith.constant 0 : index
      %swap3A_44 = tpu.vector_load %arg13[%swap3A] {strides = array<i32>} : memref<4320xi32, #tpu.memory_space<vmem>>, vector<16xi32>,
      tpu.vector_store %arg13[%swap3A], %broadcast_in_dim3A_43 {strides = array<i32>} : memref<4320xi32, #tpu.memory_space<vmem>>, vector<16xi32>,
      "tpu.region"() ({
        %run_scoped3A = tpu.sem_alloc : memref<!tpu.dma_semaphore, #tpu.memory_space<semaphore_mem>>
        %dma_start3A = arith.constant 0 : i32
        %dma_start3A_45 = tpu.memref_slice %arg13[%dma_start3A] : memref<4320xi32, #tpu.memory_space<vmem>> -> memref<16xi32, #tpu.memory_space<vmem>>
        %dma_start3A_46 = arith.constant 0 : i32
        %dma_start3A_47 = tpu.memref_slice %arg10[%arg1, %dma_start3A_46] : memref<16x16xi32, #tpu.memory_space<hbm>> -> memref<1x16xi32, #tpu.memory_space<hbm>>
        %dma_start3A_48 = tpu.memref_squeeze %dma_start3A_47 : memref<1x16xi32, #tpu.memory_space<hbm>> -> memref<16xi32, #tpu.memory_space<hbm>>
        %dma_start3A_49 = arith.constant 0 : i32
        %dma_start3A_50 = tpu.memref_slice %arg10[%arg1, %dma_start3A_49] : memref<16x16xi32, #tpu.memory_space<hbm>> -> memref<1x16xi32, #tpu.memory_space<hbm>>
        %dma_start3A_51 = tpu.memref_squeeze %dma_start3A_50 : memref<1x16xi32, #tpu.memory_space<hbm>> -> memref<16xi32, #tpu.memory_space<hbm>>
        %dma_start3A_52 = arith.constant 0 : i32
        %dma_start3A_53 = tpu.memref_slice %arg13[%dma_start3A_52] : memref<4320xi32, #tpu.memory_space<vmem>> -> memref<16xi32, #tpu.memory_space<vmem>>
        tpu.enqueue_dma source(%dma_start3A_53 : memref<16xi32, #tpu.memory_space<vmem>>) target(%dma_start3A_51 : memref<16xi32, #tpu.memory_space<hbm>>) target_semaphore(%run_scoped3A : memref<!tpu.dma_semaphore, #tpu.memory_space<semaphore_mem>>)
        %dma_wait3A_54 = arith.constant 0 : i32
        %dma_wait3A_55 = tpu.memref_slice %arg13[%dma_wait3A_54] : memref<4320xi32, #tpu.memory_space<vmem>> -> memref<16xi32, #tpu.memory_space<vmem>>
        %dma_wait3A_56 = arith.constant 0 : i32
        %dma_wait3A_57 = tpu.memref_slice %arg10[%arg1, %dma_wait3A_56] : memref<16x16xi32, #tpu.memory_space<hbm>> -> memref<1x16xi32, #tpu.memory_space<hbm>>
        %dma_wait3A_58 = tpu.memref_squeeze %dma_wait3A_57 : memref<1x16xi32, #tpu.memory_space<hbm>> -> memref<16xi32, #tpu.memory_space<hbm>>
        %dma_wait3A_59 = arith.constant 0 : i32
        %dma_wait3A_60 = tpu.memref_slice %arg10[%arg1, %dma_wait3A_59] : memref<16x16xi32, #tpu.memory_space<hbm>> -> memref<1x16xi32, #tpu.memory_space<hbm>>
        %dma_wait3A_61 = tpu.memref_squeeze %dma_wait3A_60 : memref<1x16xi32, #tpu.memory_space<hbm>> -> memref<16xi32, #tpu.memory_space<hbm>>
        %dma_wait3A_62 = arith.constant 0 : i32
        %dma_wait3A_63 = tpu.memref_slice %arg13[%dma_wait3A_62] : memref<4320xi32, #tpu.memory_space<vmem>> -> memref<16xi32, #tpu.memory_space<vmem>>
        tpu.wait_dma2 semaphore(%run_scoped3A : memref<!tpu.dma_semaphore, #tpu.memory_space<semaphore_mem>>) src(%dma_wait3A_63 : memref<16xi32, #tpu.memory_space<vmem>>) dst(%dma_wait3A_61 : memref<16xi32, #tpu.memory_space<hbm>>)
        tpu.yield
      }) : () -> ()
    } else {
    }
    "tpu.region"() ({
      %run_scoped3A = tpu.sem_alloc : memref<!tpu.dma_semaphore, #tpu.memory_space<semaphore_mem>>
      %dma_start3A = arith.constant 0 : i32
      %dma_start3A_22 = arith.constant 0 : i32
      %dma_start3A_23 = tpu.memref_slice %arg16[%dma_start3A, %dma_start3A_22] : memref<641x64xf32, #tpu.memory_space<vmem>> -> memref<640x64xf32, #tpu.memory_space<vmem>>
      %dma_start3A_24 = arith.constant 0 : i32
      %dma_start3A_25 = tpu.memref_slice %arg5[%arg0, %mul3A_0, %dma_start3A_24] : memref<2x10240x64xf32, #tpu.memory_space<hbm>> -> memref<1x640x64xf32, #tpu.memory_space<hbm>>
      %dma_start3A_26 = tpu.memref_squeeze %dma_start3A_25 : memref<1x640x64xf32, #tpu.memory_space<hbm>> -> memref<640x64xf32, #tpu.memory_space<hbm>>
      %dma_start3A_27 = arith.constant 0 : i32
      %dma_start3A_28 = tpu.memref_slice %arg5[%arg0, %mul3A_0, %dma_start3A_27] : memref<2x10240x64xf32, #tpu.memory_space<hbm>> -> memref<1x640x64xf32, #tpu.memory_space<hbm>>
      %dma_start3A_29 = tpu.memref_squeeze %dma_start3A_28 : memref<1x640x64xf32, #tpu.memory_space<hbm>> -> memref<640x64xf32, #tpu.memory_space<hbm>>
      %dma_start3A_30 = arith.constant 0 : i32
      %dma_start3A_31 = arith.constant 0 : i32
      %dma_start3A_32 = tpu.memref_slice %arg16[%dma_start3A_30, %dma_start3A_31] : memref<641x64xf32, #tpu.memory_space<vmem>> -> memref<640x64xf32, #tpu.memory_space<vmem>>
      tpu.enqueue_dma source(%dma_start3A_32 : memref<640x64xf32, #tpu.memory_space<vmem>>) target(%dma_start3A_29 : memref<640x64xf32, #tpu.memory_space<hbm>>) target_semaphore(%run_scoped3A : memref<!tpu.dma_semaphore, #tpu.memory_space<semaphore_mem>>)
      %dma_wait3A = arith.constant 0 : i32
      %dma_wait3A_33 = arith.constant 0 : i32
      %dma_wait3A_34 = tpu.memref_slice %arg16[%dma_wait3A, %dma_wait3A_33] : memref<641x64xf32, #tpu.memory_space<vmem>> -> memref<640x64xf32, #tpu.memory_space<vmem>>
      %dma_wait3A_35 = arith.constant 0 : i32
      %dma_wait3A_36 = tpu.memref_slice %arg5[%arg0, %mul3A_0, %dma_wait3A_35] : memref<2x10240x64xf32, #tpu.memory_space<hbm>> -> memref<1x640x64xf32, #tpu.memory_space<hbm>>
      %dma_wait3A_37 = tpu.memref_squeeze %dma_wait3A_36 : memref<1x640x64xf32, #tpu.memory_space<hbm>> -> memref<640x64xf32, #tpu.memory_space<hbm>>
      %dma_wait3A_38 = arith.constant 0 : i32
      %dma_wait3A_39 = tpu.memref_slice %arg5[%arg0, %mul3A_0, %dma_wait3A_38] : memref<2x10240x64xf32, #tpu.memory_space<hbm>> -> memref<1x640x64xf32, #tpu.memory_space<hbm>>
      %dma_wait3A_40 = tpu.memref_squeeze %dma_wait3A_39 : memref<1x640x64xf32, #tpu.memory_space<hbm>> -> memref<640x64xf32, #tpu.memory_space<hbm>>
      %dma_wait3A_41 = arith.constant 0 : i32
      %dma_wait3A_42 = arith.constant 0 : i32
      %dma_wait3A_43 = tpu.memref_slice %arg16[%dma_wait3A_41, %dma_wait3A_42] : memref<641x64xf32, #tpu.memory_space<vmem>> -> memref<640x64xf32, #tpu.memory_space<vmem>>
      tpu.wait_dma2 semaphore(%run_scoped3A : memref<!tpu.dma_semaphore, #tpu.memory_space<semaphore_mem>>) src(%dma_wait3A_43 : memref<640x64xf32, #tpu.memory_space<vmem>>) dst(%dma_wait3A_40 : memref<640x64xf32, #tpu.memory_space<hbm>>)
      tpu.yield
    }) : () -> ()
    return
  }
}

module attributes {stable_mosaic.version = 14 : i64} {
  func.func @_mm_body(%arg0: i32, %arg1: memref<2x1000x64xf32, #tpu.memory_space<vmem>>, %arg2: memref<2x1000x64xf32, #tpu.memory_space<vmem>>, %arg3: memref<128x128xf32, #tpu.memory_space<vmem>>, %arg4: memref<128x128xf32, #tpu.memory_space<vmem>>, %arg5: memref<1x128xf32, #tpu.memory_space<vmem>>, %arg6: memref<2x1000x64xf32, #tpu.memory_space<vmem>>) attributes {dimension_semantics = [#tpu.dimension_semantics<arbitrary>], iteration_bounds = array<i64: 10>, scalar_prefetch = 0 : i64, scratch_operands = 0 : i64, tpu.core_type = #tpu.core_type<tc>, window_params = [{transform_indices = @transform_0, window_bounds = array<i64: 2, 1000, 64>}, {transform_indices = @transform_1, window_bounds = array<i64: 2, 1000, 64>}, {pipeline_mode = #tpu.pipeline_mode<synchronous>, transform_indices = @transform_2, window_bounds = array<i64: 128, 128>}, {pipeline_mode = #tpu.pipeline_mode<synchronous>, transform_indices = @transform_3, window_bounds = array<i64: 128, 128>}, {pipeline_mode = #tpu.pipeline_mode<synchronous>, transform_indices = @transform_4, window_bounds = array<i64: 1, 128>}, {transform_indices = @transform_5, window_bounds = array<i64: 2, 1000, 64>}]} {
    %get3A = arith.constant 0 : index
    %get3A_0 = arith.constant 0 : index
    %get3A_1 = arith.constant 0 : index
    %get3A_2 = vector.load %arg1[%get3A, %get3A_0, %get3A_1] : memref<2x1000x64xf32, #tpu.memory_space<vmem>>, vector<1x1000x64xf32>
    %get3A_3 = vector.shape_cast %get3A_2 : vector<1x1000x64xf32> to vector<1000x64xf32>
    %get3A_4 = arith.constant 1 : index
    %get3A_5 = arith.constant 0 : index
    %get3A_6 = arith.constant 0 : index
    %get3A_7 = vector.load %arg1[%get3A_4, %get3A_5, %get3A_6] : memref<2x1000x64xf32, #tpu.memory_space<vmem>>, vector<1x1000x64xf32>
    %get3A_8 = vector.shape_cast %get3A_7 : vector<1x1000x64xf32> to vector<1000x64xf32>
    %concatenate3A = tpu.concatenate %get3A_3, %get3A_8 in 1 : vector<1000x64xf32>, vector<1000x64xf32> -> vector<1000x128xf32>
    %is_finite3A = tpu.weird %concatenate3A : vector<1000x128xf32> -> vector<1000x128xi1>
    %is_finite3A_9 = arith.constant dense<true> : vector<1000x128xi1>
    %is_finite3A_10 = arith.xori %is_finite3A, %is_finite3A_9 : vector<1000x128xi1>
    %jit3A = arith.constant 0.000000e+00 : f32
    %broadcast_in_dim3A = vector.broadcast %jit3A : f32 to vector<1000x128xf32>
    %select_n3A = arith.select %is_finite3A_10, %concatenate3A, %broadcast_in_dim3A : vector<1000x128xi1>, vector<1000x128xf32>
    %get3A_11 = arith.constant 0 : index
    %get3A_12 = arith.constant 0 : index
    %get3A_13 = arith.constant 0 : index
    %get3A_14 = vector.load %arg2[%get3A_11, %get3A_12, %get3A_13] : memref<2x1000x64xf32, #tpu.memory_space<vmem>>, vector<1x1000x64xf32>
    %get3A_15 = vector.shape_cast %get3A_14 : vector<1x1000x64xf32> to vector<1000x64xf32>
    %get3A_16 = arith.constant 1 : index
    %get3A_17 = arith.constant 0 : index
    %get3A_18 = arith.constant 0 : index
    %get3A_19 = vector.load %arg2[%get3A_16, %get3A_17, %get3A_18] : memref<2x1000x64xf32, #tpu.memory_space<vmem>>, vector<1x1000x64xf32>
    %get3A_20 = vector.shape_cast %get3A_19 : vector<1x1000x64xf32> to vector<1000x64xf32>
    %concatenate3A_21 = tpu.concatenate %get3A_15, %get3A_20 in 1 : vector<1000x64xf32>, vector<1000x64xf32> -> vector<1000x128xf32>
    %get3A_22 = arith.constant 0 : index
    %get3A_23 = arith.constant 0 : index
    %get3A_24 = vector.load %arg3[%get3A_22, %get3A_23] : memref<128x128xf32, #tpu.memory_space<vmem>>, vector<128x128xf32>
    %dot_general3A = arith.constant dense<0.000000e+00> : vector<1000x128xf32>
    %dot_general3A_25 = tpu.matmul %select_n3A, %get3A_24, %dot_general3A {dimension_numbers = #tpu.dot_dimension_numbers<[1], [1], [0], [0], [0, 0, 1, 0], [], []>, transpose_lhs_hint = false} : vector<1000x128xf32>, vector<128x128xf32>, vector<1000x128xf32> -> vector<1000x128xf32>
    %get3A_26 = arith.constant 0 : index
    %get3A_27 = arith.constant 0 : index
    %get3A_28 = vector.load %arg4[%get3A_26, %get3A_27] : memref<128x128xf32, #tpu.memory_space<vmem>>, vector<128x128xf32>
    %dot_general3A_29 = arith.constant dense<0.000000e+00> : vector<1000x128xf32>
    %dot_general3A_30 = tpu.matmul %concatenate3A_21, %get3A_28, %dot_general3A_29 {dimension_numbers = #tpu.dot_dimension_numbers<[1], [1], [0], [0], [0, 0, 1, 0], [], []>, transpose_lhs_hint = false} : vector<1000x128xf32>, vector<128x128xf32>, vector<1000x128xf32> -> vector<1000x128xf32>
    %add3A = arith.addf %dot_general3A_25, %dot_general3A_30 : vector<1000x128xf32>
    %get3A_31 = arith.constant 0 : index
    %get3A_32 = arith.constant 0 : index
    %get3A_33 = vector.load %arg5[%get3A_31, %get3A_32] : memref<1x128xf32, #tpu.memory_space<vmem>>, vector<1x128xf32>
    %add3A_34 = vector.broadcast %get3A_33 : vector<1x128xf32> to vector<1000x128xf32>
    %add3A_35 = arith.addf %add3A, %add3A_34 : vector<1000x128xf32>
    %slice3A = vector.extract_strided_slice %add3A_35 {offsets = [0, 0], sizes = [1000, 64], strides = [1, 1]} : vector<1000x128xf32> to vector<1000x64xf32>
    %swap3A = arith.constant 0 : index
    %swap3A_36 = arith.constant 0 : index
    %swap3A_37 = arith.constant 0 : index
    %swap3A_38 = vector.load %arg6[%swap3A, %swap3A_36, %swap3A_37] : memref<2x1000x64xf32, #tpu.memory_space<vmem>>, vector<1x1000x64xf32>
    %swap3A_39 = vector.shape_cast %swap3A_38 : vector<1x1000x64xf32> to vector<1000x64xf32>
    %swap3A_40 = vector.shape_cast %slice3A : vector<1000x64xf32> to vector<1x1000x64xf32>
    tpu.vector_store %arg6[%swap3A, %swap3A_36, %swap3A_37], %swap3A_40 {strides = array<i32>} : memref<2x1000x64xf32, #tpu.memory_space<vmem>>, vector<1x1000x64xf32>,
    %slice3A_41 = vector.extract_strided_slice %add3A_35 {offsets = [0, 64], sizes = [1000, 64], strides = [1, 1]} : vector<1000x128xf32> to vector<1000x64xf32>
    %swap3A_42 = arith.constant 1 : index
    %swap3A_43 = arith.constant 0 : index
    %swap3A_44 = arith.constant 0 : index
    %swap3A_45 = vector.load %arg6[%swap3A_42, %swap3A_43, %swap3A_44] : memref<2x1000x64xf32, #tpu.memory_space<vmem>>, vector<1x1000x64xf32>
    %swap3A_46 = vector.shape_cast %swap3A_45 : vector<1x1000x64xf32> to vector<1000x64xf32>
    %swap3A_47 = vector.shape_cast %slice3A_41 : vector<1000x64xf32> to vector<1x1000x64xf32>
    tpu.vector_store %arg6[%swap3A_42, %swap3A_43, %swap3A_44], %swap3A_47 {strides = array<i32>} : memref<2x1000x64xf32, #tpu.memory_space<vmem>>, vector<1x1000x64xf32>,
    return
  }
  func.func @transform_0(%arg0: i32) -> (i32, i32, i32) {
    %c0_i32 = arith.constant 0 : i32
    %c0_i32_0 = arith.constant 0 : i32
    %c0_i32_1 = arith.constant 0 : i32
    return %c0_i32, %arg0, %c0_i32_0 : i32, i32, i32
  }
  func.func @transform_1(%arg0: i32) -> (i32, i32, i32) {
    %c0_i32 = arith.constant 0 : i32
    %c0_i32_0 = arith.constant 0 : i32
    %c0_i32_1 = arith.constant 0 : i32
    return %c0_i32, %arg0, %c0_i32_0 : i32, i32, i32
  }
  func.func @transform_2(%arg0: i32) -> (i32, i32) {
    %c0_i32 = arith.constant 0 : i32
    %c0_i32_0 = arith.constant 0 : i32
    %c0_i32_1 = arith.constant 0 : i32
    return %c0_i32, %c0_i32_0 : i32, i32
  }
  func.func @transform_3(%arg0: i32) -> (i32, i32) {
    %c0_i32 = arith.constant 0 : i32
    %c0_i32_0 = arith.constant 0 : i32
    %c0_i32_1 = arith.constant 0 : i32
    return %c0_i32, %c0_i32_0 : i32, i32
  }
  func.func @transform_4(%arg0: i32) -> (i32, i32) {
    %c0_i32 = arith.constant 0 : i32
    %c0_i32_0 = arith.constant 0 : i32
    %c0_i32_1 = arith.constant 0 : i32
    return %c0_i32, %c0_i32_0 : i32, i32
  }
  func.func @transform_5(%arg0: i32) -> (i32, i32, i32) {
    %c0_i32 = arith.constant 0 : i32
    %c0_i32_0 = arith.constant 0 : i32
    %c0_i32_1 = arith.constant 0 : i32
    return %c0_i32, %arg0, %c0_i32_0 : i32, i32, i32
  }
}

module attributes {stable_mosaic.version = 14 : i64} {
  func.func @_mm_body_final(%arg0: i32, %arg1: memref<2x1000x64xf32, #tpu.memory_space<vmem>>, %arg2: memref<2x1000x64xf32, #tpu.memory_space<vmem>>, %arg3: memref<128x128xf32, #tpu.memory_space<vmem>>, %arg4: memref<128x128xf32, #tpu.memory_space<vmem>>, %arg5: memref<1x128xf32, #tpu.memory_space<vmem>>, %arg6: memref<1000x128xf32, #tpu.memory_space<vmem>>) attributes {dimension_semantics = [#tpu.dimension_semantics<arbitrary>], iteration_bounds = array<i64: 10>, scalar_prefetch = 0 : i64, scratch_operands = 0 : i64, tpu.core_type = #tpu.core_type<tc>, window_params = [{transform_indices = @transform_0, window_bounds = array<i64: 2, 1000, 64>}, {transform_indices = @transform_1, window_bounds = array<i64: 2, 1000, 64>}, {pipeline_mode = #tpu.pipeline_mode<synchronous>, transform_indices = @transform_2, window_bounds = array<i64: 128, 128>}, {pipeline_mode = #tpu.pipeline_mode<synchronous>, transform_indices = @transform_3, window_bounds = array<i64: 128, 128>}, {pipeline_mode = #tpu.pipeline_mode<synchronous>, transform_indices = @transform_4, window_bounds = array<i64: 1, 128>}, {transform_indices = @transform_5, window_bounds = array<i64: 1000, 128>}]} {
    %get3A = arith.constant 0 : index
    %get3A_0 = arith.constant 0 : index
    %get3A_1 = arith.constant 0 : index
    %get3A_2 = vector.load %arg1[%get3A, %get3A_0, %get3A_1] : memref<2x1000x64xf32, #tpu.memory_space<vmem>>, vector<1x1000x64xf32>
    %get3A_3 = vector.shape_cast %get3A_2 : vector<1x1000x64xf32> to vector<1000x64xf32>
    %get3A_4 = arith.constant 1 : index
    %get3A_5 = arith.constant 0 : index
    %get3A_6 = arith.constant 0 : index
    %get3A_7 = vector.load %arg1[%get3A_4, %get3A_5, %get3A_6] : memref<2x1000x64xf32, #tpu.memory_space<vmem>>, vector<1x1000x64xf32>
    %get3A_8 = vector.shape_cast %get3A_7 : vector<1x1000x64xf32> to vector<1000x64xf32>
    %concatenate3A = tpu.concatenate %get3A_3, %get3A_8 in 1 : vector<1000x64xf32>, vector<1000x64xf32> -> vector<1000x128xf32>
    %is_finite3A = tpu.weird %concatenate3A : vector<1000x128xf32> -> vector<1000x128xi1>
    %is_finite3A_9 = arith.constant dense<true> : vector<1000x128xi1>
    %is_finite3A_10 = arith.xori %is_finite3A, %is_finite3A_9 : vector<1000x128xi1>
    %jit3A = arith.constant 0.000000e+00 : f32
    %broadcast_in_dim3A = vector.broadcast %jit3A : f32 to vector<1000x128xf32>
    %select_n3A = arith.select %is_finite3A_10, %concatenate3A, %broadcast_in_dim3A : vector<1000x128xi1>, vector<1000x128xf32>
    %get3A_11 = arith.constant 0 : index
    %get3A_12 = arith.constant 0 : index
    %get3A_13 = arith.constant 0 : index
    %get3A_14 = vector.load %arg2[%get3A_11, %get3A_12, %get3A_13] : memref<2x1000x64xf32, #tpu.memory_space<vmem>>, vector<1x1000x64xf32>
    %get3A_15 = vector.shape_cast %get3A_14 : vector<1x1000x64xf32> to vector<1000x64xf32>
    %get3A_16 = arith.constant 1 : index
    %get3A_17 = arith.constant 0 : index
    %get3A_18 = arith.constant 0 : index
    %get3A_19 = vector.load %arg2[%get3A_16, %get3A_17, %get3A_18] : memref<2x1000x64xf32, #tpu.memory_space<vmem>>, vector<1x1000x64xf32>
    %get3A_20 = vector.shape_cast %get3A_19 : vector<1x1000x64xf32> to vector<1000x64xf32>
    %concatenate3A_21 = tpu.concatenate %get3A_15, %get3A_20 in 1 : vector<1000x64xf32>, vector<1000x64xf32> -> vector<1000x128xf32>
    %get3A_22 = arith.constant 0 : index
    %get3A_23 = arith.constant 0 : index
    %get3A_24 = vector.load %arg3[%get3A_22, %get3A_23] : memref<128x128xf32, #tpu.memory_space<vmem>>, vector<128x128xf32>
    %dot_general3A = arith.constant dense<0.000000e+00> : vector<1000x128xf32>
    %dot_general3A_25 = tpu.matmul %select_n3A, %get3A_24, %dot_general3A {dimension_numbers = #tpu.dot_dimension_numbers<[1], [1], [0], [0], [0, 0, 1, 0], [], []>, transpose_lhs_hint = false} : vector<1000x128xf32>, vector<128x128xf32>, vector<1000x128xf32> -> vector<1000x128xf32>
    %get3A_26 = arith.constant 0 : index
    %get3A_27 = arith.constant 0 : index
    %get3A_28 = vector.load %arg4[%get3A_26, %get3A_27] : memref<128x128xf32, #tpu.memory_space<vmem>>, vector<128x128xf32>
    %dot_general3A_29 = arith.constant dense<0.000000e+00> : vector<1000x128xf32>
    %dot_general3A_30 = tpu.matmul %concatenate3A_21, %get3A_28, %dot_general3A_29 {dimension_numbers = #tpu.dot_dimension_numbers<[1], [1], [0], [0], [0, 0, 1, 0], [], []>, transpose_lhs_hint = false} : vector<1000x128xf32>, vector<128x128xf32>, vector<1000x128xf32> -> vector<1000x128xf32>
    %add3A = arith.addf %dot_general3A_25, %dot_general3A_30 : vector<1000x128xf32>
    %get3A_31 = arith.constant 0 : index
    %get3A_32 = arith.constant 0 : index
    %get3A_33 = vector.load %arg5[%get3A_31, %get3A_32] : memref<1x128xf32, #tpu.memory_space<vmem>>, vector<1x128xf32>
    %add3A_34 = vector.broadcast %get3A_33 : vector<1x128xf32> to vector<1000x128xf32>
    %add3A_35 = arith.addf %add3A, %add3A_34 : vector<1000x128xf32>
    %swap3A = arith.constant 0 : index
    %swap3A_36 = arith.constant 0 : index
    %swap3A_37 = vector.load %arg6[%swap3A, %swap3A_36] : memref<1000x128xf32, #tpu.memory_space<vmem>>, vector<1000x128xf32>
    tpu.vector_store %arg6[%swap3A, %swap3A_36], %add3A_35 {strides = array<i32>} : memref<1000x128xf32, #tpu.memory_space<vmem>>, vector<1000x128xf32>,
    return
  }
  func.func @transform_0(%arg0: i32) -> (i32, i32, i32) {
    %c0_i32 = arith.constant 0 : i32
    %c0_i32_0 = arith.constant 0 : i32
    %c0_i32_1 = arith.constant 0 : i32
    return %c0_i32, %arg0, %c0_i32_0 : i32, i32, i32
  }
  func.func @transform_1(%arg0: i32) -> (i32, i32, i32) {
    %c0_i32 = arith.constant 0 : i32
    %c0_i32_0 = arith.constant 0 : i32
    %c0_i32_1 = arith.constant 0 : i32
    return %c0_i32, %arg0, %c0_i32_0 : i32, i32, i32
  }
  func.func @transform_2(%arg0: i32) -> (i32, i32) {
    %c0_i32 = arith.constant 0 : i32
    %c0_i32_0 = arith.constant 0 : i32
    %c0_i32_1 = arith.constant 0 : i32
    return %c0_i32, %c0_i32_0 : i32, i32
  }
  func.func @transform_3(%arg0: i32) -> (i32, i32) {
    %c0_i32 = arith.constant 0 : i32
    %c0_i32_0 = arith.constant 0 : i32
    %c0_i32_1 = arith.constant 0 : i32
    return %c0_i32, %c0_i32_0 : i32, i32
  }
  func.func @transform_4(%arg0: i32) -> (i32, i32) {
    %c0_i32 = arith.constant 0 : i32
    %c0_i32_0 = arith.constant 0 : i32
    %c0_i32_1 = arith.constant 0 : i32
    return %c0_i32, %c0_i32_0 : i32, i32
  }
  func.func @transform_5(%arg0: i32) -> (i32, i32) {
    %c0_i32 = arith.constant 0 : i32
    %c0_i32_0 = arith.constant 0 : i32
    return %arg0, %c0_i32 : i32, i32
  }
}

</mosaic_0001>

<sc_bundles>
// kernel: kernel.6.cloned.1.call-start
scs
__scs_entry_jumppad:
0x0: {  	(pc) =	sbr.rel $0x88, $3  }
0x1: {  	(tag) =	ssettag $0x0;
	lr =	simm.s32 $0x1  }
0x2: {  	[smem:$0x3F99] =	sst lr;
	_ =	strace $0xD0000000  }
0x3: {  	_ = 	snop  }
0x4: {  	_ = 	snop  }
0x5: {  	_ = 	snop  }
0x6: {  	_ = 	snop  }
0x7: {  	_ = 	snop  }
__scs_overlays_trampoline_lowered:
0x8: {  	[smem:$0x3FA8] =	sst s0  }
0x9: {  	[smem:$0x3FA9] =	sst s1  }
0xa: {  	[smem:$0x3FAA] =	sst s2  }
0xb: {  	[smem:$0x3FAB] =	sst s3  }
0xc: {  	[smem:$0x3FAC] =	sst s4  }
0xd: {  	[smem:$0x3FAD] =	sst s5  }
0xe: {  	[smem:$0x3FAE] =	sst s6  }
0xf: {  	[smem:$0x3FAF] =	sst s7  }
0x10: {  	[smem:$0x3FB0] =	sst s8  }
0x11: {  	[smem:$0x3FB1] =	sst s9;
	s0 =	simm.s32 @!p0 $0x0  }
0x12: {  	s1 =	sld [smem:$0x3F97];
	s0 =	simm.s32 @p0 $0x1  }
0x13: {  	[smem:$0x3FB2] =	sst s0;
	s0 =	simm.s32 @!p1 $0x0  }
0x14: {  	s2 =	sld [smem:$0x3F96];
	s0 =	simm.s32 @p1 $0x1  }
0x15: {  	[smem:$0x3FB3] =	sst s0;
	s0 =	simm.s32 @!p2 $0x0  }
0x16: {  	s3 =	sld [smem:$0x3FDB];
	s0 =	simm.s32 @p2 $0x1  }
0x17: {  	s4 =	simm.s32 $0x1BF5;
	[smem:$0x3FB5] =	sst s0  }
0x18: {  	s0 =	sld [smem:$0x3F98];
	_ =	swait.ge [sflag:s4], $0x0  }
0x19: {  	s7 =	sld [smem:$0x3F99]  }
0x1a: {  	s8 =	sadd.s32 $0xFFFFE003, lr  }
0x1b: {  	s9 =	sadd.s32 $0xFFFFFEF7, lr;
	s5 =	simm.s32 $0xFFFFFFFF;
	p2 =	slt.u32 s8, $0xFFFFF086  }
0x1c: {  	p1 =	slt.u32 s9, $0xF7A;
	s5 =	simm.s32 @!p2 $0x0  }
0x1d: {  	s5 =	simm.s32 @p1 $0x1;
	p0 =	seq.s32 s7, s2  }
0x1e: {  	s7 =	smul.u32 @!p0 $0xF7A, s2;
	p2 =	seq.s32 @!p0 s5, $0x0  }
0x1f: {  	s9 =	smul.u32 $0xF7A, s1;
	s8 =	simm.s32 @!p0 $0x1BF5;
	p2 =	por !p2, p0  }
0x20: {  	[sflag:s8] =	ssyncset.s32 @!p0 $0xFFFFF086;
	s6 =	sadd.s32 @!p0 s3, s7;
	s7 =	simm.s32 @!p0 $0x108  }
0x21: {  	s3 =	sadd.s32 s3, s9;
	s6 =	sadd.s32 @!p0 $0x88, s6;
	s7 =	simm.s32 @p2 $0x1082  }
0x22: {  	[simem:s7], [sflag:s8] =	dma.local @!p0 [hbm:s6], $0xF7A  }
0x23: {  	s9 =	sor.u32 $0xD0000000, s2;
	s6 =	simm.s32 $0x108;
	_ =	swait.ge @!p0 [sflag:s8], $0x0  }
0x24: {  	s3 =	sadd.s32 $0x88, s3;
	s6 =	simm.s32 @!p1 $0x1082;
	[sflag:s4] =	ssyncset.s32 $0xFFFFF086  }
0x25: {  	[simem:s6], [sflag:s4] =	dma.local [hbm:s3], $0xF7A  }
0x26: {  	[smem:$0x3F99] =	sst s1;
	(tag) =	ssettag s2;
	_ =	strace s9  }
0x27: {  	s1 =	sld [smem:$0x3FA9]  }
0x28: {  	s2 =	sld [smem:$0x3FAA]  }
0x29: {  	s4 =	sld [smem:$0x3FAC]  }
0x2a: {  	p0 =	seq.s32 s5, $0x0;
	s5 =	sld [smem:$0x3FAD]  }
0x2b: {  	s6 =	sld [smem:$0x3FAE]  }
0x2c: {  	s7 =	sld [smem:$0x3FAF]  }
0x2d: {  	s3 =	simm.s32 $0x108;
	s8 =	sld [smem:$0x3FB0]  }
0x2e: {  	s3 =	simm.s32 @!p0 $0x1082;
	s9 =	sld [smem:$0x3FB1]  }
0x2f: {  	lr =	sadd.s32 s0, s3;
	s0 =	sld [smem:$0x3FA8]  }
0x30: {  	s3 =	sld [smem:$0x3FAB]  }
0x31: {  	[smem:$0x3FB4] =	sst s10  }
0x32: {  	s10 =	sld [smem:$0x3FB2];
	_ =	sdelay $0x3  }
0x33: {  	p0 =	seq.s32 s10, $0x1;
	s10 =	sld [smem:$0x3FB4];
	_ =	sdelay $0x3  }
0x34: {  	[smem:$0x3FB4] =	sst s10  }
0x35: {  	s10 =	sld [smem:$0x3FB3];
	_ =	sdelay $0x3  }
0x36: {  	p1 =	seq.s32 s10, $0x1;
	s10 =	sld [smem:$0x3FB4];
	_ =	sdelay $0x3  }
0x37: {  	[smem:$0x3FB4] =	sst s10  }
0x38: {  	s10 =	sld [smem:$0x3FB5]  }
0x39: {  	_ = 	snop;
	(pc) =	sbr.ind lr, $3  }
0x3a: {  	_ = 	snop  }
0x3b: {  	_ = 	snop  }
0x3c: {  	p2 =	seq.s32 s10, $0x1;
	s10 =	sld [smem:$0x3FB4]  }
0x3d: {  	_ =	shalt  }
0x3e: {  	_ =	shalt  }
0x3f: {  	_ =	shalt  }
0x40: {  	_ =	shalt  }
0x41: {  	_ =	shalt  }
0x42: {  	_ =	shalt  }
0x43: {  	_ =	shalt  }
0x44: {  	_ =	shalt  }
0x45: {  	_ =	shalt  }
0x46: {  	_ =	shalt  }
0x47: {  	_ =	shalt  }
0x48: {  	_ =	shalt  }
0x49: {  	_ =	shalt  }
0x4a: {  	_ =	shalt  }
0x4b: {  	_ =	shalt  }
0x4c: {  	_ =	shalt  }
0x4d: {  	_ =	shalt  }
0x4e: {  	_ =	shalt  }
0x4f: {  	_ =	shalt  }
0x50: {  	_ =	shalt  }
0x51: {  	_ =	shalt  }
0x52: {  	_ =	shalt  }
0x53: {  	_ =	shalt  }
0x54: {  	_ =	shalt  }
0x55: {  	_ =	shalt  }
0x56: {  	_ =	shalt  }
0x57: {  	_ =	shalt  }
0x58: {  	_ =	shalt  }
0x59: {  	_ =	shalt  }
0x5a: {  	_ =	shalt  }
0x5b: {  	_ =	shalt  }
0x5c: {  	_ =	shalt  }
0x5d: {  	_ =	shalt  }
0x5e: {  	_ =	shalt  }
0x5f: {  	_ =	shalt  }
0x60: {  	_ =	shalt  }
0x61: {  	_ =	shalt  }
0x62: {  	_ =	shalt  }
0x63: {  	_ =	shalt  }
0x64: {  	_ =	shalt  }
0x65: {  	_ =	shalt  }
0x66: {  	_ =	shalt  }
0x67: {  	_ =	shalt  }
0x68: {  	_ =	shalt  }
0x69: {  	_ =	shalt  }
0x6a: {  	_ =	shalt  }
0x6b: {  	_ =	shalt  }
0x6c: {  	_ =	shalt  }
0x6d: {  	_ =	shalt  }
0x6e: {  	_ =	shalt  }
0x6f: {  	_ =	shalt  }
0x70: {  	_ =	shalt  }
0x71: {  	_ =	shalt  }
0x72: {  	_ =	shalt  }
0x73: {  	_ =	shalt  }
0x74: {  	_ =	shalt  }
0x75: {  	_ =	shalt  }
0x76: {  	_ =	shalt  }
0x77: {  	_ =	shalt  }
0x78: {  	_ =	shalt  }
0x79: {  	_ =	shalt  }
0x7a: {  	_ =	shalt  }
0x7b: {  	_ =	shalt  }
0x7c: {  	_ =	shalt  }
0x7d: {  	_ =	shalt  }
0x7e: {  	_ =	shalt  }
0x7f: {  	_ =	shalt  }
0x80: {  	_ =	shalt  }
0x81: {  	_ =	shalt  }
0x82: {  	_ =	shalt  }
0x83: {  	_ =	shalt  }
0x84: {  	_ =	shalt  }
0x85: {  	_ =	shalt  }
0x86: {  	_ =	shalt  }
0x87: {  	_ =	shalt  }
.Lfunc_end0:
.L_simem_size_0:
called_computation_lowered:
.L_overlay_start_0:
0x88: {  	s2 =	sld [smem:$0x3FD9]  }
0x89: {  	s3 =	sld [smem:$0x3FFE];
	_ =	sdelay $0x1  }
0x8a: {  	s1 =	srdreg.scid  }
0x8b: {  	s0 =	sand.u32 $0x1, s1  }
0x8c: {  	s17 =	sshll.u32 s0, $0xA;
	s2 =	sadd.s32 s3, s2  }
0x8d: {  	s2 =	sadd.s32 s2, s17  }
0x8e: {  	[smem:$0x3FC0] =	sst s2  }
0x8f: {  	_ = 	snop  }
0x90: {  	s2 =	sld [smem:$0x3FD0];
	(tm) =	ssettm $0x1  }
0x91: {  	s18 =	sld [smem:$0x3FFB];
	_ =	sdelay $0x3  }
0x92: {  	_ =	strace s18  }
0x93: {  	s3 =	sld [smem:$0x3FFC];
	_ =	sdelay $0x3  }
0x94: {  	_ =	strace s3  }
0x95: {  	s3 =	sld [smem:$0x3FFD];
	_ =	sdelay $0x3  }
0x96: {  	_ =	strace s3  }
0x97: {  	_ =	strace $0x8FFFFFFF  }
0x98: {  	s19 =	sld [smem:$0x3FDB];
	_ =	sdelay $0x1  }
0x99: {  	s4 =	simm.s32 $_scs_section_size  }
0x9a: {  	s5 =	simm.s32 $_size__tile_overlayer_lowered;
	s6 =	simm.s32 $_tile_overlayer_lowered  }
0x9b: {  	s22 =	simm.s32 $0x1BFF;
	s21 =	sshll.u32 s6, $0x1;
	s3 =	sadd.s32 s4, s19  }
0x9c: {  	s7 =	simm.s32 $0x0;
	s20 =	sshll.u32 s5, $0x1;
	s5 =	sadd.s32 s21, s3  }
0x9d: {  	[timem:s7], [sflag:s22] =	dma.local [hbm:s5], s20  }
0x9e: {  	_ =	swait.ge [sflag:s22], s20  }
0x9f: {  	s4 =	ssub.s32 $0x0, s20;
	[sflag:s22] =	ssyncset.done $0x0  }
0xa0: {  	[sflag:s22] =	ssyncadd.s32 s4;
	_ =	sdelay $0x1  }
0xa1: {  	s23 =	simm.s32 $0x1B8B  }
0xa2: {  	_ =	swait.ge [sflag:s23], $0x1  }
0xa3: {  	[sflag:s23] =	ssyncset.done $0x0  }
0xa4: {  	s25 =	simm.s32 $0x1B8E;
	s24 =	sld [smem:$0x3FFE];
	[sflag:s23] =	ssyncadd.s32 $0xFFFFFFFF  }
0xa5: {  	s26 =	simm.s32 $execute0_lowered;
	[smem:$0x3FD2] =	sst s25  }
0xa6: {  	s5 =	sshll.u32 s26, $0x1;
	_ =	strace $0x80000046;
	[dreg:$0x1] =	wrdreg $0xFFFFFFFF  }
0xa7: {  	s28 =	simm.s32 $_size_execute0_lowered;
	s3 =	sadd.s32 s3, s5;
	[dreg:$0x0] =	wrdreg $0x0  }
0xa8: {  	s5 =	sshll.u32 s28, $0x1;
	[dreg:$0x2] =	wrdreg s3  }
0xa9: {  	[dreg:$0x3] =	wrdreg s5  }
0xaa: {  	[dreg:$0x4] =	wrdreg $0xC0  }
0xab: {  	_ =	task [dreg:s7], $0x5FFFF  }
0xac: {  	[dreg:$0x1] =	wrdreg $0xFFFFFFFF  }
0xad: {  	[dreg:$0x0] =	wrdreg $0x60  }
0xae: {  	[dreg:$0x2] =	wrdreg s2  }
0xaf: {  	[dreg:$0x3] =	wrdreg s24  }
0xb0: {  	[dreg:$0x4] =	wrdreg $0x131400  }
0xb1: {  	[dreg:$0x5] =	wrdreg $0x9  }
0xb2: {  	_ =	task.clear_ibuf [dreg:s7], $0x6FFFF;
	_ =	strace $0x90000046  }
0xb3: {  	s29 =	simm.s32 $0x9;
	_ =	strace $0x80000048  }
0xb4: {  	_ =	swait.ge [sflag:s29], $0x1  }
0xb5: {  	[sflag:s29] =	ssyncadd.s32 $0xFFFFFFFF  }
0xb6: {  	_ =	strace $0x90000048  }
0xb7: {  	_ =	sfence  }
0xb8: {  	s30 =	sld [smem:$0x0];
	_ =	sdelay $0x2  }
0xb9: {  	s31 =	sshll.u32 s1, $0xD;
	s1 =	sshrl.u32 s1, $0x2  }
0xba: {  	s3 =	sand.u32 $0x4000, s31;
	s1 =	sadd.s32 s1, s30  }
0xbb: {  	s0 =	sor.u32 s3, s0;
	s1 =	sshll.u32 s1, $0x11  }
0xbc: {  	s0 =	sor.u32 s1, s0  }
0xbd: {  	s0 =	sadd.s32 $0x8F2B, s0  }
0xbe: {  	[sflag:s0] =	ssyncadd.remote.s32 $0x1  }
0xbf: {  	_ =	sfence.sel $0xFFFF  }
0xc0: {  	[dreg:$0x0] =	wrdreg $0xFFFFFFFF;
	(pc) =	sbr.abs _section_cstart, $3  }
0xc1: {  	[dreg:$0x1] =	wrdreg $0xFFFFFFFF  }
0xc2: {  	_ =	task.clear_ibuf [dreg:s7], $0x2FFFF;
	_ =	strace $0x9FFFFFFF  }
0xc3: {  	(tm) =	ssettm $0x7FFFFFFF  }
tec
execute0_lowered:
.L_overlay_start_1:
0x0: {  	(tag) =	ssettag $0x1  }
0x1: {  	s0 =	rddreg [dreg:$0x0]  }
0x2: {  	s1 =	srdreg.scid;
	s2 =	rddreg [dreg:$0x1]  }
0x3: {  	s12 =	stileid.u32;
	s5 =	simm.s32 $0x0;
	s17 =	simm.s32 $0xFA0  }
0x4: {  	s18 =	simm.s32 $0x1F40;
	s19 =	simm.s32 $0x3020;
	s20 =	simm.s32 $0x1  }
0x5: {  	s21 =	simm.s32 $0xA0;
	s22 =	simm.s32 $0x4100;
	s23 =	simm.s32 $0x6900  }
0x6: {  	s24 =	simm.s32 $0x9100;
	s10 =	sand.u32 $0x1, s1;
	s1 =	rddreg [dreg:$0x2]  }
0x7: {  	s4 =	smul.u32 $0xA000, s12;
	[smem:$0x7FF] =	sst s5;
	s5 =	sadd.s32 $0x8B200, s2  }
0x8: {  	s6 =	sadd.s32 $0x97A00, s2;
	s7 =	sadd.s32 $0xA4200, s2;
	s14 =	smul.u32 $0xFFFFFD80, s12  }
0x9: {  	s8 =	sadd.s32 $0x14CE00, s2;
	s11 =	sshll.u32 s12, $0x1;
	s28 =	smul.u32 $0x54600, s12  }
0xa: {  	p0 =	sne.s32 s12, $0x0;
	s3 =	smul.u32 $0xA0000, s10;
	_ =	strace $0x80000047  }
0xb: {  	s9 =	ssub.s32 $0x2, s10;
	s16 =	smul.u32 $0x13880, s10;
	p1 =	sne.s32 s10, $0x0  }
0xc: {  	s15 =	sshrl.u32 s9, $0x1;
	[dreg:$0x5] =	wrdreg s28;
	s3 =	sadd.s32 s4, s3  }
0xd: {  	s4 =	sadd.s32 $0x1400, s2;
	s15 =	ssub.s32 s9, s15;
	s0 =	sadd.s32 s0, s16  }
0xe: {  	s26 =	sshrl.u32 s3, $0x3;
	s3 =	sadd.s32 $0xB200, s2;
	[dreg:$0x4] =	wrdreg s0  }
.Ltmp0:
0xf: {  	s31 =	smax.u32 s15, $0x1;
	s0 =	sshrl.u32 @!p0 s1, $0x3;
	(pc) =	sbr.rel .LBB2_1-.Ltmp0, $4  }
0x10: {  	s13 =	sadd.s32 s26, s2;
	s2 =	sadd.s32 s11, s2;
	[dreg:$0x8] =	wrdreg s31  }
0x11: {  	v1 =	vimm.f32 $-Inf;
	v3 =	vlaneseq.u32;
	s9 =	smul.u32 $0x6400, s12;
	[dreg:$0x9] =	wrdreg s0;
	s29 =	sadd.s32 $0x1F5A00, s2  }
0x12: {  	v2 =	vimm.s32 $0x0;
	v4 =	vimm.s32 $0x280;
	v5 =	vor.u32 $0x10, v3;
	s16 =	simm.s32 $0x3;
	s30 =	sadd.s32 $0x63200, s13;
	[dreg:$0x6] =	wrdreg s29  }
0x13: {  	v6 =	vor.u32 $0x20, v3;
	v7 =	vor.u32 $0x30, v3;
	v0 =	vmov s14;
	s26 =	simm.s32 $0x0;
	s2 =	simm.s32 $0x0;
	[dreg:$0x7] =	wrdreg s30  }
.LBB2_19:
0x14: {  	s0 =	simm.s32 @!p1 $0x2  }
0x15: {  	_ =	swait.ge @!p1 [sflag:s0], $0x140  }
0x16: {  	[sflag:s0] =	ssyncset.done @!p1 $0x0  }
0x17: {  	[sflag:s0] =	ssyncadd.s32 @!p1 $0xFFFFFEC0  }
0x18: {  	_ =	swait.ge @!p1 [sflag:s0], $0x140  }
0x19: {  	[sflag:s0] =	ssyncset.done @!p1 $0x0  }
0x1a: {  	v8 =	vmov @!p1 s29;
	[sflag:s0] =	ssyncadd.s32 @!p1 $0xFFFFFEC0  }
0x1b: {  	s2 =	simm.s32 @!p1 $0x1F40;
	s10 =	rddreg [dreg:$0x6];
	s0 =	simm.s32 @!p1 $0x0;
	[tilespmem:$0x1F40] =	vst @!p1 v8  }
0x1c: {  	[hbm4b:s10+s0] =	stream.linear.scatter @!p1 [tilespmem:s2], [sflag:$0x3], $0x10, $0x38;
	[tilespmem:$0x1CD80] =	vst v63  }
0x1d: {  	s0 =	simm.s32 @!p1 $0x3  }
0x1e: {  	_ =	swait.ge @!p1 [sflag:s0], $0x10  }
0x1f: {  	[sflag:s0] =	ssyncset.done @!p1 $0x0  }
0x20: {  	s28 =	simm.s32 $0x0;
	s29 =	rddreg [dreg:$0x7];
	[sflag:s0] =	ssyncadd.s32 @!p1 $0xFFFFFFF0  }
0x21: {  	[hbm4b:s29+s28] =	stream.linear.scatter [tilespmem:s24], [sflag:$0x3], $0xA000, $0x38;
	[tilespmem:$0x1CD80] =	vst v63  }
0x22: {  	_ =	swait.ge [sflag:s16], $0xA000  }
0x23: {  	s30 =	rddreg [dreg:$0xa]  }
0x24: {  	s31 =	rddreg [dreg:$0x8];
	s2 =	sadd.s32 $0x1, s30  }
0x25: {  	p2 =	sne.s32 s2, s31  }
.Ltmp1:
0x26: {  	_ = 	snop;
	(pc) =	sbr.rel @!p2 .LBB2_20-.Ltmp1, $3  }
0x27: {  	_ =	sdelay $0x1  }
0x28: {  	[sflag:s16] =	ssyncset.done $0x0  }
0x29: {  	[sflag:s16] =	ssyncadd.s32 $0xFFFF6000  }
.LBB2_1:
0x2a: {  	[dreg:$0xa] =	wrdreg s2  }
0x2b: {  	s2 =	rddreg [dreg:$0x4]  }
0x2c: {  	s0 =	simm.s32 @!p0 $0x1C03;
	s10 =	rddreg [dreg:$0x9]  }
0x2d: {  	[spmem:s10], [sflag:s0] =	dma.local @!p0 [hbm:s2], $0x13880  }
0x2e: {  	s0 =	simm.s32 @!p0 $0x3  }
0x2f: {  	_ =	swait.ge @!p0 [sflag:s0], $0x13880  }
0x30: {  	[sflag:s0] =	ssyncset.done @!p0 $0x0  }
0x31: {  	[sflag:s0] =	ssyncadd.s32 @!p0 $0xFFFEC780  }
0x32: {  	[bflag:$0x0] =	sbarrier.arrive $0xFFFF  }
0x33: {  	s2 =	simm.s32 $0x9100;
	s0 =	simm.s32 $0x1;
	[tilespmem:s24+$0x0] =	vst v1  }
.LBB2_2:
0x34: {  	p2 =	sne.s32 s0, $0xA03;
	s0 =	sadd.s32 $0x1, s0;
	s2 =	sadd.s32 $0x10, s2  }
.Ltmp2:
0x35: {  	[tilespmem:s2+$0x0] =	vst v1;
	(pc) =	sbr.rel @p2 .LBB2_2-.Ltmp2, $1  }
0x36: {  	_ =	sdelay $0x3  }
.Ltmp3:
0x37: {  	(pc) =	sbr.rel .LBB2_4-.Ltmp3, $2  }
0x38: {  	_ =	sdelay $0x2  }
0x39: {  	s29 =	simm.s32 $0x0;
	s28 =	simm.s32 $0x0  }
.LBB2_18:
0x3a: {  	s28 =	sadd.s32 $0x1, s28  }
0x3b: {  	p2 =	sne.s32 s28, $0x50  }
.Ltmp4:
0x3c: {  	_ = 	snop;
	(pc) =	sbr.rel @!p2 .LBB2_19-.Ltmp4, $1  }
0x3d: {  	_ =	sdelay $0x3  }
.LBB2_4:
0x3e: {  	p2 =	seq.s32 @!p1 s28, $0x0  }
0x3f: {  	p2 =	por p2, p1  }
0x40: {  	s0 =	simm.s32 @!p2 $0x2  }
0x41: {  	_ =	swait.ge @!p2 [sflag:s0], $0x140  }
0x42: {  	[sflag:s0] =	ssyncset.done @!p2 $0x0  }
0x43: {  	[sflag:s0] =	ssyncadd.s32 @!p2 $0xFFFFFEC0  }
0x44: {  	s2 =	smul.u32 $0x1F4, s28;
	_ =	swait.ge @!p2 [sflag:s0], $0x140  }
0x45: {  	[sflag:s0] =	ssyncset.done @!p2 $0x0  }
0x46: {  	s25 =	sadd.s32 s3, s2;
	[sflag:s0] =	ssyncadd.s32 @!p2 $0xFFFFFEC0  }
0x47: {  	[tilespmem:s26], [sflag:$0x3] =	stream.linear.gather [hbm4b:s25+s26], $0xFA0, $0x38;
	[tilespmem:$0x1CD80] =	vst v63  }
0x48: {  	_ =	swait.ge [sflag:s16], $0xFA0  }
0x49: {  	[sflag:s16] =	ssyncset.done $0x0  }
0x4a: {  	s30 =	sadd.s32 s4, s2;
	[sflag:s16] =	ssyncadd.s32 $0xFFFFF060  }
0x4b: {  	[tilespmem:s17], [sflag:$0x3] =	stream.linear.gather [hbm4b:s30+s26], $0xFA0, $0x38;
	[tilespmem:$0x1CD80] =	vst v63  }
0x4c: {  	_ =	swait.ge [sflag:s16], $0xFA0  }
0x4d: {  	[sflag:s16] =	ssyncset.done $0x0  }
0x4e: {  	s31 =	simm.s32 $0x0;
	[sflag:s16] =	ssyncadd.s32 $0xFFFFF060  }
0x4f: {  	v8 =	vld [tilespmem:s31+$0x0];
	_ =	sdelay $0x4  }
0x50: {  	v8 =	vadd.s32 v0, v8  }
0x51: {  	vm0 =	vlt.u32 v8, $0x280  }
0x52: {  	v9 =	vsel vm0, $0x1, v2  }
0x53: {  	(xrf0) =	vadd.scan.msk.s32 $0xffff, v9;
	_ =	sdelay $0x2  }
0x54: {  	v63 =	vld [tilespmem:s31+$0xFA0];
	_ =	sdelay $0x2  }
0x55: {  	v10, _, _ =	vpop (xrf0)  }
0x56: {  	[tilespmem:s26+$0x1F40] =	vst.msk vm0, v8;
	(v2sf) =	vpush v10, $0xF  }
0x57: {  	s10 =	simm.s32 $0x80;
	s2 =	simm.s32 $0x10;
	s0 =	simm.s32 $0x0;
	[tilespmem:s26+$0x3020] =	vst.msk vm0, v63  }
.LBB2_5:
0x58: {  	p2 =	sne.s32 s10, $0x3E40;
	v8 =	vld [tilespmem:s2+$0x0];
	_ =	sdelay $0x4  }
0x59: {  	v8 =	vadd.s32 v0, v8  }
0x5a: {  	vm0 =	vlt.u32 v8, $0x280  }
0x5b: {  	v9 =	vsel vm0, $0x1, v2  }
0x5c: {  	(xrf0) =	vadd.scan.msk.s32 $0xffff, v9;
	_ =	sdelay $0x2  }
0x5d: {  	v9 =	vld [tilespmem:s2+$0xFA0]  }
.Ltmp5:
0x5e: {  	(pc) =	sbr.rel @p2 .LBB2_5-.Ltmp5, $4  }
0x5f: {  	s2 =	spop (v2sf)  }
0x60: {  	v10, _, _ =	vpop (xrf0);
	s0 =	sadd.s32 s0, s2  }
0x61: {  	[tilespmem:s0+$0x1F40] =	vst.msk vm0, v8;
	(v2sf) =	vpush v10, $0xF  }
0x62: {  	s2 =	sshra.s32 s10, $0x2;
	s10 =	sadd.s32 $0x40, s10;
	[tilespmem:s0+$0x3020] =	vst.msk vm0, v9  }
0x63: {  	v8 =	vld [tilespmem:s2+$0x0];
	_ =	sdelay $0x4  }
0x64: {  	v8 =	vadd.s32 v0, v8  }
0x65: {  	vm0 =	vlt.u32 v8, $0x280  }
0x66: {  	v9 =	vsel vm0, $0x1, v2  }
0x67: {  	(xrf0) =	vadd.scan.msk.s32 $0xffff, v9;
	_ =	sdelay $0x5  }
0x68: {  	v9, _, _ =	vpop (xrf0)  }
0x69: {  	(v2sf) =	vpush v9, $0xF;
	_ =	sdelay $0xd  }
0x6a: {  	s10 =	spop (v2sf)  }
0x6b: {  	s10 =	sadd.s32 s0, s10;
	s15 =	spop (v2sf)  }
0x6c: {  	v51 =	vld [tilespmem:s2+$0xFA0];
	s0 =	sadd.s32 s10, s15  }
0x6d: {  	v10 =	vadd.s32 s0, v3  }
0x6e: {  	s25 =	sadd.s32 $0x10, s0  }
0x6f: {  	v11 =	vadd.s32 s25, v3  }
0x70: {  	[tilespmem:s10+$0x1F40] =	vst.msk vm0, v8;
	s31 =	sadd.s32 $0x20, s0  }
0x71: {  	[tilespmem:s10+$0x3020] =	vst.msk vm0, v51;
	v8 =	vadd.s32 s31, v3  }
0x72: {  	s10 =	sadd.s32 $0x30, s0;
	[tilespmem:v10+s18+$0x0] =	vst.idx.msk $0xffff, v4  }
0x73: {  	v52 =	vadd.s32 s10, v3;
	[tilespmem:v10+s19+$0x0] =	vst.idx.msk $0xffff, v2  }
0x74: {  	s11 =	sadd.s32 $0x40, s0;
	[tilespmem:v11+s18+$0x0] =	vst.idx.msk $0xffff, v4  }
0x75: {  	v53 =	vadd.s32 s11, v3;
	[tilespmem:v11+s19+$0x0] =	vst.idx.msk $0xffff, v2  }
0x76: {  	s12 =	sadd.s32 $0x50, s0;
	[tilespmem:v8+s18+$0x0] =	vst.idx.msk $0xffff, v4  }
0x77: {  	[tilespmem:v8+s19+$0x0] =	vst.idx.msk $0xffff, v2;
	v8 =	vadd.s32 s12, v3  }
0x78: {  	s13 =	sadd.s32 $0x60, s0;
	[tilespmem:v52+s18+$0x0] =	vst.idx.msk $0xffff, v4  }
0x79: {  	v54 =	vadd.s32 s13, v3;
	[tilespmem:v52+s19+$0x0] =	vst.idx.msk $0xffff, v2  }
0x7a: {  	s14 =	sadd.s32 $0x70, s0;
	[tilespmem:v53+s18+$0x0] =	vst.idx.msk $0xffff, v4  }
0x7b: {  	v55 =	vadd.s32 s14, v3;
	[tilespmem:v53+s19+$0x0] =	vst.idx.msk $0xffff, v2  }
0x7c: {  	s15 =	sadd.s32 $0x80, s0;
	[tilespmem:v8+s18+$0x0] =	vst.idx.msk $0xffff, v4  }
0x7d: {  	[tilespmem:v8+s19+$0x0] =	vst.idx.msk $0xffff, v2;
	v8 =	vadd.s32 s15, v3  }
0x7e: {  	s25 =	sadd.s32 $0x90, s0;
	[tilespmem:v54+s18+$0x0] =	vst.idx.msk $0xffff, v4  }
0x7f: {  	v56 =	vadd.s32 s25, v3;
	[tilespmem:v54+s19+$0x0] =	vst.idx.msk $0xffff, v2  }
0x80: {  	s31 =	sadd.s32 $0xA0, s0;
	[tilespmem:v55+s18+$0x0] =	vst.idx.msk $0xffff, v4  }
0x81: {  	v57 =	vadd.s32 s31, v3;
	[tilespmem:v55+s19+$0x0] =	vst.idx.msk $0xffff, v2  }
0x82: {  	s10 =	sadd.s32 $0xB0, s0;
	[tilespmem:v8+s18+$0x0] =	vst.idx.msk $0xffff, v4  }
0x83: {  	[tilespmem:v8+s19+$0x0] =	vst.idx.msk $0xffff, v2;
	v8 =	vadd.s32 s10, v3  }
0x84: {  	s11 =	sadd.s32 $0xC0, s0;
	[tilespmem:v56+s18+$0x0] =	vst.idx.msk $0xffff, v4  }
0x85: {  	v58 =	vadd.s32 s11, v3;
	[tilespmem:v56+s19+$0x0] =	vst.idx.msk $0xffff, v2  }
0x86: {  	s12 =	sadd.s32 $0xD0, s0;
	[tilespmem:v57+s18+$0x0] =	vst.idx.msk $0xffff, v4  }
0x87: {  	v59 =	vadd.s32 s12, v3;
	[tilespmem:v57+s19+$0x0] =	vst.idx.msk $0xffff, v2  }
0x88: {  	s13 =	sadd.s32 $0xE0, s0;
	[tilespmem:v8+s18+$0x0] =	vst.idx.msk $0xffff, v4  }
0x89: {  	[tilespmem:v8+s19+$0x0] =	vst.idx.msk $0xffff, v2;
	v8 =	vadd.s32 s13, v3  }
0x8a: {  	s14 =	sadd.s32 $0xF0, s0;
	[tilespmem:v58+s18+$0x0] =	vst.idx.msk $0xffff, v4  }
0x8b: {  	v60 =	vadd.s32 s14, v3;
	[tilespmem:v58+s19+$0x0] =	vst.idx.msk $0xffff, v2  }
0x8c: {  	s15 =	sadd.s32 $0x100, s0;
	[tilespmem:v59+s18+$0x0] =	vst.idx.msk $0xffff, v4  }
0x8d: {  	v61 =	vadd.s32 s15, v3;
	[tilespmem:v59+s19+$0x0] =	vst.idx.msk $0xffff, v2  }
0x8e: {  	s25 =	sadd.s32 $0x110, s0;
	[tilespmem:v8+s18+$0x0] =	vst.idx.msk $0xffff, v4  }
0x8f: {  	[tilespmem:v8+s19+$0x0] =	vst.idx.msk $0xffff, v2;
	v8 =	vadd.s32 s25, v3  }
0x90: {  	s31 =	sadd.s32 $0x120, s0;
	[tilespmem:v60+s18+$0x0] =	vst.idx.msk $0xffff, v4  }
0x91: {  	v62 =	vadd.s32 s31, v3;
	[tilespmem:v60+s19+$0x0] =	vst.idx.msk $0xffff, v2  }
0x92: {  	s10 =	sadd.s32 $0x130, s0;
	[tilespmem:v61+s18+$0x0] =	vst.idx.msk $0xffff, v4  }
0x93: {  	v63 =	vadd.s32 s10, v3;
	[tilespmem:v61+s19+$0x0] =	vst.idx.msk $0xffff, v2  }
0x94: {  	[tilespmem:v8+s18+$0x0] =	vst.idx.msk $0xffff, v4  }
0x95: {  	s2 =	smul.u32 @!p1 $0x140, s28;
	[tilespmem:v8+s19+$0x0] =	vst.idx.msk $0xffff, v2  }
0x96: {  	[tilespmem:v62+s18+$0x0] =	vst.idx.msk $0xffff, v4  }
0x97: {  	s2 =	sadd.s32 @!p1 s9, s2;
	[tilespmem:v62+s19+$0x0] =	vst.idx.msk $0xffff, v2  }
0x98: {  	s2 =	sshrl.u32 @!p1 s2, $0x3;
	[tilespmem:v63+s18+$0x0] =	vst.idx.msk $0xffff, v4  }
0x99: {  	s12 =	simm.s32 @!p1 $0x0;
	s10 =	sadd.s32 @!p1 s5, s2;
	s13 =	simm.s32 @!p1 $0x1F40;
	[tilespmem:v63+s19+$0x0] =	vst.idx.msk $0xffff, v2  }
0x9a: {  	[hbm4b:s10+s12] =	stream.linear.scatter @!p1 [tilespmem:s13], [sflag:$0x2], $0x140, $0x38;
	[tilespmem:$0x1CD80] =	vst v63  }
0x9b: {  	s10 =	sadd.s32 $0x13F, s0  }
0x9c: {  	s11 =	smulhi.u32 $0x66666667, s10;
	s14 =	sshra.s32 s10, $0x1F  }
0x9d: {  	s15 =	simm.s32 @!p1 $0x3020;
	s2 =	sadd.s32 @!p1 s6, s2;
	s14 =	smul.u32 $0x66666667, s14  }
0x9e: {  	[hbm4b:s2+s12] =	stream.linear.scatter @!p1 [tilespmem:s15], [sflag:$0x2], $0x140, $0x38;
	[tilespmem:$0x1CD80] =	vst v63  }
0x9f: {  	s25 =	sadd.s32 s14, s11  }
0xa0: {  	s31 =	sshrl.u32 s25, $0x1F;
	s2 =	sshra.s32 s25, $0x7  }
0xa1: {  	s2 =	sadd.s32 s31, s2  }
0xa2: {  	s12 =	smul.u32 $0xFFFFFEC0, s2  }
0xa3: {  	s0 =	ssub.s32 $0xFFFFFEC1, s0  }
0xa4: {  	p2 =	slt.s32 s10, $0x1;
	p3 =	sne.s32 s12, s0  }
0xa5: {  	p2 =	por !p2, !p3  }
0xa6: {  	s0 =	simm.s32 $0x1;
	p2 =	por !p2, !p2  }
0xa7: {  	s0 =	simm.s32 @!p2 $0x0  }
0xa8: {  	s30 =	ssub.s32 s2, s0  }
0xa9: {  	p3 =	slt.s32 s30, $0x2  }
.Ltmp6:
0xaa: {  	_ = 	snop;
	(pc) =	sbr.rel @p3 .LBB2_14-.Ltmp6, $1  }
0xab: {  	_ =	sdelay $0x3  }
0xac: {  	s0 =	simm.s32 $0xFFFFFFFF  }
0xad: {  	s0 =	simm.s32 @!p2 $0x0  }
0xae: {  	s0 =	sadd.s32 s0, s2  }
0xaf: {  	s0 =	sadd.s32 $0xFFFFFFFF, s0  }
0xb0: {  	s12 =	sadd.s32 $0xFFFFFFFF, s0  }
0xb1: {  	p3 =	seq.s32 s12, $0x0  }
.Ltmp7:
0xb2: {  	_ = 	snop;
	(pc) =	sbr.rel @p3 .LBB2_8-.Ltmp7, $4  }
0xb3: {  	s25 =	smul.u32 $0x140, s29  }
0xb4: {  	s10 =	rddreg [dreg:$0x5];
	s13 =	simm.s32 $0x3160;
	p2 =	por $0x0, $0x0  }
0xb5: {  	s14 =	sadd.s32 s25, s10;
	s10 =	simm.s32 $0x2080;
	s2 =	simm.s32 @!p1 $0x3  }
0xb6: {  	s31 =	sshrl.u32 @!p1 s14, $0x3;
	s29 =	sadd.s32 s29, s0;
	s0 =	simm.s32 @!p1 $0x0  }
0xb7: {  	s15 =	sadd.s32 @!p1 s7, s31;
	s12 =	sadd.s32 $0xFFFFFFFF, s12  }
0xb8: {  	[hbm4b:s15+s0] =	stream.linear.scatter @!p1 [tilespmem:s10], [sflag:$0x3], $0x140, $0x38;
	[tilespmem:$0x1CD80] =	vst v63  }
0xb9: {  	p3 =	seq.s32 s12, $0x0;
	_ =	swait.ge @!p1 [sflag:s2], $0x140  }
.Ltmp8:
0xba: {  	p2 =	por $0x1, $0x1;
	[sflag:s2] =	ssyncset.done @!p1 $0x0;
	(pc) =	sbr.rel @p3 .LBB2_10-.Ltmp8, $4  }
0xbb: {  	s10 =	sadd.s32 @!p1 s8, s31;
	s15 =	sadd.s32 $0x140, s14;
	[sflag:s2] =	ssyncadd.s32 @!p1 $0xFFFFFEC0  }
0xbc: {  	[hbm4b:s10+s0] =	stream.linear.scatter @!p1 [tilespmem:s13], [sflag:$0x3], $0x140, $0x38;
	[tilespmem:$0x1CD80] =	vst v63  }
0xbd: {  	s14 =	simm.s32 @!p1 $0x3;
	s31 =	sshrl.u32 @!p1 s15, $0x3;
	_ =	swait.ge @!p1 [sflag:s2], $0x140  }
0xbe: {  	s13 =	simm.s32 $0x32A0;
	s10 =	simm.s32 $0x21C0;
	[sflag:s2] =	ssyncset.done @!p1 $0x0  }
.LBB2_11:
0xbf: {  	s25 =	sadd.s32 @!p1 s7, s31;
	[sflag:s14] =	ssyncadd.s32 @!p1 $0xFFFFFEC0;
	s11 =	smov.u32 s0  }
0xc0: {  	s17 =	smov.u32 s13;
	s14 =	smov.u32 s2;
	s12 =	sadd.s32 $0xFFFFFFFF, s12  }
0xc1: {  	[hbm4b:s25+s11] =	stream.linear.scatter @!p1 [tilespmem:s10], [sflag:$0x3], $0x140, $0x38;
	[tilespmem:$0x1CD80] =	vst v63  }
0xc2: {  	p3 =	seq.s32 s12, $0x0;
	_ =	swait.ge @!p1 [sflag:s14], $0x140  }
.Ltmp9:
0xc3: {  	[sflag:s14] =	ssyncset.done @!p1 $0x0;
	(pc) =	sbr.rel @!p3 .LBB2_11-.Ltmp9, $4  }
0xc4: {  	s13 =	sadd.s32 $0x140, s13;
	s25 =	sadd.s32 @!p1 s8, s31;
	[sflag:s14] =	ssyncadd.s32 @!p1 $0xFFFFFEC0  }
0xc5: {  	[hbm4b:s25+s11] =	stream.linear.scatter @!p1 [tilespmem:s17], [sflag:$0x3], $0x140, $0x38;
	[tilespmem:$0x1CD80] =	vst v63  }
0xc6: {  	s15 =	sadd.s32 $0x140, s15;
	s10 =	sadd.s32 $0x140, s10;
	_ =	swait.ge @!p1 [sflag:s14], $0x140  }
0xc7: {  	s31 =	sshrl.u32 @!p1 s15, $0x3;
	[sflag:s14] =	ssyncset.done @!p1 $0x0  }
0xc8: {  	s17 =	simm.s32 $0xFA0  }
.LBB2_13:
0xc9: {  	p2 =	por p1, !p2  }
0xca: {  	s11 =	sadd.s32 @!p1 s7, s31;
	[sflag:s14] =	ssyncadd.s32 @!p2 $0xFFFFFEC0  }
0xcb: {  	[hbm4b:s11+s0] =	stream.linear.scatter @!p1 [tilespmem:s10], [sflag:$0x3], $0x140, $0x38;
	[tilespmem:$0x1CD80] =	vst v63  }
0xcc: {  	_ =	swait.ge @!p1 [sflag:s2], $0x140  }
0xcd: {  	[sflag:s2] =	ssyncset.done @!p1 $0x0  }
0xce: {  	s10 =	sadd.s32 @!p1 s8, s31;
	[sflag:s2] =	ssyncadd.s32 @!p1 $0xFFFFFEC0  }
0xcf: {  	[hbm4b:s10+s0] =	stream.linear.scatter @!p1 [tilespmem:s13], [sflag:$0x3], $0x140, $0x38;
	[tilespmem:$0x1CD80] =	vst v63  }
0xd0: {  	_ =	swait.ge @!p1 [sflag:s2], $0x140  }
0xd1: {  	[sflag:s2] =	ssyncset.done @!p1 $0x0  }
0xd2: {  	[sflag:s2] =	ssyncadd.s32 @!p1 $0xFFFFFEC0  }
.LBB2_14:
0xd3: {  	p2 =	sgt.s32 s30, $0x0  }
.Ltmp10:
0xd4: {  	_ = 	snop;
	(pc) =	sbr.rel @!p2 .LBB2_18-.Ltmp10, $2  }
0xd5: {  	_ =	sdelay $0x2  }
0xd6: {  	s31 =	simm.s32 $0x0  }
.LBB2_15:
0xd7: {  	s0 =	smul.u32 $0x140, s31;
	_ =	sdelay $0x1  }
0xd8: {  	s2 =	sadd.s32 $0x3020, s0  }
0xd9: {  	[tilespmem:s22], [sflag:$0x1] =	stream.indirect.gather [spmem:s1], $0x40, s2, s21, $0xb8;
	[tilespmem:$0x1CD80] =	vst v63  }
0xda: {  	s14 =	sadd.s32 $0x30C0, s0  }
0xdb: {  	[tilespmem:s23], [sflag:$0x1] =	stream.indirect.gather [spmem:s1], $0x40, s14, s21, $0xb8;
	[tilespmem:$0x1CD80] =	vst v63  }
0xdc: {  	s15 =	sadd.s32 $0x0, s0;
	_ =	swait.ge [sflag:s20], $0x2800  }
0xdd: {  	v8 =	vmov s15;
	[sflag:s20] =	ssyncset.done $0x0  }
0xde: {  	[sflag:s20] =	ssyncadd.s32 $0xFFFFD800  }
0xdf: {  	_ =	swait.ge [sflag:s20], $0x2800  }
0xe0: {  	[sflag:s20] =	ssyncset.done $0x0  }
0xe1: {  	[sflag:s20] =	ssyncadd.s32 $0xFFFFD800  }
0xe2: {  	v8 =	vld.idx.msk [tilespmem:v8+s18+$0x0], $0xffff;
	_ =	sdelay $0x3  }
0xe3: {  	s25 =	simm.s32 $0x0  }
0xe4: {  	v9 =	vor.u32 s25, v3;
	v8 =	vshll.u32 v8, $0x6  }
0xe5: {  	v10 =	vor.u32 v3, v8;
	_ =	sdelay $0x3  }
0xe6: {  	v9 =	vld.idx.msk [tilespmem:v9+s22+$0x0], $0xffff  }
0xe7: {  	v11 =	vld.idx.msk [tilespmem:v10+s24+$0x0], $0xffff;
	_ =	sdelay $0x1  }
0xe8: {  	v12 =	vor.u32 v5, v8  }
0xe9: {  	v13 =	vor.u32 s25, v5;
	_ =	sdelay $0x1  }
0xea: {  	v9 =	vmax.f32 v11, v9  }
0xeb: {  	[tilespmem:v10+s24+$0x0] =	vst.idx.msk $0xffff, v9  }
0xec: {  	v9 =	vld.idx.msk [tilespmem:v12+s24+$0x0], $0xffff  }
0xed: {  	v10 =	vld.idx.msk [tilespmem:v13+s22+$0x0], $0xffff;
	_ =	sdelay $0x1  }
0xee: {  	v11 =	vor.u32 v6, v8  }
0xef: {  	v62 =	vor.u32 s25, v6;
	_ =	sdelay $0x1  }
0xf0: {  	v9 =	vmax.f32 v9, v10  }
0xf1: {  	[tilespmem:v12+s24+$0x0] =	vst.idx.msk $0xffff, v9  }
0xf2: {  	v9 =	vld.idx.msk [tilespmem:v11+s24+$0x0], $0xffff  }
0xf3: {  	v10 =	vld.idx.msk [tilespmem:v62+s22+$0x0], $0xffff;
	_ =	sdelay $0x1  }
0xf4: {  	v8 =	vor.u32 v7, v8  }
0xf5: {  	v63 =	vor.u32 s25, v7;
	_ =	sdelay $0x1  }
0xf6: {  	v9 =	vmax.f32 v9, v10  }
0xf7: {  	[tilespmem:v11+s24+$0x0] =	vst.idx.msk $0xffff, v9  }
0xf8: {  	v9 =	vld.idx.msk [tilespmem:v8+s24+$0x0], $0xffff  }
0xf9: {  	v10 =	vld.idx.msk [tilespmem:v63+s22+$0x0], $0xffff  }
0xfa: {  	s11 =	sadd.s32 $0x1, s0  }
0xfb: {  	s10 =	simm.s32 $0x2;
	s2 =	simm.s32 $0x1;
	v11 =	vmov s11  }
.LBB2_16:
0xfc: {  	p2 =	sne.s32 s10, $0x13F;
	s11 =	smov.u32 s10;
	s10 =	sadd.s32 $0x1, s10  }
0xfd: {  	_ = 	snop  }
0xfe: {  	v9 =	vmax.f32 v9, v10  }
0xff: {  	[tilespmem:v8+s24+$0x0] =	vst.idx.msk $0xffff, v9  }
0x100: {  	v8 =	vld.idx.msk [tilespmem:v11+s18+$0x0], $0xffff;
	_ =	sdelay $0x4  }
0x101: {  	s12 =	sshll.u32 s2, $0x6;
	s2 =	smov.u32 s11  }
0x102: {  	v9 =	vor.u32 s12, v3;
	v8 =	vshll.u32 v8, $0x6  }
0x103: {  	v10 =	vor.u32 v3, v8;
	_ =	sdelay $0x3  }
0x104: {  	v9 =	vld.idx.msk [tilespmem:v9+s22+$0x0], $0xffff  }
0x105: {  	v11 =	vld.idx.msk [tilespmem:v10+s24+$0x0], $0xffff;
	_ =	sdelay $0x2  }
0x106: {  	v13 =	vor.u32 s12, v5;
	v12 =	vor.u32 v5, v8;
	_ =	sdelay $0x2  }
0x107: {  	v9 =	vmax.f32 v11, v9  }
0x108: {  	[tilespmem:v10+s24+$0x0] =	vst.idx.msk $0xffff, v9  }
0x109: {  	v9 =	vld.idx.msk [tilespmem:v12+s24+$0x0], $0xffff  }
0x10a: {  	v10 =	vld.idx.msk [tilespmem:v13+s22+$0x0], $0xffff;
	_ =	sdelay $0x2  }
0x10b: {  	v11 =	vor.u32 v6, v8;
	v13 =	vor.u32 s12, v6;
	_ =	sdelay $0x2  }
0x10c: {  	v9 =	vmax.f32 v9, v10  }
0x10d: {  	[tilespmem:v12+s24+$0x0] =	vst.idx.msk $0xffff, v9  }
0x10e: {  	v9 =	vld.idx.msk [tilespmem:v11+s24+$0x0], $0xffff  }
0x10f: {  	v10 =	vld.idx.msk [tilespmem:v13+s22+$0x0], $0xffff;
	_ =	sdelay $0x2  }
0x110: {  	v8 =	vor.u32 v7, v8;
	v12 =	vor.u32 s12, v7;
	_ =	sdelay $0x2  }
0x111: {  	v9 =	vmax.f32 v9, v10  }
0x112: {  	[tilespmem:v11+s24+$0x0] =	vst.idx.msk $0xffff, v9  }
.Ltmp11:
0x113: {  	v9 =	vld.idx.msk [tilespmem:v8+s24+$0x0], $0xffff;
	(pc) =	sbr.rel @p2 .LBB2_16-.Ltmp11, $3  }
0x114: {  	v10 =	vld.idx.msk [tilespmem:v12+s22+$0x0], $0xffff;
	_ =	sdelay $0x1  }
0x115: {  	s11 =	sadd.s32 s0, s2  }
0x116: {  	v11 =	vmov s11  }
0x117: {  	_ =	sdelay $0x2  }
0x118: {  	v9 =	vmax.f32 v9, v10  }
0x119: {  	[tilespmem:v8+s24+$0x0] =	vst.idx.msk $0xffff, v9  }
0x11a: {  	v8 =	vld.idx.msk [tilespmem:v11+s18+$0x0], $0xffff;
	_ =	sdelay $0x3  }
0x11b: {  	s0 =	sshll.u32 s2, $0x6  }
0x11c: {  	v56 =	vor.u32 s0, v3;
	v8 =	vshll.u32 v8, $0x6  }
0x11d: {  	v57 =	vor.u32 v3, v8;
	_ =	sdelay $0x3  }
0x11e: {  	v9 =	vld.idx.msk [tilespmem:v56+s22+$0x0], $0xffff  }
0x11f: {  	v58 =	vld.idx.msk [tilespmem:v57+s24+$0x0], $0xffff;
	_ =	sdelay $0x1  }
0x120: {  	v12 =	vor.u32 v5, v8  }
0x121: {  	v13 =	vor.u32 s0, v5;
	_ =	sdelay $0x1  }
0x122: {  	v9 =	vmax.f32 v58, v9  }
0x123: {  	[tilespmem:v57+s24+$0x0] =	vst.idx.msk $0xffff, v9  }
0x124: {  	v9 =	vld.idx.msk [tilespmem:v12+s24+$0x0], $0xffff  }
0x125: {  	v10 =	vld.idx.msk [tilespmem:v13+s22+$0x0], $0xffff;
	_ =	sdelay $0x1  }
0x126: {  	v59 =	vor.u32 v6, v8  }
0x127: {  	v60 =	vor.u32 s0, v6;
	_ =	sdelay $0x1  }
0x128: {  	v9 =	vmax.f32 v9, v10  }
0x129: {  	[tilespmem:v12+s24+$0x0] =	vst.idx.msk $0xffff, v9  }
0x12a: {  	v9 =	vld.idx.msk [tilespmem:v59+s24+$0x0], $0xffff  }
0x12b: {  	v61 =	vld.idx.msk [tilespmem:v60+s22+$0x0], $0xffff;
	_ =	sdelay $0x1  }
0x12c: {  	v8 =	vor.u32 v7, v8  }
0x12d: {  	v62 =	vor.u32 s0, v7;
	_ =	sdelay $0x1  }
0x12e: {  	v9 =	vmax.f32 v9, v61  }
0x12f: {  	[tilespmem:v59+s24+$0x0] =	vst.idx.msk $0xffff, v9  }
0x130: {  	v9 =	vld.idx.msk [tilespmem:v8+s24+$0x0], $0xffff  }
0x131: {  	s31 =	sadd.s32 $0x1, s31;
	v63 =	vld.idx.msk [tilespmem:v62+s22+$0x0], $0xffff  }
0x132: {  	p2 =	sne.s32 s31, s30  }
.Ltmp12:
0x133: {  	_ = 	snop;
	(pc) =	sbr.rel @p2 .LBB2_15-.Ltmp12, $4  }
.Ltmp13:
0x134: {  	_ = 	snop;
	(pc) =	sbr.rel @!p2 .LBB2_18-.Ltmp13, $4  }
0x135: {  	_ = 	snop  }
0x136: {  	v9 =	vmax.f32 v9, v63  }
0x137: {  	[tilespmem:v8+s24+$0x0] =	vst.idx.msk $0xffff, v9  }
0x138: {  	_ = 	snop  }
.LBB2_8:
.Ltmp14:
0x139: {  	(pc) =	sbr.rel .LBB2_13-.Ltmp14, $2  }
0x13a: {  	_ =	sdelay $0x2  }
0x13b: {  	_ = 	snop  }
.LBB2_10:
.Ltmp15:
0x13c: {  	(pc) =	sbr.rel .LBB2_13-.Ltmp15, $2  }
0x13d: {  	_ =	sdelay $0x2  }
0x13e: {  	s14 =	simm.s32 @!p1 $0x3;
	s13 =	simm.s32 $0x32A0;
	s17 =	simm.s32 $0xFA0  }
.LBB2_20:
0x13f: {  	_ =	sfence.sel $0x180000  }
0x140: {  	[bflag:$0x0] =	sbarrier.arrive $0xFFFF  }
0x141: {  	_ =	strace $0x90000047  }
0x142: {  	[bflag:$0x2] =	sbarrier.arrive $0xFFFF  }
0x143: {  	s0 =	rddreg [dreg:$0x3]  }
0x144: {  	s0 =	sadd.s32 @!p0 $0x100000, s0  }
0x145: {  	[sflag:s0] =	ssyncadd.tile.s32 @!p0 $0x1;
	_ =	shalt  }
.Lfunc_end2:
_tile_overlayer_lowered:
.L_overlay_start_2:
0x146: {  	(tag) =	ssettag $0x2  }
0x147: {  	s0 =	rddreg [dreg:$0x0];
	s2 =	stileid.u32  }
0x148: {  	s1 =	rddreg [dreg:$0x1];
	p0 =	sne.s32 s2, $0x0  }
0x149: {  	s3 =	rddreg [dreg:$0x2];
	[bflag:$0x3] =	sbarrier.arrive $0xFFFF;
	s2 =	simm.s32 @!p0 $0x1C03  }
0x14a: {  	[timem:s3], [sflag:s2] =	dma.local @!p0 [hbm:s0], s1  }
0x14b: {  	s0 =	simm.s32 @!p0 $0x3  }
0x14c: {  	_ =	swait.ge @!p0 [sflag:s0], s1  }
0x14d: {  	s1 =	ssub.s32 @!p0 $0x0, s1;
	[sflag:s0] =	ssyncset.done @!p0 $0x0  }
0x14e: {  	[sflag:s0] =	ssyncadd.s32 @!p0 s1  }
0x14f: {  	[bflag:$0x3] =	sbarrier.arrive $0xFFFF  }
0x150: {  	_ =	shalt  }

// kernel: kernel.9.cloned.1.call-start
scs
__scs_entry_jumppad:
0x0: {  	(pc) =	sbr.rel $0x88, $3  }
0x1: {  	(tag) =	ssettag $0x0;
	lr =	simm.s32 $0x1  }
0x2: {  	[smem:$0x3F99] =	sst lr;
	_ =	strace $0xD0000000  }
0x3: {  	_ = 	snop  }
0x4: {  	_ = 	snop  }
0x5: {  	_ = 	snop  }
0x6: {  	_ = 	snop  }
0x7: {  	_ = 	snop  }
__scs_overlays_trampoline_lowered:
0x8: {  	[smem:$0x3FA8] =	sst s0  }
0x9: {  	[smem:$0x3FA9] =	sst s1  }
0xa: {  	[smem:$0x3FAA] =	sst s2  }
0xb: {  	[smem:$0x3FAB] =	sst s3  }
0xc: {  	[smem:$0x3FAC] =	sst s4  }
0xd: {  	[smem:$0x3FAD] =	sst s5  }
0xe: {  	[smem:$0x3FAE] =	sst s6  }
0xf: {  	[smem:$0x3FAF] =	sst s7  }
0x10: {  	[smem:$0x3FB0] =	sst s8  }
0x11: {  	[smem:$0x3FB1] =	sst s9;
	s0 =	simm.s32 @!p0 $0x0  }
0x12: {  	s1 =	sld [smem:$0x3F97];
	s0 =	simm.s32 @p0 $0x1  }
0x13: {  	[smem:$0x3FB2] =	sst s0;
	s0 =	simm.s32 @!p1 $0x0  }
0x14: {  	s2 =	sld [smem:$0x3F96];
	s0 =	simm.s32 @p1 $0x1  }
0x15: {  	[smem:$0x3FB3] =	sst s0;
	s0 =	simm.s32 @!p2 $0x0  }
0x16: {  	s3 =	sld [smem:$0x3FDB];
	s0 =	simm.s32 @p2 $0x1  }
0x17: {  	s4 =	simm.s32 $0x1BF5;
	[smem:$0x3FB5] =	sst s0  }
0x18: {  	s0 =	sld [smem:$0x3F98];
	_ =	swait.ge [sflag:s4], $0x0  }
0x19: {  	s7 =	sld [smem:$0x3F99]  }
0x1a: {  	s8 =	sadd.s32 $0xFFFFE003, lr  }
0x1b: {  	s9 =	sadd.s32 $0xFFFFFEF7, lr;
	s5 =	simm.s32 $0xFFFFFFFF;
	p2 =	slt.u32 s8, $0xFFFFF086  }
0x1c: {  	p1 =	slt.u32 s9, $0xF7A;
	s5 =	simm.s32 @!p2 $0x0  }
0x1d: {  	s5 =	simm.s32 @p1 $0x1;
	p0 =	seq.s32 s7, s2  }
0x1e: {  	s7 =	smul.u32 @!p0 $0xF7A, s2;
	p2 =	seq.s32 @!p0 s5, $0x0  }
0x1f: {  	s9 =	smul.u32 $0xF7A, s1;
	s8 =	simm.s32 @!p0 $0x1BF5;
	p2 =	por !p2, p0  }
0x20: {  	[sflag:s8] =	ssyncset.s32 @!p0 $0xFFFFF086;
	s6 =	sadd.s32 @!p0 s3, s7;
	s7 =	simm.s32 @!p0 $0x108  }
0x21: {  	s3 =	sadd.s32 s3, s9;
	s6 =	sadd.s32 @!p0 $0x88, s6;
	s7 =	simm.s32 @p2 $0x1082  }
0x22: {  	[simem:s7], [sflag:s8] =	dma.local @!p0 [hbm:s6], $0xF7A  }
0x23: {  	s9 =	sor.u32 $0xD0000000, s2;
	s6 =	simm.s32 $0x108;
	_ =	swait.ge @!p0 [sflag:s8], $0x0  }
0x24: {  	s3 =	sadd.s32 $0x88, s3;
	s6 =	simm.s32 @!p1 $0x1082;
	[sflag:s4] =	ssyncset.s32 $0xFFFFF086  }
0x25: {  	[simem:s6], [sflag:s4] =	dma.local [hbm:s3], $0xF7A  }
0x26: {  	[smem:$0x3F99] =	sst s1;
	(tag) =	ssettag s2;
	_ =	strace s9  }
0x27: {  	s1 =	sld [smem:$0x3FA9]  }
0x28: {  	s2 =	sld [smem:$0x3FAA]  }
0x29: {  	s4 =	sld [smem:$0x3FAC]  }
0x2a: {  	p0 =	seq.s32 s5, $0x0;
	s5 =	sld [smem:$0x3FAD]  }
0x2b: {  	s6 =	sld [smem:$0x3FAE]  }
0x2c: {  	s7 =	sld [smem:$0x3FAF]  }
0x2d: {  	s3 =	simm.s32 $0x108;
	s8 =	sld [smem:$0x3FB0]  }
0x2e: {  	s3 =	simm.s32 @!p0 $0x1082;
	s9 =	sld [smem:$0x3FB1]  }
0x2f: {  	lr =	sadd.s32 s0, s3;
	s0 =	sld [smem:$0x3FA8]  }
0x30: {  	s3 =	sld [smem:$0x3FAB]  }
0x31: {  	[smem:$0x3FB4] =	sst s10  }
0x32: {  	s10 =	sld [smem:$0x3FB2];
	_ =	sdelay $0x3  }
0x33: {  	p0 =	seq.s32 s10, $0x1;
	s10 =	sld [smem:$0x3FB4];
	_ =	sdelay $0x3  }
0x34: {  	[smem:$0x3FB4] =	sst s10  }
0x35: {  	s10 =	sld [smem:$0x3FB3];
	_ =	sdelay $0x3  }
0x36: {  	p1 =	seq.s32 s10, $0x1;
	s10 =	sld [smem:$0x3FB4];
	_ =	sdelay $0x3  }
0x37: {  	[smem:$0x3FB4] =	sst s10  }
0x38: {  	s10 =	sld [smem:$0x3FB5]  }
0x39: {  	_ = 	snop;
	(pc) =	sbr.ind lr, $3  }
0x3a: {  	_ = 	snop  }
0x3b: {  	_ = 	snop  }
0x3c: {  	p2 =	seq.s32 s10, $0x1;
	s10 =	sld [smem:$0x3FB4]  }
0x3d: {  	_ =	shalt  }
0x3e: {  	_ =	shalt  }
0x3f: {  	_ =	shalt  }
0x40: {  	_ =	shalt  }
0x41: {  	_ =	shalt  }
0x42: {  	_ =	shalt  }
0x43: {  	_ =	shalt  }
0x44: {  	_ =	shalt  }
0x45: {  	_ =	shalt  }
0x46: {  	_ =	shalt  }
0x47: {  	_ =	shalt  }
0x48: {  	_ =	shalt  }
0x49: {  	_ =	shalt  }
0x4a: {  	_ =	shalt  }
0x4b: {  	_ =	shalt  }
0x4c: {  	_ =	shalt  }
0x4d: {  	_ =	shalt  }
0x4e: {  	_ =	shalt  }
0x4f: {  	_ =	shalt  }
0x50: {  	_ =	shalt  }
0x51: {  	_ =	shalt  }
0x52: {  	_ =	shalt  }
0x53: {  	_ =	shalt  }
0x54: {  	_ =	shalt  }
0x55: {  	_ =	shalt  }
0x56: {  	_ =	shalt  }
0x57: {  	_ =	shalt  }
0x58: {  	_ =	shalt  }
0x59: {  	_ =	shalt  }
0x5a: {  	_ =	shalt  }
0x5b: {  	_ =	shalt  }
0x5c: {  	_ =	shalt  }
0x5d: {  	_ =	shalt  }
0x5e: {  	_ =	shalt  }
0x5f: {  	_ =	shalt  }
0x60: {  	_ =	shalt  }
0x61: {  	_ =	shalt  }
0x62: {  	_ =	shalt  }
0x63: {  	_ =	shalt  }
0x64: {  	_ =	shalt  }
0x65: {  	_ =	shalt  }
0x66: {  	_ =	shalt  }
0x67: {  	_ =	shalt  }
0x68: {  	_ =	shalt  }
0x69: {  	_ =	shalt  }
0x6a: {  	_ =	shalt  }
0x6b: {  	_ =	shalt  }
0x6c: {  	_ =	shalt  }
0x6d: {  	_ =	shalt  }
0x6e: {  	_ =	shalt  }
0x6f: {  	_ =	shalt  }
0x70: {  	_ =	shalt  }
0x71: {  	_ =	shalt  }
0x72: {  	_ =	shalt  }
0x73: {  	_ =	shalt  }
0x74: {  	_ =	shalt  }
0x75: {  	_ =	shalt  }
0x76: {  	_ =	shalt  }
0x77: {  	_ =	shalt  }
0x78: {  	_ =	shalt  }
0x79: {  	_ =	shalt  }
0x7a: {  	_ =	shalt  }
0x7b: {  	_ =	shalt  }
0x7c: {  	_ =	shalt  }
0x7d: {  	_ =	shalt  }
0x7e: {  	_ =	shalt  }
0x7f: {  	_ =	shalt  }
0x80: {  	_ =	shalt  }
0x81: {  	_ =	shalt  }
0x82: {  	_ =	shalt  }
0x83: {  	_ =	shalt  }
0x84: {  	_ =	shalt  }
0x85: {  	_ =	shalt  }
0x86: {  	_ =	shalt  }
0x87: {  	_ =	shalt  }
.Lfunc_end0:
.L_simem_size_0:
called_computation.1_lowered:
.L_overlay_start_0:
0x88: {  	s2 =	sld [smem:$0x3FD9]  }
0x89: {  	s3 =	sld [smem:$0x3FFE];
	_ =	sdelay $0x1  }
0x8a: {  	s1 =	srdreg.scid  }
0x8b: {  	s0 =	sand.u32 $0x1, s1  }
0x8c: {  	s17 =	sshll.u32 s0, $0xA;
	s2 =	sadd.s32 s3, s2  }
0x8d: {  	s2 =	sadd.s32 s2, s17  }
0x8e: {  	[smem:$0x3FC0] =	sst s2  }
0x8f: {  	_ = 	snop  }
0x90: {  	s2 =	sld [smem:$0x3FD0];
	(tm) =	ssettm $0x1  }
0x91: {  	s18 =	sld [smem:$0x3FFB];
	_ =	sdelay $0x3  }
0x92: {  	_ =	strace s18  }
0x93: {  	s3 =	sld [smem:$0x3FFC];
	_ =	sdelay $0x3  }
0x94: {  	_ =	strace s3  }
0x95: {  	s3 =	sld [smem:$0x3FFD];
	_ =	sdelay $0x3  }
0x96: {  	_ =	strace s3  }
0x97: {  	_ =	strace $0x8FFFFFFF  }
0x98: {  	s19 =	sld [smem:$0x3FDB];
	_ =	sdelay $0x1  }
0x99: {  	s4 =	simm.s32 $_scs_section_size  }
0x9a: {  	s5 =	simm.s32 $_size__tile_overlayer_lowered;
	s6 =	simm.s32 $_tile_overlayer_lowered  }
0x9b: {  	s22 =	simm.s32 $0x1BFF;
	s21 =	sshll.u32 s6, $0x1;
	s3 =	sadd.s32 s4, s19  }
0x9c: {  	s7 =	simm.s32 $0x0;
	s20 =	sshll.u32 s5, $0x1;
	s5 =	sadd.s32 s21, s3  }
0x9d: {  	[timem:s7], [sflag:s22] =	dma.local [hbm:s5], s20  }
0x9e: {  	_ =	swait.ge [sflag:s22], s20  }
0x9f: {  	s4 =	ssub.s32 $0x0, s20;
	[sflag:s22] =	ssyncset.done $0x0  }
0xa0: {  	[sflag:s22] =	ssyncadd.s32 s4;
	_ =	sdelay $0x1  }
0xa1: {  	s23 =	simm.s32 $0x1B8B  }
0xa2: {  	_ =	swait.ge [sflag:s23], $0x1  }
0xa3: {  	[sflag:s23] =	ssyncset.done $0x0  }
0xa4: {  	s25 =	simm.s32 $0x1B8E;
	s24 =	sld [smem:$0x3FFE];
	[sflag:s23] =	ssyncadd.s32 $0xFFFFFFFF  }
0xa5: {  	s26 =	simm.s32 $execute0_lowered;
	[smem:$0x3FD2] =	sst s25  }
0xa6: {  	s5 =	sshll.u32 s26, $0x1;
	_ =	strace $0x80000049;
	[dreg:$0x1] =	wrdreg $0xFFFFFFFF  }
0xa7: {  	s28 =	simm.s32 $_size_execute0_lowered;
	s3 =	sadd.s32 s3, s5;
	[dreg:$0x0] =	wrdreg $0x0  }
0xa8: {  	s5 =	sshll.u32 s28, $0x1;
	[dreg:$0x2] =	wrdreg s3  }
0xa9: {  	[dreg:$0x3] =	wrdreg s5  }
0xaa: {  	[dreg:$0x4] =	wrdreg $0xC0  }
0xab: {  	_ =	task [dreg:s7], $0x5FFFF  }
0xac: {  	[dreg:$0x1] =	wrdreg $0xFFFFFFFF  }
0xad: {  	[dreg:$0x0] =	wrdreg $0x60  }
0xae: {  	[dreg:$0x2] =	wrdreg s2  }
0xaf: {  	[dreg:$0x3] =	wrdreg s24  }
0xb0: {  	[dreg:$0x4] =	wrdreg $0x118500  }
0xb1: {  	[dreg:$0x5] =	wrdreg $0x9  }
0xb2: {  	_ =	task.clear_ibuf [dreg:s7], $0x6FFFF;
	_ =	strace $0x90000049  }
0xb3: {  	s29 =	simm.s32 $0x9;
	_ =	strace $0x8000004B  }
0xb4: {  	_ =	swait.ge [sflag:s29], $0x1  }
0xb5: {  	[sflag:s29] =	ssyncadd.s32 $0xFFFFFFFF  }
0xb6: {  	_ =	strace $0x9000004B  }
0xb7: {  	_ =	sfence  }
0xb8: {  	s30 =	sld [smem:$0x0];
	_ =	sdelay $0x2  }
0xb9: {  	s31 =	sshll.u32 s1, $0xD;
	s1 =	sshrl.u32 s1, $0x2  }
0xba: {  	s3 =	sand.u32 $0x4000, s31;
	s1 =	sadd.s32 s1, s30  }
0xbb: {  	s0 =	sor.u32 s3, s0;
	s1 =	sshll.u32 s1, $0x11  }
0xbc: {  	s0 =	sor.u32 s1, s0  }
0xbd: {  	s0 =	sadd.s32 $0x8F2B, s0  }
0xbe: {  	[sflag:s0] =	ssyncadd.remote.s32 $0x1  }
0xbf: {  	_ =	sfence.sel $0xFFFF  }
0xc0: {  	[dreg:$0x0] =	wrdreg $0xFFFFFFFF;
	(pc) =	sbr.abs _section_cstart, $3  }
0xc1: {  	[dreg:$0x1] =	wrdreg $0xFFFFFFFF  }
0xc2: {  	_ =	task.clear_ibuf [dreg:s7], $0x2FFFF;
	_ =	strace $0x9FFFFFFF  }
0xc3: {  	(tm) =	ssettm $0x7FFFFFFF  }
tec
execute0_lowered:
.L_overlay_start_1:
0x0: {  	(tag) =	ssettag $0x1  }
0x1: {  	s0 =	rddreg [dreg:$0x0]  }
0x2: {  	s7 =	rddreg [dreg:$0x1]  }
0x3: {  	s1 =	rddreg [dreg:$0x2];
	s2 =	simm.s32 $0x0;
	s3 =	srdreg.scid  }
0x4: {  	s9 =	stileid.u32;
	s14 =	simm.s32 $0x2;
	s15 =	simm.s32 $0x1400  }
0x5: {  	s16 =	simm.s32 $0xA0;
	s17 =	simm.s32 $0x2800;
	s18 =	simm.s32 $0x14A0  }
0x6: {  	s19 =	simm.s32 $0x5000;
	s20 =	simm.s32 $0x1;
	s21 =	simm.s32 $0x7800  }
0x7: {  	s28 =	simm.s32 $0x1680;
	s29 =	simm.s32 $0x1720;
	s30 =	simm.s32 $0x17C0  }
0x8: {  	s31 =	simm.s32 $0x1860;
	[smem:$0x7FF] =	sst s2;
	s8 =	sand.u32 $0x1, s3  }
0x9: {  	s3 =	sadd.s32 $0x8B200, s7;
	s11 =	smul.u32 $0xA000, s9;
	s4 =	sadd.s32 $0x97A00, s7  }
0xa: {  	s5 =	sadd.s32 $0xA4200, s7;
	s6 =	sadd.s32 $0x14CE00, s7;
	s12 =	sshll.u32 s9, $0x1  }
0xb: {  	p0 =	sne.s32 s9, $0x0;
	s10 =	smul.u32 $0xA0000, s8;
	_ =	strace $0x8000004A  }
0xc: {  	s23 =	ssub.s32 $0x2, s8;
	s8 =	smul.u32 $0x13880, s8;
	s12 =	sadd.s32 s12, s7  }
0xd: {  	s13 =	sshrl.u32 s23, $0x1;
	s24 =	sadd.s32 $0x1F5A00, s12;
	s12 =	simm.s32 $0x26C0  }
0xe: {  	s10 =	sadd.s32 s11, s10;
	s11 =	ssub.s32 s23, s13;
	s0 =	sadd.s32 s0, s8  }
0xf: {  	s8 =	smul.u32 $0x6400, s9;
	[dreg:$0x5] =	wrdreg s24;
	s13 =	simm.s32 $0x2760  }
.Ltmp0:
0x10: {  	s10 =	sshrl.u32 s10, $0x3;
	[dreg:$0x4] =	wrdreg s0;
	(pc) =	sbr.rel .LBB2_1-.Ltmp0, $4  }
0x11: {  	s26 =	smax.u32 s11, $0x1;
	s0 =	sshrl.u32 @!p0 s1, $0x3;
	s11 =	simm.s32 $0x2620  }
0x12: {  	s7 =	sadd.s32 s10, s7;
	s10 =	smul.u32 $0x54600, s9;
	[dreg:$0x7] =	wrdreg s26  }
0x13: {  	v0 =	vlaneseq.u32;
	v1 =	vimm.f32 $-Inf;
	v5 =	vimm.f32 $1.000000000e+00;
	[dreg:$0x8] =	wrdreg s0;
	s9 =	simm.s32 $0x1540;
	s25 =	sadd.s32 $0x1400, s7  }
0x14: {  	v2 =	vor.u32 $0x10, v0;
	v3 =	vor.u32 $0x20, v0;
	v4 =	vor.u32 $0x30, v0;
	s26 =	simm.s32 $0x15E0;
	s7 =	simm.s32 $0x0;
	[dreg:$0x6] =	wrdreg s25  }
.LBB2_41:
0x15: {  	s0 =	rddreg [dreg:$0x6]  }
0x16: {  	[hbm4b:s0+s2] =	stream.linear.scatter [tilespmem:s21], [sflag:$0x2], $0xA000, $0x38;
	[tilespmem:$0x1B490] =	vst v63  }
0x17: {  	_ =	swait.ge [sflag:s14], $0xA000  }
0x18: {  	s7 =	rddreg [dreg:$0x9]  }
0x19: {  	s26 =	rddreg [dreg:$0x7];
	s7 =	sadd.s32 $0x1, s7  }
0x1a: {  	p1 =	sne.s32 s7, s26  }
.Ltmp1:
0x1b: {  	_ = 	snop;
	(pc) =	sbr.rel @!p1 .LBB2_42-.Ltmp1, $3  }
0x1c: {  	_ =	sdelay $0x1  }
0x1d: {  	[sflag:s14] =	ssyncset.done $0x0  }
0x1e: {  	[sflag:s14] =	ssyncadd.s32 $0xFFFF6000;
	s26 =	simm.s32 $0x15E0  }
.LBB2_1:
0x1f: {  	[dreg:$0x9] =	wrdreg s7  }
0x20: {  	s0 =	rddreg [dreg:$0x4]  }
0x21: {  	s22 =	simm.s32 @!p0 $0x1C02;
	s7 =	rddreg [dreg:$0x8]  }
0x22: {  	[spmem:s7], [sflag:s22] =	dma.local @!p0 [hbm:s0], $0x13880  }
0x23: {  	s22 =	simm.s32 @!p0 $0x2  }
0x24: {  	_ =	swait.ge @!p0 [sflag:s22], $0x13880  }
0x25: {  	[sflag:s22] =	ssyncset.done @!p0 $0x0  }
0x26: {  	[sflag:s22] =	ssyncadd.s32 @!p0 $0xFFFEC780  }
0x27: {  	[bflag:$0x0] =	sbarrier.arrive $0xFFFF  }
0x28: {  	s23 =	simm.s32 $0x7800;
	s22 =	simm.s32 $0x1;
	[tilespmem:s21+$0x0] =	vst v1  }
.LBB2_2:
0x29: {  	p1 =	seq.s32 s22, $0xA03  }
.Ltmp2:
0x2a: {  	_ = 	snop;
	(pc) =	sbr.rel @!p1 .LBB2_2-.Ltmp2, $3  }
0x2b: {  	_ =	sdelay $0x1  }
0x2c: {  	s22 =	sadd.s32 $0x1, s22;
	s23 =	sadd.s32 $0x10, s23  }
0x2d: {  	[tilespmem:s23+$0x0] =	vst v1  }
0x2e: {  	s0 =	simm.s32 $0x1900  }
0x2f: {  	s7 =	simm.s32 $0x19A0;
	s22 =	simm.s32 $0x0;
	s23 =	simm.s32 $0x0  }
.LBB2_4:
0x30: {  	s24 =	smul.u32 $0x1400, s23;
	_ =	sdelay $0x1  }
0x31: {  	s24 =	sadd.s32 s8, s24  }
0x32: {  	s24 =	sshrl.u32 s24, $0x3  }
0x33: {  	s25 =	sadd.s32 s3, s24  }
0x34: {  	[tilespmem:s22], [sflag:$0x2] =	stream.linear.gather [hbm4b:s25+s22], $0x1400, $0x38;
	[tilespmem:$0x1B490] =	vst v63  }
0x35: {  	_ =	swait.ge [sflag:s14], $0x1400  }
0x36: {  	[sflag:s14] =	ssyncset.done $0x0  }
0x37: {  	s24 =	sadd.s32 s4, s24;
	[sflag:s14] =	ssyncadd.s32 $0xFFFFEC00  }
0x38: {  	[tilespmem:s15], [sflag:$0x2] =	stream.linear.gather [hbm4b:s24+s22], $0x1400, $0x38;
	[tilespmem:$0x1B490] =	vst v63  }
0x39: {  	_ =	swait.ge [sflag:s14], $0x1400  }
0x3a: {  	[sflag:s14] =	ssyncset.done $0x0  }
0x3b: {  	[sflag:s14] =	ssyncadd.s32 $0xFFFFEC00  }
0x3c: {  	[tilespmem:s17], [sflag:$0x1] =	stream.indirect.gather [spmem:s1], $0x40, s15, s16, $0xb8;
	[tilespmem:$0x1B490] =	vst v63  }
0x3d: {  	_ = 	snop  }
0x3e: {  	[tilespmem:s19], [sflag:$0x1] =	stream.indirect.gather [spmem:s1], $0x40, s18, s16, $0xb8;
	[tilespmem:$0x1B490] =	vst v63  }
0x3f: {  	_ =	swait.ge [sflag:s20], $0x2800  }
0x40: {  	v6 =	vmov s22;
	[sflag:s20] =	ssyncset.done $0x0  }
0x41: {  	[sflag:s20] =	ssyncadd.s32 $0xFFFFD800  }
0x42: {  	_ =	swait.ge [sflag:s20], $0x2800  }
0x43: {  	[sflag:s20] =	ssyncset.done $0x0  }
0x44: {  	[sflag:s20] =	ssyncadd.s32 $0xFFFFD800  }
0x45: {  	v7 =	vld.idx.msk [tilespmem:v6+s2+$0x0], $0xffff;
	_ =	sdelay $0x3  }
0x46: {  	v8 =	vshll.u32 v6, $0x6  }
0x47: {  	v6 =	vshll.u32 v7, $0x6;
	v7 =	vor.u32 v0, v8  }
0x48: {  	v9 =	vor.u32 v0, v6;
	_ =	sdelay $0x3  }
0x49: {  	v7 =	vld.idx.msk [tilespmem:v7+s17+$0x0], $0xffff  }
0x4a: {  	v10 =	vld.idx.msk [tilespmem:v9+s21+$0x0], $0xffff;
	_ =	sdelay $0x1  }
0x4b: {  	v11 =	vor.u32 v2, v6  }
0x4c: {  	v12 =	vor.u32 v2, v8;
	_ =	sdelay $0x1  }
0x4d: {  	v7 =	vmax.f32 v10, v7  }
0x4e: {  	[tilespmem:v9+s21+$0x0] =	vst.idx.msk $0xffff, v7  }
0x4f: {  	v7 =	vld.idx.msk [tilespmem:v11+s21+$0x0], $0xffff  }
0x50: {  	v9 =	vld.idx.msk [tilespmem:v12+s17+$0x0], $0xffff;
	_ =	sdelay $0x1  }
0x51: {  	v10 =	vor.u32 v3, v6  }
0x52: {  	v63 =	vor.u32 v3, v8;
	_ =	sdelay $0x1  }
0x53: {  	v7 =	vmax.f32 v7, v9  }
0x54: {  	[tilespmem:v11+s21+$0x0] =	vst.idx.msk $0xffff, v7  }
0x55: {  	v7 =	vld.idx.msk [tilespmem:v10+s21+$0x0], $0xffff  }
0x56: {  	v9 =	vld.idx.msk [tilespmem:v63+s17+$0x0], $0xffff;
	_ =	sdelay $0x1  }
0x57: {  	v6 =	vor.u32 v4, v6  }
0x58: {  	v11 =	vor.u32 v4, v8;
	_ =	sdelay $0x1  }
0x59: {  	v7 =	vmax.f32 v7, v9  }
0x5a: {  	[tilespmem:v10+s21+$0x0] =	vst.idx.msk $0xffff, v7  }
0x5b: {  	v8 =	vld.idx.msk [tilespmem:v6+s21+$0x0], $0xffff  }
0x5c: {  	s25 =	simm.s32 $0x1;
	v9 =	vld.idx.msk [tilespmem:v11+s17+$0x0], $0xffff  }
0x5d: {  	s24 =	simm.s32 $0x2;
	v7 =	vmov s25  }
.LBB2_5:
0x5e: {  	p1 =	sne.s32 s24, $0x13F;
	s25 =	smov.u32 s24;
	s24 =	sadd.s32 $0x1, s24  }
0x5f: {  	_ =	sdelay $0x1  }
0x60: {  	v8 =	vmax.f32 v8, v9  }
0x61: {  	[tilespmem:v6+s21+$0x0] =	vst.idx.msk $0xffff, v8  }
0x62: {  	v6 =	vld.idx.msk [tilespmem:v7+s2+$0x0], $0xffff;
	_ =	sdelay $0x4  }
0x63: {  	v7 =	vshll.u32 v7, $0x6  }
0x64: {  	v8 =	vor.u32 v0, v7;
	v6 =	vshll.u32 v6, $0x6  }
0x65: {  	v9 =	vor.u32 v0, v6;
	_ =	sdelay $0x3  }
0x66: {  	v8 =	vld.idx.msk [tilespmem:v8+s17+$0x0], $0xffff  }
0x67: {  	v10 =	vld.idx.msk [tilespmem:v9+s21+$0x0], $0xffff;
	_ =	sdelay $0x1  }
0x68: {  	v11 =	vor.u32 v2, v6;
	_ =	sdelay $0x1  }
0x69: {  	v12 =	vor.u32 v2, v7;
	_ =	sdelay $0x1  }
0x6a: {  	v8 =	vmax.f32 v10, v8  }
0x6b: {  	[tilespmem:v9+s21+$0x0] =	vst.idx.msk $0xffff, v8  }
0x6c: {  	v8 =	vld.idx.msk [tilespmem:v11+s21+$0x0], $0xffff  }
0x6d: {  	v9 =	vld.idx.msk [tilespmem:v12+s17+$0x0], $0xffff;
	_ =	sdelay $0x2  }
0x6e: {  	v10 =	vor.u32 v3, v6  }
0x6f: {  	v12 =	vor.u32 v3, v7;
	_ =	sdelay $0x1  }
0x70: {  	v8 =	vmax.f32 v8, v9  }
0x71: {  	[tilespmem:v11+s21+$0x0] =	vst.idx.msk $0xffff, v8  }
0x72: {  	v8 =	vld.idx.msk [tilespmem:v10+s21+$0x0], $0xffff  }
0x73: {  	v9 =	vld.idx.msk [tilespmem:v12+s17+$0x0], $0xffff;
	_ =	sdelay $0x2  }
0x74: {  	v6 =	vor.u32 v4, v6;
	v7 =	vor.u32 v4, v7;
	_ =	sdelay $0x2  }
0x75: {  	v8 =	vmax.f32 v8, v9  }
.Ltmp3:
0x76: {  	[tilespmem:v10+s21+$0x0] =	vst.idx.msk $0xffff, v8;
	(pc) =	sbr.rel @p1 .LBB2_5-.Ltmp3, $3  }
0x77: {  	v8 =	vld.idx.msk [tilespmem:v6+s21+$0x0], $0xffff  }
0x78: {  	v9 =	vld.idx.msk [tilespmem:v7+s17+$0x0], $0xffff;
	_ =	sdelay $0x1  }
0x79: {  	v7 =	vmov s25  }
0x7a: {  	_ =	sdelay $0x2  }
0x7b: {  	v8 =	vmax.f32 v8, v9  }
0x7c: {  	[tilespmem:v6+s21+$0x0] =	vst.idx.msk $0xffff, v8  }
0x7d: {  	v6 =	vld.idx.msk [tilespmem:v7+s2+$0x0], $0xffff;
	_ =	sdelay $0x3  }
0x7e: {  	v7 =	vshll.u32 v7, $0x6  }
0x7f: {  	v8 =	vor.u32 v0, v7;
	v6 =	vshll.u32 v6, $0x6  }
0x80: {  	v9 =	vor.u32 v0, v6;
	_ =	sdelay $0x3  }
0x81: {  	v8 =	vld.idx.msk [tilespmem:v8+s17+$0x0], $0xffff  }
0x82: {  	v10 =	vld.idx.msk [tilespmem:v9+s21+$0x0], $0xffff;
	_ =	sdelay $0x1  }
0x83: {  	v11 =	vor.u32 v2, v6  }
0x84: {  	v12 =	vor.u32 v2, v7;
	_ =	sdelay $0x1  }
0x85: {  	v8 =	vmax.f32 v10, v8  }
0x86: {  	[tilespmem:v9+s21+$0x0] =	vst.idx.msk $0xffff, v8  }
0x87: {  	v8 =	vld.idx.msk [tilespmem:v11+s21+$0x0], $0xffff  }
0x88: {  	v9 =	vld.idx.msk [tilespmem:v12+s17+$0x0], $0xffff;
	_ =	sdelay $0x1  }
0x89: {  	v10 =	vor.u32 v3, v6  }
0x8a: {  	v61 =	vor.u32 v3, v7;
	_ =	sdelay $0x1  }
0x8b: {  	v8 =	vmax.f32 v8, v9  }
0x8c: {  	[tilespmem:v11+s21+$0x0] =	vst.idx.msk $0xffff, v8  }
0x8d: {  	v8 =	vld.idx.msk [tilespmem:v10+s21+$0x0], $0xffff  }
0x8e: {  	v9 =	vld.idx.msk [tilespmem:v61+s17+$0x0], $0xffff;
	_ =	sdelay $0x1  }
0x8f: {  	v6 =	vor.u32 v4, v6  }
0x90: {  	v7 =	vor.u32 v4, v7;
	_ =	sdelay $0x1  }
0x91: {  	v8 =	vmax.f32 v8, v9  }
0x92: {  	[tilespmem:v10+s21+$0x0] =	vst.idx.msk $0xffff, v8  }
0x93: {  	v8 =	vld.idx.msk [tilespmem:v6+s21+$0x0], $0xffff  }
0x94: {  	v7 =	vld.idx.msk [tilespmem:v7+s17+$0x0], $0xffff;
	_ =	sdelay $0x4  }
0x95: {  	v7 =	vmax.f32 v8, v7  }
0x96: {  	[tilespmem:v6+s21+$0x0] =	vst.idx.msk $0xffff, v7  }
0x97: {  	[tilespmem:s17], [sflag:$0x1] =	stream.indirect.gather [spmem:s1], $0x40, s9, s16, $0xb8;
	[tilespmem:$0x1B490] =	vst v63  }
0x98: {  	s24 =	simm.s32 $0x0  }
0x99: {  	v6 =	vmov s24;
	[tilespmem:s19], [sflag:$0x1] =	stream.indirect.gather [spmem:s1], $0x40, s26, s16, $0xb8;
	[tilespmem:$0x1B490] =	vst v63  }
0x9a: {  	v7 =	vand.u32 $0x1FF, v6;
	_ =	swait.ge [sflag:s20], $0x2800  }
0x9b: {  	v7 =	vadd.s32 $0x140, v7;
	[sflag:s20] =	ssyncset.done $0x0  }
0x9c: {  	[sflag:s20] =	ssyncadd.s32 $0xFFFFD800  }
0x9d: {  	_ =	swait.ge [sflag:s20], $0x2800  }
0x9e: {  	[sflag:s20] =	ssyncset.done $0x0  }
0x9f: {  	[sflag:s20] =	ssyncadd.s32 $0xFFFFD800  }
0xa0: {  	v7 =	vld.idx.msk [tilespmem:v7+s2+$0x0], $0xffff;
	_ =	sdelay $0x3  }
0xa1: {  	v6 =	vshll.u32 v6, $0x6  }
0xa2: {  	v8 =	vor.u32 v0, v6;
	v7 =	vshll.u32 v7, $0x6  }
0xa3: {  	v9 =	vor.u32 v0, v7;
	_ =	sdelay $0x3  }
0xa4: {  	v8 =	vld.idx.msk [tilespmem:v8+s17+$0x0], $0xffff  }
0xa5: {  	v10 =	vld.idx.msk [tilespmem:v9+s21+$0x0], $0xffff;
	_ =	sdelay $0x1  }
0xa6: {  	v11 =	vor.u32 v2, v7  }
0xa7: {  	v62 =	vor.u32 v2, v6;
	_ =	sdelay $0x1  }
0xa8: {  	v8 =	vmax.f32 v10, v8  }
0xa9: {  	[tilespmem:v9+s21+$0x0] =	vst.idx.msk $0xffff, v8  }
0xaa: {  	v8 =	vld.idx.msk [tilespmem:v11+s21+$0x0], $0xffff  }
0xab: {  	v9 =	vld.idx.msk [tilespmem:v62+s17+$0x0], $0xffff;
	_ =	sdelay $0x1  }
0xac: {  	v10 =	vor.u32 v3, v7  }
0xad: {  	v63 =	vor.u32 v3, v6;
	_ =	sdelay $0x1  }
0xae: {  	v8 =	vmax.f32 v8, v9  }
0xaf: {  	[tilespmem:v11+s21+$0x0] =	vst.idx.msk $0xffff, v8  }
0xb0: {  	v8 =	vld.idx.msk [tilespmem:v10+s21+$0x0], $0xffff  }
0xb1: {  	v9 =	vld.idx.msk [tilespmem:v63+s17+$0x0], $0xffff;
	_ =	sdelay $0x1  }
0xb2: {  	v7 =	vor.u32 v4, v7  }
0xb3: {  	v11 =	vor.u32 v4, v6;
	_ =	sdelay $0x1  }
0xb4: {  	v6 =	vmax.f32 v8, v9  }
0xb5: {  	[tilespmem:v10+s21+$0x0] =	vst.idx.msk $0xffff, v6  }
0xb6: {  	s25 =	simm.s32 $0x1;
	v9 =	vld.idx.msk [tilespmem:v7+s21+$0x0], $0xffff  }
0xb7: {  	v6 =	vmov s25;
	v10 =	vld.idx.msk [tilespmem:v11+s17+$0x0], $0xffff  }
0xb8: {  	v8 =	vand.u32 $0x1FF, v6;
	v6 =	vshll.u32 v6, $0x6  }
0xb9: {  	s24 =	simm.s32 $0x2;
	v11 =	vadd.s32 $0x140, v8;
	v8 =	vor.u32 v0, v6  }
.LBB2_7:
0xba: {  	p1 =	sne.s32 s24, $0x13F;
	s25 =	smov.u32 s24;
	s24 =	sadd.s32 $0x1, s24  }
0xbb: {  	_ = 	snop  }
0xbc: {  	v9 =	vmax.f32 v9, v10  }
0xbd: {  	[tilespmem:v7+s21+$0x0] =	vst.idx.msk $0xffff, v9  }
0xbe: {  	v7 =	vld.idx.msk [tilespmem:v11+s2+$0x0], $0xffff;
	_ =	sdelay $0x5  }
0xbf: {  	v7 =	vshll.u32 v7, $0x6  }
0xc0: {  	v9 =	vor.u32 v0, v7;
	_ =	sdelay $0x3  }
0xc1: {  	v8 =	vld.idx.msk [tilespmem:v8+s17+$0x0], $0xffff  }
0xc2: {  	v10 =	vld.idx.msk [tilespmem:v9+s21+$0x0], $0xffff;
	_ =	sdelay $0x2  }
0xc3: {  	v12 =	vor.u32 v2, v6;
	v11 =	vor.u32 v2, v7;
	_ =	sdelay $0x2  }
0xc4: {  	v8 =	vmax.f32 v10, v8  }
0xc5: {  	[tilespmem:v9+s21+$0x0] =	vst.idx.msk $0xffff, v8  }
0xc6: {  	v8 =	vld.idx.msk [tilespmem:v11+s21+$0x0], $0xffff  }
0xc7: {  	v9 =	vld.idx.msk [tilespmem:v12+s17+$0x0], $0xffff;
	_ =	sdelay $0x2  }
0xc8: {  	v10 =	vor.u32 v3, v7;
	v12 =	vor.u32 v3, v6;
	_ =	sdelay $0x2  }
0xc9: {  	v8 =	vmax.f32 v8, v9  }
0xca: {  	[tilespmem:v11+s21+$0x0] =	vst.idx.msk $0xffff, v8  }
0xcb: {  	v8 =	vld.idx.msk [tilespmem:v10+s21+$0x0], $0xffff  }
0xcc: {  	v9 =	vld.idx.msk [tilespmem:v12+s17+$0x0], $0xffff;
	_ =	sdelay $0x2  }
0xcd: {  	v7 =	vor.u32 v4, v7;
	v6 =	vor.u32 v4, v6;
	_ =	sdelay $0x2  }
0xce: {  	v8 =	vmax.f32 v8, v9  }
0xcf: {  	[tilespmem:v10+s21+$0x0] =	vst.idx.msk $0xffff, v8  }
.Ltmp4:
0xd0: {  	v9 =	vld.idx.msk [tilespmem:v7+s21+$0x0], $0xffff;
	(pc) =	sbr.rel @p1 .LBB2_7-.Ltmp4, $4  }
0xd1: {  	v10 =	vld.idx.msk [tilespmem:v6+s17+$0x0], $0xffff  }
0xd2: {  	v6 =	vmov s25  }
0xd3: {  	v8 =	vand.u32 $0x1FF, v6;
	v6 =	vshll.u32 v6, $0x6  }
0xd4: {  	v11 =	vadd.s32 $0x140, v8;
	v8 =	vor.u32 v0, v6  }
0xd5: {  	_ =	sdelay $0x2  }
0xd6: {  	v9 =	vmax.f32 v9, v10  }
0xd7: {  	[tilespmem:v7+s21+$0x0] =	vst.idx.msk $0xffff, v9  }
0xd8: {  	v7 =	vld.idx.msk [tilespmem:v11+s2+$0x0], $0xffff;
	_ =	sdelay $0x4  }
0xd9: {  	v7 =	vshll.u32 v7, $0x6  }
0xda: {  	v9 =	vor.u32 v0, v7;
	_ =	sdelay $0x3  }
0xdb: {  	v8 =	vld.idx.msk [tilespmem:v8+s17+$0x0], $0xffff  }
0xdc: {  	v10 =	vld.idx.msk [tilespmem:v9+s21+$0x0], $0xffff;
	_ =	sdelay $0x1  }
0xdd: {  	v11 =	vor.u32 v2, v7  }
0xde: {  	v12 =	vor.u32 v2, v6;
	_ =	sdelay $0x1  }
0xdf: {  	v8 =	vmax.f32 v10, v8  }
0xe0: {  	[tilespmem:v9+s21+$0x0] =	vst.idx.msk $0xffff, v8  }
0xe1: {  	v8 =	vld.idx.msk [tilespmem:v11+s21+$0x0], $0xffff  }
0xe2: {  	v9 =	vld.idx.msk [tilespmem:v12+s17+$0x0], $0xffff;
	_ =	sdelay $0x1  }
0xe3: {  	v10 =	vor.u32 v3, v7  }
0xe4: {  	v61 =	vor.u32 v3, v6;
	_ =	sdelay $0x1  }
0xe5: {  	v8 =	vmax.f32 v8, v9  }
0xe6: {  	[tilespmem:v11+s21+$0x0] =	vst.idx.msk $0xffff, v8  }
0xe7: {  	v8 =	vld.idx.msk [tilespmem:v10+s21+$0x0], $0xffff  }
0xe8: {  	v9 =	vld.idx.msk [tilespmem:v61+s17+$0x0], $0xffff;
	_ =	sdelay $0x1  }
0xe9: {  	v7 =	vor.u32 v4, v7  }
0xea: {  	v6 =	vor.u32 v4, v6;
	_ =	sdelay $0x1  }
0xeb: {  	v8 =	vmax.f32 v8, v9  }
0xec: {  	[tilespmem:v10+s21+$0x0] =	vst.idx.msk $0xffff, v8  }
0xed: {  	v8 =	vld.idx.msk [tilespmem:v7+s21+$0x0], $0xffff  }
0xee: {  	v6 =	vld.idx.msk [tilespmem:v6+s17+$0x0], $0xffff;
	_ =	sdelay $0x4  }
0xef: {  	v6 =	vmax.f32 v8, v6  }
0xf0: {  	[tilespmem:v7+s21+$0x0] =	vst.idx.msk $0xffff, v6  }
0xf1: {  	[tilespmem:s17], [sflag:$0x1] =	stream.indirect.gather [spmem:s1], $0x40, s28, s16, $0xb8;
	[tilespmem:$0x1B490] =	vst v63  }
0xf2: {  	s24 =	simm.s32 $0x0  }
0xf3: {  	v6 =	vmov s24;
	[tilespmem:s19], [sflag:$0x1] =	stream.indirect.gather [spmem:s1], $0x40, s29, s16, $0xb8;
	[tilespmem:$0x1B490] =	vst v63  }
0xf4: {  	v7 =	vand.u32 $0x1FF, v6;
	_ =	swait.ge [sflag:s20], $0x2800  }
0xf5: {  	v7 =	vadd.s32 $0x280, v7;
	[sflag:s20] =	ssyncset.done $0x0  }
0xf6: {  	[sflag:s20] =	ssyncadd.s32 $0xFFFFD800  }
0xf7: {  	_ =	swait.ge [sflag:s20], $0x2800  }
0xf8: {  	[sflag:s20] =	ssyncset.done $0x0  }
0xf9: {  	[sflag:s20] =	ssyncadd.s32 $0xFFFFD800  }
0xfa: {  	v7 =	vld.idx.msk [tilespmem:v7+s2+$0x0], $0xffff;
	_ =	sdelay $0x3  }
0xfb: {  	v6 =	vshll.u32 v6, $0x6  }
0xfc: {  	v8 =	vor.u32 v0, v6;
	v7 =	vshll.u32 v7, $0x6  }
0xfd: {  	v9 =	vor.u32 v0, v7;
	_ =	sdelay $0x3  }
0xfe: {  	v8 =	vld.idx.msk [tilespmem:v8+s17+$0x0], $0xffff  }
0xff: {  	v10 =	vld.idx.msk [tilespmem:v9+s21+$0x0], $0xffff;
	_ =	sdelay $0x1  }
0x100: {  	v11 =	vor.u32 v2, v7  }
0x101: {  	v62 =	vor.u32 v2, v6;
	_ =	sdelay $0x1  }
0x102: {  	v8 =	vmax.f32 v10, v8  }
0x103: {  	[tilespmem:v9+s21+$0x0] =	vst.idx.msk $0xffff, v8  }
0x104: {  	v8 =	vld.idx.msk [tilespmem:v11+s21+$0x0], $0xffff  }
0x105: {  	v9 =	vld.idx.msk [tilespmem:v62+s17+$0x0], $0xffff;
	_ =	sdelay $0x1  }
0x106: {  	v10 =	vor.u32 v3, v7  }
0x107: {  	v63 =	vor.u32 v3, v6;
	_ =	sdelay $0x1  }
0x108: {  	v8 =	vmax.f32 v8, v9  }
0x109: {  	[tilespmem:v11+s21+$0x0] =	vst.idx.msk $0xffff, v8  }
0x10a: {  	v8 =	vld.idx.msk [tilespmem:v10+s21+$0x0], $0xffff  }
0x10b: {  	v9 =	vld.idx.msk [tilespmem:v63+s17+$0x0], $0xffff;
	_ =	sdelay $0x1  }
0x10c: {  	v7 =	vor.u32 v4, v7  }
0x10d: {  	v11 =	vor.u32 v4, v6;
	_ =	sdelay $0x1  }
0x10e: {  	v6 =	vmax.f32 v8, v9  }
0x10f: {  	[tilespmem:v10+s21+$0x0] =	vst.idx.msk $0xffff, v6  }
0x110: {  	s25 =	simm.s32 $0x1;
	v9 =	vld.idx.msk [tilespmem:v7+s21+$0x0], $0xffff  }
0x111: {  	v6 =	vmov s25;
	v10 =	vld.idx.msk [tilespmem:v11+s17+$0x0], $0xffff  }
0x112: {  	v8 =	vand.u32 $0x1FF, v6;
	v6 =	vshll.u32 v6, $0x6  }
0x113: {  	s24 =	simm.s32 $0x2;
	v11 =	vadd.s32 $0x280, v8;
	v8 =	vor.u32 v0, v6  }
.LBB2_9:
0x114: {  	p1 =	sne.s32 s24, $0x13F;
	s25 =	smov.u32 s24;
	s24 =	sadd.s32 $0x1, s24  }
0x115: {  	_ = 	snop  }
0x116: {  	v9 =	vmax.f32 v9, v10  }
0x117: {  	[tilespmem:v7+s21+$0x0] =	vst.idx.msk $0xffff, v9  }
0x118: {  	v7 =	vld.idx.msk [tilespmem:v11+s2+$0x0], $0xffff;
	_ =	sdelay $0x5  }
0x119: {  	v7 =	vshll.u32 v7, $0x6  }
0x11a: {  	v9 =	vor.u32 v0, v7;
	_ =	sdelay $0x3  }
0x11b: {  	v8 =	vld.idx.msk [tilespmem:v8+s17+$0x0], $0xffff  }
0x11c: {  	v10 =	vld.idx.msk [tilespmem:v9+s21+$0x0], $0xffff;
	_ =	sdelay $0x2  }
0x11d: {  	v12 =	vor.u32 v2, v6;
	v11 =	vor.u32 v2, v7;
	_ =	sdelay $0x2  }
0x11e: {  	v8 =	vmax.f32 v10, v8  }
0x11f: {  	[tilespmem:v9+s21+$0x0] =	vst.idx.msk $0xffff, v8  }
0x120: {  	v8 =	vld.idx.msk [tilespmem:v11+s21+$0x0], $0xffff  }
0x121: {  	v9 =	vld.idx.msk [tilespmem:v12+s17+$0x0], $0xffff;
	_ =	sdelay $0x2  }
0x122: {  	v10 =	vor.u32 v3, v7;
	v12 =	vor.u32 v3, v6;
	_ =	sdelay $0x2  }
0x123: {  	v8 =	vmax.f32 v8, v9  }
0x124: {  	[tilespmem:v11+s21+$0x0] =	vst.idx.msk $0xffff, v8  }
0x125: {  	v8 =	vld.idx.msk [tilespmem:v10+s21+$0x0], $0xffff  }
0x126: {  	v9 =	vld.idx.msk [tilespmem:v12+s17+$0x0], $0xffff;
	_ =	sdelay $0x2  }
0x127: {  	v7 =	vor.u32 v4, v7;
	v6 =	vor.u32 v4, v6;
	_ =	sdelay $0x2  }
0x128: {  	v8 =	vmax.f32 v8, v9  }
0x129: {  	[tilespmem:v10+s21+$0x0] =	vst.idx.msk $0xffff, v8  }
.Ltmp5:
0x12a: {  	v9 =	vld.idx.msk [tilespmem:v7+s21+$0x0], $0xffff;
	(pc) =	sbr.rel @p1 .LBB2_9-.Ltmp5, $4  }
0x12b: {  	v10 =	vld.idx.msk [tilespmem:v6+s17+$0x0], $0xffff  }
0x12c: {  	v6 =	vmov s25  }
0x12d: {  	v8 =	vand.u32 $0x1FF, v6;
	v6 =	vshll.u32 v6, $0x6  }
0x12e: {  	v11 =	vadd.s32 $0x280, v8;
	v8 =	vor.u32 v0, v6  }
0x12f: {  	_ =	sdelay $0x2  }
0x130: {  	v9 =	vmax.f32 v9, v10  }
0x131: {  	[tilespmem:v7+s21+$0x0] =	vst.idx.msk $0xffff, v9  }
0x132: {  	v7 =	vld.idx.msk [tilespmem:v11+s2+$0x0], $0xffff;
	_ =	sdelay $0x4  }
0x133: {  	v7 =	vshll.u32 v7, $0x6  }
0x134: {  	v9 =	vor.u32 v0, v7;
	_ =	sdelay $0x3  }
0x135: {  	v8 =	vld.idx.msk [tilespmem:v8+s17+$0x0], $0xffff  }
0x136: {  	v10 =	vld.idx.msk [tilespmem:v9+s21+$0x0], $0xffff;
	_ =	sdelay $0x1  }
0x137: {  	v11 =	vor.u32 v2, v7  }
0x138: {  	v12 =	vor.u32 v2, v6;
	_ =	sdelay $0x1  }
0x139: {  	v8 =	vmax.f32 v10, v8  }
0x13a: {  	[tilespmem:v9+s21+$0x0] =	vst.idx.msk $0xffff, v8  }
0x13b: {  	v8 =	vld.idx.msk [tilespmem:v11+s21+$0x0], $0xffff  }
0x13c: {  	v9 =	vld.idx.msk [tilespmem:v12+s17+$0x0], $0xffff;
	_ =	sdelay $0x1  }
0x13d: {  	v10 =	vor.u32 v3, v7  }
0x13e: {  	v61 =	vor.u32 v3, v6;
	_ =	sdelay $0x1  }
0x13f: {  	v8 =	vmax.f32 v8, v9  }
0x140: {  	[tilespmem:v11+s21+$0x0] =	vst.idx.msk $0xffff, v8  }
0x141: {  	v8 =	vld.idx.msk [tilespmem:v10+s21+$0x0], $0xffff  }
0x142: {  	v9 =	vld.idx.msk [tilespmem:v61+s17+$0x0], $0xffff;
	_ =	sdelay $0x1  }
0x143: {  	v7 =	vor.u32 v4, v7  }
0x144: {  	v6 =	vor.u32 v4, v6;
	_ =	sdelay $0x1  }
0x145: {  	v8 =	vmax.f32 v8, v9  }
0x146: {  	[tilespmem:v10+s21+$0x0] =	vst.idx.msk $0xffff, v8  }
0x147: {  	v8 =	vld.idx.msk [tilespmem:v7+s21+$0x0], $0xffff  }
0x148: {  	v6 =	vld.idx.msk [tilespmem:v6+s17+$0x0], $0xffff;
	_ =	sdelay $0x4  }
0x149: {  	v6 =	vmax.f32 v8, v6  }
0x14a: {  	[tilespmem:v7+s21+$0x0] =	vst.idx.msk $0xffff, v6  }
0x14b: {  	[tilespmem:s17], [sflag:$0x1] =	stream.indirect.gather [spmem:s1], $0x40, s30, s16, $0xb8;
	[tilespmem:$0x1B490] =	vst v63  }
0x14c: {  	s24 =	simm.s32 $0x0  }
0x14d: {  	v6 =	vmov s24;
	[tilespmem:s19], [sflag:$0x1] =	stream.indirect.gather [spmem:s1], $0x40, s31, s16, $0xb8;
	[tilespmem:$0x1B490] =	vst v63  }
0x14e: {  	v7 =	vand.u32 $0x1FF, v6;
	_ =	swait.ge [sflag:s20], $0x2800  }
0x14f: {  	v7 =	vadd.s32 $0x3C0, v7;
	[sflag:s20] =	ssyncset.done $0x0  }
0x150: {  	[sflag:s20] =	ssyncadd.s32 $0xFFFFD800  }
0x151: {  	_ =	swait.ge [sflag:s20], $0x2800  }
0x152: {  	[sflag:s20] =	ssyncset.done $0x0  }
0x153: {  	[sflag:s20] =	ssyncadd.s32 $0xFFFFD800  }
0x154: {  	v7 =	vld.idx.msk [tilespmem:v7+s2+$0x0], $0xffff;
	_ =	sdelay $0x3  }
0x155: {  	v6 =	vshll.u32 v6, $0x6  }
0x156: {  	v8 =	vor.u32 v0, v6;
	v7 =	vshll.u32 v7, $0x6  }
0x157: {  	v9 =	vor.u32 v0, v7;
	_ =	sdelay $0x3  }
0x158: {  	v8 =	vld.idx.msk [tilespmem:v8+s17+$0x0], $0xffff  }
0x159: {  	v10 =	vld.idx.msk [tilespmem:v9+s21+$0x0], $0xffff;
	_ =	sdelay $0x1  }
0x15a: {  	v11 =	vor.u32 v2, v7  }
0x15b: {  	v62 =	vor.u32 v2, v6;
	_ =	sdelay $0x1  }
0x15c: {  	v8 =	vmax.f32 v10, v8  }
0x15d: {  	[tilespmem:v9+s21+$0x0] =	vst.idx.msk $0xffff, v8  }
0x15e: {  	v8 =	vld.idx.msk [tilespmem:v11+s21+$0x0], $0xffff  }
0x15f: {  	v9 =	vld.idx.msk [tilespmem:v62+s17+$0x0], $0xffff;
	_ =	sdelay $0x1  }
0x160: {  	v10 =	vor.u32 v3, v7  }
0x161: {  	v63 =	vor.u32 v3, v6;
	_ =	sdelay $0x1  }
0x162: {  	v8 =	vmax.f32 v8, v9  }
0x163: {  	[tilespmem:v11+s21+$0x0] =	vst.idx.msk $0xffff, v8  }
0x164: {  	v8 =	vld.idx.msk [tilespmem:v10+s21+$0x0], $0xffff  }
0x165: {  	v9 =	vld.idx.msk [tilespmem:v63+s17+$0x0], $0xffff;
	_ =	sdelay $0x1  }
0x166: {  	v7 =	vor.u32 v4, v7  }
0x167: {  	v11 =	vor.u32 v4, v6;
	_ =	sdelay $0x1  }
0x168: {  	v6 =	vmax.f32 v8, v9  }
0x169: {  	[tilespmem:v10+s21+$0x0] =	vst.idx.msk $0xffff, v6  }
0x16a: {  	s25 =	simm.s32 $0x1;
	v9 =	vld.idx.msk [tilespmem:v7+s21+$0x0], $0xffff  }
0x16b: {  	v6 =	vmov s25;
	v10 =	vld.idx.msk [tilespmem:v11+s17+$0x0], $0xffff  }
0x16c: {  	v8 =	vand.u32 $0x1FF, v6;
	v6 =	vshll.u32 v6, $0x6  }
0x16d: {  	s24 =	simm.s32 $0x2;
	v11 =	vadd.s32 $0x3C0, v8;
	v8 =	vor.u32 v0, v6  }
.LBB2_11:
0x16e: {  	p1 =	sne.s32 s24, $0x13F;
	s25 =	smov.u32 s24;
	s24 =	sadd.s32 $0x1, s24  }
0x16f: {  	_ = 	snop  }
0x170: {  	v9 =	vmax.f32 v9, v10  }
0x171: {  	[tilespmem:v7+s21+$0x0] =	vst.idx.msk $0xffff, v9  }
0x172: {  	v7 =	vld.idx.msk [tilespmem:v11+s2+$0x0], $0xffff;
	_ =	sdelay $0x5  }
0x173: {  	v7 =	vshll.u32 v7, $0x6  }
0x174: {  	v9 =	vor.u32 v0, v7;
	_ =	sdelay $0x3  }
0x175: {  	v8 =	vld.idx.msk [tilespmem:v8+s17+$0x0], $0xffff  }
0x176: {  	v10 =	vld.idx.msk [tilespmem:v9+s21+$0x0], $0xffff;
	_ =	sdelay $0x2  }
0x177: {  	v12 =	vor.u32 v2, v6;
	v11 =	vor.u32 v2, v7;
	_ =	sdelay $0x2  }
0x178: {  	v8 =	vmax.f32 v10, v8  }
0x179: {  	[tilespmem:v9+s21+$0x0] =	vst.idx.msk $0xffff, v8  }
0x17a: {  	v8 =	vld.idx.msk [tilespmem:v11+s21+$0x0], $0xffff  }
0x17b: {  	v9 =	vld.idx.msk [tilespmem:v12+s17+$0x0], $0xffff;
	_ =	sdelay $0x2  }
0x17c: {  	v10 =	vor.u32 v3, v7;
	v12 =	vor.u32 v3, v6;
	_ =	sdelay $0x2  }
0x17d: {  	v8 =	vmax.f32 v8, v9  }
0x17e: {  	[tilespmem:v11+s21+$0x0] =	vst.idx.msk $0xffff, v8  }
0x17f: {  	v8 =	vld.idx.msk [tilespmem:v10+s21+$0x0], $0xffff  }
0x180: {  	v9 =	vld.idx.msk [tilespmem:v12+s17+$0x0], $0xffff;
	_ =	sdelay $0x2  }
0x181: {  	v7 =	vor.u32 v4, v7;
	v6 =	vor.u32 v4, v6;
	_ =	sdelay $0x2  }
0x182: {  	v8 =	vmax.f32 v8, v9  }
0x183: {  	[tilespmem:v10+s21+$0x0] =	vst.idx.msk $0xffff, v8  }
.Ltmp6:
0x184: {  	v9 =	vld.idx.msk [tilespmem:v7+s21+$0x0], $0xffff;
	(pc) =	sbr.rel @p1 .LBB2_11-.Ltmp6, $4  }
0x185: {  	v10 =	vld.idx.msk [tilespmem:v6+s17+$0x0], $0xffff  }
0x186: {  	v6 =	vmov s25  }
0x187: {  	v8 =	vand.u32 $0x1FF, v6;
	v6 =	vshll.u32 v6, $0x6  }
0x188: {  	v11 =	vadd.s32 $0x3C0, v8;
	v8 =	vor.u32 v0, v6  }
0x189: {  	_ =	sdelay $0x2  }
0x18a: {  	v9 =	vmax.f32 v9, v10  }
0x18b: {  	[tilespmem:v7+s21+$0x0] =	vst.idx.msk $0xffff, v9  }
0x18c: {  	v7 =	vld.idx.msk [tilespmem:v11+s2+$0x0], $0xffff;
	_ =	sdelay $0x4  }
0x18d: {  	v7 =	vshll.u32 v7, $0x6  }
0x18e: {  	v9 =	vor.u32 v0, v7;
	_ =	sdelay $0x3  }
0x18f: {  	v8 =	vld.idx.msk [tilespmem:v8+s17+$0x0], $0xffff  }
0x190: {  	v10 =	vld.idx.msk [tilespmem:v9+s21+$0x0], $0xffff;
	_ =	sdelay $0x1  }
0x191: {  	v11 =	vor.u32 v2, v7  }
0x192: {  	v12 =	vor.u32 v2, v6;
	_ =	sdelay $0x1  }
0x193: {  	v8 =	vmax.f32 v10, v8  }
0x194: {  	[tilespmem:v9+s21+$0x0] =	vst.idx.msk $0xffff, v8  }
0x195: {  	v8 =	vld.idx.msk [tilespmem:v11+s21+$0x0], $0xffff  }
0x196: {  	v9 =	vld.idx.msk [tilespmem:v12+s17+$0x0], $0xffff;
	_ =	sdelay $0x1  }
0x197: {  	v10 =	vor.u32 v3, v7  }
0x198: {  	v61 =	vor.u32 v3, v6;
	_ =	sdelay $0x1  }
0x199: {  	v8 =	vmax.f32 v8, v9  }
0x19a: {  	[tilespmem:v11+s21+$0x0] =	vst.idx.msk $0xffff, v8  }
0x19b: {  	v8 =	vld.idx.msk [tilespmem:v10+s21+$0x0], $0xffff  }
0x19c: {  	v9 =	vld.idx.msk [tilespmem:v61+s17+$0x0], $0xffff;
	_ =	sdelay $0x1  }
0x19d: {  	v7 =	vor.u32 v4, v7  }
0x19e: {  	v6 =	vor.u32 v4, v6;
	_ =	sdelay $0x1  }
0x19f: {  	v8 =	vmax.f32 v8, v9  }
0x1a0: {  	[tilespmem:v10+s21+$0x0] =	vst.idx.msk $0xffff, v8  }
0x1a1: {  	v8 =	vld.idx.msk [tilespmem:v7+s21+$0x0], $0xffff  }
0x1a2: {  	v6 =	vld.idx.msk [tilespmem:v6+s17+$0x0], $0xffff;
	_ =	sdelay $0x4  }
0x1a3: {  	v6 =	vmax.f32 v8, v6  }
0x1a4: {  	[tilespmem:v7+s21+$0x0] =	vst.idx.msk $0xffff, v6  }
0x1a5: {  	[tilespmem:s17], [sflag:$0x1] =	stream.indirect.gather [spmem:s1], $0x40, s0, s16, $0xb8;
	[tilespmem:$0x1B490] =	vst v63  }
0x1a6: {  	s24 =	simm.s32 $0x0  }
0x1a7: {  	v6 =	vmov s24;
	[tilespmem:s19], [sflag:$0x1] =	stream.indirect.gather [spmem:s1], $0x40, s7, s16, $0xb8;
	[tilespmem:$0x1B490] =	vst v63  }
0x1a8: {  	v7 =	vand.u32 $0x1FF, v6;
	_ =	swait.ge [sflag:s20], $0x2800  }
0x1a9: {  	v7 =	vadd.s32 $0x500, v7;
	[sflag:s20] =	ssyncset.done $0x0  }
0x1aa: {  	[sflag:s20] =	ssyncadd.s32 $0xFFFFD800  }
0x1ab: {  	_ =	swait.ge [sflag:s20], $0x2800  }
0x1ac: {  	[sflag:s20] =	ssyncset.done $0x0  }
0x1ad: {  	[sflag:s20] =	ssyncadd.s32 $0xFFFFD800  }
0x1ae: {  	v7 =	vld.idx.msk [tilespmem:v7+s2+$0x0], $0xffff;
	_ =	sdelay $0x3  }
0x1af: {  	v6 =	vshll.u32 v6, $0x6  }
0x1b0: {  	v8 =	vor.u32 v0, v6;
	v7 =	vshll.u32 v7, $0x6  }
0x1b1: {  	v9 =	vor.u32 v0, v7;
	_ =	sdelay $0x3  }
0x1b2: {  	v8 =	vld.idx.msk [tilespmem:v8+s17+$0x0], $0xffff  }
0x1b3: {  	v10 =	vld.idx.msk [tilespmem:v9+s21+$0x0], $0xffff;
	_ =	sdelay $0x1  }
0x1b4: {  	v11 =	vor.u32 v2, v7  }
0x1b5: {  	v62 =	vor.u32 v2, v6;
	_ =	sdelay $0x1  }
0x1b6: {  	v8 =	vmax.f32 v10, v8  }
0x1b7: {  	[tilespmem:v9+s21+$0x0] =	vst.idx.msk $0xffff, v8  }
0x1b8: {  	v8 =	vld.idx.msk [tilespmem:v11+s21+$0x0], $0xffff  }
0x1b9: {  	v9 =	vld.idx.msk [tilespmem:v62+s17+$0x0], $0xffff;
	_ =	sdelay $0x1  }
0x1ba: {  	v10 =	vor.u32 v3, v7  }
0x1bb: {  	v63 =	vor.u32 v3, v6;
	_ =	sdelay $0x1  }
0x1bc: {  	v8 =	vmax.f32 v8, v9  }
0x1bd: {  	[tilespmem:v11+s21+$0x0] =	vst.idx.msk $0xffff, v8  }
0x1be: {  	v8 =	vld.idx.msk [tilespmem:v10+s21+$0x0], $0xffff  }
0x1bf: {  	v9 =	vld.idx.msk [tilespmem:v63+s17+$0x0], $0xffff;
	_ =	sdelay $0x1  }
0x1c0: {  	v7 =	vor.u32 v4, v7  }
0x1c1: {  	v11 =	vor.u32 v4, v6;
	_ =	sdelay $0x1  }
0x1c2: {  	v6 =	vmax.f32 v8, v9  }
0x1c3: {  	[tilespmem:v10+s21+$0x0] =	vst.idx.msk $0xffff, v6  }
0x1c4: {  	s25 =	simm.s32 $0x1;
	v9 =	vld.idx.msk [tilespmem:v7+s21+$0x0], $0xffff  }
0x1c5: {  	v6 =	vmov s25;
	v10 =	vld.idx.msk [tilespmem:v11+s17+$0x0], $0xffff  }
0x1c6: {  	v8 =	vand.u32 $0x1FF, v6;
	v6 =	vshll.u32 v6, $0x6  }
0x1c7: {  	s24 =	simm.s32 $0x2;
	v11 =	vadd.s32 $0x500, v8;
	v8 =	vor.u32 v0, v6  }
.LBB2_13:
0x1c8: {  	p1 =	sne.s32 s24, $0x13F;
	s25 =	smov.u32 s24;
	s24 =	sadd.s32 $0x1, s24  }
0x1c9: {  	_ = 	snop  }
0x1ca: {  	v9 =	vmax.f32 v9, v10  }
0x1cb: {  	[tilespmem:v7+s21+$0x0] =	vst.idx.msk $0xffff, v9  }
0x1cc: {  	v7 =	vld.idx.msk [tilespmem:v11+s2+$0x0], $0xffff;
	_ =	sdelay $0x5  }
0x1cd: {  	v7 =	vshll.u32 v7, $0x6  }
0x1ce: {  	v9 =	vor.u32 v0, v7;
	_ =	sdelay $0x3  }
0x1cf: {  	v8 =	vld.idx.msk [tilespmem:v8+s17+$0x0], $0xffff  }
0x1d0: {  	v10 =	vld.idx.msk [tilespmem:v9+s21+$0x0], $0xffff;
	_ =	sdelay $0x2  }
0x1d1: {  	v12 =	vor.u32 v2, v6;
	v11 =	vor.u32 v2, v7;
	_ =	sdelay $0x2  }
0x1d2: {  	v8 =	vmax.f32 v10, v8  }
0x1d3: {  	[tilespmem:v9+s21+$0x0] =	vst.idx.msk $0xffff, v8  }
0x1d4: {  	v8 =	vld.idx.msk [tilespmem:v11+s21+$0x0], $0xffff  }
0x1d5: {  	v9 =	vld.idx.msk [tilespmem:v12+s17+$0x0], $0xffff;
	_ =	sdelay $0x2  }
0x1d6: {  	v10 =	vor.u32 v3, v7;
	v12 =	vor.u32 v3, v6;
	_ =	sdelay $0x2  }
0x1d7: {  	v8 =	vmax.f32 v8, v9  }
0x1d8: {  	[tilespmem:v11+s21+$0x0] =	vst.idx.msk $0xffff, v8  }
0x1d9: {  	v8 =	vld.idx.msk [tilespmem:v10+s21+$0x0], $0xffff  }
0x1da: {  	v9 =	vld.idx.msk [tilespmem:v12+s17+$0x0], $0xffff;
	_ =	sdelay $0x2  }
0x1db: {  	v7 =	vor.u32 v4, v7;
	v6 =	vor.u32 v4, v6;
	_ =	sdelay $0x2  }
0x1dc: {  	v8 =	vmax.f32 v8, v9  }
0x1dd: {  	[tilespmem:v10+s21+$0x0] =	vst.idx.msk $0xffff, v8  }
.Ltmp7:
0x1de: {  	v9 =	vld.idx.msk [tilespmem:v7+s21+$0x0], $0xffff;
	(pc) =	sbr.rel @p1 .LBB2_13-.Ltmp7, $4  }
0x1df: {  	v10 =	vld.idx.msk [tilespmem:v6+s17+$0x0], $0xffff  }
0x1e0: {  	v6 =	vmov s25  }
0x1e1: {  	v8 =	vand.u32 $0x1FF, v6;
	v6 =	vshll.u32 v6, $0x6  }
0x1e2: {  	v11 =	vadd.s32 $0x500, v8;
	v8 =	vor.u32 v0, v6  }
0x1e3: {  	_ =	sdelay $0x2  }
0x1e4: {  	v9 =	vmax.f32 v9, v10  }
0x1e5: {  	[tilespmem:v7+s21+$0x0] =	vst.idx.msk $0xffff, v9  }
0x1e6: {  	v7 =	vld.idx.msk [tilespmem:v11+s2+$0x0], $0xffff;
	_ =	sdelay $0x4  }
0x1e7: {  	v7 =	vshll.u32 v7, $0x6  }
0x1e8: {  	v9 =	vor.u32 v0, v7;
	_ =	sdelay $0x3  }
0x1e9: {  	v8 =	vld.idx.msk [tilespmem:v8+s17+$0x0], $0xffff  }
0x1ea: {  	v10 =	vld.idx.msk [tilespmem:v9+s21+$0x0], $0xffff;
	_ =	sdelay $0x1  }
0x1eb: {  	v11 =	vor.u32 v2, v7  }
0x1ec: {  	v12 =	vor.u32 v2, v6;
	_ =	sdelay $0x1  }
0x1ed: {  	v8 =	vmax.f32 v10, v8  }
0x1ee: {  	[tilespmem:v9+s21+$0x0] =	vst.idx.msk $0xffff, v8  }
0x1ef: {  	v8 =	vld.idx.msk [tilespmem:v11+s21+$0x0], $0xffff  }
0x1f0: {  	v9 =	vld.idx.msk [tilespmem:v12+s17+$0x0], $0xffff;
	_ =	sdelay $0x1  }
0x1f1: {  	v10 =	vor.u32 v3, v7  }
0x1f2: {  	v61 =	vor.u32 v3, v6;
	_ =	sdelay $0x1  }
0x1f3: {  	v8 =	vmax.f32 v8, v9  }
0x1f4: {  	[tilespmem:v11+s21+$0x0] =	vst.idx.msk $0xffff, v8  }
0x1f5: {  	v8 =	vld.idx.msk [tilespmem:v10+s21+$0x0], $0xffff  }
0x1f6: {  	v9 =	vld.idx.msk [tilespmem:v61+s17+$0x0], $0xffff;
	_ =	sdelay $0x1  }
0x1f7: {  	v7 =	vor.u32 v4, v7  }
0x1f8: {  	v6 =	vor.u32 v4, v6;
	_ =	sdelay $0x1  }
0x1f9: {  	v8 =	vmax.f32 v8, v9  }
0x1fa: {  	[tilespmem:v10+s21+$0x0] =	vst.idx.msk $0xffff, v8  }
0x1fb: {  	v8 =	vld.idx.msk [tilespmem:v7+s21+$0x0], $0xffff  }
0x1fc: {  	v6 =	vld.idx.msk [tilespmem:v6+s17+$0x0], $0xffff;
	_ =	sdelay $0x4  }
0x1fd: {  	v6 =	vmax.f32 v8, v6  }
0x1fe: {  	s24 =	simm.s32 $0x1A40;
	[tilespmem:v7+s21+$0x0] =	vst.idx.msk $0xffff, v6  }
0x1ff: {  	[tilespmem:s17], [sflag:$0x1] =	stream.indirect.gather [spmem:s1], $0x40, s24, s16, $0xb8;
	[tilespmem:$0x1B490] =	vst v63  }
0x200: {  	s25 =	simm.s32 $0x1AE0;
	s24 =	simm.s32 $0x0  }
0x201: {  	v6 =	vmov s24;
	[tilespmem:s19], [sflag:$0x1] =	stream.indirect.gather [spmem:s1], $0x40, s25, s16, $0xb8;
	[tilespmem:$0x1B490] =	vst v63  }
0x202: {  	v7 =	vand.u32 $0x1FF, v6;
	_ =	swait.ge [sflag:s20], $0x2800  }
0x203: {  	v7 =	vadd.s32 $0x640, v7;
	[sflag:s20] =	ssyncset.done $0x0  }
0x204: {  	[sflag:s20] =	ssyncadd.s32 $0xFFFFD800  }
0x205: {  	_ =	swait.ge [sflag:s20], $0x2800  }
0x206: {  	[sflag:s20] =	ssyncset.done $0x0  }
0x207: {  	[sflag:s20] =	ssyncadd.s32 $0xFFFFD800  }
0x208: {  	v7 =	vld.idx.msk [tilespmem:v7+s2+$0x0], $0xffff;
	_ =	sdelay $0x3  }
0x209: {  	v6 =	vshll.u32 v6, $0x6  }
0x20a: {  	v8 =	vor.u32 v0, v6;
	v7 =	vshll.u32 v7, $0x6  }
0x20b: {  	v9 =	vor.u32 v0, v7;
	_ =	sdelay $0x3  }
0x20c: {  	v8 =	vld.idx.msk [tilespmem:v8+s17+$0x0], $0xffff  }
0x20d: {  	v10 =	vld.idx.msk [tilespmem:v9+s21+$0x0], $0xffff;
	_ =	sdelay $0x1  }
0x20e: {  	v11 =	vor.u32 v2, v7  }
0x20f: {  	v62 =	vor.u32 v2, v6;
	_ =	sdelay $0x1  }
0x210: {  	v8 =	vmax.f32 v10, v8  }
0x211: {  	[tilespmem:v9+s21+$0x0] =	vst.idx.msk $0xffff, v8  }
0x212: {  	v8 =	vld.idx.msk [tilespmem:v11+s21+$0x0], $0xffff  }
0x213: {  	v9 =	vld.idx.msk [tilespmem:v62+s17+$0x0], $0xffff;
	_ =	sdelay $0x1  }
0x214: {  	v10 =	vor.u32 v3, v7  }
0x215: {  	v63 =	vor.u32 v3, v6;
	_ =	sdelay $0x1  }
0x216: {  	v8 =	vmax.f32 v8, v9  }
0x217: {  	[tilespmem:v11+s21+$0x0] =	vst.idx.msk $0xffff, v8  }
0x218: {  	v8 =	vld.idx.msk [tilespmem:v10+s21+$0x0], $0xffff  }
0x219: {  	v9 =	vld.idx.msk [tilespmem:v63+s17+$0x0], $0xffff;
	_ =	sdelay $0x1  }
0x21a: {  	v7 =	vor.u32 v4, v7  }
0x21b: {  	v11 =	vor.u32 v4, v6;
	_ =	sdelay $0x1  }
0x21c: {  	v6 =	vmax.f32 v8, v9  }
0x21d: {  	[tilespmem:v10+s21+$0x0] =	vst.idx.msk $0xffff, v6  }
0x21e: {  	s25 =	simm.s32 $0x1;
	v9 =	vld.idx.msk [tilespmem:v7+s21+$0x0], $0xffff  }
0x21f: {  	v6 =	vmov s25;
	v10 =	vld.idx.msk [tilespmem:v11+s17+$0x0], $0xffff  }
0x220: {  	v8 =	vand.u32 $0x1FF, v6;
	v6 =	vshll.u32 v6, $0x6  }
0x221: {  	s24 =	simm.s32 $0x2;
	v11 =	vadd.s32 $0x640, v8;
	v8 =	vor.u32 v0, v6  }
.LBB2_15:
0x222: {  	p1 =	sne.s32 s24, $0x13F;
	s25 =	smov.u32 s24;
	s24 =	sadd.s32 $0x1, s24  }
0x223: {  	_ = 	snop  }
0x224: {  	v9 =	vmax.f32 v9, v10  }
0x225: {  	[tilespmem:v7+s21+$0x0] =	vst.idx.msk $0xffff, v9  }
0x226: {  	v7 =	vld.idx.msk [tilespmem:v11+s2+$0x0], $0xffff;
	_ =	sdelay $0x5  }
0x227: {  	v7 =	vshll.u32 v7, $0x6  }
0x228: {  	v9 =	vor.u32 v0, v7;
	_ =	sdelay $0x3  }
0x229: {  	v8 =	vld.idx.msk [tilespmem:v8+s17+$0x0], $0xffff  }
0x22a: {  	v10 =	vld.idx.msk [tilespmem:v9+s21+$0x0], $0xffff;
	_ =	sdelay $0x2  }
0x22b: {  	v12 =	vor.u32 v2, v6;
	v11 =	vor.u32 v2, v7;
	_ =	sdelay $0x2  }
0x22c: {  	v8 =	vmax.f32 v10, v8  }
0x22d: {  	[tilespmem:v9+s21+$0x0] =	vst.idx.msk $0xffff, v8  }
0x22e: {  	v8 =	vld.idx.msk [tilespmem:v11+s21+$0x0], $0xffff  }
0x22f: {  	v9 =	vld.idx.msk [tilespmem:v12+s17+$0x0], $0xffff;
	_ =	sdelay $0x2  }
0x230: {  	v10 =	vor.u32 v3, v7;
	v12 =	vor.u32 v3, v6;
	_ =	sdelay $0x2  }
0x231: {  	v8 =	vmax.f32 v8, v9  }
0x232: {  	[tilespmem:v11+s21+$0x0] =	vst.idx.msk $0xffff, v8  }
0x233: {  	v8 =	vld.idx.msk [tilespmem:v10+s21+$0x0], $0xffff  }
0x234: {  	v9 =	vld.idx.msk [tilespmem:v12+s17+$0x0], $0xffff;
	_ =	sdelay $0x2  }
0x235: {  	v7 =	vor.u32 v4, v7;
	v6 =	vor.u32 v4, v6;
	_ =	sdelay $0x2  }
0x236: {  	v8 =	vmax.f32 v8, v9  }
0x237: {  	[tilespmem:v10+s21+$0x0] =	vst.idx.msk $0xffff, v8  }
.Ltmp8:
0x238: {  	v9 =	vld.idx.msk [tilespmem:v7+s21+$0x0], $0xffff;
	(pc) =	sbr.rel @p1 .LBB2_15-.Ltmp8, $4  }
0x239: {  	v10 =	vld.idx.msk [tilespmem:v6+s17+$0x0], $0xffff  }
0x23a: {  	v6 =	vmov s25  }
0x23b: {  	v8 =	vand.u32 $0x1FF, v6;
	v6 =	vshll.u32 v6, $0x6  }
0x23c: {  	v11 =	vadd.s32 $0x640, v8;
	v8 =	vor.u32 v0, v6  }
0x23d: {  	_ =	sdelay $0x2  }
0x23e: {  	v9 =	vmax.f32 v9, v10  }
0x23f: {  	[tilespmem:v7+s21+$0x0] =	vst.idx.msk $0xffff, v9  }
0x240: {  	v7 =	vld.idx.msk [tilespmem:v11+s2+$0x0], $0xffff;
	_ =	sdelay $0x4  }
0x241: {  	v7 =	vshll.u32 v7, $0x6  }
0x242: {  	v9 =	vor.u32 v0, v7;
	_ =	sdelay $0x3  }
0x243: {  	v8 =	vld.idx.msk [tilespmem:v8+s17+$0x0], $0xffff  }
0x244: {  	v10 =	vld.idx.msk [tilespmem:v9+s21+$0x0], $0xffff;
	_ =	sdelay $0x1  }
0x245: {  	v11 =	vor.u32 v2, v7  }
0x246: {  	v12 =	vor.u32 v2, v6;
	_ =	sdelay $0x1  }
0x247: {  	v8 =	vmax.f32 v10, v8  }
0x248: {  	[tilespmem:v9+s21+$0x0] =	vst.idx.msk $0xffff, v8  }
0x249: {  	v8 =	vld.idx.msk [tilespmem:v11+s21+$0x0], $0xffff  }
0x24a: {  	v9 =	vld.idx.msk [tilespmem:v12+s17+$0x0], $0xffff;
	_ =	sdelay $0x1  }
0x24b: {  	v10 =	vor.u32 v3, v7  }
0x24c: {  	v61 =	vor.u32 v3, v6;
	_ =	sdelay $0x1  }
0x24d: {  	v8 =	vmax.f32 v8, v9  }
0x24e: {  	[tilespmem:v11+s21+$0x0] =	vst.idx.msk $0xffff, v8  }
0x24f: {  	v8 =	vld.idx.msk [tilespmem:v10+s21+$0x0], $0xffff  }
0x250: {  	v9 =	vld.idx.msk [tilespmem:v61+s17+$0x0], $0xffff;
	_ =	sdelay $0x1  }
0x251: {  	v7 =	vor.u32 v4, v7  }
0x252: {  	v6 =	vor.u32 v4, v6;
	_ =	sdelay $0x1  }
0x253: {  	v8 =	vmax.f32 v8, v9  }
0x254: {  	[tilespmem:v10+s21+$0x0] =	vst.idx.msk $0xffff, v8  }
0x255: {  	v8 =	vld.idx.msk [tilespmem:v7+s21+$0x0], $0xffff  }
0x256: {  	v6 =	vld.idx.msk [tilespmem:v6+s17+$0x0], $0xffff;
	_ =	sdelay $0x4  }
0x257: {  	v6 =	vmax.f32 v8, v6  }
0x258: {  	s24 =	simm.s32 $0x1B80;
	[tilespmem:v7+s21+$0x0] =	vst.idx.msk $0xffff, v6  }
0x259: {  	[tilespmem:s17], [sflag:$0x1] =	stream.indirect.gather [spmem:s1], $0x40, s24, s16, $0xb8;
	[tilespmem:$0x1B490] =	vst v63  }
0x25a: {  	s25 =	simm.s32 $0x1C20;
	s24 =	simm.s32 $0x0  }
0x25b: {  	v6 =	vmov s24;
	[tilespmem:s19], [sflag:$0x1] =	stream.indirect.gather [spmem:s1], $0x40, s25, s16, $0xb8;
	[tilespmem:$0x1B490] =	vst v63  }
0x25c: {  	v7 =	vand.u32 $0x1FF, v6;
	_ =	swait.ge [sflag:s20], $0x2800  }
0x25d: {  	v7 =	vadd.s32 $0x780, v7;
	[sflag:s20] =	ssyncset.done $0x0  }
0x25e: {  	[sflag:s20] =	ssyncadd.s32 $0xFFFFD800  }
0x25f: {  	_ =	swait.ge [sflag:s20], $0x2800  }
0x260: {  	[sflag:s20] =	ssyncset.done $0x0  }
0x261: {  	[sflag:s20] =	ssyncadd.s32 $0xFFFFD800  }
0x262: {  	v7 =	vld.idx.msk [tilespmem:v7+s2+$0x0], $0xffff;
	_ =	sdelay $0x3  }
0x263: {  	v6 =	vshll.u32 v6, $0x6  }
0x264: {  	v8 =	vor.u32 v0, v6;
	v7 =	vshll.u32 v7, $0x6  }
0x265: {  	v9 =	vor.u32 v0, v7;
	_ =	sdelay $0x3  }
0x266: {  	v8 =	vld.idx.msk [tilespmem:v8+s17+$0x0], $0xffff  }
0x267: {  	v10 =	vld.idx.msk [tilespmem:v9+s21+$0x0], $0xffff;
	_ =	sdelay $0x1  }
0x268: {  	v11 =	vor.u32 v2, v7  }
0x269: {  	v62 =	vor.u32 v2, v6;
	_ =	sdelay $0x1  }
0x26a: {  	v8 =	vmax.f32 v10, v8  }
0x26b: {  	[tilespmem:v9+s21+$0x0] =	vst.idx.msk $0xffff, v8  }
0x26c: {  	v8 =	vld.idx.msk [tilespmem:v11+s21+$0x0], $0xffff  }
0x26d: {  	v9 =	vld.idx.msk [tilespmem:v62+s17+$0x0], $0xffff;
	_ =	sdelay $0x1  }
0x26e: {  	v10 =	vor.u32 v3, v7  }
0x26f: {  	v63 =	vor.u32 v3, v6;
	_ =	sdelay $0x1  }
0x270: {  	v8 =	vmax.f32 v8, v9  }
0x271: {  	[tilespmem:v11+s21+$0x0] =	vst.idx.msk $0xffff, v8  }
0x272: {  	v8 =	vld.idx.msk [tilespmem:v10+s21+$0x0], $0xffff  }
0x273: {  	v9 =	vld.idx.msk [tilespmem:v63+s17+$0x0], $0xffff;
	_ =	sdelay $0x1  }
0x274: {  	v7 =	vor.u32 v4, v7  }
0x275: {  	v11 =	vor.u32 v4, v6;
	_ =	sdelay $0x1  }
0x276: {  	v6 =	vmax.f32 v8, v9  }
0x277: {  	[tilespmem:v10+s21+$0x0] =	vst.idx.msk $0xffff, v6  }
0x278: {  	s25 =	simm.s32 $0x1;
	v9 =	vld.idx.msk [tilespmem:v7+s21+$0x0], $0xffff  }
0x279: {  	v6 =	vmov s25;
	v10 =	vld.idx.msk [tilespmem:v11+s17+$0x0], $0xffff  }
0x27a: {  	v8 =	vand.u32 $0x1FF, v6;
	v6 =	vshll.u32 v6, $0x6  }
0x27b: {  	s24 =	simm.s32 $0x2;
	v11 =	vadd.s32 $0x780, v8;
	v8 =	vor.u32 v0, v6  }
.LBB2_17:
0x27c: {  	p1 =	sne.s32 s24, $0x13F;
	s25 =	smov.u32 s24;
	s24 =	sadd.s32 $0x1, s24  }
0x27d: {  	_ = 	snop  }
0x27e: {  	v9 =	vmax.f32 v9, v10  }
0x27f: {  	[tilespmem:v7+s21+$0x0] =	vst.idx.msk $0xffff, v9  }
0x280: {  	v7 =	vld.idx.msk [tilespmem:v11+s2+$0x0], $0xffff;
	_ =	sdelay $0x5  }
0x281: {  	v7 =	vshll.u32 v7, $0x6  }
0x282: {  	v9 =	vor.u32 v0, v7;
	_ =	sdelay $0x3  }
0x283: {  	v8 =	vld.idx.msk [tilespmem:v8+s17+$0x0], $0xffff  }
0x284: {  	v10 =	vld.idx.msk [tilespmem:v9+s21+$0x0], $0xffff;
	_ =	sdelay $0x2  }
0x285: {  	v12 =	vor.u32 v2, v6;
	v11 =	vor.u32 v2, v7;
	_ =	sdelay $0x2  }
0x286: {  	v8 =	vmax.f32 v10, v8  }
0x287: {  	[tilespmem:v9+s21+$0x0] =	vst.idx.msk $0xffff, v8  }
0x288: {  	v8 =	vld.idx.msk [tilespmem:v11+s21+$0x0], $0xffff  }
0x289: {  	v9 =	vld.idx.msk [tilespmem:v12+s17+$0x0], $0xffff;
	_ =	sdelay $0x2  }
0x28a: {  	v10 =	vor.u32 v3, v7;
	v12 =	vor.u32 v3, v6;
	_ =	sdelay $0x2  }
0x28b: {  	v8 =	vmax.f32 v8, v9  }
0x28c: {  	[tilespmem:v11+s21+$0x0] =	vst.idx.msk $0xffff, v8  }
0x28d: {  	v8 =	vld.idx.msk [tilespmem:v10+s21+$0x0], $0xffff  }
0x28e: {  	v9 =	vld.idx.msk [tilespmem:v12+s17+$0x0], $0xffff;
	_ =	sdelay $0x2  }
0x28f: {  	v7 =	vor.u32 v4, v7;
	v6 =	vor.u32 v4, v6;
	_ =	sdelay $0x2  }
0x290: {  	v8 =	vmax.f32 v8, v9  }
0x291: {  	[tilespmem:v10+s21+$0x0] =	vst.idx.msk $0xffff, v8  }
.Ltmp9:
0x292: {  	v9 =	vld.idx.msk [tilespmem:v7+s21+$0x0], $0xffff;
	(pc) =	sbr.rel @p1 .LBB2_17-.Ltmp9, $4  }
0x293: {  	v10 =	vld.idx.msk [tilespmem:v6+s17+$0x0], $0xffff  }
0x294: {  	v6 =	vmov s25  }
0x295: {  	v8 =	vand.u32 $0x1FF, v6;
	v6 =	vshll.u32 v6, $0x6  }
0x296: {  	v11 =	vadd.s32 $0x780, v8;
	v8 =	vor.u32 v0, v6  }
0x297: {  	_ =	sdelay $0x2  }
0x298: {  	v9 =	vmax.f32 v9, v10  }
0x299: {  	[tilespmem:v7+s21+$0x0] =	vst.idx.msk $0xffff, v9  }
0x29a: {  	v7 =	vld.idx.msk [tilespmem:v11+s2+$0x0], $0xffff;
	_ =	sdelay $0x4  }
0x29b: {  	v7 =	vshll.u32 v7, $0x6  }
0x29c: {  	v9 =	vor.u32 v0, v7;
	_ =	sdelay $0x3  }
0x29d: {  	v8 =	vld.idx.msk [tilespmem:v8+s17+$0x0], $0xffff  }
0x29e: {  	v10 =	vld.idx.msk [tilespmem:v9+s21+$0x0], $0xffff;
	_ =	sdelay $0x1  }
0x29f: {  	v11 =	vor.u32 v2, v7  }
0x2a0: {  	v12 =	vor.u32 v2, v6;
	_ =	sdelay $0x1  }
0x2a1: {  	v8 =	vmax.f32 v10, v8  }
0x2a2: {  	[tilespmem:v9+s21+$0x0] =	vst.idx.msk $0xffff, v8  }
0x2a3: {  	v8 =	vld.idx.msk [tilespmem:v11+s21+$0x0], $0xffff  }
0x2a4: {  	v9 =	vld.idx.msk [tilespmem:v12+s17+$0x0], $0xffff;
	_ =	sdelay $0x1  }
0x2a5: {  	v10 =	vor.u32 v3, v7  }
0x2a6: {  	v61 =	vor.u32 v3, v6;
	_ =	sdelay $0x1  }
0x2a7: {  	v8 =	vmax.f32 v8, v9  }
0x2a8: {  	[tilespmem:v11+s21+$0x0] =	vst.idx.msk $0xffff, v8  }
0x2a9: {  	v8 =	vld.idx.msk [tilespmem:v10+s21+$0x0], $0xffff  }
0x2aa: {  	v9 =	vld.idx.msk [tilespmem:v61+s17+$0x0], $0xffff;
	_ =	sdelay $0x1  }
0x2ab: {  	v7 =	vor.u32 v4, v7  }
0x2ac: {  	v6 =	vor.u32 v4, v6;
	_ =	sdelay $0x1  }
0x2ad: {  	v8 =	vmax.f32 v8, v9  }
0x2ae: {  	[tilespmem:v10+s21+$0x0] =	vst.idx.msk $0xffff, v8  }
0x2af: {  	v8 =	vld.idx.msk [tilespmem:v7+s21+$0x0], $0xffff  }
0x2b0: {  	v6 =	vld.idx.msk [tilespmem:v6+s17+$0x0], $0xffff;
	_ =	sdelay $0x4  }
0x2b1: {  	v6 =	vmax.f32 v8, v6  }
0x2b2: {  	s24 =	simm.s32 $0x1CC0;
	[tilespmem:v7+s21+$0x0] =	vst.idx.msk $0xffff, v6  }
0x2b3: {  	[tilespmem:s17], [sflag:$0x1] =	stream.indirect.gather [spmem:s1], $0x40, s24, s16, $0xb8;
	[tilespmem:$0x1B490] =	vst v63  }
0x2b4: {  	s25 =	simm.s32 $0x1D60;
	s24 =	simm.s32 $0x0  }
0x2b5: {  	v6 =	vmov s24;
	[tilespmem:s19], [sflag:$0x1] =	stream.indirect.gather [spmem:s1], $0x40, s25, s16, $0xb8;
	[tilespmem:$0x1B490] =	vst v63  }
0x2b6: {  	v7 =	vand.u32 $0x1FF, v6;
	_ =	swait.ge [sflag:s20], $0x2800  }
0x2b7: {  	v7 =	vadd.s32 $0x8C0, v7;
	[sflag:s20] =	ssyncset.done $0x0  }
0x2b8: {  	[sflag:s20] =	ssyncadd.s32 $0xFFFFD800  }
0x2b9: {  	_ =	swait.ge [sflag:s20], $0x2800  }
0x2ba: {  	[sflag:s20] =	ssyncset.done $0x0  }
0x2bb: {  	[sflag:s20] =	ssyncadd.s32 $0xFFFFD800  }
0x2bc: {  	v7 =	vld.idx.msk [tilespmem:v7+s2+$0x0], $0xffff;
	_ =	sdelay $0x3  }
0x2bd: {  	v6 =	vshll.u32 v6, $0x6  }
0x2be: {  	v8 =	vor.u32 v0, v6;
	v7 =	vshll.u32 v7, $0x6  }
0x2bf: {  	v9 =	vor.u32 v0, v7;
	_ =	sdelay $0x3  }
0x2c0: {  	v8 =	vld.idx.msk [tilespmem:v8+s17+$0x0], $0xffff  }
0x2c1: {  	v10 =	vld.idx.msk [tilespmem:v9+s21+$0x0], $0xffff;
	_ =	sdelay $0x1  }
0x2c2: {  	v11 =	vor.u32 v2, v7  }
0x2c3: {  	v62 =	vor.u32 v2, v6;
	_ =	sdelay $0x1  }
0x2c4: {  	v8 =	vmax.f32 v10, v8  }
0x2c5: {  	[tilespmem:v9+s21+$0x0] =	vst.idx.msk $0xffff, v8  }
0x2c6: {  	v8 =	vld.idx.msk [tilespmem:v11+s21+$0x0], $0xffff  }
0x2c7: {  	v9 =	vld.idx.msk [tilespmem:v62+s17+$0x0], $0xffff;
	_ =	sdelay $0x1  }
0x2c8: {  	v10 =	vor.u32 v3, v7  }
0x2c9: {  	v63 =	vor.u32 v3, v6;
	_ =	sdelay $0x1  }
0x2ca: {  	v8 =	vmax.f32 v8, v9  }
0x2cb: {  	[tilespmem:v11+s21+$0x0] =	vst.idx.msk $0xffff, v8  }
0x2cc: {  	v8 =	vld.idx.msk [tilespmem:v10+s21+$0x0], $0xffff  }
0x2cd: {  	v9 =	vld.idx.msk [tilespmem:v63+s17+$0x0], $0xffff;
	_ =	sdelay $0x1  }
0x2ce: {  	v7 =	vor.u32 v4, v7  }
0x2cf: {  	v11 =	vor.u32 v4, v6;
	_ =	sdelay $0x1  }
0x2d0: {  	v6 =	vmax.f32 v8, v9  }
0x2d1: {  	[tilespmem:v10+s21+$0x0] =	vst.idx.msk $0xffff, v6  }
0x2d2: {  	s25 =	simm.s32 $0x1;
	v9 =	vld.idx.msk [tilespmem:v7+s21+$0x0], $0xffff  }
0x2d3: {  	v6 =	vmov s25;
	v10 =	vld.idx.msk [tilespmem:v11+s17+$0x0], $0xffff  }
0x2d4: {  	v8 =	vand.u32 $0x1FF, v6;
	v6 =	vshll.u32 v6, $0x6  }
0x2d5: {  	s24 =	simm.s32 $0x2;
	v11 =	vadd.s32 $0x8C0, v8;
	v8 =	vor.u32 v0, v6  }
.LBB2_19:
0x2d6: {  	p1 =	sne.s32 s24, $0x13F;
	s25 =	smov.u32 s24;
	s24 =	sadd.s32 $0x1, s24  }
0x2d7: {  	_ = 	snop  }
0x2d8: {  	v9 =	vmax.f32 v9, v10  }
0x2d9: {  	[tilespmem:v7+s21+$0x0] =	vst.idx.msk $0xffff, v9  }
0x2da: {  	v7 =	vld.idx.msk [tilespmem:v11+s2+$0x0], $0xffff;
	_ =	sdelay $0x5  }
0x2db: {  	v7 =	vshll.u32 v7, $0x6  }
0x2dc: {  	v9 =	vor.u32 v0, v7;
	_ =	sdelay $0x3  }
0x2dd: {  	v8 =	vld.idx.msk [tilespmem:v8+s17+$0x0], $0xffff  }
0x2de: {  	v10 =	vld.idx.msk [tilespmem:v9+s21+$0x0], $0xffff;
	_ =	sdelay $0x2  }
0x2df: {  	v12 =	vor.u32 v2, v6;
	v11 =	vor.u32 v2, v7;
	_ =	sdelay $0x2  }
0x2e0: {  	v8 =	vmax.f32 v10, v8  }
0x2e1: {  	[tilespmem:v9+s21+$0x0] =	vst.idx.msk $0xffff, v8  }
0x2e2: {  	v8 =	vld.idx.msk [tilespmem:v11+s21+$0x0], $0xffff  }
0x2e3: {  	v9 =	vld.idx.msk [tilespmem:v12+s17+$0x0], $0xffff;
	_ =	sdelay $0x2  }
0x2e4: {  	v10 =	vor.u32 v3, v7;
	v12 =	vor.u32 v3, v6;
	_ =	sdelay $0x2  }
0x2e5: {  	v8 =	vmax.f32 v8, v9  }
0x2e6: {  	[tilespmem:v11+s21+$0x0] =	vst.idx.msk $0xffff, v8  }
0x2e7: {  	v8 =	vld.idx.msk [tilespmem:v10+s21+$0x0], $0xffff  }
0x2e8: {  	v9 =	vld.idx.msk [tilespmem:v12+s17+$0x0], $0xffff;
	_ =	sdelay $0x2  }
0x2e9: {  	v7 =	vor.u32 v4, v7;
	v6 =	vor.u32 v4, v6;
	_ =	sdelay $0x2  }
0x2ea: {  	v8 =	vmax.f32 v8, v9  }
0x2eb: {  	[tilespmem:v10+s21+$0x0] =	vst.idx.msk $0xffff, v8  }
.Ltmp10:
0x2ec: {  	v9 =	vld.idx.msk [tilespmem:v7+s21+$0x0], $0xffff;
	(pc) =	sbr.rel @p1 .LBB2_19-.Ltmp10, $4  }
0x2ed: {  	v10 =	vld.idx.msk [tilespmem:v6+s17+$0x0], $0xffff  }
0x2ee: {  	v6 =	vmov s25  }
0x2ef: {  	v8 =	vand.u32 $0x1FF, v6;
	v6 =	vshll.u32 v6, $0x6  }
0x2f0: {  	v11 =	vadd.s32 $0x8C0, v8;
	v8 =	vor.u32 v0, v6  }
0x2f1: {  	_ =	sdelay $0x2  }
0x2f2: {  	v9 =	vmax.f32 v9, v10  }
0x2f3: {  	[tilespmem:v7+s21+$0x0] =	vst.idx.msk $0xffff, v9  }
0x2f4: {  	v7 =	vld.idx.msk [tilespmem:v11+s2+$0x0], $0xffff;
	_ =	sdelay $0x4  }
0x2f5: {  	v7 =	vshll.u32 v7, $0x6  }
0x2f6: {  	v9 =	vor.u32 v0, v7;
	_ =	sdelay $0x3  }
0x2f7: {  	v8 =	vld.idx.msk [tilespmem:v8+s17+$0x0], $0xffff  }
0x2f8: {  	v10 =	vld.idx.msk [tilespmem:v9+s21+$0x0], $0xffff;
	_ =	sdelay $0x1  }
0x2f9: {  	v11 =	vor.u32 v2, v7  }
0x2fa: {  	v12 =	vor.u32 v2, v6;
	_ =	sdelay $0x1  }
0x2fb: {  	v8 =	vmax.f32 v10, v8  }
0x2fc: {  	[tilespmem:v9+s21+$0x0] =	vst.idx.msk $0xffff, v8  }
0x2fd: {  	v8 =	vld.idx.msk [tilespmem:v11+s21+$0x0], $0xffff  }
0x2fe: {  	v9 =	vld.idx.msk [tilespmem:v12+s17+$0x0], $0xffff;
	_ =	sdelay $0x1  }
0x2ff: {  	v10 =	vor.u32 v3, v7  }
0x300: {  	v61 =	vor.u32 v3, v6;
	_ =	sdelay $0x1  }
0x301: {  	v8 =	vmax.f32 v8, v9  }
0x302: {  	[tilespmem:v11+s21+$0x0] =	vst.idx.msk $0xffff, v8  }
0x303: {  	v8 =	vld.idx.msk [tilespmem:v10+s21+$0x0], $0xffff  }
0x304: {  	v9 =	vld.idx.msk [tilespmem:v61+s17+$0x0], $0xffff;
	_ =	sdelay $0x1  }
0x305: {  	v7 =	vor.u32 v4, v7  }
0x306: {  	v6 =	vor.u32 v4, v6;
	_ =	sdelay $0x1  }
0x307: {  	v8 =	vmax.f32 v8, v9  }
0x308: {  	[tilespmem:v10+s21+$0x0] =	vst.idx.msk $0xffff, v8  }
0x309: {  	v8 =	vld.idx.msk [tilespmem:v7+s21+$0x0], $0xffff  }
0x30a: {  	v6 =	vld.idx.msk [tilespmem:v6+s17+$0x0], $0xffff;
	_ =	sdelay $0x4  }
0x30b: {  	v6 =	vmax.f32 v8, v6  }
0x30c: {  	s24 =	simm.s32 $0x1E00;
	[tilespmem:v7+s21+$0x0] =	vst.idx.msk $0xffff, v6  }
0x30d: {  	[tilespmem:s17], [sflag:$0x1] =	stream.indirect.gather [spmem:s1], $0x40, s24, s16, $0xb8;
	[tilespmem:$0x1B490] =	vst v63  }
0x30e: {  	s25 =	simm.s32 $0x1EA0  }
0x30f: {  	[tilespmem:s19], [sflag:$0x1] =	stream.indirect.gather [spmem:s1], $0x40, s25, s16, $0xb8;
	[tilespmem:$0x1B490] =	vst v63  }
0x310: {  	s25 =	simm.s32 $0x0  }
0x311: {  	_ =	swait.ge [sflag:s20], $0x2800;
	v6 =	vmov s25  }
0x312: {  	[sflag:s20] =	ssyncset.done $0x0;
	v7 =	vor.u32 $0xA00, v6  }
0x313: {  	[sflag:s20] =	ssyncadd.s32 $0xFFFFD800  }
0x314: {  	_ =	swait.ge [sflag:s20], $0x2800  }
0x315: {  	[sflag:s20] =	ssyncset.done $0x0  }
0x316: {  	[sflag:s20] =	ssyncadd.s32 $0xFFFFD800  }
0x317: {  	v7 =	vld.idx.msk [tilespmem:v7+s2+$0x0], $0xffff;
	_ =	sdelay $0x3  }
0x318: {  	v6 =	vshll.u32 v6, $0x6  }
0x319: {  	v8 =	vor.u32 v0, v6;
	v7 =	vshll.u32 v7, $0x6  }
0x31a: {  	v9 =	vor.u32 v0, v7;
	_ =	sdelay $0x3  }
0x31b: {  	v8 =	vld.idx.msk [tilespmem:v8+s17+$0x0], $0xffff  }
0x31c: {  	v10 =	vld.idx.msk [tilespmem:v9+s21+$0x0], $0xffff;
	_ =	sdelay $0x1  }
0x31d: {  	v11 =	vor.u32 v2, v7  }
0x31e: {  	v62 =	vor.u32 v2, v6;
	_ =	sdelay $0x1  }
0x31f: {  	v8 =	vmax.f32 v10, v8  }
0x320: {  	[tilespmem:v9+s21+$0x0] =	vst.idx.msk $0xffff, v8  }
0x321: {  	v8 =	vld.idx.msk [tilespmem:v11+s21+$0x0], $0xffff  }
0x322: {  	v9 =	vld.idx.msk [tilespmem:v62+s17+$0x0], $0xffff;
	_ =	sdelay $0x1  }
0x323: {  	v10 =	vor.u32 v3, v7  }
0x324: {  	v63 =	vor.u32 v3, v6;
	_ =	sdelay $0x1  }
0x325: {  	v8 =	vmax.f32 v8, v9  }
0x326: {  	[tilespmem:v11+s21+$0x0] =	vst.idx.msk $0xffff, v8  }
0x327: {  	v8 =	vld.idx.msk [tilespmem:v10+s21+$0x0], $0xffff  }
0x328: {  	v9 =	vld.idx.msk [tilespmem:v63+s17+$0x0], $0xffff;
	_ =	sdelay $0x1  }
0x329: {  	v7 =	vor.u32 v4, v7  }
0x32a: {  	v6 =	vor.u32 v4, v6;
	_ =	sdelay $0x1  }
0x32b: {  	v8 =	vmax.f32 v8, v9  }
0x32c: {  	[tilespmem:v10+s21+$0x0] =	vst.idx.msk $0xffff, v8  }
0x32d: {  	s25 =	simm.s32 $0x1;
	v8 =	vld.idx.msk [tilespmem:v7+s21+$0x0], $0xffff  }
0x32e: {  	v11 =	vmov s25;
	v10 =	vld.idx.msk [tilespmem:v6+s17+$0x0], $0xffff  }
0x32f: {  	s24 =	simm.s32 $0x2;
	v9 =	vor.u32 $0xA00, v11;
	v6 =	vshll.u32 v11, $0x6  }
.LBB2_21:
0x330: {  	p1 =	sne.s32 s24, $0x13F;
	s25 =	smov.u32 s24;
	s24 =	sadd.s32 $0x1, s24  }
0x331: {  	_ =	sdelay $0x1  }
0x332: {  	v8 =	vmax.f32 v8, v10  }
0x333: {  	[tilespmem:v7+s21+$0x0] =	vst.idx.msk $0xffff, v8  }
0x334: {  	v7 =	vld.idx.msk [tilespmem:v9+s2+$0x0], $0xffff;
	_ =	sdelay $0x5  }
0x335: {  	v8 =	vor.u32 v0, v6;
	v7 =	vshll.u32 v7, $0x6  }
0x336: {  	v9 =	vor.u32 v0, v7;
	_ =	sdelay $0x3  }
0x337: {  	v8 =	vld.idx.msk [tilespmem:v8+s17+$0x0], $0xffff  }
0x338: {  	v10 =	vld.idx.msk [tilespmem:v9+s21+$0x0], $0xffff;
	_ =	sdelay $0x1  }
0x339: {  	v11 =	vor.u32 v2, v7;
	_ =	sdelay $0x1  }
0x33a: {  	v12 =	vor.u32 v2, v6;
	_ =	sdelay $0x1  }
0x33b: {  	v8 =	vmax.f32 v10, v8  }
0x33c: {  	[tilespmem:v9+s21+$0x0] =	vst.idx.msk $0xffff, v8  }
0x33d: {  	v8 =	vld.idx.msk [tilespmem:v11+s21+$0x0], $0xffff  }
0x33e: {  	v9 =	vld.idx.msk [tilespmem:v12+s17+$0x0], $0xffff;
	_ =	sdelay $0x2  }
0x33f: {  	v10 =	vor.u32 v3, v7  }
0x340: {  	v12 =	vor.u32 v3, v6;
	_ =	sdelay $0x1  }
0x341: {  	v8 =	vmax.f32 v8, v9  }
0x342: {  	[tilespmem:v11+s21+$0x0] =	vst.idx.msk $0xffff, v8  }
0x343: {  	v8 =	vld.idx.msk [tilespmem:v10+s21+$0x0], $0xffff  }
0x344: {  	v9 =	vld.idx.msk [tilespmem:v12+s17+$0x0], $0xffff;
	_ =	sdelay $0x2  }
0x345: {  	v7 =	vor.u32 v4, v7;
	v6 =	vor.u32 v4, v6;
	_ =	sdelay $0x2  }
0x346: {  	v8 =	vmax.f32 v8, v9  }
.Ltmp11:
0x347: {  	[tilespmem:v10+s21+$0x0] =	vst.idx.msk $0xffff, v8;
	(pc) =	sbr.rel @p1 .LBB2_21-.Ltmp11, $4  }
0x348: {  	v8 =	vld.idx.msk [tilespmem:v7+s21+$0x0], $0xffff  }
0x349: {  	v10 =	vld.idx.msk [tilespmem:v6+s17+$0x0], $0xffff  }
0x34a: {  	v6 =	vmov s25  }
0x34b: {  	v9 =	vor.u32 $0xA00, v6;
	v6 =	vshll.u32 v6, $0x6  }
0x34c: {  	_ =	sdelay $0x2  }
0x34d: {  	v8 =	vmax.f32 v8, v10  }
0x34e: {  	[tilespmem:v7+s21+$0x0] =	vst.idx.msk $0xffff, v8  }
0x34f: {  	v7 =	vld.idx.msk [tilespmem:v9+s2+$0x0], $0xffff;
	_ =	sdelay $0x4  }
0x350: {  	v8 =	vor.u32 v0, v6;
	v7 =	vshll.u32 v7, $0x6  }
0x351: {  	v9 =	vor.u32 v0, v7;
	_ =	sdelay $0x3  }
0x352: {  	v8 =	vld.idx.msk [tilespmem:v8+s17+$0x0], $0xffff  }
0x353: {  	v10 =	vld.idx.msk [tilespmem:v9+s21+$0x0], $0xffff;
	_ =	sdelay $0x1  }
0x354: {  	v11 =	vor.u32 v2, v7  }
0x355: {  	v12 =	vor.u32 v2, v6;
	_ =	sdelay $0x1  }
0x356: {  	v8 =	vmax.f32 v10, v8  }
0x357: {  	[tilespmem:v9+s21+$0x0] =	vst.idx.msk $0xffff, v8  }
0x358: {  	v8 =	vld.idx.msk [tilespmem:v11+s21+$0x0], $0xffff  }
0x359: {  	v9 =	vld.idx.msk [tilespmem:v12+s17+$0x0], $0xffff;
	_ =	sdelay $0x1  }
0x35a: {  	v10 =	vor.u32 v3, v7  }
0x35b: {  	v61 =	vor.u32 v3, v6;
	_ =	sdelay $0x1  }
0x35c: {  	v8 =	vmax.f32 v8, v9  }
0x35d: {  	[tilespmem:v11+s21+$0x0] =	vst.idx.msk $0xffff, v8  }
0x35e: {  	v8 =	vld.idx.msk [tilespmem:v10+s21+$0x0], $0xffff  }
0x35f: {  	v9 =	vld.idx.msk [tilespmem:v61+s17+$0x0], $0xffff;
	_ =	sdelay $0x1  }
0x360: {  	v7 =	vor.u32 v4, v7  }
0x361: {  	v6 =	vor.u32 v4, v6;
	_ =	sdelay $0x1  }
0x362: {  	v8 =	vmax.f32 v8, v9  }
0x363: {  	[tilespmem:v10+s21+$0x0] =	vst.idx.msk $0xffff, v8  }
0x364: {  	v8 =	vld.idx.msk [tilespmem:v7+s21+$0x0], $0xffff  }
0x365: {  	v6 =	vld.idx.msk [tilespmem:v6+s17+$0x0], $0xffff;
	_ =	sdelay $0x4  }
0x366: {  	v6 =	vmax.f32 v8, v6  }
0x367: {  	s24 =	simm.s32 $0x1F40;
	[tilespmem:v7+s21+$0x0] =	vst.idx.msk $0xffff, v6  }
0x368: {  	[tilespmem:s17], [sflag:$0x1] =	stream.indirect.gather [spmem:s1], $0x40, s24, s16, $0xb8;
	[tilespmem:$0x1B490] =	vst v63  }
0x369: {  	s25 =	simm.s32 $0x1FE0;
	s24 =	simm.s32 $0x0  }
0x36a: {  	v6 =	vmov s24;
	[tilespmem:s19], [sflag:$0x1] =	stream.indirect.gather [spmem:s1], $0x40, s25, s16, $0xb8;
	[tilespmem:$0x1B490] =	vst v63  }
0x36b: {  	v7 =	vand.u32 $0x1FF, v6;
	_ =	swait.ge [sflag:s20], $0x2800  }
0x36c: {  	v7 =	vadd.s32 $0xB40, v7;
	[sflag:s20] =	ssyncset.done $0x0  }
0x36d: {  	[sflag:s20] =	ssyncadd.s32 $0xFFFFD800  }
0x36e: {  	_ =	swait.ge [sflag:s20], $0x2800  }
0x36f: {  	[sflag:s20] =	ssyncset.done $0x0  }
0x370: {  	[sflag:s20] =	ssyncadd.s32 $0xFFFFD800  }
0x371: {  	v7 =	vld.idx.msk [tilespmem:v7+s2+$0x0], $0xffff;
	_ =	sdelay $0x3  }
0x372: {  	v6 =	vshll.u32 v6, $0x6  }
0x373: {  	v8 =	vor.u32 v0, v6;
	v7 =	vshll.u32 v7, $0x6  }
0x374: {  	v9 =	vor.u32 v0, v7;
	_ =	sdelay $0x3  }
0x375: {  	v8 =	vld.idx.msk [tilespmem:v8+s17+$0x0], $0xffff  }
0x376: {  	v10 =	vld.idx.msk [tilespmem:v9+s21+$0x0], $0xffff;
	_ =	sdelay $0x1  }
0x377: {  	v11 =	vor.u32 v2, v7  }
0x378: {  	v62 =	vor.u32 v2, v6;
	_ =	sdelay $0x1  }
0x379: {  	v8 =	vmax.f32 v10, v8  }
0x37a: {  	[tilespmem:v9+s21+$0x0] =	vst.idx.msk $0xffff, v8  }
0x37b: {  	v8 =	vld.idx.msk [tilespmem:v11+s21+$0x0], $0xffff  }
0x37c: {  	v9 =	vld.idx.msk [tilespmem:v62+s17+$0x0], $0xffff;
	_ =	sdelay $0x1  }
0x37d: {  	v10 =	vor.u32 v3, v7  }
0x37e: {  	v63 =	vor.u32 v3, v6;
	_ =	sdelay $0x1  }
0x37f: {  	v8 =	vmax.f32 v8, v9  }
0x380: {  	[tilespmem:v11+s21+$0x0] =	vst.idx.msk $0xffff, v8  }
0x381: {  	v8 =	vld.idx.msk [tilespmem:v10+s21+$0x0], $0xffff  }
0x382: {  	v9 =	vld.idx.msk [tilespmem:v63+s17+$0x0], $0xffff;
	_ =	sdelay $0x1  }
0x383: {  	v7 =	vor.u32 v4, v7  }
0x384: {  	v11 =	vor.u32 v4, v6;
	_ =	sdelay $0x1  }
0x385: {  	v6 =	vmax.f32 v8, v9  }
0x386: {  	[tilespmem:v10+s21+$0x0] =	vst.idx.msk $0xffff, v6  }
0x387: {  	s25 =	simm.s32 $0x1;
	v9 =	vld.idx.msk [tilespmem:v7+s21+$0x0], $0xffff  }
0x388: {  	v6 =	vmov s25;
	v10 =	vld.idx.msk [tilespmem:v11+s17+$0x0], $0xffff  }
0x389: {  	v8 =	vand.u32 $0x1FF, v6;
	v6 =	vshll.u32 v6, $0x6  }
0x38a: {  	s24 =	simm.s32 $0x2;
	v11 =	vadd.s32 $0xB40, v8;
	v8 =	vor.u32 v0, v6  }
.LBB2_23:
0x38b: {  	p1 =	sne.s32 s24, $0x13F;
	s25 =	smov.u32 s24;
	s24 =	sadd.s32 $0x1, s24  }
0x38c: {  	_ = 	snop  }
0x38d: {  	v9 =	vmax.f32 v9, v10  }
0x38e: {  	[tilespmem:v7+s21+$0x0] =	vst.idx.msk $0xffff, v9  }
0x38f: {  	v7 =	vld.idx.msk [tilespmem:v11+s2+$0x0], $0xffff;
	_ =	sdelay $0x5  }
0x390: {  	v7 =	vshll.u32 v7, $0x6  }
0x391: {  	v9 =	vor.u32 v0, v7;
	_ =	sdelay $0x3  }
0x392: {  	v8 =	vld.idx.msk [tilespmem:v8+s17+$0x0], $0xffff  }
0x393: {  	v10 =	vld.idx.msk [tilespmem:v9+s21+$0x0], $0xffff;
	_ =	sdelay $0x2  }
0x394: {  	v12 =	vor.u32 v2, v6;
	v11 =	vor.u32 v2, v7;
	_ =	sdelay $0x2  }
0x395: {  	v8 =	vmax.f32 v10, v8  }
0x396: {  	[tilespmem:v9+s21+$0x0] =	vst.idx.msk $0xffff, v8  }
0x397: {  	v8 =	vld.idx.msk [tilespmem:v11+s21+$0x0], $0xffff  }
0x398: {  	v9 =	vld.idx.msk [tilespmem:v12+s17+$0x0], $0xffff;
	_ =	sdelay $0x2  }
0x399: {  	v10 =	vor.u32 v3, v7;
	v12 =	vor.u32 v3, v6;
	_ =	sdelay $0x2  }
0x39a: {  	v8 =	vmax.f32 v8, v9  }
0x39b: {  	[tilespmem:v11+s21+$0x0] =	vst.idx.msk $0xffff, v8  }
0x39c: {  	v8 =	vld.idx.msk [tilespmem:v10+s21+$0x0], $0xffff  }
0x39d: {  	v9 =	vld.idx.msk [tilespmem:v12+s17+$0x0], $0xffff;
	_ =	sdelay $0x2  }
0x39e: {  	v7 =	vor.u32 v4, v7;
	v6 =	vor.u32 v4, v6;
	_ =	sdelay $0x2  }
0x39f: {  	v8 =	vmax.f32 v8, v9  }
0x3a0: {  	[tilespmem:v10+s21+$0x0] =	vst.idx.msk $0xffff, v8  }
.Ltmp12:
0x3a1: {  	v9 =	vld.idx.msk [tilespmem:v7+s21+$0x0], $0xffff;
	(pc) =	sbr.rel @p1 .LBB2_23-.Ltmp12, $4  }
0x3a2: {  	v10 =	vld.idx.msk [tilespmem:v6+s17+$0x0], $0xffff  }
0x3a3: {  	v6 =	vmov s25  }
0x3a4: {  	v8 =	vand.u32 $0x1FF, v6;
	v6 =	vshll.u32 v6, $0x6  }
0x3a5: {  	v11 =	vadd.s32 $0xB40, v8;
	v8 =	vor.u32 v0, v6  }
0x3a6: {  	_ =	sdelay $0x2  }
0x3a7: {  	v9 =	vmax.f32 v9, v10  }
0x3a8: {  	[tilespmem:v7+s21+$0x0] =	vst.idx.msk $0xffff, v9  }
0x3a9: {  	v7 =	vld.idx.msk [tilespmem:v11+s2+$0x0], $0xffff;
	_ =	sdelay $0x4  }
0x3aa: {  	v7 =	vshll.u32 v7, $0x6  }
0x3ab: {  	v9 =	vor.u32 v0, v7;
	_ =	sdelay $0x3  }
0x3ac: {  	v8 =	vld.idx.msk [tilespmem:v8+s17+$0x0], $0xffff  }
0x3ad: {  	v10 =	vld.idx.msk [tilespmem:v9+s21+$0x0], $0xffff;
	_ =	sdelay $0x1  }
0x3ae: {  	v11 =	vor.u32 v2, v7  }
0x3af: {  	v12 =	vor.u32 v2, v6;
	_ =	sdelay $0x1  }
0x3b0: {  	v8 =	vmax.f32 v10, v8  }
0x3b1: {  	[tilespmem:v9+s21+$0x0] =	vst.idx.msk $0xffff, v8  }
0x3b2: {  	v8 =	vld.idx.msk [tilespmem:v11+s21+$0x0], $0xffff  }
0x3b3: {  	v9 =	vld.idx.msk [tilespmem:v12+s17+$0x0], $0xffff;
	_ =	sdelay $0x1  }
0x3b4: {  	v10 =	vor.u32 v3, v7  }
0x3b5: {  	v61 =	vor.u32 v3, v6;
	_ =	sdelay $0x1  }
0x3b6: {  	v8 =	vmax.f32 v8, v9  }
0x3b7: {  	[tilespmem:v11+s21+$0x0] =	vst.idx.msk $0xffff, v8  }
0x3b8: {  	v8 =	vld.idx.msk [tilespmem:v10+s21+$0x0], $0xffff  }
0x3b9: {  	v9 =	vld.idx.msk [tilespmem:v61+s17+$0x0], $0xffff;
	_ =	sdelay $0x1  }
0x3ba: {  	v7 =	vor.u32 v4, v7  }
0x3bb: {  	v6 =	vor.u32 v4, v6;
	_ =	sdelay $0x1  }
0x3bc: {  	v8 =	vmax.f32 v8, v9  }
0x3bd: {  	[tilespmem:v10+s21+$0x0] =	vst.idx.msk $0xffff, v8  }
0x3be: {  	v8 =	vld.idx.msk [tilespmem:v7+s21+$0x0], $0xffff  }
0x3bf: {  	v6 =	vld.idx.msk [tilespmem:v6+s17+$0x0], $0xffff;
	_ =	sdelay $0x4  }
0x3c0: {  	v6 =	vmax.f32 v8, v6  }
0x3c1: {  	s24 =	simm.s32 $0x2080;
	[tilespmem:v7+s21+$0x0] =	vst.idx.msk $0xffff, v6  }
0x3c2: {  	[tilespmem:s17], [sflag:$0x1] =	stream.indirect.gather [spmem:s1], $0x40, s24, s16, $0xb8;
	[tilespmem:$0x1B490] =	vst v63  }
0x3c3: {  	s25 =	simm.s32 $0x2120;
	s24 =	simm.s32 $0x0  }
0x3c4: {  	v6 =	vmov s24;
	[tilespmem:s19], [sflag:$0x1] =	stream.indirect.gather [spmem:s1], $0x40, s25, s16, $0xb8;
	[tilespmem:$0x1B490] =	vst v63  }
0x3c5: {  	v7 =	vand.u32 $0x1FF, v6;
	_ =	swait.ge [sflag:s20], $0x2800  }
0x3c6: {  	v7 =	vadd.s32 $0xC80, v7;
	[sflag:s20] =	ssyncset.done $0x0  }
0x3c7: {  	[sflag:s20] =	ssyncadd.s32 $0xFFFFD800  }
0x3c8: {  	_ =	swait.ge [sflag:s20], $0x2800  }
0x3c9: {  	[sflag:s20] =	ssyncset.done $0x0  }
0x3ca: {  	[sflag:s20] =	ssyncadd.s32 $0xFFFFD800  }
0x3cb: {  	v7 =	vld.idx.msk [tilespmem:v7+s2+$0x0], $0xffff;
	_ =	sdelay $0x3  }
0x3cc: {  	v6 =	vshll.u32 v6, $0x6  }
0x3cd: {  	v8 =	vor.u32 v0, v6;
	v7 =	vshll.u32 v7, $0x6  }
0x3ce: {  	v9 =	vor.u32 v0, v7;
	_ =	sdelay $0x3  }
0x3cf: {  	v8 =	vld.idx.msk [tilespmem:v8+s17+$0x0], $0xffff  }
0x3d0: {  	v10 =	vld.idx.msk [tilespmem:v9+s21+$0x0], $0xffff;
	_ =	sdelay $0x1  }
0x3d1: {  	v11 =	vor.u32 v2, v7  }
0x3d2: {  	v62 =	vor.u32 v2, v6;
	_ =	sdelay $0x1  }
0x3d3: {  	v8 =	vmax.f32 v10, v8  }
0x3d4: {  	[tilespmem:v9+s21+$0x0] =	vst.idx.msk $0xffff, v8  }
0x3d5: {  	v8 =	vld.idx.msk [tilespmem:v11+s21+$0x0], $0xffff  }
0x3d6: {  	v9 =	vld.idx.msk [tilespmem:v62+s17+$0x0], $0xffff;
	_ =	sdelay $0x1  }
0x3d7: {  	v10 =	vor.u32 v3, v7  }
0x3d8: {  	v63 =	vor.u32 v3, v6;
	_ =	sdelay $0x1  }
0x3d9: {  	v8 =	vmax.f32 v8, v9  }
0x3da: {  	[tilespmem:v11+s21+$0x0] =	vst.idx.msk $0xffff, v8  }
0x3db: {  	v8 =	vld.idx.msk [tilespmem:v10+s21+$0x0], $0xffff  }
0x3dc: {  	v9 =	vld.idx.msk [tilespmem:v63+s17+$0x0], $0xffff;
	_ =	sdelay $0x1  }
0x3dd: {  	v7 =	vor.u32 v4, v7  }
0x3de: {  	v11 =	vor.u32 v4, v6;
	_ =	sdelay $0x1  }
0x3df: {  	v6 =	vmax.f32 v8, v9  }
0x3e0: {  	[tilespmem:v10+s21+$0x0] =	vst.idx.msk $0xffff, v6  }
0x3e1: {  	s25 =	simm.s32 $0x1;
	v9 =	vld.idx.msk [tilespmem:v7+s21+$0x0], $0xffff  }
0x3e2: {  	v6 =	vmov s25;
	v10 =	vld.idx.msk [tilespmem:v11+s17+$0x0], $0xffff  }
0x3e3: {  	v8 =	vand.u32 $0x1FF, v6;
	v6 =	vshll.u32 v6, $0x6  }
0x3e4: {  	s24 =	simm.s32 $0x2;
	v11 =	vadd.s32 $0xC80, v8;
	v8 =	vor.u32 v0, v6  }
.LBB2_25:
0x3e5: {  	p1 =	sne.s32 s24, $0x13F;
	s25 =	smov.u32 s24;
	s24 =	sadd.s32 $0x1, s24  }
0x3e6: {  	_ = 	snop  }
0x3e7: {  	v9 =	vmax.f32 v9, v10  }
0x3e8: {  	[tilespmem:v7+s21+$0x0] =	vst.idx.msk $0xffff, v9  }
0x3e9: {  	v7 =	vld.idx.msk [tilespmem:v11+s2+$0x0], $0xffff;
	_ =	sdelay $0x5  }
0x3ea: {  	v7 =	vshll.u32 v7, $0x6  }
0x3eb: {  	v9 =	vor.u32 v0, v7;
	_ =	sdelay $0x3  }
0x3ec: {  	v8 =	vld.idx.msk [tilespmem:v8+s17+$0x0], $0xffff  }
0x3ed: {  	v10 =	vld.idx.msk [tilespmem:v9+s21+$0x0], $0xffff;
	_ =	sdelay $0x2  }
0x3ee: {  	v12 =	vor.u32 v2, v6;
	v11 =	vor.u32 v2, v7;
	_ =	sdelay $0x2  }
0x3ef: {  	v8 =	vmax.f32 v10, v8  }
0x3f0: {  	[tilespmem:v9+s21+$0x0] =	vst.idx.msk $0xffff, v8  }
0x3f1: {  	v8 =	vld.idx.msk [tilespmem:v11+s21+$0x0], $0xffff  }
0x3f2: {  	v9 =	vld.idx.msk [tilespmem:v12+s17+$0x0], $0xffff;
	_ =	sdelay $0x2  }
0x3f3: {  	v10 =	vor.u32 v3, v7;
	v12 =	vor.u32 v3, v6;
	_ =	sdelay $0x2  }
0x3f4: {  	v8 =	vmax.f32 v8, v9  }
0x3f5: {  	[tilespmem:v11+s21+$0x0] =	vst.idx.msk $0xffff, v8  }
0x3f6: {  	v8 =	vld.idx.msk [tilespmem:v10+s21+$0x0], $0xffff  }
0x3f7: {  	v9 =	vld.idx.msk [tilespmem:v12+s17+$0x0], $0xffff;
	_ =	sdelay $0x2  }
0x3f8: {  	v7 =	vor.u32 v4, v7;
	v6 =	vor.u32 v4, v6;
	_ =	sdelay $0x2  }
0x3f9: {  	v8 =	vmax.f32 v8, v9  }
0x3fa: {  	[tilespmem:v10+s21+$0x0] =	vst.idx.msk $0xffff, v8  }
.Ltmp13:
0x3fb: {  	v9 =	vld.idx.msk [tilespmem:v7+s21+$0x0], $0xffff;
	(pc) =	sbr.rel @p1 .LBB2_25-.Ltmp13, $4  }
0x3fc: {  	v10 =	vld.idx.msk [tilespmem:v6+s17+$0x0], $0xffff  }
0x3fd: {  	v6 =	vmov s25  }
0x3fe: {  	v8 =	vand.u32 $0x1FF, v6;
	v6 =	vshll.u32 v6, $0x6  }
0x3ff: {  	v11 =	vadd.s32 $0xC80, v8;
	v8 =	vor.u32 v0, v6  }
0x400: {  	_ =	sdelay $0x2  }
0x401: {  	v9 =	vmax.f32 v9, v10  }
0x402: {  	[tilespmem:v7+s21+$0x0] =	vst.idx.msk $0xffff, v9  }
0x403: {  	v7 =	vld.idx.msk [tilespmem:v11+s2+$0x0], $0xffff;
	_ =	sdelay $0x4  }
0x404: {  	v7 =	vshll.u32 v7, $0x6  }
0x405: {  	v9 =	vor.u32 v0, v7;
	_ =	sdelay $0x3  }
0x406: {  	v8 =	vld.idx.msk [tilespmem:v8+s17+$0x0], $0xffff  }
0x407: {  	v10 =	vld.idx.msk [tilespmem:v9+s21+$0x0], $0xffff;
	_ =	sdelay $0x1  }
0x408: {  	v11 =	vor.u32 v2, v7  }
0x409: {  	v12 =	vor.u32 v2, v6;
	_ =	sdelay $0x1  }
0x40a: {  	v8 =	vmax.f32 v10, v8  }
0x40b: {  	[tilespmem:v9+s21+$0x0] =	vst.idx.msk $0xffff, v8  }
0x40c: {  	v8 =	vld.idx.msk [tilespmem:v11+s21+$0x0], $0xffff  }
0x40d: {  	v9 =	vld.idx.msk [tilespmem:v12+s17+$0x0], $0xffff;
	_ =	sdelay $0x1  }
0x40e: {  	v10 =	vor.u32 v3, v7  }
0x40f: {  	v61 =	vor.u32 v3, v6;
	_ =	sdelay $0x1  }
0x410: {  	v8 =	vmax.f32 v8, v9  }
0x411: {  	[tilespmem:v11+s21+$0x0] =	vst.idx.msk $0xffff, v8  }
0x412: {  	v8 =	vld.idx.msk [tilespmem:v10+s21+$0x0], $0xffff  }
0x413: {  	v9 =	vld.idx.msk [tilespmem:v61+s17+$0x0], $0xffff;
	_ =	sdelay $0x1  }
0x414: {  	v7 =	vor.u32 v4, v7  }
0x415: {  	v6 =	vor.u32 v4, v6;
	_ =	sdelay $0x1  }
0x416: {  	v8 =	vmax.f32 v8, v9  }
0x417: {  	[tilespmem:v10+s21+$0x0] =	vst.idx.msk $0xffff, v8  }
0x418: {  	v8 =	vld.idx.msk [tilespmem:v7+s21+$0x0], $0xffff  }
0x419: {  	v6 =	vld.idx.msk [tilespmem:v6+s17+$0x0], $0xffff;
	_ =	sdelay $0x4  }
0x41a: {  	v6 =	vmax.f32 v8, v6  }
0x41b: {  	s24 =	simm.s32 $0x21C0;
	[tilespmem:v7+s21+$0x0] =	vst.idx.msk $0xffff, v6  }
0x41c: {  	[tilespmem:s17], [sflag:$0x1] =	stream.indirect.gather [spmem:s1], $0x40, s24, s16, $0xb8;
	[tilespmem:$0x1B490] =	vst v63  }
0x41d: {  	s25 =	simm.s32 $0x2260;
	s24 =	simm.s32 $0x0  }
0x41e: {  	v6 =	vmov s24;
	[tilespmem:s19], [sflag:$0x1] =	stream.indirect.gather [spmem:s1], $0x40, s25, s16, $0xb8;
	[tilespmem:$0x1B490] =	vst v63  }
0x41f: {  	v7 =	vand.u32 $0x1FF, v6;
	_ =	swait.ge [sflag:s20], $0x2800  }
0x420: {  	v7 =	vadd.s32 $0xDC0, v7;
	[sflag:s20] =	ssyncset.done $0x0  }
0x421: {  	[sflag:s20] =	ssyncadd.s32 $0xFFFFD800  }
0x422: {  	_ =	swait.ge [sflag:s20], $0x2800  }
0x423: {  	[sflag:s20] =	ssyncset.done $0x0  }
0x424: {  	[sflag:s20] =	ssyncadd.s32 $0xFFFFD800  }
0x425: {  	v7 =	vld.idx.msk [tilespmem:v7+s2+$0x0], $0xffff;
	_ =	sdelay $0x3  }
0x426: {  	v6 =	vshll.u32 v6, $0x6  }
0x427: {  	v8 =	vor.u32 v0, v6;
	v7 =	vshll.u32 v7, $0x6  }
0x428: {  	v9 =	vor.u32 v0, v7;
	_ =	sdelay $0x3  }
0x429: {  	v8 =	vld.idx.msk [tilespmem:v8+s17+$0x0], $0xffff  }
0x42a: {  	v10 =	vld.idx.msk [tilespmem:v9+s21+$0x0], $0xffff;
	_ =	sdelay $0x1  }
0x42b: {  	v11 =	vor.u32 v2, v7  }
0x42c: {  	v62 =	vor.u32 v2, v6;
	_ =	sdelay $0x1  }
0x42d: {  	v8 =	vmax.f32 v10, v8  }
0x42e: {  	[tilespmem:v9+s21+$0x0] =	vst.idx.msk $0xffff, v8  }
0x42f: {  	v8 =	vld.idx.msk [tilespmem:v11+s21+$0x0], $0xffff  }
0x430: {  	v9 =	vld.idx.msk [tilespmem:v62+s17+$0x0], $0xffff;
	_ =	sdelay $0x1  }
0x431: {  	v10 =	vor.u32 v3, v7  }
0x432: {  	v63 =	vor.u32 v3, v6;
	_ =	sdelay $0x1  }
0x433: {  	v8 =	vmax.f32 v8, v9  }
0x434: {  	[tilespmem:v11+s21+$0x0] =	vst.idx.msk $0xffff, v8  }
0x435: {  	v8 =	vld.idx.msk [tilespmem:v10+s21+$0x0], $0xffff  }
0x436: {  	v9 =	vld.idx.msk [tilespmem:v63+s17+$0x0], $0xffff;
	_ =	sdelay $0x1  }
0x437: {  	v7 =	vor.u32 v4, v7  }
0x438: {  	v11 =	vor.u32 v4, v6;
	_ =	sdelay $0x1  }
0x439: {  	v6 =	vmax.f32 v8, v9  }
0x43a: {  	[tilespmem:v10+s21+$0x0] =	vst.idx.msk $0xffff, v6  }
0x43b: {  	s25 =	simm.s32 $0x1;
	v9 =	vld.idx.msk [tilespmem:v7+s21+$0x0], $0xffff  }
0x43c: {  	v6 =	vmov s25;
	v10 =	vld.idx.msk [tilespmem:v11+s17+$0x0], $0xffff  }
0x43d: {  	v8 =	vand.u32 $0x1FF, v6;
	v6 =	vshll.u32 v6, $0x6  }
0x43e: {  	s24 =	simm.s32 $0x2;
	v11 =	vadd.s32 $0xDC0, v8;
	v8 =	vor.u32 v0, v6  }
.LBB2_27:
0x43f: {  	p1 =	sne.s32 s24, $0x13F;
	s25 =	smov.u32 s24;
	s24 =	sadd.s32 $0x1, s24  }
0x440: {  	_ = 	snop  }
0x441: {  	v9 =	vmax.f32 v9, v10  }
0x442: {  	[tilespmem:v7+s21+$0x0] =	vst.idx.msk $0xffff, v9  }
0x443: {  	v7 =	vld.idx.msk [tilespmem:v11+s2+$0x0], $0xffff;
	_ =	sdelay $0x5  }
0x444: {  	v7 =	vshll.u32 v7, $0x6  }
0x445: {  	v9 =	vor.u32 v0, v7;
	_ =	sdelay $0x3  }
0x446: {  	v8 =	vld.idx.msk [tilespmem:v8+s17+$0x0], $0xffff  }
0x447: {  	v10 =	vld.idx.msk [tilespmem:v9+s21+$0x0], $0xffff;
	_ =	sdelay $0x2  }
0x448: {  	v12 =	vor.u32 v2, v6;
	v11 =	vor.u32 v2, v7;
	_ =	sdelay $0x2  }
0x449: {  	v8 =	vmax.f32 v10, v8  }
0x44a: {  	[tilespmem:v9+s21+$0x0] =	vst.idx.msk $0xffff, v8  }
0x44b: {  	v8 =	vld.idx.msk [tilespmem:v11+s21+$0x0], $0xffff  }
0x44c: {  	v9 =	vld.idx.msk [tilespmem:v12+s17+$0x0], $0xffff;
	_ =	sdelay $0x2  }
0x44d: {  	v10 =	vor.u32 v3, v7;
	v12 =	vor.u32 v3, v6;
	_ =	sdelay $0x2  }
0x44e: {  	v8 =	vmax.f32 v8, v9  }
0x44f: {  	[tilespmem:v11+s21+$0x0] =	vst.idx.msk $0xffff, v8  }
0x450: {  	v8 =	vld.idx.msk [tilespmem:v10+s21+$0x0], $0xffff  }
0x451: {  	v9 =	vld.idx.msk [tilespmem:v12+s17+$0x0], $0xffff;
	_ =	sdelay $0x2  }
0x452: {  	v7 =	vor.u32 v4, v7;
	v6 =	vor.u32 v4, v6;
	_ =	sdelay $0x2  }
0x453: {  	v8 =	vmax.f32 v8, v9  }
0x454: {  	[tilespmem:v10+s21+$0x0] =	vst.idx.msk $0xffff, v8  }
.Ltmp14:
0x455: {  	v9 =	vld.idx.msk [tilespmem:v7+s21+$0x0], $0xffff;
	(pc) =	sbr.rel @p1 .LBB2_27-.Ltmp14, $4  }
0x456: {  	v10 =	vld.idx.msk [tilespmem:v6+s17+$0x0], $0xffff  }
0x457: {  	v6 =	vmov s25  }
0x458: {  	v8 =	vand.u32 $0x1FF, v6;
	v6 =	vshll.u32 v6, $0x6  }
0x459: {  	v11 =	vadd.s32 $0xDC0, v8;
	v8 =	vor.u32 v0, v6  }
0x45a: {  	_ =	sdelay $0x2  }
0x45b: {  	v9 =	vmax.f32 v9, v10  }
0x45c: {  	[tilespmem:v7+s21+$0x0] =	vst.idx.msk $0xffff, v9  }
0x45d: {  	v7 =	vld.idx.msk [tilespmem:v11+s2+$0x0], $0xffff;
	_ =	sdelay $0x4  }
0x45e: {  	v7 =	vshll.u32 v7, $0x6  }
0x45f: {  	v9 =	vor.u32 v0, v7;
	_ =	sdelay $0x3  }
0x460: {  	v8 =	vld.idx.msk [tilespmem:v8+s17+$0x0], $0xffff  }
0x461: {  	v10 =	vld.idx.msk [tilespmem:v9+s21+$0x0], $0xffff;
	_ =	sdelay $0x1  }
0x462: {  	v11 =	vor.u32 v2, v7  }
0x463: {  	v12 =	vor.u32 v2, v6;
	_ =	sdelay $0x1  }
0x464: {  	v8 =	vmax.f32 v10, v8  }
0x465: {  	[tilespmem:v9+s21+$0x0] =	vst.idx.msk $0xffff, v8  }
0x466: {  	v8 =	vld.idx.msk [tilespmem:v11+s21+$0x0], $0xffff  }
0x467: {  	v9 =	vld.idx.msk [tilespmem:v12+s17+$0x0], $0xffff;
	_ =	sdelay $0x1  }
0x468: {  	v10 =	vor.u32 v3, v7  }
0x469: {  	v61 =	vor.u32 v3, v6;
	_ =	sdelay $0x1  }
0x46a: {  	v8 =	vmax.f32 v8, v9  }
0x46b: {  	[tilespmem:v11+s21+$0x0] =	vst.idx.msk $0xffff, v8  }
0x46c: {  	v8 =	vld.idx.msk [tilespmem:v10+s21+$0x0], $0xffff  }
0x46d: {  	v9 =	vld.idx.msk [tilespmem:v61+s17+$0x0], $0xffff;
	_ =	sdelay $0x1  }
0x46e: {  	v7 =	vor.u32 v4, v7  }
0x46f: {  	v6 =	vor.u32 v4, v6;
	_ =	sdelay $0x1  }
0x470: {  	v8 =	vmax.f32 v8, v9  }
0x471: {  	[tilespmem:v10+s21+$0x0] =	vst.idx.msk $0xffff, v8  }
0x472: {  	v8 =	vld.idx.msk [tilespmem:v7+s21+$0x0], $0xffff  }
0x473: {  	v6 =	vld.idx.msk [tilespmem:v6+s17+$0x0], $0xffff;
	_ =	sdelay $0x4  }
0x474: {  	v6 =	vmax.f32 v8, v6  }
0x475: {  	s24 =	simm.s32 $0x2300;
	[tilespmem:v7+s21+$0x0] =	vst.idx.msk $0xffff, v6  }
0x476: {  	[tilespmem:s17], [sflag:$0x1] =	stream.indirect.gather [spmem:s1], $0x40, s24, s16, $0xb8;
	[tilespmem:$0x1B490] =	vst v63  }
0x477: {  	s25 =	simm.s32 $0x23A0;
	s24 =	simm.s32 $0x0  }
0x478: {  	v6 =	vmov s24;
	[tilespmem:s19], [sflag:$0x1] =	stream.indirect.gather [spmem:s1], $0x40, s25, s16, $0xb8;
	[tilespmem:$0x1B490] =	vst v63  }
0x479: {  	v7 =	vand.u32 $0x1FF, v6;
	_ =	swait.ge [sflag:s20], $0x2800  }
0x47a: {  	v7 =	vadd.s32 $0xF00, v7;
	[sflag:s20] =	ssyncset.done $0x0  }
0x47b: {  	[sflag:s20] =	ssyncadd.s32 $0xFFFFD800  }
0x47c: {  	_ =	swait.ge [sflag:s20], $0x2800  }
0x47d: {  	[sflag:s20] =	ssyncset.done $0x0  }
0x47e: {  	[sflag:s20] =	ssyncadd.s32 $0xFFFFD800  }
0x47f: {  	v7 =	vld.idx.msk [tilespmem:v7+s2+$0x0], $0xffff;
	_ =	sdelay $0x3  }
0x480: {  	v6 =	vshll.u32 v6, $0x6  }
0x481: {  	v8 =	vor.u32 v0, v6;
	v7 =	vshll.u32 v7, $0x6  }
0x482: {  	v9 =	vor.u32 v0, v7;
	_ =	sdelay $0x3  }
0x483: {  	v8 =	vld.idx.msk [tilespmem:v8+s17+$0x0], $0xffff  }
0x484: {  	v10 =	vld.idx.msk [tilespmem:v9+s21+$0x0], $0xffff;
	_ =	sdelay $0x1  }
0x485: {  	v11 =	vor.u32 v2, v7  }
0x486: {  	v62 =	vor.u32 v2, v6;
	_ =	sdelay $0x1  }
0x487: {  	v8 =	vmax.f32 v10, v8  }
0x488: {  	[tilespmem:v9+s21+$0x0] =	vst.idx.msk $0xffff, v8  }
0x489: {  	v8 =	vld.idx.msk [tilespmem:v11+s21+$0x0], $0xffff  }
0x48a: {  	v9 =	vld.idx.msk [tilespmem:v62+s17+$0x0], $0xffff;
	_ =	sdelay $0x1  }
0x48b: {  	v10 =	vor.u32 v3, v7  }
0x48c: {  	v63 =	vor.u32 v3, v6;
	_ =	sdelay $0x1  }
0x48d: {  	v8 =	vmax.f32 v8, v9  }
0x48e: {  	[tilespmem:v11+s21+$0x0] =	vst.idx.msk $0xffff, v8  }
0x48f: {  	v8 =	vld.idx.msk [tilespmem:v10+s21+$0x0], $0xffff  }
0x490: {  	v9 =	vld.idx.msk [tilespmem:v63+s17+$0x0], $0xffff;
	_ =	sdelay $0x1  }
0x491: {  	v7 =	vor.u32 v4, v7  }
0x492: {  	v11 =	vor.u32 v4, v6;
	_ =	sdelay $0x1  }
0x493: {  	v6 =	vmax.f32 v8, v9  }
0x494: {  	[tilespmem:v10+s21+$0x0] =	vst.idx.msk $0xffff, v6  }
0x495: {  	s25 =	simm.s32 $0x1;
	v9 =	vld.idx.msk [tilespmem:v7+s21+$0x0], $0xffff  }
0x496: {  	v6 =	vmov s25;
	v10 =	vld.idx.msk [tilespmem:v11+s17+$0x0], $0xffff  }
0x497: {  	v8 =	vand.u32 $0x1FF, v6;
	v6 =	vshll.u32 v6, $0x6  }
0x498: {  	s24 =	simm.s32 $0x2;
	v11 =	vadd.s32 $0xF00, v8;
	v8 =	vor.u32 v0, v6  }
.LBB2_29:
0x499: {  	p1 =	sne.s32 s24, $0x13F;
	s25 =	smov.u32 s24;
	s24 =	sadd.s32 $0x1, s24  }
0x49a: {  	_ = 	snop  }
0x49b: {  	v9 =	vmax.f32 v9, v10  }
0x49c: {  	[tilespmem:v7+s21+$0x0] =	vst.idx.msk $0xffff, v9  }
0x49d: {  	v7 =	vld.idx.msk [tilespmem:v11+s2+$0x0], $0xffff;
	_ =	sdelay $0x5  }
0x49e: {  	v7 =	vshll.u32 v7, $0x6  }
0x49f: {  	v9 =	vor.u32 v0, v7;
	_ =	sdelay $0x3  }
0x4a0: {  	v8 =	vld.idx.msk [tilespmem:v8+s17+$0x0], $0xffff  }
0x4a1: {  	v10 =	vld.idx.msk [tilespmem:v9+s21+$0x0], $0xffff;
	_ =	sdelay $0x2  }
0x4a2: {  	v12 =	vor.u32 v2, v6;
	v11 =	vor.u32 v2, v7;
	_ =	sdelay $0x2  }
0x4a3: {  	v8 =	vmax.f32 v10, v8  }
0x4a4: {  	[tilespmem:v9+s21+$0x0] =	vst.idx.msk $0xffff, v8  }
0x4a5: {  	v8 =	vld.idx.msk [tilespmem:v11+s21+$0x0], $0xffff  }
0x4a6: {  	v9 =	vld.idx.msk [tilespmem:v12+s17+$0x0], $0xffff;
	_ =	sdelay $0x2  }
0x4a7: {  	v10 =	vor.u32 v3, v7;
	v12 =	vor.u32 v3, v6;
	_ =	sdelay $0x2  }
0x4a8: {  	v8 =	vmax.f32 v8, v9  }
0x4a9: {  	[tilespmem:v11+s21+$0x0] =	vst.idx.msk $0xffff, v8  }
0x4aa: {  	v8 =	vld.idx.msk [tilespmem:v10+s21+$0x0], $0xffff  }
0x4ab: {  	v9 =	vld.idx.msk [tilespmem:v12+s17+$0x0], $0xffff;
	_ =	sdelay $0x2  }
0x4ac: {  	v7 =	vor.u32 v4, v7;
	v6 =	vor.u32 v4, v6;
	_ =	sdelay $0x2  }
0x4ad: {  	v8 =	vmax.f32 v8, v9  }
0x4ae: {  	[tilespmem:v10+s21+$0x0] =	vst.idx.msk $0xffff, v8  }
.Ltmp15:
0x4af: {  	v9 =	vld.idx.msk [tilespmem:v7+s21+$0x0], $0xffff;
	(pc) =	sbr.rel @p1 .LBB2_29-.Ltmp15, $4  }
0x4b0: {  	v10 =	vld.idx.msk [tilespmem:v6+s17+$0x0], $0xffff  }
0x4b1: {  	v6 =	vmov s25  }
0x4b2: {  	v8 =	vand.u32 $0x1FF, v6;
	v6 =	vshll.u32 v6, $0x6  }
0x4b3: {  	v11 =	vadd.s32 $0xF00, v8;
	v8 =	vor.u32 v0, v6  }
0x4b4: {  	_ =	sdelay $0x2  }
0x4b5: {  	v9 =	vmax.f32 v9, v10  }
0x4b6: {  	[tilespmem:v7+s21+$0x0] =	vst.idx.msk $0xffff, v9  }
0x4b7: {  	v7 =	vld.idx.msk [tilespmem:v11+s2+$0x0], $0xffff;
	_ =	sdelay $0x4  }
0x4b8: {  	v7 =	vshll.u32 v7, $0x6  }
0x4b9: {  	v9 =	vor.u32 v0, v7;
	_ =	sdelay $0x3  }
0x4ba: {  	v8 =	vld.idx.msk [tilespmem:v8+s17+$0x0], $0xffff  }
0x4bb: {  	v10 =	vld.idx.msk [tilespmem:v9+s21+$0x0], $0xffff;
	_ =	sdelay $0x1  }
0x4bc: {  	v11 =	vor.u32 v2, v7  }
0x4bd: {  	v12 =	vor.u32 v2, v6;
	_ =	sdelay $0x1  }
0x4be: {  	v8 =	vmax.f32 v10, v8  }
0x4bf: {  	[tilespmem:v9+s21+$0x0] =	vst.idx.msk $0xffff, v8  }
0x4c0: {  	v8 =	vld.idx.msk [tilespmem:v11+s21+$0x0], $0xffff  }
0x4c1: {  	v9 =	vld.idx.msk [tilespmem:v12+s17+$0x0], $0xffff;
	_ =	sdelay $0x1  }
0x4c2: {  	v10 =	vor.u32 v3, v7  }
0x4c3: {  	v61 =	vor.u32 v3, v6;
	_ =	sdelay $0x1  }
0x4c4: {  	v8 =	vmax.f32 v8, v9  }
0x4c5: {  	[tilespmem:v11+s21+$0x0] =	vst.idx.msk $0xffff, v8  }
0x4c6: {  	v8 =	vld.idx.msk [tilespmem:v10+s21+$0x0], $0xffff  }
0x4c7: {  	v9 =	vld.idx.msk [tilespmem:v61+s17+$0x0], $0xffff;
	_ =	sdelay $0x1  }
0x4c8: {  	v7 =	vor.u32 v4, v7  }
0x4c9: {  	v6 =	vor.u32 v4, v6;
	_ =	sdelay $0x1  }
0x4ca: {  	v8 =	vmax.f32 v8, v9  }
0x4cb: {  	[tilespmem:v10+s21+$0x0] =	vst.idx.msk $0xffff, v8  }
0x4cc: {  	v8 =	vld.idx.msk [tilespmem:v7+s21+$0x0], $0xffff  }
0x4cd: {  	v6 =	vld.idx.msk [tilespmem:v6+s17+$0x0], $0xffff;
	_ =	sdelay $0x4  }
0x4ce: {  	v6 =	vmax.f32 v8, v6  }
0x4cf: {  	s24 =	simm.s32 $0x2440;
	[tilespmem:v7+s21+$0x0] =	vst.idx.msk $0xffff, v6  }
0x4d0: {  	[tilespmem:s17], [sflag:$0x1] =	stream.indirect.gather [spmem:s1], $0x40, s24, s16, $0xb8;
	[tilespmem:$0x1B490] =	vst v63  }
0x4d1: {  	s25 =	simm.s32 $0x24E0;
	s24 =	simm.s32 $0x0  }
0x4d2: {  	v6 =	vmov s24;
	[tilespmem:s19], [sflag:$0x1] =	stream.indirect.gather [spmem:s1], $0x40, s25, s16, $0xb8;
	[tilespmem:$0x1B490] =	vst v63  }
0x4d3: {  	v7 =	vand.u32 $0x1FF, v6;
	_ =	swait.ge [sflag:s20], $0x2800  }
0x4d4: {  	v7 =	vadd.s32 $0x1040, v7;
	[sflag:s20] =	ssyncset.done $0x0  }
0x4d5: {  	[sflag:s20] =	ssyncadd.s32 $0xFFFFD800  }
0x4d6: {  	_ =	swait.ge [sflag:s20], $0x2800  }
0x4d7: {  	[sflag:s20] =	ssyncset.done $0x0  }
0x4d8: {  	[sflag:s20] =	ssyncadd.s32 $0xFFFFD800  }
0x4d9: {  	v7 =	vld.idx.msk [tilespmem:v7+s2+$0x0], $0xffff;
	_ =	sdelay $0x3  }
0x4da: {  	v6 =	vshll.u32 v6, $0x6  }
0x4db: {  	v8 =	vor.u32 v0, v6;
	v7 =	vshll.u32 v7, $0x6  }
0x4dc: {  	v9 =	vor.u32 v0, v7;
	_ =	sdelay $0x3  }
0x4dd: {  	v8 =	vld.idx.msk [tilespmem:v8+s17+$0x0], $0xffff  }
0x4de: {  	v10 =	vld.idx.msk [tilespmem:v9+s21+$0x0], $0xffff;
	_ =	sdelay $0x1  }
0x4df: {  	v11 =	vor.u32 v2, v7  }
0x4e0: {  	v62 =	vor.u32 v2, v6;
	_ =	sdelay $0x1  }
0x4e1: {  	v8 =	vmax.f32 v10, v8  }
0x4e2: {  	[tilespmem:v9+s21+$0x0] =	vst.idx.msk $0xffff, v8  }
0x4e3: {  	v8 =	vld.idx.msk [tilespmem:v11+s21+$0x0], $0xffff  }
0x4e4: {  	v9 =	vld.idx.msk [tilespmem:v62+s17+$0x0], $0xffff;
	_ =	sdelay $0x1  }
0x4e5: {  	v10 =	vor.u32 v3, v7  }
0x4e6: {  	v63 =	vor.u32 v3, v6;
	_ =	sdelay $0x1  }
0x4e7: {  	v8 =	vmax.f32 v8, v9  }
0x4e8: {  	[tilespmem:v11+s21+$0x0] =	vst.idx.msk $0xffff, v8  }
0x4e9: {  	v8 =	vld.idx.msk [tilespmem:v10+s21+$0x0], $0xffff  }
0x4ea: {  	v9 =	vld.idx.msk [tilespmem:v63+s17+$0x0], $0xffff;
	_ =	sdelay $0x1  }
0x4eb: {  	v7 =	vor.u32 v4, v7  }
0x4ec: {  	v11 =	vor.u32 v4, v6;
	_ =	sdelay $0x1  }
0x4ed: {  	v6 =	vmax.f32 v8, v9  }
0x4ee: {  	[tilespmem:v10+s21+$0x0] =	vst.idx.msk $0xffff, v6  }
0x4ef: {  	s25 =	simm.s32 $0x1;
	v9 =	vld.idx.msk [tilespmem:v7+s21+$0x0], $0xffff  }
0x4f0: {  	v6 =	vmov s25;
	v10 =	vld.idx.msk [tilespmem:v11+s17+$0x0], $0xffff  }
0x4f1: {  	v8 =	vand.u32 $0x1FF, v6;
	v6 =	vshll.u32 v6, $0x6  }
0x4f2: {  	s24 =	simm.s32 $0x2;
	v11 =	vadd.s32 $0x1040, v8;
	v8 =	vor.u32 v0, v6  }
.LBB2_31:
0x4f3: {  	p1 =	sne.s32 s24, $0x13F;
	s25 =	smov.u32 s24;
	s24 =	sadd.s32 $0x1, s24  }
0x4f4: {  	_ = 	snop  }
0x4f5: {  	v9 =	vmax.f32 v9, v10  }
0x4f6: {  	[tilespmem:v7+s21+$0x0] =	vst.idx.msk $0xffff, v9  }
0x4f7: {  	v7 =	vld.idx.msk [tilespmem:v11+s2+$0x0], $0xffff;
	_ =	sdelay $0x5  }
0x4f8: {  	v7 =	vshll.u32 v7, $0x6  }
0x4f9: {  	v9 =	vor.u32 v0, v7;
	_ =	sdelay $0x3  }
0x4fa: {  	v8 =	vld.idx.msk [tilespmem:v8+s17+$0x0], $0xffff  }
0x4fb: {  	v10 =	vld.idx.msk [tilespmem:v9+s21+$0x0], $0xffff;
	_ =	sdelay $0x2  }
0x4fc: {  	v12 =	vor.u32 v2, v6;
	v11 =	vor.u32 v2, v7;
	_ =	sdelay $0x2  }
0x4fd: {  	v8 =	vmax.f32 v10, v8  }
0x4fe: {  	[tilespmem:v9+s21+$0x0] =	vst.idx.msk $0xffff, v8  }
0x4ff: {  	v8 =	vld.idx.msk [tilespmem:v11+s21+$0x0], $0xffff  }
0x500: {  	v9 =	vld.idx.msk [tilespmem:v12+s17+$0x0], $0xffff;
	_ =	sdelay $0x2  }
0x501: {  	v10 =	vor.u32 v3, v7;
	v12 =	vor.u32 v3, v6;
	_ =	sdelay $0x2  }
0x502: {  	v8 =	vmax.f32 v8, v9  }
0x503: {  	[tilespmem:v11+s21+$0x0] =	vst.idx.msk $0xffff, v8  }
0x504: {  	v8 =	vld.idx.msk [tilespmem:v10+s21+$0x0], $0xffff  }
0x505: {  	v9 =	vld.idx.msk [tilespmem:v12+s17+$0x0], $0xffff;
	_ =	sdelay $0x2  }
0x506: {  	v7 =	vor.u32 v4, v7;
	v6 =	vor.u32 v4, v6;
	_ =	sdelay $0x2  }
0x507: {  	v8 =	vmax.f32 v8, v9  }
0x508: {  	[tilespmem:v10+s21+$0x0] =	vst.idx.msk $0xffff, v8  }
.Ltmp16:
0x509: {  	v9 =	vld.idx.msk [tilespmem:v7+s21+$0x0], $0xffff;
	(pc) =	sbr.rel @p1 .LBB2_31-.Ltmp16, $4  }
0x50a: {  	v10 =	vld.idx.msk [tilespmem:v6+s17+$0x0], $0xffff  }
0x50b: {  	v6 =	vmov s25  }
0x50c: {  	v8 =	vand.u32 $0x1FF, v6;
	v6 =	vshll.u32 v6, $0x6  }
0x50d: {  	v11 =	vadd.s32 $0x1040, v8;
	v8 =	vor.u32 v0, v6  }
0x50e: {  	_ =	sdelay $0x2  }
0x50f: {  	v9 =	vmax.f32 v9, v10  }
0x510: {  	[tilespmem:v7+s21+$0x0] =	vst.idx.msk $0xffff, v9  }
0x511: {  	v7 =	vld.idx.msk [tilespmem:v11+s2+$0x0], $0xffff;
	_ =	sdelay $0x4  }
0x512: {  	v7 =	vshll.u32 v7, $0x6  }
0x513: {  	v9 =	vor.u32 v0, v7;
	_ =	sdelay $0x3  }
0x514: {  	v8 =	vld.idx.msk [tilespmem:v8+s17+$0x0], $0xffff  }
0x515: {  	v10 =	vld.idx.msk [tilespmem:v9+s21+$0x0], $0xffff;
	_ =	sdelay $0x1  }
0x516: {  	v11 =	vor.u32 v2, v7  }
0x517: {  	v12 =	vor.u32 v2, v6;
	_ =	sdelay $0x1  }
0x518: {  	v8 =	vmax.f32 v10, v8  }
0x519: {  	[tilespmem:v9+s21+$0x0] =	vst.idx.msk $0xffff, v8  }
0x51a: {  	v8 =	vld.idx.msk [tilespmem:v11+s21+$0x0], $0xffff  }
0x51b: {  	v9 =	vld.idx.msk [tilespmem:v12+s17+$0x0], $0xffff;
	_ =	sdelay $0x1  }
0x51c: {  	v10 =	vor.u32 v3, v7  }
0x51d: {  	v61 =	vor.u32 v3, v6;
	_ =	sdelay $0x1  }
0x51e: {  	v8 =	vmax.f32 v8, v9  }
0x51f: {  	[tilespmem:v11+s21+$0x0] =	vst.idx.msk $0xffff, v8  }
0x520: {  	v8 =	vld.idx.msk [tilespmem:v10+s21+$0x0], $0xffff  }
0x521: {  	v9 =	vld.idx.msk [tilespmem:v61+s17+$0x0], $0xffff;
	_ =	sdelay $0x1  }
0x522: {  	v7 =	vor.u32 v4, v7  }
0x523: {  	v6 =	vor.u32 v4, v6;
	_ =	sdelay $0x1  }
0x524: {  	v8 =	vmax.f32 v8, v9  }
0x525: {  	[tilespmem:v10+s21+$0x0] =	vst.idx.msk $0xffff, v8  }
0x526: {  	v8 =	vld.idx.msk [tilespmem:v7+s21+$0x0], $0xffff  }
0x527: {  	v6 =	vld.idx.msk [tilespmem:v6+s17+$0x0], $0xffff;
	_ =	sdelay $0x4  }
0x528: {  	v6 =	vmax.f32 v8, v6  }
0x529: {  	s24 =	simm.s32 $0x2580;
	[tilespmem:v7+s21+$0x0] =	vst.idx.msk $0xffff, v6  }
0x52a: {  	[tilespmem:s17], [sflag:$0x1] =	stream.indirect.gather [spmem:s1], $0x40, s24, s16, $0xb8;
	[tilespmem:$0x1B490] =	vst v63  }
0x52b: {  	s25 =	simm.s32 $0x0  }
0x52c: {  	v6 =	vmov s25;
	[tilespmem:s19], [sflag:$0x1] =	stream.indirect.gather [spmem:s1], $0x40, s11, s16, $0xb8;
	[tilespmem:$0x1B490] =	vst v63  }
0x52d: {  	v7 =	vand.u32 $0x1FF, v6;
	_ =	swait.ge [sflag:s20], $0x2800  }
0x52e: {  	v7 =	vadd.s32 $0x1180, v7;
	[sflag:s20] =	ssyncset.done $0x0  }
0x52f: {  	[sflag:s20] =	ssyncadd.s32 $0xFFFFD800  }
0x530: {  	_ =	swait.ge [sflag:s20], $0x2800  }
0x531: {  	[sflag:s20] =	ssyncset.done $0x0  }
0x532: {  	[sflag:s20] =	ssyncadd.s32 $0xFFFFD800  }
0x533: {  	v7 =	vld.idx.msk [tilespmem:v7+s2+$0x0], $0xffff;
	_ =	sdelay $0x3  }
0x534: {  	v6 =	vshll.u32 v6, $0x6  }
0x535: {  	v8 =	vor.u32 v0, v6;
	v7 =	vshll.u32 v7, $0x6  }
0x536: {  	v9 =	vor.u32 v0, v7;
	_ =	sdelay $0x3  }
0x537: {  	v8 =	vld.idx.msk [tilespmem:v8+s17+$0x0], $0xffff  }
0x538: {  	v10 =	vld.idx.msk [tilespmem:v9+s21+$0x0], $0xffff;
	_ =	sdelay $0x1  }
0x539: {  	v11 =	vor.u32 v2, v7  }
0x53a: {  	v62 =	vor.u32 v2, v6;
	_ =	sdelay $0x1  }
0x53b: {  	v8 =	vmax.f32 v10, v8  }
0x53c: {  	[tilespmem:v9+s21+$0x0] =	vst.idx.msk $0xffff, v8  }
0x53d: {  	v8 =	vld.idx.msk [tilespmem:v11+s21+$0x0], $0xffff  }
0x53e: {  	v9 =	vld.idx.msk [tilespmem:v62+s17+$0x0], $0xffff;
	_ =	sdelay $0x1  }
0x53f: {  	v10 =	vor.u32 v3, v7  }
0x540: {  	v63 =	vor.u32 v3, v6;
	_ =	sdelay $0x1  }
0x541: {  	v8 =	vmax.f32 v8, v9  }
0x542: {  	[tilespmem:v11+s21+$0x0] =	vst.idx.msk $0xffff, v8  }
0x543: {  	v8 =	vld.idx.msk [tilespmem:v10+s21+$0x0], $0xffff  }
0x544: {  	v9 =	vld.idx.msk [tilespmem:v63+s17+$0x0], $0xffff;
	_ =	sdelay $0x1  }
0x545: {  	v7 =	vor.u32 v4, v7  }
0x546: {  	v11 =	vor.u32 v4, v6;
	_ =	sdelay $0x1  }
0x547: {  	v6 =	vmax.f32 v8, v9  }
0x548: {  	[tilespmem:v10+s21+$0x0] =	vst.idx.msk $0xffff, v6  }
0x549: {  	s25 =	simm.s32 $0x1;
	v9 =	vld.idx.msk [tilespmem:v7+s21+$0x0], $0xffff  }
0x54a: {  	v6 =	vmov s25;
	v10 =	vld.idx.msk [tilespmem:v11+s17+$0x0], $0xffff  }
0x54b: {  	v8 =	vand.u32 $0x1FF, v6;
	v6 =	vshll.u32 v6, $0x6  }
0x54c: {  	s24 =	simm.s32 $0x2;
	v11 =	vadd.s32 $0x1180, v8;
	v8 =	vor.u32 v0, v6  }
.LBB2_33:
0x54d: {  	p1 =	sne.s32 s24, $0x13F;
	s25 =	smov.u32 s24;
	s24 =	sadd.s32 $0x1, s24  }
0x54e: {  	_ = 	snop  }
0x54f: {  	v9 =	vmax.f32 v9, v10  }
0x550: {  	[tilespmem:v7+s21+$0x0] =	vst.idx.msk $0xffff, v9  }
0x551: {  	v7 =	vld.idx.msk [tilespmem:v11+s2+$0x0], $0xffff;
	_ =	sdelay $0x5  }
0x552: {  	v7 =	vshll.u32 v7, $0x6  }
0x553: {  	v9 =	vor.u32 v0, v7;
	_ =	sdelay $0x3  }
0x554: {  	v8 =	vld.idx.msk [tilespmem:v8+s17+$0x0], $0xffff  }
0x555: {  	v10 =	vld.idx.msk [tilespmem:v9+s21+$0x0], $0xffff;
	_ =	sdelay $0x2  }
0x556: {  	v12 =	vor.u32 v2, v6;
	v11 =	vor.u32 v2, v7;
	_ =	sdelay $0x2  }
0x557: {  	v8 =	vmax.f32 v10, v8  }
0x558: {  	[tilespmem:v9+s21+$0x0] =	vst.idx.msk $0xffff, v8  }
0x559: {  	v8 =	vld.idx.msk [tilespmem:v11+s21+$0x0], $0xffff  }
0x55a: {  	v9 =	vld.idx.msk [tilespmem:v12+s17+$0x0], $0xffff;
	_ =	sdelay $0x2  }
0x55b: {  	v10 =	vor.u32 v3, v7;
	v12 =	vor.u32 v3, v6;
	_ =	sdelay $0x2  }
0x55c: {  	v8 =	vmax.f32 v8, v9  }
0x55d: {  	[tilespmem:v11+s21+$0x0] =	vst.idx.msk $0xffff, v8  }
0x55e: {  	v8 =	vld.idx.msk [tilespmem:v10+s21+$0x0], $0xffff  }
0x55f: {  	v9 =	vld.idx.msk [tilespmem:v12+s17+$0x0], $0xffff;
	_ =	sdelay $0x2  }
0x560: {  	v7 =	vor.u32 v4, v7;
	v6 =	vor.u32 v4, v6;
	_ =	sdelay $0x2  }
0x561: {  	v8 =	vmax.f32 v8, v9  }
0x562: {  	[tilespmem:v10+s21+$0x0] =	vst.idx.msk $0xffff, v8  }
.Ltmp17:
0x563: {  	v9 =	vld.idx.msk [tilespmem:v7+s21+$0x0], $0xffff;
	(pc) =	sbr.rel @p1 .LBB2_33-.Ltmp17, $4  }
0x564: {  	v10 =	vld.idx.msk [tilespmem:v6+s17+$0x0], $0xffff  }
0x565: {  	v6 =	vmov s25  }
0x566: {  	v8 =	vand.u32 $0x1FF, v6;
	v6 =	vshll.u32 v6, $0x6  }
0x567: {  	v11 =	vadd.s32 $0x1180, v8;
	v8 =	vor.u32 v0, v6  }
0x568: {  	_ =	sdelay $0x2  }
0x569: {  	v9 =	vmax.f32 v9, v10  }
0x56a: {  	[tilespmem:v7+s21+$0x0] =	vst.idx.msk $0xffff, v9  }
0x56b: {  	v7 =	vld.idx.msk [tilespmem:v11+s2+$0x0], $0xffff;
	_ =	sdelay $0x4  }
0x56c: {  	v7 =	vshll.u32 v7, $0x6  }
0x56d: {  	v9 =	vor.u32 v0, v7;
	_ =	sdelay $0x3  }
0x56e: {  	v8 =	vld.idx.msk [tilespmem:v8+s17+$0x0], $0xffff  }
0x56f: {  	v10 =	vld.idx.msk [tilespmem:v9+s21+$0x0], $0xffff;
	_ =	sdelay $0x1  }
0x570: {  	v11 =	vor.u32 v2, v7  }
0x571: {  	v12 =	vor.u32 v2, v6;
	_ =	sdelay $0x1  }
0x572: {  	v8 =	vmax.f32 v10, v8  }
0x573: {  	[tilespmem:v9+s21+$0x0] =	vst.idx.msk $0xffff, v8  }
0x574: {  	v8 =	vld.idx.msk [tilespmem:v11+s21+$0x0], $0xffff  }
0x575: {  	v9 =	vld.idx.msk [tilespmem:v12+s17+$0x0], $0xffff;
	_ =	sdelay $0x1  }
0x576: {  	v10 =	vor.u32 v3, v7  }
0x577: {  	v61 =	vor.u32 v3, v6;
	_ =	sdelay $0x1  }
0x578: {  	v8 =	vmax.f32 v8, v9  }
0x579: {  	[tilespmem:v11+s21+$0x0] =	vst.idx.msk $0xffff, v8  }
0x57a: {  	v8 =	vld.idx.msk [tilespmem:v10+s21+$0x0], $0xffff  }
0x57b: {  	v9 =	vld.idx.msk [tilespmem:v61+s17+$0x0], $0xffff;
	_ =	sdelay $0x1  }
0x57c: {  	v7 =	vor.u32 v4, v7  }
0x57d: {  	v6 =	vor.u32 v4, v6;
	_ =	sdelay $0x1  }
0x57e: {  	v8 =	vmax.f32 v8, v9  }
0x57f: {  	[tilespmem:v10+s21+$0x0] =	vst.idx.msk $0xffff, v8  }
0x580: {  	v8 =	vld.idx.msk [tilespmem:v7+s21+$0x0], $0xffff  }
0x581: {  	v6 =	vld.idx.msk [tilespmem:v6+s17+$0x0], $0xffff;
	_ =	sdelay $0x4  }
0x582: {  	v6 =	vmax.f32 v8, v6  }
0x583: {  	[tilespmem:v7+s21+$0x0] =	vst.idx.msk $0xffff, v6  }
0x584: {  	[tilespmem:s17], [sflag:$0x1] =	stream.indirect.gather [spmem:s1], $0x40, s12, s16, $0xb8;
	[tilespmem:$0x1B490] =	vst v63  }
0x585: {  	s24 =	simm.s32 $0x0  }
0x586: {  	v6 =	vmov s24;
	[tilespmem:s19], [sflag:$0x1] =	stream.indirect.gather [spmem:s1], $0x40, s13, s16, $0xb8;
	[tilespmem:$0x1B490] =	vst v63  }
0x587: {  	v7 =	vand.u32 $0x1FF, v6;
	_ =	swait.ge [sflag:s20], $0x2800  }
0x588: {  	v7 =	vadd.s32 $0x12C0, v7;
	[sflag:s20] =	ssyncset.done $0x0  }
0x589: {  	[sflag:s20] =	ssyncadd.s32 $0xFFFFD800  }
0x58a: {  	_ =	swait.ge [sflag:s20], $0x2800  }
0x58b: {  	[sflag:s20] =	ssyncset.done $0x0  }
0x58c: {  	[sflag:s20] =	ssyncadd.s32 $0xFFFFD800  }
0x58d: {  	v7 =	vld.idx.msk [tilespmem:v7+s2+$0x0], $0xffff;
	_ =	sdelay $0x3  }
0x58e: {  	v6 =	vshll.u32 v6, $0x6  }
0x58f: {  	v8 =	vor.u32 v0, v6;
	v7 =	vshll.u32 v7, $0x6  }
0x590: {  	v9 =	vor.u32 v0, v7;
	_ =	sdelay $0x3  }
0x591: {  	v8 =	vld.idx.msk [tilespmem:v8+s17+$0x0], $0xffff  }
0x592: {  	v10 =	vld.idx.msk [tilespmem:v9+s21+$0x0], $0xffff;
	_ =	sdelay $0x1  }
0x593: {  	v11 =	vor.u32 v2, v7  }
0x594: {  	v62 =	vor.u32 v2, v6;
	_ =	sdelay $0x1  }
0x595: {  	v8 =	vmax.f32 v10, v8  }
0x596: {  	[tilespmem:v9+s21+$0x0] =	vst.idx.msk $0xffff, v8  }
0x597: {  	v8 =	vld.idx.msk [tilespmem:v11+s21+$0x0], $0xffff  }
0x598: {  	v9 =	vld.idx.msk [tilespmem:v62+s17+$0x0], $0xffff;
	_ =	sdelay $0x1  }
0x599: {  	v10 =	vor.u32 v3, v7  }
0x59a: {  	v63 =	vor.u32 v3, v6;
	_ =	sdelay $0x1  }
0x59b: {  	v8 =	vmax.f32 v8, v9  }
0x59c: {  	[tilespmem:v11+s21+$0x0] =	vst.idx.msk $0xffff, v8  }
0x59d: {  	v8 =	vld.idx.msk [tilespmem:v10+s21+$0x0], $0xffff  }
0x59e: {  	v9 =	vld.idx.msk [tilespmem:v63+s17+$0x0], $0xffff;
	_ =	sdelay $0x1  }
0x59f: {  	v7 =	vor.u32 v4, v7  }
0x5a0: {  	v11 =	vor.u32 v4, v6;
	_ =	sdelay $0x1  }
0x5a1: {  	v6 =	vmax.f32 v8, v9  }
0x5a2: {  	[tilespmem:v10+s21+$0x0] =	vst.idx.msk $0xffff, v6  }
0x5a3: {  	s25 =	simm.s32 $0x1;
	v9 =	vld.idx.msk [tilespmem:v7+s21+$0x0], $0xffff  }
0x5a4: {  	v6 =	vmov s25;
	v10 =	vld.idx.msk [tilespmem:v11+s17+$0x0], $0xffff  }
0x5a5: {  	v8 =	vand.u32 $0x1FF, v6;
	v6 =	vshll.u32 v6, $0x6  }
0x5a6: {  	s24 =	simm.s32 $0x2;
	v11 =	vadd.s32 $0x12C0, v8;
	v8 =	vor.u32 v0, v6  }
.LBB2_35:
0x5a7: {  	p1 =	sne.s32 s24, $0x13F;
	s25 =	smov.u32 s24;
	s24 =	sadd.s32 $0x1, s24  }
0x5a8: {  	_ = 	snop  }
0x5a9: {  	v9 =	vmax.f32 v9, v10  }
0x5aa: {  	[tilespmem:v7+s21+$0x0] =	vst.idx.msk $0xffff, v9  }
0x5ab: {  	v7 =	vld.idx.msk [tilespmem:v11+s2+$0x0], $0xffff;
	_ =	sdelay $0x5  }
0x5ac: {  	v7 =	vshll.u32 v7, $0x6  }
0x5ad: {  	v9 =	vor.u32 v0, v7;
	_ =	sdelay $0x3  }
0x5ae: {  	v8 =	vld.idx.msk [tilespmem:v8+s17+$0x0], $0xffff  }
0x5af: {  	v10 =	vld.idx.msk [tilespmem:v9+s21+$0x0], $0xffff;
	_ =	sdelay $0x2  }
0x5b0: {  	v12 =	vor.u32 v2, v6;
	v11 =	vor.u32 v2, v7;
	_ =	sdelay $0x2  }
0x5b1: {  	v8 =	vmax.f32 v10, v8  }
0x5b2: {  	[tilespmem:v9+s21+$0x0] =	vst.idx.msk $0xffff, v8  }
0x5b3: {  	v8 =	vld.idx.msk [tilespmem:v11+s21+$0x0], $0xffff  }
0x5b4: {  	v9 =	vld.idx.msk [tilespmem:v12+s17+$0x0], $0xffff;
	_ =	sdelay $0x2  }
0x5b5: {  	v10 =	vor.u32 v3, v7;
	v12 =	vor.u32 v3, v6;
	_ =	sdelay $0x2  }
0x5b6: {  	v8 =	vmax.f32 v8, v9  }
0x5b7: {  	[tilespmem:v11+s21+$0x0] =	vst.idx.msk $0xffff, v8  }
0x5b8: {  	v8 =	vld.idx.msk [tilespmem:v10+s21+$0x0], $0xffff  }
0x5b9: {  	v9 =	vld.idx.msk [tilespmem:v12+s17+$0x0], $0xffff;
	_ =	sdelay $0x2  }
0x5ba: {  	v7 =	vor.u32 v4, v7;
	v6 =	vor.u32 v4, v6;
	_ =	sdelay $0x2  }
0x5bb: {  	v8 =	vmax.f32 v8, v9  }
0x5bc: {  	[tilespmem:v10+s21+$0x0] =	vst.idx.msk $0xffff, v8  }
.Ltmp18:
0x5bd: {  	v9 =	vld.idx.msk [tilespmem:v7+s21+$0x0], $0xffff;
	(pc) =	sbr.rel @p1 .LBB2_35-.Ltmp18, $4  }
0x5be: {  	v10 =	vld.idx.msk [tilespmem:v6+s17+$0x0], $0xffff  }
0x5bf: {  	v6 =	vmov s25  }
0x5c0: {  	v8 =	vand.u32 $0x1FF, v6;
	v6 =	vshll.u32 v6, $0x6  }
0x5c1: {  	v11 =	vadd.s32 $0x12C0, v8;
	v8 =	vor.u32 v0, v6  }
0x5c2: {  	_ =	sdelay $0x2  }
0x5c3: {  	v9 =	vmax.f32 v9, v10  }
0x5c4: {  	[tilespmem:v7+s21+$0x0] =	vst.idx.msk $0xffff, v9  }
0x5c5: {  	v7 =	vld.idx.msk [tilespmem:v11+s2+$0x0], $0xffff;
	_ =	sdelay $0x4  }
0x5c6: {  	v7 =	vshll.u32 v7, $0x6  }
0x5c7: {  	v58 =	vor.u32 v0, v7;
	_ =	sdelay $0x3  }
0x5c8: {  	v8 =	vld.idx.msk [tilespmem:v8+s17+$0x0], $0xffff  }
0x5c9: {  	v59 =	vld.idx.msk [tilespmem:v58+s21+$0x0], $0xffff;
	_ =	sdelay $0x1  }
0x5ca: {  	v60 =	vor.u32 v2, v7  }
0x5cb: {  	v12 =	vor.u32 v2, v6;
	_ =	sdelay $0x1  }
0x5cc: {  	v8 =	vmax.f32 v59, v8  }
0x5cd: {  	[tilespmem:v58+s21+$0x0] =	vst.idx.msk $0xffff, v8  }
0x5ce: {  	v8 =	vld.idx.msk [tilespmem:v60+s21+$0x0], $0xffff  }
0x5cf: {  	v9 =	vld.idx.msk [tilespmem:v12+s17+$0x0], $0xffff;
	_ =	sdelay $0x1  }
0x5d0: {  	v61 =	vor.u32 v3, v7  }
0x5d1: {  	v62 =	vor.u32 v3, v6;
	_ =	sdelay $0x1  }
0x5d2: {  	v8 =	vmax.f32 v8, v9  }
0x5d3: {  	[tilespmem:v60+s21+$0x0] =	vst.idx.msk $0xffff, v8  }
0x5d4: {  	v8 =	vld.idx.msk [tilespmem:v61+s21+$0x0], $0xffff  }
0x5d5: {  	v63 =	vld.idx.msk [tilespmem:v62+s17+$0x0], $0xffff;
	_ =	sdelay $0x1  }
0x5d6: {  	v7 =	vor.u32 v4, v7  }
0x5d7: {  	v6 =	vor.u32 v4, v6;
	_ =	sdelay $0x1  }
0x5d8: {  	v8 =	vmax.f32 v8, v63  }
0x5d9: {  	[tilespmem:v61+s21+$0x0] =	vst.idx.msk $0xffff, v8  }
0x5da: {  	v8 =	vld.idx.msk [tilespmem:v7+s21+$0x0], $0xffff  }
0x5db: {  	s23 =	sadd.s32 $0x1, s23;
	v6 =	vld.idx.msk [tilespmem:v6+s17+$0x0], $0xffff  }
0x5dc: {  	p1 =	sne.s32 s23, $0x5  }
.Ltmp19:
0x5dd: {  	_ = 	snop;
	(pc) =	sbr.rel @p1 .LBB2_4-.Ltmp19, $3  }
0x5de: {  	_ =	sdelay $0x1  }
0x5df: {  	v6 =	vmax.f32 v8, v6  }
0x5e0: {  	[tilespmem:v7+s21+$0x0] =	vst.idx.msk $0xffff, v6  }
0x5e1: {  	s22 =	simm.s32 $0x0;
	s0 =	rddreg [dreg:$0x5];
	s7 =	simm.s32 $0x11840  }
0x5e2: {  	[tilespmem:s7], [sflag:$0x2] =	stream.linear.gather [hbm4b:s0+s22], $0x10, $0x38;
	[tilespmem:$0x1B490] =	vst v63  }
0x5e3: {  	_ =	swait.ge [sflag:s14], $0x10  }
0x5e4: {  	[sflag:s14] =	ssyncset.done $0x0  }
0x5e5: {  	[sflag:s14] =	ssyncadd.s32 $0xFFFFFFF0  }
0x5e6: {  	v6 =	vld [tilespmem:$0x11840];
	_ =	sdelay $0x4  }
0x5e7: {  	v7 =	vand.u32 $0x1, v6  }
0x5e8: {  	vm0 =	veq.s32 v7, $0x0;
	v7 =	vand.u32 $0x2, v6  }
0x5e9: {  	vm5 =	veq.s32 v7, $0x0;
	v7 =	vand.u32 $0x4, v6  }
0x5ea: {  	v8 =	vsel vm0, $0x0, v5;
	vm6 =	veq.s32 v7, $0x0;
	v7 =	vand.u32 $0x8, v6  }
0x5eb: {  	(xrf0) =	vmax.scan.msk.f32 $0xffff, v8;
	v52 =	vsel vm5, $0x0, v5;
	vm7 =	veq.s32 v7, $0x0;
	v7 =	vand.u32 $0x10, v6  }
0x5ec: {  	(xrf0) =	vmax.scan.msk.f32 $0xffff, v52;
	v53 =	vsel vm6, $0x0, v5;
	vm8 =	veq.s32 v7, $0x0;
	v7 =	vand.u32 $0x20, v6  }
0x5ed: {  	(xrf0) =	vmax.scan.msk.f32 $0xffff, v53;
	v54 =	vsel vm7, $0x0, v5;
	vm9 =	veq.s32 v7, $0x0;
	v7 =	vand.u32 $0x40, v6  }
0x5ee: {  	(xrf0) =	vmax.scan.msk.f32 $0xffff, v54;
	v55 =	vsel vm8, $0x0, v5;
	vm10 =	veq.s32 v7, $0x0;
	v7 =	vand.u32 $0x80, v6  }
0x5ef: {  	(xrf0) =	vmax.scan.msk.f32 $0xffff, v55;
	v56 =	vsel vm9, $0x0, v5;
	vm11 =	veq.s32 v7, $0x0;
	v7 =	vand.u32 $0x100, v6  }
0x5f0: {  	(xrf0) =	vmax.scan.msk.f32 $0xffff, v56;
	v57 =	vsel vm10, $0x0, v5  }
0x5f1: {  	v9, _, _ =	vpop (xrf0);
	(xrf0) =	vmax.scan.msk.f32 $0xffff, v57  }
0x5f2: {  	v60 =	vand.u32 $0x200, v6;
	vm12 =	veq.s32 v7, $0x0;
	(v2sf) =	vpush v9, $0xF;
	v7, _, _ =	vpop (xrf0)  }
0x5f3: {  	v62 =	vand.u32 $0x400, v6;
	v58 =	vsel vm11, $0x0, v5;
	(v2sf) =	vpush v7, $0xF;
	v7, _, _ =	vpop (xrf0)  }
0x5f4: {  	vm13 =	veq.s32 v60, $0x0;
	v59 =	vsel vm12, $0x0, v5;
	(xrf0) =	vmax.scan.msk.f32 $0xffff, v58;
	v61, _, _ =	vpop (xrf0);
	(v2sf) =	vpush v7, $0xF  }
0x5f5: {  	vm14 =	veq.s32 v62, $0x0;
	v8 =	vsel vm13, $0x0, v5;
	(xrf0) =	vmax.scan.msk.f32 $0xffff, v59;
	v7, _, _ =	vpop (xrf0);
	(v2sf) =	vpush v61, $0xF  }
0x5f6: {  	(xrf0) =	vmax.scan.msk.f32 $0xffff, v8;
	v8 =	vsel vm14, $0x0, v5;
	(v2sf) =	vpush v7, $0xF;
	v7, _, _ =	vpop (xrf0)  }
0x5f7: {  	v63, _, _ =	vpop (xrf0);
	(xrf0) =	vmax.scan.msk.f32 $0xffff, v8;
	_ =	sdelay $0x1  }
0x5f8: {  	(v2sf) =	vpush v7, $0xF  }
0x5f9: {  	v6 =	vand.u32 $0x800, v6;
	v7, _, _ =	vpop (xrf0);
	(v2sf) =	vpush v63, $0xF  }
0x5fa: {  	vm15 =	veq.s32 v6, $0x0;
	(v2sf) =	vpush v7, $0xF;
	v7, _, _ =	vpop (xrf0)  }
0x5fb: {  	v6 =	vsel vm15, $0x0, v5;
	(v2sf) =	vpush v7, $0xF;
	v7, _, _ =	vpop (xrf0)  }
0x5fc: {  	(v2sf) =	vpush v7, $0xF;
	v7, _, _ =	vpop (xrf0);
	(xrf0) =	vmax.scan.msk.f32 $0xffff, v6;
	_ =	sdelay $0x5  }
0x5fd: {  	s31 =	simm.s32 $0x1;
	(v2sf) =	vpush v7, $0xF;
	s23 =	spop (v2sf);
	v6, _, _ =	vpop (xrf0)  }
0x5fe: {  	s9 =	simm.s32 $0x20;
	p1 =	sgt.f32 s23, $0.0e+00;
	s24 =	spop (v2sf);
	(v2sf) =	vpush v6, $0xF  }
0x5ff: {  	s0 =	simm.s32 $0x2;
	s25 =	spop (v2sf);
	p2 =	sgt.f32 s24, $0.0e+00  }
0x600: {  	s7 =	simm.s32 $0x8;
	s31 =	simm.s32 @!p1 $0x0;
	s26 =	spop (v2sf)  }
0x601: {  	p1 =	sgt.f32 s25, $0.0e+00;
	s28 =	spop (v2sf);
	s0 =	simm.s32 @!p2 $0x0  }
0x602: {  	p2 =	sgt.f32 s26, $0.0e+00;
	s26 =	simm.s32 $0x4;
	s29 =	spop (v2sf)  }
0x603: {  	s26 =	simm.s32 @!p1 $0x0;
	p1 =	sgt.f32 s28, $0.0e+00;
	s0 =	sor.u32 s31, s0  }
0x604: {  	s30 =	spop (v2sf);
	s7 =	simm.s32 @!p2 $0x0;
	p2 =	sgt.f32 s29, $0.0e+00  }
0x605: {  	s29 =	simm.s32 $0x10;
	s0 =	sor.u32 s26, s0;
	s23 =	spop (v2sf)  }
0x606: {  	s29 =	simm.s32 @!p1 $0x0;
	p1 =	sgt.f32 s30, $0.0e+00;
	s30 =	simm.s32 $0x80  }
0x607: {  	s0 =	sor.u32 s7, s0;
	s7 =	simm.s32 $0x100;
	s24 =	spop (v2sf)  }
0x608: {  	s9 =	simm.s32 @!p2 $0x0;
	p2 =	sgt.f32 s23, $0.0e+00;
	s23 =	simm.s32 $0x40  }
0x609: {  	s0 =	sor.u32 s29, s0;
	s25 =	spop (v2sf);
	s23 =	simm.s32 @!p1 $0x0  }
0x60a: {  	p1 =	sgt.f32 s24, $0.0e+00;
	s24 =	simm.s32 $0x200;
	s0 =	sor.u32 s9, s0  }
0x60b: {  	s30 =	simm.s32 @!p2 $0x0;
	p2 =	sgt.f32 s25, $0.0e+00;
	s0 =	sor.u32 s23, s0  }
0x60c: {  	s23 =	simm.s32 $0x400;
	s7 =	simm.s32 @!p1 $0x0;
	s28 =	spop (v2sf)  }
0x60d: {  	s0 =	sadd.s32 s30, s0;
	p1 =	sgt.f32 s28, $0.0e+00;
	s26 =	spop (v2sf)  }
0x60e: {  	s24 =	simm.s32 @!p2 $0x0;
	s0 =	sadd.s32 s7, s0;
	p2 =	sgt.f32 s26, $0.0e+00  }
0x60f: {  	s7 =	simm.s32 $0x800;
	s0 =	sadd.s32 s24, s0;
	s23 =	simm.s32 @!p1 $0x0  }
0x610: {  	s0 =	sadd.s32 s23, s0;
	s7 =	simm.s32 @!p2 $0x0  }
0x611: {  	s23 =	sadd.s32 s7, s0  }
0x612: {  	p1 =	seq.s32 s23, $0x0  }
.Ltmp20:
0x613: {  	_ = 	snop;
	(pc) =	sbr.rel @p1 .LBB2_41-.Ltmp20, $3  }
0x614: {  	_ =	sdelay $0x1  }
0x615: {  	s31 =	simm.s32 $0x1860;
	s29 =	simm.s32 $0x1720;
	s9 =	simm.s32 $0x1540  }
0x616: {  	s30 =	simm.s32 $0x17C0;
	s28 =	simm.s32 $0x1680;
	s24 =	simm.s32 $0x0  }
.LBB2_38:
0x617: {  	s0 =	smul.u32 $0x140, s24;
	_ =	sdelay $0x1  }
0x618: {  	s0 =	sadd.s32 s10, s0  }
0x619: {  	s0 =	sshrl.u32 s0, $0x3  }
0x61a: {  	s7 =	sadd.s32 s5, s0  }
0x61b: {  	[tilespmem:s22], [sflag:$0x2] =	stream.linear.gather [hbm4b:s7+s22], $0x140, $0x38;
	[tilespmem:$0x1B490] =	vst v63  }
0x61c: {  	_ =	swait.ge [sflag:s14], $0x140  }
0x61d: {  	[sflag:s14] =	ssyncset.done $0x0  }
0x61e: {  	s0 =	sadd.s32 s6, s0;
	[sflag:s14] =	ssyncadd.s32 $0xFFFFFEC0  }
0x61f: {  	[tilespmem:s15], [sflag:$0x2] =	stream.linear.gather [hbm4b:s0+s22], $0x140, $0x38;
	[tilespmem:$0x1B490] =	vst v63  }
0x620: {  	_ =	swait.ge [sflag:s14], $0x140  }
0x621: {  	[sflag:s14] =	ssyncset.done $0x0  }
0x622: {  	[sflag:s14] =	ssyncadd.s32 $0xFFFFFEC0  }
0x623: {  	[tilespmem:s17], [sflag:$0x1] =	stream.indirect.gather [spmem:s1], $0x40, s15, s16, $0xb8;
	[tilespmem:$0x1B490] =	vst v63  }
0x624: {  	_ = 	snop  }
0x625: {  	[tilespmem:s19], [sflag:$0x1] =	stream.indirect.gather [spmem:s1], $0x40, s18, s16, $0xb8;
	[tilespmem:$0x1B490] =	vst v63  }
0x626: {  	_ =	swait.ge [sflag:s20], $0x2800  }
0x627: {  	v6 =	vmov s22;
	[sflag:s20] =	ssyncset.done $0x0  }
0x628: {  	[sflag:s20] =	ssyncadd.s32 $0xFFFFD800  }
0x629: {  	_ =	swait.ge [sflag:s20], $0x2800  }
0x62a: {  	[sflag:s20] =	ssyncset.done $0x0  }
0x62b: {  	[sflag:s20] =	ssyncadd.s32 $0xFFFFD800  }
0x62c: {  	v7 =	vld.idx.msk [tilespmem:v6+s2+$0x0], $0xffff;
	_ =	sdelay $0x3  }
0x62d: {  	v8 =	vshll.u32 v6, $0x6  }
0x62e: {  	v6 =	vshll.u32 v7, $0x6;
	v7 =	vor.u32 v0, v8  }
0x62f: {  	v9 =	vor.u32 v0, v6;
	_ =	sdelay $0x3  }
0x630: {  	v7 =	vld.idx.msk [tilespmem:v7+s17+$0x0], $0xffff  }
0x631: {  	v10 =	vld.idx.msk [tilespmem:v9+s21+$0x0], $0xffff;
	_ =	sdelay $0x1  }
0x632: {  	v11 =	vor.u32 v2, v6  }
0x633: {  	v12 =	vor.u32 v2, v8;
	_ =	sdelay $0x1  }
0x634: {  	v7 =	vmax.f32 v10, v7  }
0x635: {  	[tilespmem:v9+s21+$0x0] =	vst.idx.msk $0xffff, v7  }
0x636: {  	v7 =	vld.idx.msk [tilespmem:v11+s21+$0x0], $0xffff  }
0x637: {  	v9 =	vld.idx.msk [tilespmem:v12+s17+$0x0], $0xffff;
	_ =	sdelay $0x1  }
0x638: {  	v10 =	vor.u32 v3, v6  }
0x639: {  	v63 =	vor.u32 v3, v8;
	_ =	sdelay $0x1  }
0x63a: {  	v7 =	vmax.f32 v7, v9  }
0x63b: {  	[tilespmem:v11+s21+$0x0] =	vst.idx.msk $0xffff, v7  }
0x63c: {  	v7 =	vld.idx.msk [tilespmem:v10+s21+$0x0], $0xffff  }
0x63d: {  	v9 =	vld.idx.msk [tilespmem:v63+s17+$0x0], $0xffff;
	_ =	sdelay $0x1  }
0x63e: {  	v6 =	vor.u32 v4, v6  }
0x63f: {  	v11 =	vor.u32 v4, v8;
	_ =	sdelay $0x1  }
0x640: {  	v7 =	vmax.f32 v7, v9  }
0x641: {  	[tilespmem:v10+s21+$0x0] =	vst.idx.msk $0xffff, v7  }
0x642: {  	v8 =	vld.idx.msk [tilespmem:v6+s21+$0x0], $0xffff  }
0x643: {  	s26 =	simm.s32 $0x1;
	v9 =	vld.idx.msk [tilespmem:v11+s17+$0x0], $0xffff  }
0x644: {  	s25 =	simm.s32 $0x2;
	v7 =	vmov s26  }
.LBB2_39:
0x645: {  	p1 =	sne.s32 s25, $0x13F;
	s26 =	smov.u32 s25;
	s25 =	sadd.s32 $0x1, s25  }
0x646: {  	_ =	sdelay $0x1  }
0x647: {  	v8 =	vmax.f32 v8, v9  }
0x648: {  	[tilespmem:v6+s21+$0x0] =	vst.idx.msk $0xffff, v8  }
0x649: {  	v6 =	vld.idx.msk [tilespmem:v7+s2+$0x0], $0xffff;
	_ =	sdelay $0x4  }
0x64a: {  	v7 =	vshll.u32 v7, $0x6  }
0x64b: {  	v8 =	vor.u32 v0, v7;
	v6 =	vshll.u32 v6, $0x6  }
0x64c: {  	v9 =	vor.u32 v0, v6;
	_ =	sdelay $0x3  }
0x64d: {  	v8 =	vld.idx.msk [tilespmem:v8+s17+$0x0], $0xffff  }
0x64e: {  	v10 =	vld.idx.msk [tilespmem:v9+s21+$0x0], $0xffff;
	_ =	sdelay $0x1  }
0x64f: {  	v11 =	vor.u32 v2, v6;
	_ =	sdelay $0x1  }
0x650: {  	v12 =	vor.u32 v2, v7;
	_ =	sdelay $0x1  }
0x651: {  	v8 =	vmax.f32 v10, v8  }
0x652: {  	[tilespmem:v9+s21+$0x0] =	vst.idx.msk $0xffff, v8  }
0x653: {  	v8 =	vld.idx.msk [tilespmem:v11+s21+$0x0], $0xffff  }
0x654: {  	v9 =	vld.idx.msk [tilespmem:v12+s17+$0x0], $0xffff;
	_ =	sdelay $0x2  }
0x655: {  	v10 =	vor.u32 v3, v6  }
0x656: {  	v12 =	vor.u32 v3, v7;
	_ =	sdelay $0x1  }
0x657: {  	v8 =	vmax.f32 v8, v9  }
0x658: {  	[tilespmem:v11+s21+$0x0] =	vst.idx.msk $0xffff, v8  }
0x659: {  	v8 =	vld.idx.msk [tilespmem:v10+s21+$0x0], $0xffff  }
0x65a: {  	v9 =	vld.idx.msk [tilespmem:v12+s17+$0x0], $0xffff;
	_ =	sdelay $0x2  }
0x65b: {  	v6 =	vor.u32 v4, v6;
	v7 =	vor.u32 v4, v7;
	_ =	sdelay $0x2  }
0x65c: {  	v8 =	vmax.f32 v8, v9  }
.Ltmp21:
0x65d: {  	[tilespmem:v10+s21+$0x0] =	vst.idx.msk $0xffff, v8;
	(pc) =	sbr.rel @p1 .LBB2_39-.Ltmp21, $3  }
0x65e: {  	v8 =	vld.idx.msk [tilespmem:v6+s21+$0x0], $0xffff  }
0x65f: {  	v9 =	vld.idx.msk [tilespmem:v7+s17+$0x0], $0xffff;
	_ =	sdelay $0x1  }
0x660: {  	v7 =	vmov s26  }
0x661: {  	_ =	sdelay $0x2  }
0x662: {  	v8 =	vmax.f32 v8, v9  }
0x663: {  	[tilespmem:v6+s21+$0x0] =	vst.idx.msk $0xffff, v8  }
0x664: {  	v6 =	vld.idx.msk [tilespmem:v7+s2+$0x0], $0xffff;
	_ =	sdelay $0x3  }
0x665: {  	v7 =	vshll.u32 v7, $0x6  }
0x666: {  	v59 =	vor.u32 v0, v7;
	v6 =	vshll.u32 v6, $0x6  }
0x667: {  	v60 =	vor.u32 v0, v6;
	_ =	sdelay $0x3  }
0x668: {  	v8 =	vld.idx.msk [tilespmem:v59+s17+$0x0], $0xffff  }
0x669: {  	v10 =	vld.idx.msk [tilespmem:v60+s21+$0x0], $0xffff;
	_ =	sdelay $0x1  }
0x66a: {  	v11 =	vor.u32 v2, v6  }
0x66b: {  	v12 =	vor.u32 v2, v7;
	_ =	sdelay $0x1  }
0x66c: {  	v8 =	vmax.f32 v10, v8  }
0x66d: {  	[tilespmem:v60+s21+$0x0] =	vst.idx.msk $0xffff, v8  }
0x66e: {  	v8 =	vld.idx.msk [tilespmem:v11+s21+$0x0], $0xffff  }
0x66f: {  	v9 =	vld.idx.msk [tilespmem:v12+s17+$0x0], $0xffff;
	_ =	sdelay $0x1  }
0x670: {  	v61 =	vor.u32 v3, v6  }
0x671: {  	v62 =	vor.u32 v3, v7;
	_ =	sdelay $0x1  }
0x672: {  	v8 =	vmax.f32 v8, v9  }
0x673: {  	[tilespmem:v11+s21+$0x0] =	vst.idx.msk $0xffff, v8  }
0x674: {  	v8 =	vld.idx.msk [tilespmem:v61+s21+$0x0], $0xffff  }
0x675: {  	v63 =	vld.idx.msk [tilespmem:v62+s17+$0x0], $0xffff;
	_ =	sdelay $0x1  }
0x676: {  	v6 =	vor.u32 v4, v6  }
0x677: {  	v7 =	vor.u32 v4, v7;
	_ =	sdelay $0x1  }
0x678: {  	v8 =	vmax.f32 v8, v63  }
0x679: {  	[tilespmem:v61+s21+$0x0] =	vst.idx.msk $0xffff, v8  }
0x67a: {  	v8 =	vld.idx.msk [tilespmem:v6+s21+$0x0], $0xffff  }
0x67b: {  	s24 =	sadd.s32 $0x1, s24;
	v7 =	vld.idx.msk [tilespmem:v7+s17+$0x0], $0xffff  }
0x67c: {  	p1 =	slt.u32 s24, s23  }
.Ltmp22:
0x67d: {  	_ = 	snop;
	(pc) =	sbr.rel @p1 .LBB2_38-.Ltmp22, $4  }
.Ltmp23:
0x67e: {  	_ = 	snop;
	(pc) =	sbr.rel @!p1 .LBB2_41-.Ltmp23, $4  }
0x67f: {  	_ = 	snop  }
0x680: {  	v7 =	vmax.f32 v8, v7  }
0x681: {  	[tilespmem:v6+s21+$0x0] =	vst.idx.msk $0xffff, v7  }
0x682: {  	_ = 	snop  }
.LBB2_42:
0x683: {  	_ =	sfence.sel $0x180000  }
0x684: {  	[bflag:$0x0] =	sbarrier.arrive $0xFFFF  }
0x685: {  	_ =	strace $0x9000004A  }
0x686: {  	[bflag:$0x2] =	sbarrier.arrive $0xFFFF  }
0x687: {  	s0 =	rddreg [dreg:$0x3]  }
0x688: {  	s0 =	sadd.s32 @!p0 $0x100000, s0  }
0x689: {  	[sflag:s0] =	ssyncadd.tile.s32 @!p0 $0x1;
	_ =	shalt  }
.Lfunc_end2:
_tile_overlayer_lowered:
.L_overlay_start_2:
0x68a: {  	(tag) =	ssettag $0x2  }
0x68b: {  	s0 =	rddreg [dreg:$0x0];
	s2 =	stileid.u32  }
0x68c: {  	s1 =	rddreg [dreg:$0x1];
	p0 =	sne.s32 s2, $0x0  }
0x68d: {  	s3 =	rddreg [dreg:$0x2];
	[bflag:$0x3] =	sbarrier.arrive $0xFFFF;
	s2 =	simm.s32 @!p0 $0x1C02  }
0x68e: {  	[timem:s3], [sflag:s2] =	dma.local @!p0 [hbm:s0], s1  }
0x68f: {  	s0 =	simm.s32 @!p0 $0x2  }
0x690: {  	_ =	swait.ge @!p0 [sflag:s0], s1  }
0x691: {  	s1 =	ssub.s32 @!p0 $0x0, s1;
	[sflag:s0] =	ssyncset.done @!p0 $0x0  }
0x692: {  	[sflag:s0] =	ssyncadd.s32 @!p0 s1  }
0x693: {  	[bflag:$0x3] =	sbarrier.arrive $0xFFFF  }
0x694: {  	_ =	shalt  }

</sc_bundles>
